<compile_context>
chip_gen: v7x
topology: tpu7x:2x2x1
jax: 0.10.2.dev20260603
libtpu: 0.0.44.dev20260713+nightly
codegen_flags: <defaults>
</compile_context>

<pallas_src>
import functools as _functools

import jax
import jax.numpy as jnp
from jax import lax
from jax.experimental import pallas as pl
from jax.experimental.pallas import tpu as pltpu
from jax.experimental.pallas import tpu_sc as plsc

_N = 10000
_E = 320000
_HID = 64
_NC, _NS = 2, 16
_NW = _NC * _NS
_CH = 125
_NCHUNK = _E // (_NW * _CH)
_RPS = 1000
_NZS = _N // _RPS
_DW = 8
_BLK = 2000
_NBUF = 8



@_functools.lru_cache(maxsize=None)
def _sc_mesh():
    return plsc.VectorSubcoreMesh(
        core_axis_name="c", subcore_axis_name="s",
        num_cores=_NC, num_subcores=_NS)


def _deg_body(ei_hbm, ones_hbm, zeros_hbm, out_hbm, dst_v, ones_v, acc_sh):
    c = lax.axis_index("c")
    s = lax.axis_index("s")
    wid = c * _NS + s
    r0 = s * _RPS

    @pl.when(s < _NZS)
    def _():
        pltpu.sync_copy(zeros_hbm, acc_sh.at[pl.ds(r0, _RPS)])

    pltpu.sync_copy(ones_hbm, ones_v)
    pltpu.sync_copy(ei_hbm.at[1].at[pl.ds(wid * _NCHUNK, _NCHUNK)], dst_v)
    plsc.subcore_barrier()

    @pl.loop(0, _NCHUNK)
    def _(j):
        pltpu.sync_copy(ones_v, acc_sh.at[dst_v.at[j]], add=True)

    plsc.subcore_barrier()

    @pl.when(s < _NZS)
    def _():
        pltpu.sync_copy(acc_sh.at[pl.ds(r0, _RPS)],
                        out_hbm.at[pl.ds(c * _N + r0, _RPS)])


def _sc_deg(ei3, ones_d, zeros_d):
    return pl.kernel(
        _deg_body,
        out_type=jax.ShapeDtypeStruct((_NC * _N, _DW), jnp.float32),
        mesh=_sc_mesh(),
        scratch_types=[
            pltpu.VMEM((_NCHUNK, _CH), jnp.int32),
            pltpu.VMEM((_CH, _DW), jnp.float32),
            pltpu.VMEM_SHARED((_N, _DW), jnp.float32),
        ],
        compiler_params=pltpu.CompilerParams(use_tc_tiling_on_sc=False),
    )(ei3, ones_d, zeros_d)


def _agg_body(ei_hbm, srcx2_hbm, table_hbm, zeros_hbm, out_hbm,
              src_v, dst_v, rows_v, acc_sh, *sems):
    semg = sems[:_NBUF]
    sems_ = sems[_NBUF:]
    c = lax.axis_index("c")
    s = lax.axis_index("s")
    wid = c * _NS + s
    r0 = s * _RPS

    @pl.when(s < _NZS)
    def _():
        pltpu.sync_copy(zeros_hbm, acc_sh.at[pl.ds(r0, _RPS)])

    pltpu.sync_copy(srcx2_hbm.at[pl.ds(wid * _NCHUNK, _NCHUNK)], src_v)
    pltpu.sync_copy(ei_hbm.at[1].at[pl.ds(wid * _NCHUNK, _NCHUNK)], dst_v)
    plsc.subcore_barrier()

    for b in range(_NBUF):
        pltpu.async_copy(table_hbm.at[src_v.at[b]], rows_v[b], semg[b])

    @pl.loop(0, _NCHUNK, step=_NBUF)
    def _(j):
        for b in range(_NBUF):
            pltpu.make_async_copy(table_hbm.at[src_v.at[j + b]], rows_v[b],
                                  semg[b]).wait()
            pltpu.async_copy(rows_v[b], acc_sh.at[dst_v.at[j + b]], sems_[b],
                             add=True)
        for b in range(_NBUF):
            @pl.when(j + b + _NBUF < _NCHUNK)
            def _(b=b):
                pltpu.make_async_copy(rows_v[b], acc_sh.at[dst_v.at[j + b]],
                                      sems_[b]).wait()
                pltpu.async_copy(table_hbm.at[src_v.at[j + b + _NBUF]],
                                 rows_v[b], semg[b])

    for b in range(_NBUF):
        pltpu.make_async_copy(rows_v[b],
                              acc_sh.at[dst_v.at[_NCHUNK - _NBUF + b]],
                              sems_[b]).wait()

    plsc.subcore_barrier()

    @pl.when(s < _NZS)
    def _():
        pltpu.sync_copy(acc_sh.at[pl.ds(r0, _RPS)],
                        out_hbm.at[c, pl.ds(r0, _RPS), pl.ds(0, _HID)])


def _sc_agg(ei3, srcx2, table, zeros_h):
    return pl.kernel(
        _agg_body,
        out_type=jax.ShapeDtypeStruct((_NC, _N, 2 * _HID), jnp.float32),
        mesh=_sc_mesh(),
        scratch_types=(
            [pltpu.VMEM((_NCHUNK, _CH), jnp.int32),
             pltpu.VMEM((_NCHUNK, _CH), jnp.int32),
             [pltpu.VMEM((_CH, _HID), jnp.float32) for _ in range(_NBUF)],
             pltpu.VMEM_SHARED((_N, _HID), jnp.float32)]
            + [pltpu.SemaphoreType.DMA] * (2 * _NBUF)
        ),
        compiler_params=pltpu.CompilerParams(use_tc_tiling_on_sc=False),
    )(ei3, srcx2, table, zeros_h)



def _dinv_of(deg_ref):
    deg = 1.0 + deg_ref[:, 0:1] + deg_ref[:, 1:2]
    return lax.rsqrt(deg)


def _tc_in_body(x_ref, w_ref, deg_ref, y_ref):
    dinv = _dinv_of(deg_ref)
    y_ref[:, :_HID] = jnp.dot(x_ref[...], w_ref[...],
                              preferred_element_type=jnp.float32) * dinv


def _tc_mid_body(y_ref, sp_ref, deg_ref, w_ref, b_ref, o_ref):
    dinv = _dinv_of(deg_ref)
    stot = y_ref[:, :_HID] + sp_ref[0, :, :_HID] + sp_ref[1, :, :_HID]
    h = jnp.maximum(stot * dinv + b_ref[...], 0.0)
    o_ref[:, :_HID] = jnp.dot(h, w_ref[...],
                              preferred_element_type=jnp.float32) * dinv


def _tc_head_body(y_ref, sp_ref, deg_ref, b_ref, batch_ref, md_ref,
                  wh1a_ref, wh1b_ref, bh1_ref, wh2_ref, bh2_ref,
                  out_ref, sums_sc, cnts_sc):
    i = pl.program_id(0)

    @pl.when(i == 0)
    def _():
        sums_sc[...] = jnp.zeros_like(sums_sc)
        cnts_sc[...] = jnp.zeros_like(cnts_sc)

    dinv = _dinv_of(deg_ref)
    stot = y_ref[:, :_HID] + sp_ref[0, :, :_HID] + sp_ref[1, :, :_HID]
    h = jnp.maximum(stot * dinv + b_ref[...], 0.0)
    bt = batch_ref[0, 0]
    seg = lax.broadcasted_iota(jnp.int32, (64, _BLK), 0)
    mask = (seg == jnp.broadcast_to(bt[None, :], (64, _BLK))).astype(jnp.float32)
    sums_sc[...] += jnp.dot(mask, h, preferred_element_type=jnp.float32)
    cnts_sc[...] += jnp.sum(mask, axis=1, keepdims=True)

    @pl.when(i == pl.num_programs(0) - 1)
    def _():
        emb = sums_sc[...] / jnp.maximum(cnts_sc[...], 1.0)
        hh = (jnp.dot(emb, wh1a_ref[...], preferred_element_type=jnp.float32)
              + jnp.dot(md_ref[...], wh1b_ref[...],
                        preferred_element_type=jnp.float32)
              + bh1_ref[...])
        hh = jnp.maximum(hh, 0.0)
        out_ref[...] = jnp.dot(hh, wh2_ref[...],
                               preferred_element_type=jnp.float32) + bh2_ref[...]


def _tc_in(x, W, degt):
    return pl.pallas_call(
        _tc_in_body,
        grid=(_N // _BLK,),
        in_specs=[
            pl.BlockSpec((_BLK, 128), lambda i: (i, 0)),
            pl.BlockSpec((128, _HID), lambda i: (0, 0)),
            pl.BlockSpec((_BLK, 2), lambda i: (i, 0)),
        ],
        out_specs=pl.BlockSpec((_BLK, 2 * _HID), lambda i: (i, 0)),
        out_shape=jax.ShapeDtypeStruct((_N, 2 * _HID), jnp.float32),
    )(x, W, degt)


def _tc_mid(y, sp, degt, W, b):
    return pl.pallas_call(
        _tc_mid_body,
        grid=(_N // _BLK,),
        in_specs=[
            pl.BlockSpec((_BLK, 2 * _HID), lambda i: (i, 0)),
            pl.BlockSpec((_NC, _BLK, 2 * _HID), lambda i: (0, i, 0)),
            pl.BlockSpec((_BLK, 2), lambda i: (i, 0)),
            pl.BlockSpec((_HID, _HID), lambda i: (0, 0)),
            pl.BlockSpec((_HID,), lambda i: (0,)),
        ],
        out_specs=pl.BlockSpec((_BLK, 2 * _HID), lambda i: (i, 0)),
        out_shape=jax.ShapeDtypeStruct((_N, 2 * _HID), jnp.float32),
    )(y, sp, degt, W, b)


def _tc_head(y, sp, degt, b, batch, md_pad, Wh1a, Wh1b_pad, bh1, Wh2, bh2):
    return pl.pallas_call(
        _tc_head_body,
        grid=(_N // _BLK,),
        in_specs=[
            pl.BlockSpec((_BLK, 2 * _HID), lambda i: (i, 0)),
            pl.BlockSpec((_NC, _BLK, 2 * _HID), lambda i: (0, i, 0)),
            pl.BlockSpec((_BLK, 2), lambda i: (i, 0)),
            pl.BlockSpec((_HID,), lambda i: (0,)),
            pl.BlockSpec((1, 1, _BLK), lambda i: (i, 0, 0)),
            pl.BlockSpec((64, 32), lambda i: (0, 0)),
            pl.BlockSpec((_HID, _HID), lambda i: (0, 0)),
            pl.BlockSpec((32, _HID), lambda i: (0, 0)),
            pl.BlockSpec((_HID,), lambda i: (0,)),
            pl.BlockSpec((_HID, 1), lambda i: (0, 0)),
            pl.BlockSpec((1, 1), lambda i: (0, 0)),
        ],
        out_specs=pl.BlockSpec((64, 1), lambda i: (0, 0)),
        out_shape=jax.ShapeDtypeStruct((64, 1), jnp.float32),
        scratch_shapes=[
            pltpu.VMEM((64, _HID), jnp.float32),
            pltpu.VMEM((64, 1), jnp.float32),
        ],
    )(y, sp, degt, b, batch, md_pad, Wh1a, Wh1b_pad, bh1, Wh2, bh2)



def kernel(x, edge_index, batch, metadata, W1, b1, W2, b2, W3, b3,
           Wh1, bh1, Wh2, bh2):
    ei3 = edge_index.reshape(2, _NW * _NCHUNK, _CH)
    srcx2 = ei3[0] * 2

    ones_d = jnp.ones((_CH, _DW), jnp.float32)
    zeros_d = jnp.zeros((_RPS, _DW), jnp.float32)
    zeros_h = jnp.zeros((_RPS, _HID), jnp.float32)

    degp = _sc_deg(ei3, ones_d, zeros_d)
    degt = degp[:, 0].reshape(_NC, _N).T

    y1 = _tc_in(x, W1, degt)
    s1 = _sc_agg(ei3, srcx2, y1.reshape(2 * _N, _HID), zeros_h)
    y2 = _tc_mid(y1, s1, degt, W2, b1)
    s2 = _sc_agg(ei3, srcx2, y2.reshape(2 * _N, _HID), zeros_h)
    y3 = _tc_mid(y2, s2, degt, W3, b2)
    s3 = _sc_agg(ei3, srcx2, y3.reshape(2 * _N, _HID), zeros_h)

    md_pad = jnp.pad(metadata, ((0, 0), (0, 32 - metadata.shape[1])))
    Wh1a = Wh1[:_HID]
    Wh1b_pad = jnp.pad(Wh1[_HID:], ((0, 32 - (Wh1.shape[0] - _HID)), (0, 0)))
    bh2r = bh2.reshape(1, 1)

    batch3 = batch.reshape(_N // _BLK, 1, _BLK)
    return _tc_head(y3, s3, degt, b3, batch3, md_pad, Wh1a, Wh1b_pad,
                    bh1, Wh2, bh2r)

# --- scband reference (transcript-rebuilt; emitter-appended) ---
"""Pipeline reference for scband-hybrid-xgmodel-72722386256530 (READ-ONLY COPY).

The authoritative reference and input builder live on the scoring server;
editing this copy changes nothing except your own understanding.
"""

import jax, jax.numpy as jnp
import numpy as np

N_NODES = 10000
N_EDGES = 320000
D_IN = 128
HID = 64
META = 27
B = 64


def _gcn_conv(x, W, b, src, dst, n):
    # PyG GCNConv: linear transform, then symmetric-normalized aggregation (self-loops already in src/dst)
    xw = x @ W
    deg = jnp.zeros((n,), dtype=xw.dtype).at[dst].add(1.0)
    dinv = jnp.where(deg > 0, jax.lax.rsqrt(deg), 0.0)
    norm = dinv[src] * dinv[dst]
    msg = xw[src] * norm[:, None]
    out = jnp.zeros((n, W.shape[1]), dtype=xw.dtype).at[dst].add(msg)
    return out + b


def setup_inputs(seed: int = 0) -> dict:
    key = jax.random.key(seed)
    ks = jax.random.split(key, 16)
    x = jax.random.normal(ks[0], (N_NODES, D_IN), dtype=jnp.float32)
    edge_index = jax.random.randint(ks[1], (2, N_EDGES), 0, N_NODES)
    batch = jnp.sort(jax.random.randint(ks[2], (N_NODES,), 0, B))
    metadata = jax.random.normal(ks[3], (B, META), dtype=jnp.float32)
    W1 = jax.random.normal(ks[4], (D_IN, HID), dtype=jnp.float32) * 0.05
    b1 = jnp.zeros((HID,), dtype=jnp.float32)
    W2 = jax.random.normal(ks[5], (HID, HID), dtype=jnp.float32) * 0.05
    b2 = jnp.zeros((HID,), dtype=jnp.float32)
    W3 = jax.random.normal(ks[6], (HID, HID), dtype=jnp.float32) * 0.05
    b3 = jnp.zeros((HID,), dtype=jnp.float32)
    Wh1 = jax.random.normal(ks[7], (HID + META, HID), dtype=jnp.float32) * 0.05
    bh1 = jnp.zeros((HID,), dtype=jnp.float32)
    Wh2 = jax.random.normal(ks[8], (HID, 1), dtype=jnp.float32) * 0.05
    bh2 = jnp.zeros((1,), dtype=jnp.float32)
    return {
        'x': x, 'edge_index': edge_index, 'batch': batch, 'metadata': metadata,
        'W1': W1, 'b1': b1, 'W2': W2, 'b2': b2, 'W3': W3, 'b3': b3,
        'Wh1': Wh1, 'bh1': bh1, 'Wh2': Wh2, 'bh2': bh2,
    }


def reference(x, edge_index, batch, metadata, W1, b1, W2, b2, W3, b3, Wh1, bh1, Wh2, bh2):
    n = x.shape[0]
    sl = jnp.arange(n, dtype=edge_index.dtype)
    src = jnp.concatenate([edge_index[0], sl])
    dst = jnp.concatenate([edge_index[1], sl])
    # GCN stack: conv -> relu (dropout is identity in eval mode)
    h = jax.nn.relu(_gcn_conv(x, W1, b1, src, dst, n))
    h = jax.nn.relu(_gcn_conv(h, W2, b2, src, dst, n))
    h = jax.nn.relu(_gcn_conv(h, W3, b3, src, dst, n))
    # global_mean_pool
    sums = jax.ops.segment_sum(h, batch, num_segments=B)
    counts = jax.ops.segment_sum(jnp.ones((n,), dtype=h.dtype), batch, num_segments=B)
    emb = sums / jnp.maximum(counts, 1.0)[:, None]
    # MLP head
    cat = jnp.concatenate([emb, metadata], axis=1)
    hh = jax.nn.relu(cat @ Wh1 + bh1)
    out = hh @ Wh2 + bh2
    return out

if __name__ == "__main__":
    import jax
    _d = setup_inputs()
    print(jax.jit(kernel)(*tuple(_d.values())))

</pallas_src>

<mosaic_0001>
#map = affine_map<(d0, d1) -> (0, 0, 0)>
#map1 = affine_map<(d0, d1) -> (0, 0)>
module attributes {stable_mosaic.version = 14 : i64} {
  func.func @_agg_body(%arg0: i32, %arg1: i32, %arg2: memref<2x2560x125xi32, #tpu.memory_space<hbm>>, %arg3: memref<2560x125xi32, #tpu.memory_space<hbm>>, %arg4: memref<20000x64xf32, #tpu.memory_space<hbm>>, %arg5: memref<1000x64xf32, #tpu.memory_space<hbm>>, %arg6: memref<2x10000x128xf32, #tpu.memory_space<hbm>>, %arg7: memref<80x125xi32, #tpu.memory_space<vmem>>, %arg8: memref<80x125xi32, #tpu.memory_space<vmem>>, %arg9: memref<125x64xf32, #tpu.memory_space<vmem>>, %arg10: memref<125x64xf32, #tpu.memory_space<vmem>>, %arg11: memref<125x64xf32, #tpu.memory_space<vmem>>, %arg12: memref<125x64xf32, #tpu.memory_space<vmem>>, %arg13: memref<125x64xf32, #tpu.memory_space<vmem>>, %arg14: memref<125x64xf32, #tpu.memory_space<vmem>>, %arg15: memref<125x64xf32, #tpu.memory_space<vmem>>, %arg16: memref<125x64xf32, #tpu.memory_space<vmem>>, %arg17: memref<10000x64xf32, #tpu.memory_space<vmem_shared>>, %arg18: memref<!tpu.dma_semaphore, #tpu.memory_space<semaphore_mem>>, %arg19: memref<!tpu.dma_semaphore, #tpu.memory_space<semaphore_mem>>, %arg20: memref<!tpu.dma_semaphore, #tpu.memory_space<semaphore_mem>>, %arg21: memref<!tpu.dma_semaphore, #tpu.memory_space<semaphore_mem>>, %arg22: memref<!tpu.dma_semaphore, #tpu.memory_space<semaphore_mem>>, %arg23: memref<!tpu.dma_semaphore, #tpu.memory_space<semaphore_mem>>, %arg24: memref<!tpu.dma_semaphore, #tpu.memory_space<semaphore_mem>>, %arg25: memref<!tpu.dma_semaphore, #tpu.memory_space<semaphore_mem>>, %arg26: memref<!tpu.dma_semaphore, #tpu.memory_space<semaphore_mem>>, %arg27: memref<!tpu.dma_semaphore, #tpu.memory_space<semaphore_mem>>, %arg28: memref<!tpu.dma_semaphore, #tpu.memory_space<semaphore_mem>>, %arg29: memref<!tpu.dma_semaphore, #tpu.memory_space<semaphore_mem>>, %arg30: memref<!tpu.dma_semaphore, #tpu.memory_space<semaphore_mem>>, %arg31: memref<!tpu.dma_semaphore, #tpu.memory_space<semaphore_mem>>, %arg32: memref<!tpu.dma_semaphore, #tpu.memory_space<semaphore_mem>>, %arg33: memref<!tpu.dma_semaphore, #tpu.memory_space<semaphore_mem>>) attributes {dimension_semantics = [#tpu.dimension_semantics<core_parallel>, #tpu.dimension_semantics<subcore_parallel>], iteration_bounds = array<i64: 2, 16>, scalar_prefetch = 0 : i64, scratch_operands = 27 : i64, tpu.core_type = #tpu.core_type<sc_vector_subcore>, window_params = [{transform_indices = #map}, {transform_indices = #map1}, {transform_indices = #map1}, {transform_indices = #map1}, {transform_indices = #map}]} {
    %mul3A = arith.constant 16 : i32
    %mul3A_0 = arith.muli %arg0, %mul3A : i32
    %add3A = arith.addi %mul3A_0, %arg1 : i32
    %mul3A_1 = arith.constant 1000 : i32
    %mul3A_2 = arith.muli %arg1, %mul3A_1 : i32
    %lt3A = arith.constant 10 : i32
    %lt3A_3 = arith.cmpi slt, %arg1, %lt3A : i32
    %convert_element_type3A = arith.extui %lt3A_3 : i1 to i32
    %cond3A = arith.constant 0 : i32
    %cond3A_4 = arith.cmpi ne, %convert_element_type3A, %cond3A : i32
    scf.if %cond3A_4 {
      "tpu.region"() ({
        %run_scoped3A_129 = tpu.sem_alloc : memref<!tpu.dma_semaphore, #tpu.memory_space<semaphore_mem>>
        %dma_start3A_130 = arith.constant 0 : i32
        %dma_start3A_131 = tpu.memref_slice %arg17[%mul3A_2, %dma_start3A_130] : memref<10000x64xf32, #tpu.memory_space<vmem_shared>> -> memref<1000x64xf32, #tpu.memory_space<vmem_shared>>
        tpu.enqueue_dma source(%arg5 : memref<1000x64xf32, #tpu.memory_space<hbm>>) target(%dma_start3A_131 : memref<1000x64xf32, #tpu.memory_space<vmem_shared>>) target_semaphore(%run_scoped3A_129 : memref<!tpu.dma_semaphore, #tpu.memory_space<semaphore_mem>>)
        %dma_wait3A_132 = arith.constant 0 : i32
        %dma_wait3A_133 = tpu.memref_slice %arg17[%mul3A_2, %dma_wait3A_132] : memref<10000x64xf32, #tpu.memory_space<vmem_shared>> -> memref<1000x64xf32, #tpu.memory_space<vmem_shared>>
        tpu.wait_dma2 semaphore(%run_scoped3A_129 : memref<!tpu.dma_semaphore, #tpu.memory_space<semaphore_mem>>) src(%arg5 : memref<1000x64xf32, #tpu.memory_space<hbm>>) dst(%dma_wait3A_133 : memref<1000x64xf32, #tpu.memory_space<vmem_shared>>)
        tpu.yield
      }) : () -> ()
    } else {
    }
    %mul3A_5 = arith.constant 80 : i32
    %mul3A_6 = arith.muli %add3A, %mul3A_5 : i32
    "tpu.region"() ({
      %run_scoped3A_129 = tpu.sem_alloc : memref<!tpu.dma_semaphore, #tpu.memory_space<semaphore_mem>>
      %dma_start3A_130 = arith.constant 0 : i32
      %dma_start3A_131 = tpu.memref_slice %arg3[%mul3A_6, %dma_start3A_130] : memref<2560x125xi32, #tpu.memory_space<hbm>> -> memref<80x125xi32, #tpu.memory_space<hbm>>
      %dma_start3A_132 = arith.constant 0 : i32
      %dma_start3A_133 = tpu.memref_slice %arg3[%mul3A_6, %dma_start3A_132] : memref<2560x125xi32, #tpu.memory_space<hbm>> -> memref<80x125xi32, #tpu.memory_space<hbm>>
      tpu.enqueue_dma source(%dma_start3A_133 : memref<80x125xi32, #tpu.memory_space<hbm>>) target(%arg7 : memref<80x125xi32, #tpu.memory_space<vmem>>) target_semaphore(%run_scoped3A_129 : memref<!tpu.dma_semaphore, #tpu.memory_space<semaphore_mem>>)
      %dma_wait3A_134 = arith.constant 0 : i32
      %dma_wait3A_135 = tpu.memref_slice %arg3[%mul3A_6, %dma_wait3A_134] : memref<2560x125xi32, #tpu.memory_space<hbm>> -> memref<80x125xi32, #tpu.memory_space<hbm>>
      %dma_wait3A_136 = arith.constant 0 : i32
      %dma_wait3A_137 = tpu.memref_slice %arg3[%mul3A_6, %dma_wait3A_136] : memref<2560x125xi32, #tpu.memory_space<hbm>> -> memref<80x125xi32, #tpu.memory_space<hbm>>
      tpu.wait_dma2 semaphore(%run_scoped3A_129 : memref<!tpu.dma_semaphore, #tpu.memory_space<semaphore_mem>>) src(%dma_wait3A_137 : memref<80x125xi32, #tpu.memory_space<hbm>>) dst(%arg7 : memref<80x125xi32, #tpu.memory_space<vmem>>)
      tpu.yield
    }) : () -> ()
    %mul3A_7 = arith.constant 80 : i32
    %mul3A_8 = arith.muli %add3A, %mul3A_7 : i32
    %run_scoped3A = arith.constant 1 : i32
    "tpu.region"() ({
      %run_scoped3A_129 = tpu.sem_alloc : memref<!tpu.dma_semaphore, #tpu.memory_space<semaphore_mem>>
      %dma_start3A_130 = arith.constant 0 : i32
      %dma_start3A_131 = arith.constant 0 : i32
      %dma_start3A_132 = tpu.memref_slice %arg2[%run_scoped3A, %dma_start3A_130, %dma_start3A_131] : memref<2x2560x125xi32, #tpu.memory_space<hbm>> -> memref<1x2560x125xi32, #tpu.memory_space<hbm>>
      %dma_start3A_133 = tpu.memref_squeeze %dma_start3A_132 : memref<1x2560x125xi32, #tpu.memory_space<hbm>> -> memref<2560x125xi32, #tpu.memory_space<hbm>>
      %dma_start3A_134 = arith.constant 0 : i32
      %dma_start3A_135 = tpu.memref_slice %dma_start3A_133[%mul3A_8, %dma_start3A_134] : memref<2560x125xi32, #tpu.memory_space<hbm>> -> memref<80x125xi32, #tpu.memory_space<hbm>>
      %dma_start3A_136 = arith.constant 0 : i32
      %dma_start3A_137 = arith.constant 0 : i32
      %dma_start3A_138 = tpu.memref_slice %arg2[%run_scoped3A, %dma_start3A_136, %dma_start3A_137] : memref<2x2560x125xi32, #tpu.memory_space<hbm>> -> memref<1x2560x125xi32, #tpu.memory_space<hbm>>
      %dma_start3A_139 = tpu.memref_squeeze %dma_start3A_138 : memref<1x2560x125xi32, #tpu.memory_space<hbm>> -> memref<2560x125xi32, #tpu.memory_space<hbm>>
      %dma_start3A_140 = arith.constant 0 : i32
      %dma_start3A_141 = tpu.memref_slice %dma_start3A_139[%mul3A_8, %dma_start3A_140] : memref<2560x125xi32, #tpu.memory_space<hbm>> -> memref<80x125xi32, #tpu.memory_space<hbm>>
      tpu.enqueue_dma source(%dma_start3A_141 : memref<80x125xi32, #tpu.memory_space<hbm>>) target(%arg8 : memref<80x125xi32, #tpu.memory_space<vmem>>) target_semaphore(%run_scoped3A_129 : memref<!tpu.dma_semaphore, #tpu.memory_space<semaphore_mem>>)
      %dma_wait3A_142 = arith.constant 0 : i32
      %dma_wait3A_143 = arith.constant 0 : i32
      %dma_wait3A_144 = tpu.memref_slice %arg2[%run_scoped3A, %dma_wait3A_142, %dma_wait3A_143] : memref<2x2560x125xi32, #tpu.memory_space<hbm>> -> memref<1x2560x125xi32, #tpu.memory_space<hbm>>
      %dma_wait3A_145 = tpu.memref_squeeze %dma_wait3A_144 : memref<1x2560x125xi32, #tpu.memory_space<hbm>> -> memref<2560x125xi32, #tpu.memory_space<hbm>>
      %dma_wait3A_146 = arith.constant 0 : i32
      %dma_wait3A_147 = tpu.memref_slice %dma_wait3A_145[%mul3A_8, %dma_wait3A_146] : memref<2560x125xi32, #tpu.memory_space<hbm>> -> memref<80x125xi32, #tpu.memory_space<hbm>>
      %dma_wait3A_148 = arith.constant 0 : i32
      %dma_wait3A_149 = arith.constant 0 : i32
      %dma_wait3A_150 = tpu.memref_slice %arg2[%run_scoped3A, %dma_wait3A_148, %dma_wait3A_149] : memref<2x2560x125xi32, #tpu.memory_space<hbm>> -> memref<1x2560x125xi32, #tpu.memory_space<hbm>>
      %dma_wait3A_151 = tpu.memref_squeeze %dma_wait3A_150 : memref<1x2560x125xi32, #tpu.memory_space<hbm>> -> memref<2560x125xi32, #tpu.memory_space<hbm>>
      %dma_wait3A_152 = arith.constant 0 : i32
      %dma_wait3A_153 = tpu.memref_slice %dma_wait3A_151[%mul3A_8, %dma_wait3A_152] : memref<2560x125xi32, #tpu.memory_space<hbm>> -> memref<80x125xi32, #tpu.memory_space<hbm>>
      tpu.wait_dma2 semaphore(%run_scoped3A_129 : memref<!tpu.dma_semaphore, #tpu.memory_space<semaphore_mem>>) src(%dma_wait3A_153 : memref<80x125xi32, #tpu.memory_space<hbm>>) dst(%arg8 : memref<80x125xi32, #tpu.memory_space<vmem>>)
      tpu.yield
    }) : () -> ()
    %barrier3A = arith.constant 0 : index
    tpu.barrier barrier_id(%barrier3A)
    %dma_start3A = arith.constant 0 : i32
    %dma_start3A_9 = arith.constant 0 : i32
    %dma_start3A_10 = tpu.memref_slice %arg7[%dma_start3A, %dma_start3A_9] : memref<80x125xi32, #tpu.memory_space<vmem>> -> memref<1x125xi32, #tpu.memory_space<vmem>>
    %dma_start3A_11 = tpu.memref_squeeze %dma_start3A_10 : memref<1x125xi32, #tpu.memory_space<vmem>> -> memref<125xi32, #tpu.memory_space<vmem>>
    %dma_start3A_12 = arith.constant 0 : i32
    %dma_start3A_13 = arith.constant 0 : i32
    %dma_start3A_14 = tpu.memref_slice %arg4[%dma_start3A_12, %dma_start3A_13] : memref<20000x64xf32, #tpu.memory_space<hbm>> -> memref<20000x64xf32, #tpu.memory_space<hbm>>
    tpu.enqueue_indirect_dma source(%dma_start3A_14 : memref<20000x64xf32, #tpu.memory_space<hbm>>) target(%arg9 : memref<125x64xf32, #tpu.memory_space<vmem>>) offsets(%dma_start3A_11 : memref<125xi32, #tpu.memory_space<vmem>>) semaphore(%arg18 : memref<!tpu.dma_semaphore, #tpu.memory_space<semaphore_mem>>)
    %dma_start3A_15 = arith.constant 1 : i32
    %dma_start3A_16 = arith.constant 0 : i32
    %dma_start3A_17 = tpu.memref_slice %arg7[%dma_start3A_15, %dma_start3A_16] : memref<80x125xi32, #tpu.memory_space<vmem>> -> memref<1x125xi32, #tpu.memory_space<vmem>>
    %dma_start3A_18 = tpu.memref_squeeze %dma_start3A_17 : memref<1x125xi32, #tpu.memory_space<vmem>> -> memref<125xi32, #tpu.memory_space<vmem>>
    %dma_start3A_19 = arith.constant 0 : i32
    %dma_start3A_20 = arith.constant 0 : i32
    %dma_start3A_21 = tpu.memref_slice %arg4[%dma_start3A_19, %dma_start3A_20] : memref<20000x64xf32, #tpu.memory_space<hbm>> -> memref<20000x64xf32, #tpu.memory_space<hbm>>
    tpu.enqueue_indirect_dma source(%dma_start3A_21 : memref<20000x64xf32, #tpu.memory_space<hbm>>) target(%arg10 : memref<125x64xf32, #tpu.memory_space<vmem>>) offsets(%dma_start3A_18 : memref<125xi32, #tpu.memory_space<vmem>>) semaphore(%arg19 : memref<!tpu.dma_semaphore, #tpu.memory_space<semaphore_mem>>)
    %dma_start3A_22 = arith.constant 2 : i32
    %dma_start3A_23 = arith.constant 0 : i32
    %dma_start3A_24 = tpu.memref_slice %arg7[%dma_start3A_22, %dma_start3A_23] : memref<80x125xi32, #tpu.memory_space<vmem>> -> memref<1x125xi32, #tpu.memory_space<vmem>>
    %dma_start3A_25 = tpu.memref_squeeze %dma_start3A_24 : memref<1x125xi32, #tpu.memory_space<vmem>> -> memref<125xi32, #tpu.memory_space<vmem>>
    %dma_start3A_26 = arith.constant 0 : i32
    %dma_start3A_27 = arith.constant 0 : i32
    %dma_start3A_28 = tpu.memref_slice %arg4[%dma_start3A_26, %dma_start3A_27] : memref<20000x64xf32, #tpu.memory_space<hbm>> -> memref<20000x64xf32, #tpu.memory_space<hbm>>
    tpu.enqueue_indirect_dma source(%dma_start3A_28 : memref<20000x64xf32, #tpu.memory_space<hbm>>) target(%arg11 : memref<125x64xf32, #tpu.memory_space<vmem>>) offsets(%dma_start3A_25 : memref<125xi32, #tpu.memory_space<vmem>>) semaphore(%arg20 : memref<!tpu.dma_semaphore, #tpu.memory_space<semaphore_mem>>)
    %dma_start3A_29 = arith.constant 3 : i32
    %dma_start3A_30 = arith.constant 0 : i32
    %dma_start3A_31 = tpu.memref_slice %arg7[%dma_start3A_29, %dma_start3A_30] : memref<80x125xi32, #tpu.memory_space<vmem>> -> memref<1x125xi32, #tpu.memory_space<vmem>>
    %dma_start3A_32 = tpu.memref_squeeze %dma_start3A_31 : memref<1x125xi32, #tpu.memory_space<vmem>> -> memref<125xi32, #tpu.memory_space<vmem>>
    %dma_start3A_33 = arith.constant 0 : i32
    %dma_start3A_34 = arith.constant 0 : i32
    %dma_start3A_35 = tpu.memref_slice %arg4[%dma_start3A_33, %dma_start3A_34] : memref<20000x64xf32, #tpu.memory_space<hbm>> -> memref<20000x64xf32, #tpu.memory_space<hbm>>
    tpu.enqueue_indirect_dma source(%dma_start3A_35 : memref<20000x64xf32, #tpu.memory_space<hbm>>) target(%arg12 : memref<125x64xf32, #tpu.memory_space<vmem>>) offsets(%dma_start3A_32 : memref<125xi32, #tpu.memory_space<vmem>>) semaphore(%arg21 : memref<!tpu.dma_semaphore, #tpu.memory_space<semaphore_mem>>)
    %dma_start3A_36 = arith.constant 4 : i32
    %dma_start3A_37 = arith.constant 0 : i32
    %dma_start3A_38 = tpu.memref_slice %arg7[%dma_start3A_36, %dma_start3A_37] : memref<80x125xi32, #tpu.memory_space<vmem>> -> memref<1x125xi32, #tpu.memory_space<vmem>>
    %dma_start3A_39 = tpu.memref_squeeze %dma_start3A_38 : memref<1x125xi32, #tpu.memory_space<vmem>> -> memref<125xi32, #tpu.memory_space<vmem>>
    %dma_start3A_40 = arith.constant 0 : i32
    %dma_start3A_41 = arith.constant 0 : i32
    %dma_start3A_42 = tpu.memref_slice %arg4[%dma_start3A_40, %dma_start3A_41] : memref<20000x64xf32, #tpu.memory_space<hbm>> -> memref<20000x64xf32, #tpu.memory_space<hbm>>
    tpu.enqueue_indirect_dma source(%dma_start3A_42 : memref<20000x64xf32, #tpu.memory_space<hbm>>) target(%arg13 : memref<125x64xf32, #tpu.memory_space<vmem>>) offsets(%dma_start3A_39 : memref<125xi32, #tpu.memory_space<vmem>>) semaphore(%arg22 : memref<!tpu.dma_semaphore, #tpu.memory_space<semaphore_mem>>)
    %dma_start3A_43 = arith.constant 5 : i32
    %dma_start3A_44 = arith.constant 0 : i32
    %dma_start3A_45 = tpu.memref_slice %arg7[%dma_start3A_43, %dma_start3A_44] : memref<80x125xi32, #tpu.memory_space<vmem>> -> memref<1x125xi32, #tpu.memory_space<vmem>>
    %dma_start3A_46 = tpu.memref_squeeze %dma_start3A_45 : memref<1x125xi32, #tpu.memory_space<vmem>> -> memref<125xi32, #tpu.memory_space<vmem>>
    %dma_start3A_47 = arith.constant 0 : i32
    %dma_start3A_48 = arith.constant 0 : i32
    %dma_start3A_49 = tpu.memref_slice %arg4[%dma_start3A_47, %dma_start3A_48] : memref<20000x64xf32, #tpu.memory_space<hbm>> -> memref<20000x64xf32, #tpu.memory_space<hbm>>
    tpu.enqueue_indirect_dma source(%dma_start3A_49 : memref<20000x64xf32, #tpu.memory_space<hbm>>) target(%arg14 : memref<125x64xf32, #tpu.memory_space<vmem>>) offsets(%dma_start3A_46 : memref<125xi32, #tpu.memory_space<vmem>>) semaphore(%arg23 : memref<!tpu.dma_semaphore, #tpu.memory_space<semaphore_mem>>)
    %dma_start3A_50 = arith.constant 6 : i32
    %dma_start3A_51 = arith.constant 0 : i32
    %dma_start3A_52 = tpu.memref_slice %arg7[%dma_start3A_50, %dma_start3A_51] : memref<80x125xi32, #tpu.memory_space<vmem>> -> memref<1x125xi32, #tpu.memory_space<vmem>>
    %dma_start3A_53 = tpu.memref_squeeze %dma_start3A_52 : memref<1x125xi32, #tpu.memory_space<vmem>> -> memref<125xi32, #tpu.memory_space<vmem>>
    %dma_start3A_54 = arith.constant 0 : i32
    %dma_start3A_55 = arith.constant 0 : i32
    %dma_start3A_56 = tpu.memref_slice %arg4[%dma_start3A_54, %dma_start3A_55] : memref<20000x64xf32, #tpu.memory_space<hbm>> -> memref<20000x64xf32, #tpu.memory_space<hbm>>
    tpu.enqueue_indirect_dma source(%dma_start3A_56 : memref<20000x64xf32, #tpu.memory_space<hbm>>) target(%arg15 : memref<125x64xf32, #tpu.memory_space<vmem>>) offsets(%dma_start3A_53 : memref<125xi32, #tpu.memory_space<vmem>>) semaphore(%arg24 : memref<!tpu.dma_semaphore, #tpu.memory_space<semaphore_mem>>)
    %dma_start3A_57 = arith.constant 7 : i32
    %dma_start3A_58 = arith.constant 0 : i32
    %dma_start3A_59 = tpu.memref_slice %arg7[%dma_start3A_57, %dma_start3A_58] : memref<80x125xi32, #tpu.memory_space<vmem>> -> memref<1x125xi32, #tpu.memory_space<vmem>>
    %dma_start3A_60 = tpu.memref_squeeze %dma_start3A_59 : memref<1x125xi32, #tpu.memory_space<vmem>> -> memref<125xi32, #tpu.memory_space<vmem>>
    %dma_start3A_61 = arith.constant 0 : i32
    %dma_start3A_62 = arith.constant 0 : i32
    %dma_start3A_63 = tpu.memref_slice %arg4[%dma_start3A_61, %dma_start3A_62] : memref<20000x64xf32, #tpu.memory_space<hbm>> -> memref<20000x64xf32, #tpu.memory_space<hbm>>
    tpu.enqueue_indirect_dma source(%dma_start3A_63 : memref<20000x64xf32, #tpu.memory_space<hbm>>) target(%arg16 : memref<125x64xf32, #tpu.memory_space<vmem>>) offsets(%dma_start3A_60 : memref<125xi32, #tpu.memory_space<vmem>>) semaphore(%arg25 : memref<!tpu.dma_semaphore, #tpu.memory_space<semaphore_mem>>)
    %scan3A = arith.constant 0 : i32
    %scan3A_64 = arith.constant 10 : i32
    %scan3A_65 = arith.addi %scan3A, %scan3A_64 : i32
    %scan3A_66 = arith.constant 1 : i32
    scf.for %scan3A_129 = %scan3A to %scan3A_65 step %scan3A_66  : i32 {
      %mul3A_130 = arith.constant 8 : i32
      %mul3A_131 = arith.muli %scan3A_129, %mul3A_130 : i32
      %add3A_132 = arith.constant 0 : i32
      %add3A_133 = arith.addi %add3A_132, %mul3A_131 : i32
      %add3A_134 = arith.constant 0 : i32
      %add3A_135 = arith.addi %add3A_133, %add3A_134 : i32
      %dma_wait3A_136 = arith.constant 0 : i32
      %dma_wait3A_137 = tpu.memref_slice %arg7[%add3A_135, %dma_wait3A_136] : memref<80x125xi32, #tpu.memory_space<vmem>> -> memref<1x125xi32, #tpu.memory_space<vmem>>
      %dma_wait3A_138 = tpu.memref_squeeze %dma_wait3A_137 : memref<1x125xi32, #tpu.memory_space<vmem>> -> memref<125xi32, #tpu.memory_space<vmem>>
      %dma_wait3A_139 = arith.constant 0 : i32
      %dma_wait3A_140 = arith.constant 0 : i32
      %dma_wait3A_141 = tpu.memref_slice %arg4[%dma_wait3A_139, %dma_wait3A_140] : memref<20000x64xf32, #tpu.memory_space<hbm>> -> memref<20000x64xf32, #tpu.memory_space<hbm>>
      tpu.wait_indirect_dma semaphore(%arg18 : memref<!tpu.dma_semaphore, #tpu.memory_space<semaphore_mem>>) src(%dma_wait3A_141 : memref<20000x64xf32, #tpu.memory_space<hbm>>) dst(%arg9 : memref<125x64xf32, #tpu.memory_space<vmem>>)
      %add3A_142 = arith.constant 0 : i32
      %add3A_143 = arith.addi %add3A_133, %add3A_142 : i32
      %dma_start3A_144 = arith.constant 0 : i32
      %dma_start3A_145 = tpu.memref_slice %arg8[%add3A_143, %dma_start3A_144] : memref<80x125xi32, #tpu.memory_space<vmem>> -> memref<1x125xi32, #tpu.memory_space<vmem>>
      %dma_start3A_146 = tpu.memref_squeeze %dma_start3A_145 : memref<1x125xi32, #tpu.memory_space<vmem>> -> memref<125xi32, #tpu.memory_space<vmem>>
      %dma_start3A_147 = arith.constant 0 : i32
      %dma_start3A_148 = arith.constant 0 : i32
      %dma_start3A_149 = tpu.memref_slice %arg17[%dma_start3A_147, %dma_start3A_148] : memref<10000x64xf32, #tpu.memory_space<vmem_shared>> -> memref<10000x64xf32, #tpu.memory_space<vmem_shared>>
      tpu.enqueue_indirect_dma source(%arg9 : memref<125x64xf32, #tpu.memory_space<vmem>>) target(%dma_start3A_149 : memref<10000x64xf32, #tpu.memory_space<vmem_shared>>) offsets(%dma_start3A_146 : memref<125xi32, #tpu.memory_space<vmem>>) semaphore(%arg26 : memref<!tpu.dma_semaphore, #tpu.memory_space<semaphore_mem>>) {add = true}
      %add3A_150 = arith.constant 1 : i32
      %add3A_151 = arith.addi %add3A_133, %add3A_150 : i32
      %dma_wait3A_152 = arith.constant 0 : i32
      %dma_wait3A_153 = tpu.memref_slice %arg7[%add3A_151, %dma_wait3A_152] : memref<80x125xi32, #tpu.memory_space<vmem>> -> memref<1x125xi32, #tpu.memory_space<vmem>>
      %dma_wait3A_154 = tpu.memref_squeeze %dma_wait3A_153 : memref<1x125xi32, #tpu.memory_space<vmem>> -> memref<125xi32, #tpu.memory_space<vmem>>
      %dma_wait3A_155 = arith.constant 0 : i32
      %dma_wait3A_156 = arith.constant 0 : i32
      %dma_wait3A_157 = tpu.memref_slice %arg4[%dma_wait3A_155, %dma_wait3A_156] : memref<20000x64xf32, #tpu.memory_space<hbm>> -> memref<20000x64xf32, #tpu.memory_space<hbm>>
      tpu.wait_indirect_dma semaphore(%arg19 : memref<!tpu.dma_semaphore, #tpu.memory_space<semaphore_mem>>) src(%dma_wait3A_157 : memref<20000x64xf32, #tpu.memory_space<hbm>>) dst(%arg10 : memref<125x64xf32, #tpu.memory_space<vmem>>)
      %add3A_158 = arith.constant 1 : i32
      %add3A_159 = arith.addi %add3A_133, %add3A_158 : i32
      %dma_start3A_160 = arith.constant 0 : i32
      %dma_start3A_161 = tpu.memref_slice %arg8[%add3A_159, %dma_start3A_160] : memref<80x125xi32, #tpu.memory_space<vmem>> -> memref<1x125xi32, #tpu.memory_space<vmem>>
      %dma_start3A_162 = tpu.memref_squeeze %dma_start3A_161 : memref<1x125xi32, #tpu.memory_space<vmem>> -> memref<125xi32, #tpu.memory_space<vmem>>
      %dma_start3A_163 = arith.constant 0 : i32
      %dma_start3A_164 = arith.constant 0 : i32
      %dma_start3A_165 = tpu.memref_slice %arg17[%dma_start3A_163, %dma_start3A_164] : memref<10000x64xf32, #tpu.memory_space<vmem_shared>> -> memref<10000x64xf32, #tpu.memory_space<vmem_shared>>
      tpu.enqueue_indirect_dma source(%arg10 : memref<125x64xf32, #tpu.memory_space<vmem>>) target(%dma_start3A_165 : memref<10000x64xf32, #tpu.memory_space<vmem_shared>>) offsets(%dma_start3A_162 : memref<125xi32, #tpu.memory_space<vmem>>) semaphore(%arg27 : memref<!tpu.dma_semaphore, #tpu.memory_space<semaphore_mem>>) {add = true}
      %add3A_166 = arith.constant 2 : i32
      %add3A_167 = arith.addi %add3A_133, %add3A_166 : i32
      %dma_wait3A_168 = arith.constant 0 : i32
      %dma_wait3A_169 = tpu.memref_slice %arg7[%add3A_167, %dma_wait3A_168] : memref<80x125xi32, #tpu.memory_space<vmem>> -> memref<1x125xi32, #tpu.memory_space<vmem>>
      %dma_wait3A_170 = tpu.memref_squeeze %dma_wait3A_169 : memref<1x125xi32, #tpu.memory_space<vmem>> -> memref<125xi32, #tpu.memory_space<vmem>>
      %dma_wait3A_171 = arith.constant 0 : i32
      %dma_wait3A_172 = arith.constant 0 : i32
      %dma_wait3A_173 = tpu.memref_slice %arg4[%dma_wait3A_171, %dma_wait3A_172] : memref<20000x64xf32, #tpu.memory_space<hbm>> -> memref<20000x64xf32, #tpu.memory_space<hbm>>
      tpu.wait_indirect_dma semaphore(%arg20 : memref<!tpu.dma_semaphore, #tpu.memory_space<semaphore_mem>>) src(%dma_wait3A_173 : memref<20000x64xf32, #tpu.memory_space<hbm>>) dst(%arg11 : memref<125x64xf32, #tpu.memory_space<vmem>>)
      %add3A_174 = arith.constant 2 : i32
      %add3A_175 = arith.addi %add3A_133, %add3A_174 : i32
      %dma_start3A_176 = arith.constant 0 : i32
      %dma_start3A_177 = tpu.memref_slice %arg8[%add3A_175, %dma_start3A_176] : memref<80x125xi32, #tpu.memory_space<vmem>> -> memref<1x125xi32, #tpu.memory_space<vmem>>
      %dma_start3A_178 = tpu.memref_squeeze %dma_start3A_177 : memref<1x125xi32, #tpu.memory_space<vmem>> -> memref<125xi32, #tpu.memory_space<vmem>>
      %dma_start3A_179 = arith.constant 0 : i32
      %dma_start3A_180 = arith.constant 0 : i32
      %dma_start3A_181 = tpu.memref_slice %arg17[%dma_start3A_179, %dma_start3A_180] : memref<10000x64xf32, #tpu.memory_space<vmem_shared>> -> memref<10000x64xf32, #tpu.memory_space<vmem_shared>>
      tpu.enqueue_indirect_dma source(%arg11 : memref<125x64xf32, #tpu.memory_space<vmem>>) target(%dma_start3A_181 : memref<10000x64xf32, #tpu.memory_space<vmem_shared>>) offsets(%dma_start3A_178 : memref<125xi32, #tpu.memory_space<vmem>>) semaphore(%arg28 : memref<!tpu.dma_semaphore, #tpu.memory_space<semaphore_mem>>) {add = true}
      %add3A_182 = arith.constant 3 : i32
      %add3A_183 = arith.addi %add3A_133, %add3A_182 : i32
      %dma_wait3A_184 = arith.constant 0 : i32
      %dma_wait3A_185 = tpu.memref_slice %arg7[%add3A_183, %dma_wait3A_184] : memref<80x125xi32, #tpu.memory_space<vmem>> -> memref<1x125xi32, #tpu.memory_space<vmem>>
      %dma_wait3A_186 = tpu.memref_squeeze %dma_wait3A_185 : memref<1x125xi32, #tpu.memory_space<vmem>> -> memref<125xi32, #tpu.memory_space<vmem>>
      %dma_wait3A_187 = arith.constant 0 : i32
      %dma_wait3A_188 = arith.constant 0 : i32
      %dma_wait3A_189 = tpu.memref_slice %arg4[%dma_wait3A_187, %dma_wait3A_188] : memref<20000x64xf32, #tpu.memory_space<hbm>> -> memref<20000x64xf32, #tpu.memory_space<hbm>>
      tpu.wait_indirect_dma semaphore(%arg21 : memref<!tpu.dma_semaphore, #tpu.memory_space<semaphore_mem>>) src(%dma_wait3A_189 : memref<20000x64xf32, #tpu.memory_space<hbm>>) dst(%arg12 : memref<125x64xf32, #tpu.memory_space<vmem>>)
      %add3A_190 = arith.constant 3 : i32
      %add3A_191 = arith.addi %add3A_133, %add3A_190 : i32
      %dma_start3A_192 = arith.constant 0 : i32
      %dma_start3A_193 = tpu.memref_slice %arg8[%add3A_191, %dma_start3A_192] : memref<80x125xi32, #tpu.memory_space<vmem>> -> memref<1x125xi32, #tpu.memory_space<vmem>>
      %dma_start3A_194 = tpu.memref_squeeze %dma_start3A_193 : memref<1x125xi32, #tpu.memory_space<vmem>> -> memref<125xi32, #tpu.memory_space<vmem>>
      %dma_start3A_195 = arith.constant 0 : i32
      %dma_start3A_196 = arith.constant 0 : i32
      %dma_start3A_197 = tpu.memref_slice %arg17[%dma_start3A_195, %dma_start3A_196] : memref<10000x64xf32, #tpu.memory_space<vmem_shared>> -> memref<10000x64xf32, #tpu.memory_space<vmem_shared>>
      tpu.enqueue_indirect_dma source(%arg12 : memref<125x64xf32, #tpu.memory_space<vmem>>) target(%dma_start3A_197 : memref<10000x64xf32, #tpu.memory_space<vmem_shared>>) offsets(%dma_start3A_194 : memref<125xi32, #tpu.memory_space<vmem>>) semaphore(%arg29 : memref<!tpu.dma_semaphore, #tpu.memory_space<semaphore_mem>>) {add = true}
      %add3A_198 = arith.constant 4 : i32
      %add3A_199 = arith.addi %add3A_133, %add3A_198 : i32
      %dma_wait3A_200 = arith.constant 0 : i32
      %dma_wait3A_201 = tpu.memref_slice %arg7[%add3A_199, %dma_wait3A_200] : memref<80x125xi32, #tpu.memory_space<vmem>> -> memref<1x125xi32, #tpu.memory_space<vmem>>
      %dma_wait3A_202 = tpu.memref_squeeze %dma_wait3A_201 : memref<1x125xi32, #tpu.memory_space<vmem>> -> memref<125xi32, #tpu.memory_space<vmem>>
      %dma_wait3A_203 = arith.constant 0 : i32
      %dma_wait3A_204 = arith.constant 0 : i32
      %dma_wait3A_205 = tpu.memref_slice %arg4[%dma_wait3A_203, %dma_wait3A_204] : memref<20000x64xf32, #tpu.memory_space<hbm>> -> memref<20000x64xf32, #tpu.memory_space<hbm>>
      tpu.wait_indirect_dma semaphore(%arg22 : memref<!tpu.dma_semaphore, #tpu.memory_space<semaphore_mem>>) src(%dma_wait3A_205 : memref<20000x64xf32, #tpu.memory_space<hbm>>) dst(%arg13 : memref<125x64xf32, #tpu.memory_space<vmem>>)
      %add3A_206 = arith.constant 4 : i32
      %add3A_207 = arith.addi %add3A_133, %add3A_206 : i32
      %dma_start3A_208 = arith.constant 0 : i32
      %dma_start3A_209 = tpu.memref_slice %arg8[%add3A_207, %dma_start3A_208] : memref<80x125xi32, #tpu.memory_space<vmem>> -> memref<1x125xi32, #tpu.memory_space<vmem>>
      %dma_start3A_210 = tpu.memref_squeeze %dma_start3A_209 : memref<1x125xi32, #tpu.memory_space<vmem>> -> memref<125xi32, #tpu.memory_space<vmem>>
      %dma_start3A_211 = arith.constant 0 : i32
      %dma_start3A_212 = arith.constant 0 : i32
      %dma_start3A_213 = tpu.memref_slice %arg17[%dma_start3A_211, %dma_start3A_212] : memref<10000x64xf32, #tpu.memory_space<vmem_shared>> -> memref<10000x64xf32, #tpu.memory_space<vmem_shared>>
      tpu.enqueue_indirect_dma source(%arg13 : memref<125x64xf32, #tpu.memory_space<vmem>>) target(%dma_start3A_213 : memref<10000x64xf32, #tpu.memory_space<vmem_shared>>) offsets(%dma_start3A_210 : memref<125xi32, #tpu.memory_space<vmem>>) semaphore(%arg30 : memref<!tpu.dma_semaphore, #tpu.memory_space<semaphore_mem>>) {add = true}
      %add3A_214 = arith.constant 5 : i32
      %add3A_215 = arith.addi %add3A_133, %add3A_214 : i32
      %dma_wait3A_216 = arith.constant 0 : i32
      %dma_wait3A_217 = tpu.memref_slice %arg7[%add3A_215, %dma_wait3A_216] : memref<80x125xi32, #tpu.memory_space<vmem>> -> memref<1x125xi32, #tpu.memory_space<vmem>>
      %dma_wait3A_218 = tpu.memref_squeeze %dma_wait3A_217 : memref<1x125xi32, #tpu.memory_space<vmem>> -> memref<125xi32, #tpu.memory_space<vmem>>
      %dma_wait3A_219 = arith.constant 0 : i32
      %dma_wait3A_220 = arith.constant 0 : i32
      %dma_wait3A_221 = tpu.memref_slice %arg4[%dma_wait3A_219, %dma_wait3A_220] : memref<20000x64xf32, #tpu.memory_space<hbm>> -> memref<20000x64xf32, #tpu.memory_space<hbm>>
      tpu.wait_indirect_dma semaphore(%arg23 : memref<!tpu.dma_semaphore, #tpu.memory_space<semaphore_mem>>) src(%dma_wait3A_221 : memref<20000x64xf32, #tpu.memory_space<hbm>>) dst(%arg14 : memref<125x64xf32, #tpu.memory_space<vmem>>)
      %add3A_222 = arith.constant 5 : i32
      %add3A_223 = arith.addi %add3A_133, %add3A_222 : i32
      %dma_start3A_224 = arith.constant 0 : i32
      %dma_start3A_225 = tpu.memref_slice %arg8[%add3A_223, %dma_start3A_224] : memref<80x125xi32, #tpu.memory_space<vmem>> -> memref<1x125xi32, #tpu.memory_space<vmem>>
      %dma_start3A_226 = tpu.memref_squeeze %dma_start3A_225 : memref<1x125xi32, #tpu.memory_space<vmem>> -> memref<125xi32, #tpu.memory_space<vmem>>
      %dma_start3A_227 = arith.constant 0 : i32
      %dma_start3A_228 = arith.constant 0 : i32
      %dma_start3A_229 = tpu.memref_slice %arg17[%dma_start3A_227, %dma_start3A_228] : memref<10000x64xf32, #tpu.memory_space<vmem_shared>> -> memref<10000x64xf32, #tpu.memory_space<vmem_shared>>
      tpu.enqueue_indirect_dma source(%arg14 : memref<125x64xf32, #tpu.memory_space<vmem>>) target(%dma_start3A_229 : memref<10000x64xf32, #tpu.memory_space<vmem_shared>>) offsets(%dma_start3A_226 : memref<125xi32, #tpu.memory_space<vmem>>) semaphore(%arg31 : memref<!tpu.dma_semaphore, #tpu.memory_space<semaphore_mem>>) {add = true}
      %add3A_230 = arith.constant 6 : i32
      %add3A_231 = arith.addi %add3A_133, %add3A_230 : i32
      %dma_wait3A_232 = arith.constant 0 : i32
      %dma_wait3A_233 = tpu.memref_slice %arg7[%add3A_231, %dma_wait3A_232] : memref<80x125xi32, #tpu.memory_space<vmem>> -> memref<1x125xi32, #tpu.memory_space<vmem>>
      %dma_wait3A_234 = tpu.memref_squeeze %dma_wait3A_233 : memref<1x125xi32, #tpu.memory_space<vmem>> -> memref<125xi32, #tpu.memory_space<vmem>>
      %dma_wait3A_235 = arith.constant 0 : i32
      %dma_wait3A_236 = arith.constant 0 : i32
      %dma_wait3A_237 = tpu.memref_slice %arg4[%dma_wait3A_235, %dma_wait3A_236] : memref<20000x64xf32, #tpu.memory_space<hbm>> -> memref<20000x64xf32, #tpu.memory_space<hbm>>
      tpu.wait_indirect_dma semaphore(%arg24 : memref<!tpu.dma_semaphore, #tpu.memory_space<semaphore_mem>>) src(%dma_wait3A_237 : memref<20000x64xf32, #tpu.memory_space<hbm>>) dst(%arg15 : memref<125x64xf32, #tpu.memory_space<vmem>>)
      %add3A_238 = arith.constant 6 : i32
      %add3A_239 = arith.addi %add3A_133, %add3A_238 : i32
      %dma_start3A_240 = arith.constant 0 : i32
      %dma_start3A_241 = tpu.memref_slice %arg8[%add3A_239, %dma_start3A_240] : memref<80x125xi32, #tpu.memory_space<vmem>> -> memref<1x125xi32, #tpu.memory_space<vmem>>
      %dma_start3A_242 = tpu.memref_squeeze %dma_start3A_241 : memref<1x125xi32, #tpu.memory_space<vmem>> -> memref<125xi32, #tpu.memory_space<vmem>>
      %dma_start3A_243 = arith.constant 0 : i32
      %dma_start3A_244 = arith.constant 0 : i32
      %dma_start3A_245 = tpu.memref_slice %arg17[%dma_start3A_243, %dma_start3A_244] : memref<10000x64xf32, #tpu.memory_space<vmem_shared>> -> memref<10000x64xf32, #tpu.memory_space<vmem_shared>>
      tpu.enqueue_indirect_dma source(%arg15 : memref<125x64xf32, #tpu.memory_space<vmem>>) target(%dma_start3A_245 : memref<10000x64xf32, #tpu.memory_space<vmem_shared>>) offsets(%dma_start3A_242 : memref<125xi32, #tpu.memory_space<vmem>>) semaphore(%arg32 : memref<!tpu.dma_semaphore, #tpu.memory_space<semaphore_mem>>) {add = true}
      %add3A_246 = arith.constant 7 : i32
      %add3A_247 = arith.addi %add3A_133, %add3A_246 : i32
      %dma_wait3A_248 = arith.constant 0 : i32
      %dma_wait3A_249 = tpu.memref_slice %arg7[%add3A_247, %dma_wait3A_248] : memref<80x125xi32, #tpu.memory_space<vmem>> -> memref<1x125xi32, #tpu.memory_space<vmem>>
      %dma_wait3A_250 = tpu.memref_squeeze %dma_wait3A_249 : memref<1x125xi32, #tpu.memory_space<vmem>> -> memref<125xi32, #tpu.memory_space<vmem>>
      %dma_wait3A_251 = arith.constant 0 : i32
      %dma_wait3A_252 = arith.constant 0 : i32
      %dma_wait3A_253 = tpu.memref_slice %arg4[%dma_wait3A_251, %dma_wait3A_252] : memref<20000x64xf32, #tpu.memory_space<hbm>> -> memref<20000x64xf32, #tpu.memory_space<hbm>>
      tpu.wait_indirect_dma semaphore(%arg25 : memref<!tpu.dma_semaphore, #tpu.memory_space<semaphore_mem>>) src(%dma_wait3A_253 : memref<20000x64xf32, #tpu.memory_space<hbm>>) dst(%arg16 : memref<125x64xf32, #tpu.memory_space<vmem>>)
      %add3A_254 = arith.constant 7 : i32
      %add3A_255 = arith.addi %add3A_133, %add3A_254 : i32
      %dma_start3A_256 = arith.constant 0 : i32
      %dma_start3A_257 = tpu.memref_slice %arg8[%add3A_255, %dma_start3A_256] : memref<80x125xi32, #tpu.memory_space<vmem>> -> memref<1x125xi32, #tpu.memory_space<vmem>>
      %dma_start3A_258 = tpu.memref_squeeze %dma_start3A_257 : memref<1x125xi32, #tpu.memory_space<vmem>> -> memref<125xi32, #tpu.memory_space<vmem>>
      %dma_start3A_259 = arith.constant 0 : i32
      %dma_start3A_260 = arith.constant 0 : i32
      %dma_start3A_261 = tpu.memref_slice %arg17[%dma_start3A_259, %dma_start3A_260] : memref<10000x64xf32, #tpu.memory_space<vmem_shared>> -> memref<10000x64xf32, #tpu.memory_space<vmem_shared>>
      tpu.enqueue_indirect_dma source(%arg16 : memref<125x64xf32, #tpu.memory_space<vmem>>) target(%dma_start3A_261 : memref<10000x64xf32, #tpu.memory_space<vmem_shared>>) offsets(%dma_start3A_258 : memref<125xi32, #tpu.memory_space<vmem>>) semaphore(%arg33 : memref<!tpu.dma_semaphore, #tpu.memory_space<semaphore_mem>>) {add = true}
      %add3A_262 = arith.constant 0 : i32
      %add3A_263 = arith.addi %add3A_133, %add3A_262 : i32
      %add3A_264 = arith.constant 8 : i32
      %add3A_265 = arith.addi %add3A_263, %add3A_264 : i32
      %lt3A_266 = arith.constant 80 : i32
      %lt3A_267 = arith.cmpi slt, %add3A_265, %lt3A_266 : i32
      %convert_element_type3A_268 = arith.extui %lt3A_267 : i1 to i32
      %cond3A_269 = arith.constant 0 : i32
      %cond3A_270 = arith.cmpi ne, %convert_element_type3A_268, %cond3A_269 : i32
      scf.if %cond3A_270 {
        %add3A_334 = arith.constant 0 : i32
        %add3A_335 = arith.addi %add3A_133, %add3A_334 : i32
        %dma_wait3A_336 = arith.constant 0 : i32
        %dma_wait3A_337 = tpu.memref_slice %arg8[%add3A_335, %dma_wait3A_336] : memref<80x125xi32, #tpu.memory_space<vmem>> -> memref<1x125xi32, #tpu.memory_space<vmem>>
        %dma_wait3A_338 = tpu.memref_squeeze %dma_wait3A_337 : memref<1x125xi32, #tpu.memory_space<vmem>> -> memref<125xi32, #tpu.memory_space<vmem>>
        %dma_wait3A_339 = arith.constant 0 : i32
        %dma_wait3A_340 = arith.constant 0 : i32
        %dma_wait3A_341 = tpu.memref_slice %arg17[%dma_wait3A_339, %dma_wait3A_340] : memref<10000x64xf32, #tpu.memory_space<vmem_shared>> -> memref<10000x64xf32, #tpu.memory_space<vmem_shared>>
        tpu.wait_indirect_dma semaphore(%arg26 : memref<!tpu.dma_semaphore, #tpu.memory_space<semaphore_mem>>) src(%arg9 : memref<125x64xf32, #tpu.memory_space<vmem>>) dst(%dma_wait3A_341 : memref<10000x64xf32, #tpu.memory_space<vmem_shared>>)
        %add3A_342 = arith.constant 0 : i32
        %add3A_343 = arith.addi %add3A_133, %add3A_342 : i32
        %add3A_344 = arith.constant 8 : i32
        %add3A_345 = arith.addi %add3A_343, %add3A_344 : i32
        %dma_start3A_346 = arith.constant 0 : i32
        %dma_start3A_347 = tpu.memref_slice %arg7[%add3A_345, %dma_start3A_346] : memref<80x125xi32, #tpu.memory_space<vmem>> -> memref<1x125xi32, #tpu.memory_space<vmem>>
        %dma_start3A_348 = tpu.memref_squeeze %dma_start3A_347 : memref<1x125xi32, #tpu.memory_space<vmem>> -> memref<125xi32, #tpu.memory_space<vmem>>
        %dma_start3A_349 = arith.constant 0 : i32
        %dma_start3A_350 = arith.constant 0 : i32
        %dma_start3A_351 = tpu.memref_slice %arg4[%dma_start3A_349, %dma_start3A_350] : memref<20000x64xf32, #tpu.memory_space<hbm>> -> memref<20000x64xf32, #tpu.memory_space<hbm>>
        tpu.enqueue_indirect_dma source(%dma_start3A_351 : memref<20000x64xf32, #tpu.memory_space<hbm>>) target(%arg9 : memref<125x64xf32, #tpu.memory_space<vmem>>) offsets(%dma_start3A_348 : memref<125xi32, #tpu.memory_space<vmem>>) semaphore(%arg18 : memref<!tpu.dma_semaphore, #tpu.memory_space<semaphore_mem>>)
      } else {
      }
      %add3A_271 = arith.constant 1 : i32
      %add3A_272 = arith.addi %add3A_133, %add3A_271 : i32
      %add3A_273 = arith.constant 8 : i32
      %add3A_274 = arith.addi %add3A_272, %add3A_273 : i32
      %lt3A_275 = arith.constant 80 : i32
      %lt3A_276 = arith.cmpi slt, %add3A_274, %lt3A_275 : i32
      %convert_element_type3A_277 = arith.extui %lt3A_276 : i1 to i32
      %cond3A_278 = arith.constant 0 : i32
      %cond3A_279 = arith.cmpi ne, %convert_element_type3A_277, %cond3A_278 : i32
      scf.if %cond3A_279 {
        %add3A_334 = arith.constant 1 : i32
        %add3A_335 = arith.addi %add3A_133, %add3A_334 : i32
        %dma_wait3A_336 = arith.constant 0 : i32
        %dma_wait3A_337 = tpu.memref_slice %arg8[%add3A_335, %dma_wait3A_336] : memref<80x125xi32, #tpu.memory_space<vmem>> -> memref<1x125xi32, #tpu.memory_space<vmem>>
        %dma_wait3A_338 = tpu.memref_squeeze %dma_wait3A_337 : memref<1x125xi32, #tpu.memory_space<vmem>> -> memref<125xi32, #tpu.memory_space<vmem>>
        %dma_wait3A_339 = arith.constant 0 : i32
        %dma_wait3A_340 = arith.constant 0 : i32
        %dma_wait3A_341 = tpu.memref_slice %arg17[%dma_wait3A_339, %dma_wait3A_340] : memref<10000x64xf32, #tpu.memory_space<vmem_shared>> -> memref<10000x64xf32, #tpu.memory_space<vmem_shared>>
        tpu.wait_indirect_dma semaphore(%arg27 : memref<!tpu.dma_semaphore, #tpu.memory_space<semaphore_mem>>) src(%arg10 : memref<125x64xf32, #tpu.memory_space<vmem>>) dst(%dma_wait3A_341 : memref<10000x64xf32, #tpu.memory_space<vmem_shared>>)
        %add3A_342 = arith.constant 1 : i32
        %add3A_343 = arith.addi %add3A_133, %add3A_342 : i32
        %add3A_344 = arith.constant 8 : i32
        %add3A_345 = arith.addi %add3A_343, %add3A_344 : i32
        %dma_start3A_346 = arith.constant 0 : i32
        %dma_start3A_347 = tpu.memref_slice %arg7[%add3A_345, %dma_start3A_346] : memref<80x125xi32, #tpu.memory_space<vmem>> -> memref<1x125xi32, #tpu.memory_space<vmem>>
        %dma_start3A_348 = tpu.memref_squeeze %dma_start3A_347 : memref<1x125xi32, #tpu.memory_space<vmem>> -> memref<125xi32, #tpu.memory_space<vmem>>
        %dma_start3A_349 = arith.constant 0 : i32
        %dma_start3A_350 = arith.constant 0 : i32
        %dma_start3A_351 = tpu.memref_slice %arg4[%dma_start3A_349, %dma_start3A_350] : memref<20000x64xf32, #tpu.memory_space<hbm>> -> memref<20000x64xf32, #tpu.memory_space<hbm>>
        tpu.enqueue_indirect_dma source(%dma_start3A_351 : memref<20000x64xf32, #tpu.memory_space<hbm>>) target(%arg10 : memref<125x64xf32, #tpu.memory_space<vmem>>) offsets(%dma_start3A_348 : memref<125xi32, #tpu.memory_space<vmem>>) semaphore(%arg19 : memref<!tpu.dma_semaphore, #tpu.memory_space<semaphore_mem>>)
      } else {
      }
      %add3A_280 = arith.constant 2 : i32
      %add3A_281 = arith.addi %add3A_133, %add3A_280 : i32
      %add3A_282 = arith.constant 8 : i32
      %add3A_283 = arith.addi %add3A_281, %add3A_282 : i32
      %lt3A_284 = arith.constant 80 : i32
      %lt3A_285 = arith.cmpi slt, %add3A_283, %lt3A_284 : i32
      %convert_element_type3A_286 = arith.extui %lt3A_285 : i1 to i32
      %cond3A_287 = arith.constant 0 : i32
      %cond3A_288 = arith.cmpi ne, %convert_element_type3A_286, %cond3A_287 : i32
      scf.if %cond3A_288 {
        %add3A_334 = arith.constant 2 : i32
        %add3A_335 = arith.addi %add3A_133, %add3A_334 : i32
        %dma_wait3A_336 = arith.constant 0 : i32
        %dma_wait3A_337 = tpu.memref_slice %arg8[%add3A_335, %dma_wait3A_336] : memref<80x125xi32, #tpu.memory_space<vmem>> -> memref<1x125xi32, #tpu.memory_space<vmem>>
        %dma_wait3A_338 = tpu.memref_squeeze %dma_wait3A_337 : memref<1x125xi32, #tpu.memory_space<vmem>> -> memref<125xi32, #tpu.memory_space<vmem>>
        %dma_wait3A_339 = arith.constant 0 : i32
        %dma_wait3A_340 = arith.constant 0 : i32
        %dma_wait3A_341 = tpu.memref_slice %arg17[%dma_wait3A_339, %dma_wait3A_340] : memref<10000x64xf32, #tpu.memory_space<vmem_shared>> -> memref<10000x64xf32, #tpu.memory_space<vmem_shared>>
        tpu.wait_indirect_dma semaphore(%arg28 : memref<!tpu.dma_semaphore, #tpu.memory_space<semaphore_mem>>) src(%arg11 : memref<125x64xf32, #tpu.memory_space<vmem>>) dst(%dma_wait3A_341 : memref<10000x64xf32, #tpu.memory_space<vmem_shared>>)
        %add3A_342 = arith.constant 2 : i32
        %add3A_343 = arith.addi %add3A_133, %add3A_342 : i32
        %add3A_344 = arith.constant 8 : i32
        %add3A_345 = arith.addi %add3A_343, %add3A_344 : i32
        %dma_start3A_346 = arith.constant 0 : i32
        %dma_start3A_347 = tpu.memref_slice %arg7[%add3A_345, %dma_start3A_346] : memref<80x125xi32, #tpu.memory_space<vmem>> -> memref<1x125xi32, #tpu.memory_space<vmem>>
        %dma_start3A_348 = tpu.memref_squeeze %dma_start3A_347 : memref<1x125xi32, #tpu.memory_space<vmem>> -> memref<125xi32, #tpu.memory_space<vmem>>
        %dma_start3A_349 = arith.constant 0 : i32
        %dma_start3A_350 = arith.constant 0 : i32
        %dma_start3A_351 = tpu.memref_slice %arg4[%dma_start3A_349, %dma_start3A_350] : memref<20000x64xf32, #tpu.memory_space<hbm>> -> memref<20000x64xf32, #tpu.memory_space<hbm>>
        tpu.enqueue_indirect_dma source(%dma_start3A_351 : memref<20000x64xf32, #tpu.memory_space<hbm>>) target(%arg11 : memref<125x64xf32, #tpu.memory_space<vmem>>) offsets(%dma_start3A_348 : memref<125xi32, #tpu.memory_space<vmem>>) semaphore(%arg20 : memref<!tpu.dma_semaphore, #tpu.memory_space<semaphore_mem>>)
      } else {
      }
      %add3A_289 = arith.constant 3 : i32
      %add3A_290 = arith.addi %add3A_133, %add3A_289 : i32
      %add3A_291 = arith.constant 8 : i32
      %add3A_292 = arith.addi %add3A_290, %add3A_291 : i32
      %lt3A_293 = arith.constant 80 : i32
      %lt3A_294 = arith.cmpi slt, %add3A_292, %lt3A_293 : i32
      %convert_element_type3A_295 = arith.extui %lt3A_294 : i1 to i32
      %cond3A_296 = arith.constant 0 : i32
      %cond3A_297 = arith.cmpi ne, %convert_element_type3A_295, %cond3A_296 : i32
      scf.if %cond3A_297 {
        %add3A_334 = arith.constant 3 : i32
        %add3A_335 = arith.addi %add3A_133, %add3A_334 : i32
        %dma_wait3A_336 = arith.constant 0 : i32
        %dma_wait3A_337 = tpu.memref_slice %arg8[%add3A_335, %dma_wait3A_336] : memref<80x125xi32, #tpu.memory_space<vmem>> -> memref<1x125xi32, #tpu.memory_space<vmem>>
        %dma_wait3A_338 = tpu.memref_squeeze %dma_wait3A_337 : memref<1x125xi32, #tpu.memory_space<vmem>> -> memref<125xi32, #tpu.memory_space<vmem>>
        %dma_wait3A_339 = arith.constant 0 : i32
        %dma_wait3A_340 = arith.constant 0 : i32
        %dma_wait3A_341 = tpu.memref_slice %arg17[%dma_wait3A_339, %dma_wait3A_340] : memref<10000x64xf32, #tpu.memory_space<vmem_shared>> -> memref<10000x64xf32, #tpu.memory_space<vmem_shared>>
        tpu.wait_indirect_dma semaphore(%arg29 : memref<!tpu.dma_semaphore, #tpu.memory_space<semaphore_mem>>) src(%arg12 : memref<125x64xf32, #tpu.memory_space<vmem>>) dst(%dma_wait3A_341 : memref<10000x64xf32, #tpu.memory_space<vmem_shared>>)
        %add3A_342 = arith.constant 3 : i32
        %add3A_343 = arith.addi %add3A_133, %add3A_342 : i32
        %add3A_344 = arith.constant 8 : i32
        %add3A_345 = arith.addi %add3A_343, %add3A_344 : i32
        %dma_start3A_346 = arith.constant 0 : i32
        %dma_start3A_347 = tpu.memref_slice %arg7[%add3A_345, %dma_start3A_346] : memref<80x125xi32, #tpu.memory_space<vmem>> -> memref<1x125xi32, #tpu.memory_space<vmem>>
        %dma_start3A_348 = tpu.memref_squeeze %dma_start3A_347 : memref<1x125xi32, #tpu.memory_space<vmem>> -> memref<125xi32, #tpu.memory_space<vmem>>
        %dma_start3A_349 = arith.constant 0 : i32
        %dma_start3A_350 = arith.constant 0 : i32
        %dma_start3A_351 = tpu.memref_slice %arg4[%dma_start3A_349, %dma_start3A_350] : memref<20000x64xf32, #tpu.memory_space<hbm>> -> memref<20000x64xf32, #tpu.memory_space<hbm>>
        tpu.enqueue_indirect_dma source(%dma_start3A_351 : memref<20000x64xf32, #tpu.memory_space<hbm>>) target(%arg12 : memref<125x64xf32, #tpu.memory_space<vmem>>) offsets(%dma_start3A_348 : memref<125xi32, #tpu.memory_space<vmem>>) semaphore(%arg21 : memref<!tpu.dma_semaphore, #tpu.memory_space<semaphore_mem>>)
      } else {
      }
      %add3A_298 = arith.constant 4 : i32
      %add3A_299 = arith.addi %add3A_133, %add3A_298 : i32
      %add3A_300 = arith.constant 8 : i32
      %add3A_301 = arith.addi %add3A_299, %add3A_300 : i32
      %lt3A_302 = arith.constant 80 : i32
      %lt3A_303 = arith.cmpi slt, %add3A_301, %lt3A_302 : i32
      %convert_element_type3A_304 = arith.extui %lt3A_303 : i1 to i32
      %cond3A_305 = arith.constant 0 : i32
      %cond3A_306 = arith.cmpi ne, %convert_element_type3A_304, %cond3A_305 : i32
      scf.if %cond3A_306 {
        %add3A_334 = arith.constant 4 : i32
        %add3A_335 = arith.addi %add3A_133, %add3A_334 : i32
        %dma_wait3A_336 = arith.constant 0 : i32
        %dma_wait3A_337 = tpu.memref_slice %arg8[%add3A_335, %dma_wait3A_336] : memref<80x125xi32, #tpu.memory_space<vmem>> -> memref<1x125xi32, #tpu.memory_space<vmem>>
        %dma_wait3A_338 = tpu.memref_squeeze %dma_wait3A_337 : memref<1x125xi32, #tpu.memory_space<vmem>> -> memref<125xi32, #tpu.memory_space<vmem>>
        %dma_wait3A_339 = arith.constant 0 : i32
        %dma_wait3A_340 = arith.constant 0 : i32
        %dma_wait3A_341 = tpu.memref_slice %arg17[%dma_wait3A_339, %dma_wait3A_340] : memref<10000x64xf32, #tpu.memory_space<vmem_shared>> -> memref<10000x64xf32, #tpu.memory_space<vmem_shared>>
        tpu.wait_indirect_dma semaphore(%arg30 : memref<!tpu.dma_semaphore, #tpu.memory_space<semaphore_mem>>) src(%arg13 : memref<125x64xf32, #tpu.memory_space<vmem>>) dst(%dma_wait3A_341 : memref<10000x64xf32, #tpu.memory_space<vmem_shared>>)
        %add3A_342 = arith.constant 4 : i32
        %add3A_343 = arith.addi %add3A_133, %add3A_342 : i32
        %add3A_344 = arith.constant 8 : i32
        %add3A_345 = arith.addi %add3A_343, %add3A_344 : i32
        %dma_start3A_346 = arith.constant 0 : i32
        %dma_start3A_347 = tpu.memref_slice %arg7[%add3A_345, %dma_start3A_346] : memref<80x125xi32, #tpu.memory_space<vmem>> -> memref<1x125xi32, #tpu.memory_space<vmem>>
        %dma_start3A_348 = tpu.memref_squeeze %dma_start3A_347 : memref<1x125xi32, #tpu.memory_space<vmem>> -> memref<125xi32, #tpu.memory_space<vmem>>
        %dma_start3A_349 = arith.constant 0 : i32
        %dma_start3A_350 = arith.constant 0 : i32
        %dma_start3A_351 = tpu.memref_slice %arg4[%dma_start3A_349, %dma_start3A_350] : memref<20000x64xf32, #tpu.memory_space<hbm>> -> memref<20000x64xf32, #tpu.memory_space<hbm>>
        tpu.enqueue_indirect_dma source(%dma_start3A_351 : memref<20000x64xf32, #tpu.memory_space<hbm>>) target(%arg13 : memref<125x64xf32, #tpu.memory_space<vmem>>) offsets(%dma_start3A_348 : memref<125xi32, #tpu.memory_space<vmem>>) semaphore(%arg22 : memref<!tpu.dma_semaphore, #tpu.memory_space<semaphore_mem>>)
      } else {
      }
      %add3A_307 = arith.constant 5 : i32
      %add3A_308 = arith.addi %add3A_133, %add3A_307 : i32
      %add3A_309 = arith.constant 8 : i32
      %add3A_310 = arith.addi %add3A_308, %add3A_309 : i32
      %lt3A_311 = arith.constant 80 : i32
      %lt3A_312 = arith.cmpi slt, %add3A_310, %lt3A_311 : i32
      %convert_element_type3A_313 = arith.extui %lt3A_312 : i1 to i32
      %cond3A_314 = arith.constant 0 : i32
      %cond3A_315 = arith.cmpi ne, %convert_element_type3A_313, %cond3A_314 : i32
      scf.if %cond3A_315 {
        %add3A_334 = arith.constant 5 : i32
        %add3A_335 = arith.addi %add3A_133, %add3A_334 : i32
        %dma_wait3A_336 = arith.constant 0 : i32
        %dma_wait3A_337 = tpu.memref_slice %arg8[%add3A_335, %dma_wait3A_336] : memref<80x125xi32, #tpu.memory_space<vmem>> -> memref<1x125xi32, #tpu.memory_space<vmem>>
        %dma_wait3A_338 = tpu.memref_squeeze %dma_wait3A_337 : memref<1x125xi32, #tpu.memory_space<vmem>> -> memref<125xi32, #tpu.memory_space<vmem>>
        %dma_wait3A_339 = arith.constant 0 : i32
        %dma_wait3A_340 = arith.constant 0 : i32
        %dma_wait3A_341 = tpu.memref_slice %arg17[%dma_wait3A_339, %dma_wait3A_340] : memref<10000x64xf32, #tpu.memory_space<vmem_shared>> -> memref<10000x64xf32, #tpu.memory_space<vmem_shared>>
        tpu.wait_indirect_dma semaphore(%arg31 : memref<!tpu.dma_semaphore, #tpu.memory_space<semaphore_mem>>) src(%arg14 : memref<125x64xf32, #tpu.memory_space<vmem>>) dst(%dma_wait3A_341 : memref<10000x64xf32, #tpu.memory_space<vmem_shared>>)
        %add3A_342 = arith.constant 5 : i32
        %add3A_343 = arith.addi %add3A_133, %add3A_342 : i32
        %add3A_344 = arith.constant 8 : i32
        %add3A_345 = arith.addi %add3A_343, %add3A_344 : i32
        %dma_start3A_346 = arith.constant 0 : i32
        %dma_start3A_347 = tpu.memref_slice %arg7[%add3A_345, %dma_start3A_346] : memref<80x125xi32, #tpu.memory_space<vmem>> -> memref<1x125xi32, #tpu.memory_space<vmem>>
        %dma_start3A_348 = tpu.memref_squeeze %dma_start3A_347 : memref<1x125xi32, #tpu.memory_space<vmem>> -> memref<125xi32, #tpu.memory_space<vmem>>
        %dma_start3A_349 = arith.constant 0 : i32
        %dma_start3A_350 = arith.constant 0 : i32
        %dma_start3A_351 = tpu.memref_slice %arg4[%dma_start3A_349, %dma_start3A_350] : memref<20000x64xf32, #tpu.memory_space<hbm>> -> memref<20000x64xf32, #tpu.memory_space<hbm>>
        tpu.enqueue_indirect_dma source(%dma_start3A_351 : memref<20000x64xf32, #tpu.memory_space<hbm>>) target(%arg14 : memref<125x64xf32, #tpu.memory_space<vmem>>) offsets(%dma_start3A_348 : memref<125xi32, #tpu.memory_space<vmem>>) semaphore(%arg23 : memref<!tpu.dma_semaphore, #tpu.memory_space<semaphore_mem>>)
      } else {
      }
      %add3A_316 = arith.constant 6 : i32
      %add3A_317 = arith.addi %add3A_133, %add3A_316 : i32
      %add3A_318 = arith.constant 8 : i32
      %add3A_319 = arith.addi %add3A_317, %add3A_318 : i32
      %lt3A_320 = arith.constant 80 : i32
      %lt3A_321 = arith.cmpi slt, %add3A_319, %lt3A_320 : i32
      %convert_element_type3A_322 = arith.extui %lt3A_321 : i1 to i32
      %cond3A_323 = arith.constant 0 : i32
      %cond3A_324 = arith.cmpi ne, %convert_element_type3A_322, %cond3A_323 : i32
      scf.if %cond3A_324 {
        %add3A_334 = arith.constant 6 : i32
        %add3A_335 = arith.addi %add3A_133, %add3A_334 : i32
        %dma_wait3A_336 = arith.constant 0 : i32
        %dma_wait3A_337 = tpu.memref_slice %arg8[%add3A_335, %dma_wait3A_336] : memref<80x125xi32, #tpu.memory_space<vmem>> -> memref<1x125xi32, #tpu.memory_space<vmem>>
        %dma_wait3A_338 = tpu.memref_squeeze %dma_wait3A_337 : memref<1x125xi32, #tpu.memory_space<vmem>> -> memref<125xi32, #tpu.memory_space<vmem>>
        %dma_wait3A_339 = arith.constant 0 : i32
        %dma_wait3A_340 = arith.constant 0 : i32
        %dma_wait3A_341 = tpu.memref_slice %arg17[%dma_wait3A_339, %dma_wait3A_340] : memref<10000x64xf32, #tpu.memory_space<vmem_shared>> -> memref<10000x64xf32, #tpu.memory_space<vmem_shared>>
        tpu.wait_indirect_dma semaphore(%arg32 : memref<!tpu.dma_semaphore, #tpu.memory_space<semaphore_mem>>) src(%arg15 : memref<125x64xf32, #tpu.memory_space<vmem>>) dst(%dma_wait3A_341 : memref<10000x64xf32, #tpu.memory_space<vmem_shared>>)
        %add3A_342 = arith.constant 6 : i32
        %add3A_343 = arith.addi %add3A_133, %add3A_342 : i32
        %add3A_344 = arith.constant 8 : i32
        %add3A_345 = arith.addi %add3A_343, %add3A_344 : i32
        %dma_start3A_346 = arith.constant 0 : i32
        %dma_start3A_347 = tpu.memref_slice %arg7[%add3A_345, %dma_start3A_346] : memref<80x125xi32, #tpu.memory_space<vmem>> -> memref<1x125xi32, #tpu.memory_space<vmem>>
        %dma_start3A_348 = tpu.memref_squeeze %dma_start3A_347 : memref<1x125xi32, #tpu.memory_space<vmem>> -> memref<125xi32, #tpu.memory_space<vmem>>
        %dma_start3A_349 = arith.constant 0 : i32
        %dma_start3A_350 = arith.constant 0 : i32
        %dma_start3A_351 = tpu.memref_slice %arg4[%dma_start3A_349, %dma_start3A_350] : memref<20000x64xf32, #tpu.memory_space<hbm>> -> memref<20000x64xf32, #tpu.memory_space<hbm>>
        tpu.enqueue_indirect_dma source(%dma_start3A_351 : memref<20000x64xf32, #tpu.memory_space<hbm>>) target(%arg15 : memref<125x64xf32, #tpu.memory_space<vmem>>) offsets(%dma_start3A_348 : memref<125xi32, #tpu.memory_space<vmem>>) semaphore(%arg24 : memref<!tpu.dma_semaphore, #tpu.memory_space<semaphore_mem>>)
      } else {
      }
      %add3A_325 = arith.constant 7 : i32
      %add3A_326 = arith.addi %add3A_133, %add3A_325 : i32
      %add3A_327 = arith.constant 8 : i32
      %add3A_328 = arith.addi %add3A_326, %add3A_327 : i32
      %lt3A_329 = arith.constant 80 : i32
      %lt3A_330 = arith.cmpi slt, %add3A_328, %lt3A_329 : i32
      %convert_element_type3A_331 = arith.extui %lt3A_330 : i1 to i32
      %cond3A_332 = arith.constant 0 : i32
      %cond3A_333 = arith.cmpi ne, %convert_element_type3A_331, %cond3A_332 : i32
      scf.if %cond3A_333 {
        %add3A_334 = arith.constant 7 : i32
        %add3A_335 = arith.addi %add3A_133, %add3A_334 : i32
        %dma_wait3A_336 = arith.constant 0 : i32
        %dma_wait3A_337 = tpu.memref_slice %arg8[%add3A_335, %dma_wait3A_336] : memref<80x125xi32, #tpu.memory_space<vmem>> -> memref<1x125xi32, #tpu.memory_space<vmem>>
        %dma_wait3A_338 = tpu.memref_squeeze %dma_wait3A_337 : memref<1x125xi32, #tpu.memory_space<vmem>> -> memref<125xi32, #tpu.memory_space<vmem>>
        %dma_wait3A_339 = arith.constant 0 : i32
        %dma_wait3A_340 = arith.constant 0 : i32
        %dma_wait3A_341 = tpu.memref_slice %arg17[%dma_wait3A_339, %dma_wait3A_340] : memref<10000x64xf32, #tpu.memory_space<vmem_shared>> -> memref<10000x64xf32, #tpu.memory_space<vmem_shared>>
        tpu.wait_indirect_dma semaphore(%arg33 : memref<!tpu.dma_semaphore, #tpu.memory_space<semaphore_mem>>) src(%arg16 : memref<125x64xf32, #tpu.memory_space<vmem>>) dst(%dma_wait3A_341 : memref<10000x64xf32, #tpu.memory_space<vmem_shared>>)
        %add3A_342 = arith.constant 7 : i32
        %add3A_343 = arith.addi %add3A_133, %add3A_342 : i32
        %add3A_344 = arith.constant 8 : i32
        %add3A_345 = arith.addi %add3A_343, %add3A_344 : i32
        %dma_start3A_346 = arith.constant 0 : i32
        %dma_start3A_347 = tpu.memref_slice %arg7[%add3A_345, %dma_start3A_346] : memref<80x125xi32, #tpu.memory_space<vmem>> -> memref<1x125xi32, #tpu.memory_space<vmem>>
        %dma_start3A_348 = tpu.memref_squeeze %dma_start3A_347 : memref<1x125xi32, #tpu.memory_space<vmem>> -> memref<125xi32, #tpu.memory_space<vmem>>
        %dma_start3A_349 = arith.constant 0 : i32
        %dma_start3A_350 = arith.constant 0 : i32
        %dma_start3A_351 = tpu.memref_slice %arg4[%dma_start3A_349, %dma_start3A_350] : memref<20000x64xf32, #tpu.memory_space<hbm>> -> memref<20000x64xf32, #tpu.memory_space<hbm>>
        tpu.enqueue_indirect_dma source(%dma_start3A_351 : memref<20000x64xf32, #tpu.memory_space<hbm>>) target(%arg16 : memref<125x64xf32, #tpu.memory_space<vmem>>) offsets(%dma_start3A_348 : memref<125xi32, #tpu.memory_space<vmem>>) semaphore(%arg25 : memref<!tpu.dma_semaphore, #tpu.memory_space<semaphore_mem>>)
      } else {
      }
    }
    %scan3A_67 = arith.constant 10 : i32
    %dma_wait3A = arith.constant 72 : i32
    %dma_wait3A_68 = arith.constant 0 : i32
    %dma_wait3A_69 = tpu.memref_slice %arg8[%dma_wait3A, %dma_wait3A_68] : memref<80x125xi32, #tpu.memory_space<vmem>> -> memref<1x125xi32, #tpu.memory_space<vmem>>
    %dma_wait3A_70 = tpu.memref_squeeze %dma_wait3A_69 : memref<1x125xi32, #tpu.memory_space<vmem>> -> memref<125xi32, #tpu.memory_space<vmem>>
    %dma_wait3A_71 = arith.constant 0 : i32
    %dma_wait3A_72 = arith.constant 0 : i32
    %dma_wait3A_73 = tpu.memref_slice %arg17[%dma_wait3A_71, %dma_wait3A_72] : memref<10000x64xf32, #tpu.memory_space<vmem_shared>> -> memref<10000x64xf32, #tpu.memory_space<vmem_shared>>
    tpu.wait_indirect_dma semaphore(%arg26 : memref<!tpu.dma_semaphore, #tpu.memory_space<semaphore_mem>>) src(%arg9 : memref<125x64xf32, #tpu.memory_space<vmem>>) dst(%dma_wait3A_73 : memref<10000x64xf32, #tpu.memory_space<vmem_shared>>)
    %dma_wait3A_74 = arith.constant 73 : i32
    %dma_wait3A_75 = arith.constant 0 : i32
    %dma_wait3A_76 = tpu.memref_slice %arg8[%dma_wait3A_74, %dma_wait3A_75] : memref<80x125xi32, #tpu.memory_space<vmem>> -> memref<1x125xi32, #tpu.memory_space<vmem>>
    %dma_wait3A_77 = tpu.memref_squeeze %dma_wait3A_76 : memref<1x125xi32, #tpu.memory_space<vmem>> -> memref<125xi32, #tpu.memory_space<vmem>>
    %dma_wait3A_78 = arith.constant 0 : i32
    %dma_wait3A_79 = arith.constant 0 : i32
    %dma_wait3A_80 = tpu.memref_slice %arg17[%dma_wait3A_78, %dma_wait3A_79] : memref<10000x64xf32, #tpu.memory_space<vmem_shared>> -> memref<10000x64xf32, #tpu.memory_space<vmem_shared>>
    tpu.wait_indirect_dma semaphore(%arg27 : memref<!tpu.dma_semaphore, #tpu.memory_space<semaphore_mem>>) src(%arg10 : memref<125x64xf32, #tpu.memory_space<vmem>>) dst(%dma_wait3A_80 : memref<10000x64xf32, #tpu.memory_space<vmem_shared>>)
    %dma_wait3A_81 = arith.constant 74 : i32
    %dma_wait3A_82 = arith.constant 0 : i32
    %dma_wait3A_83 = tpu.memref_slice %arg8[%dma_wait3A_81, %dma_wait3A_82] : memref<80x125xi32, #tpu.memory_space<vmem>> -> memref<1x125xi32, #tpu.memory_space<vmem>>
    %dma_wait3A_84 = tpu.memref_squeeze %dma_wait3A_83 : memref<1x125xi32, #tpu.memory_space<vmem>> -> memref<125xi32, #tpu.memory_space<vmem>>
    %dma_wait3A_85 = arith.constant 0 : i32
    %dma_wait3A_86 = arith.constant 0 : i32
    %dma_wait3A_87 = tpu.memref_slice %arg17[%dma_wait3A_85, %dma_wait3A_86] : memref<10000x64xf32, #tpu.memory_space<vmem_shared>> -> memref<10000x64xf32, #tpu.memory_space<vmem_shared>>
    tpu.wait_indirect_dma semaphore(%arg28 : memref<!tpu.dma_semaphore, #tpu.memory_space<semaphore_mem>>) src(%arg11 : memref<125x64xf32, #tpu.memory_space<vmem>>) dst(%dma_wait3A_87 : memref<10000x64xf32, #tpu.memory_space<vmem_shared>>)
    %dma_wait3A_88 = arith.constant 75 : i32
    %dma_wait3A_89 = arith.constant 0 : i32
    %dma_wait3A_90 = tpu.memref_slice %arg8[%dma_wait3A_88, %dma_wait3A_89] : memref<80x125xi32, #tpu.memory_space<vmem>> -> memref<1x125xi32, #tpu.memory_space<vmem>>
    %dma_wait3A_91 = tpu.memref_squeeze %dma_wait3A_90 : memref<1x125xi32, #tpu.memory_space<vmem>> -> memref<125xi32, #tpu.memory_space<vmem>>
    %dma_wait3A_92 = arith.constant 0 : i32
    %dma_wait3A_93 = arith.constant 0 : i32
    %dma_wait3A_94 = tpu.memref_slice %arg17[%dma_wait3A_92, %dma_wait3A_93] : memref<10000x64xf32, #tpu.memory_space<vmem_shared>> -> memref<10000x64xf32, #tpu.memory_space<vmem_shared>>
    tpu.wait_indirect_dma semaphore(%arg29 : memref<!tpu.dma_semaphore, #tpu.memory_space<semaphore_mem>>) src(%arg12 : memref<125x64xf32, #tpu.memory_space<vmem>>) dst(%dma_wait3A_94 : memref<10000x64xf32, #tpu.memory_space<vmem_shared>>)
    %dma_wait3A_95 = arith.constant 76 : i32
    %dma_wait3A_96 = arith.constant 0 : i32
    %dma_wait3A_97 = tpu.memref_slice %arg8[%dma_wait3A_95, %dma_wait3A_96] : memref<80x125xi32, #tpu.memory_space<vmem>> -> memref<1x125xi32, #tpu.memory_space<vmem>>
    %dma_wait3A_98 = tpu.memref_squeeze %dma_wait3A_97 : memref<1x125xi32, #tpu.memory_space<vmem>> -> memref<125xi32, #tpu.memory_space<vmem>>
    %dma_wait3A_99 = arith.constant 0 : i32
    %dma_wait3A_100 = arith.constant 0 : i32
    %dma_wait3A_101 = tpu.memref_slice %arg17[%dma_wait3A_99, %dma_wait3A_100] : memref<10000x64xf32, #tpu.memory_space<vmem_shared>> -> memref<10000x64xf32, #tpu.memory_space<vmem_shared>>
    tpu.wait_indirect_dma semaphore(%arg30 : memref<!tpu.dma_semaphore, #tpu.memory_space<semaphore_mem>>) src(%arg13 : memref<125x64xf32, #tpu.memory_space<vmem>>) dst(%dma_wait3A_101 : memref<10000x64xf32, #tpu.memory_space<vmem_shared>>)
    %dma_wait3A_102 = arith.constant 77 : i32
    %dma_wait3A_103 = arith.constant 0 : i32
    %dma_wait3A_104 = tpu.memref_slice %arg8[%dma_wait3A_102, %dma_wait3A_103] : memref<80x125xi32, #tpu.memory_space<vmem>> -> memref<1x125xi32, #tpu.memory_space<vmem>>
    %dma_wait3A_105 = tpu.memref_squeeze %dma_wait3A_104 : memref<1x125xi32, #tpu.memory_space<vmem>> -> memref<125xi32, #tpu.memory_space<vmem>>
    %dma_wait3A_106 = arith.constant 0 : i32
    %dma_wait3A_107 = arith.constant 0 : i32
    %dma_wait3A_108 = tpu.memref_slice %arg17[%dma_wait3A_106, %dma_wait3A_107] : memref<10000x64xf32, #tpu.memory_space<vmem_shared>> -> memref<10000x64xf32, #tpu.memory_space<vmem_shared>>
    tpu.wait_indirect_dma semaphore(%arg31 : memref<!tpu.dma_semaphore, #tpu.memory_space<semaphore_mem>>) src(%arg14 : memref<125x64xf32, #tpu.memory_space<vmem>>) dst(%dma_wait3A_108 : memref<10000x64xf32, #tpu.memory_space<vmem_shared>>)
    %dma_wait3A_109 = arith.constant 78 : i32
    %dma_wait3A_110 = arith.constant 0 : i32
    %dma_wait3A_111 = tpu.memref_slice %arg8[%dma_wait3A_109, %dma_wait3A_110] : memref<80x125xi32, #tpu.memory_space<vmem>> -> memref<1x125xi32, #tpu.memory_space<vmem>>
    %dma_wait3A_112 = tpu.memref_squeeze %dma_wait3A_111 : memref<1x125xi32, #tpu.memory_space<vmem>> -> memref<125xi32, #tpu.memory_space<vmem>>
    %dma_wait3A_113 = arith.constant 0 : i32
    %dma_wait3A_114 = arith.constant 0 : i32
    %dma_wait3A_115 = tpu.memref_slice %arg17[%dma_wait3A_113, %dma_wait3A_114] : memref<10000x64xf32, #tpu.memory_space<vmem_shared>> -> memref<10000x64xf32, #tpu.memory_space<vmem_shared>>
    tpu.wait_indirect_dma semaphore(%arg32 : memref<!tpu.dma_semaphore, #tpu.memory_space<semaphore_mem>>) src(%arg15 : memref<125x64xf32, #tpu.memory_space<vmem>>) dst(%dma_wait3A_115 : memref<10000x64xf32, #tpu.memory_space<vmem_shared>>)
    %dma_wait3A_116 = arith.constant 79 : i32
    %dma_wait3A_117 = arith.constant 0 : i32
    %dma_wait3A_118 = tpu.memref_slice %arg8[%dma_wait3A_116, %dma_wait3A_117] : memref<80x125xi32, #tpu.memory_space<vmem>> -> memref<1x125xi32, #tpu.memory_space<vmem>>
    %dma_wait3A_119 = tpu.memref_squeeze %dma_wait3A_118 : memref<1x125xi32, #tpu.memory_space<vmem>> -> memref<125xi32, #tpu.memory_space<vmem>>
    %dma_wait3A_120 = arith.constant 0 : i32
    %dma_wait3A_121 = arith.constant 0 : i32
    %dma_wait3A_122 = tpu.memref_slice %arg17[%dma_wait3A_120, %dma_wait3A_121] : memref<10000x64xf32, #tpu.memory_space<vmem_shared>> -> memref<10000x64xf32, #tpu.memory_space<vmem_shared>>
    tpu.wait_indirect_dma semaphore(%arg33 : memref<!tpu.dma_semaphore, #tpu.memory_space<semaphore_mem>>) src(%arg16 : memref<125x64xf32, #tpu.memory_space<vmem>>) dst(%dma_wait3A_122 : memref<10000x64xf32, #tpu.memory_space<vmem_shared>>)
    %barrier3A_123 = arith.constant 0 : index
    tpu.barrier barrier_id(%barrier3A_123)
    %lt3A_124 = arith.constant 10 : i32
    %lt3A_125 = arith.cmpi slt, %arg1, %lt3A_124 : i32
    %convert_element_type3A_126 = arith.extui %lt3A_125 : i1 to i32
    %cond3A_127 = arith.constant 0 : i32
    %cond3A_128 = arith.cmpi ne, %convert_element_type3A_126, %cond3A_127 : i32
    scf.if %cond3A_128 {
      "tpu.region"() ({
        %run_scoped3A_129 = tpu.sem_alloc : memref<!tpu.dma_semaphore, #tpu.memory_space<semaphore_mem>>
        %dma_start3A_130 = arith.constant 0 : i32
        %dma_start3A_131 = tpu.memref_slice %arg6[%arg0, %mul3A_2, %dma_start3A_130] : memref<2x10000x128xf32, #tpu.memory_space<hbm>> -> memref<1x1000x64xf32, #tpu.memory_space<hbm>>
        %dma_start3A_132 = tpu.memref_squeeze %dma_start3A_131 : memref<1x1000x64xf32, #tpu.memory_space<hbm>> -> memref<1000x64xf32, #tpu.memory_space<hbm>>
        %dma_start3A_133 = arith.constant 0 : i32
        %dma_start3A_134 = tpu.memref_slice %arg17[%mul3A_2, %dma_start3A_133] : memref<10000x64xf32, #tpu.memory_space<vmem_shared>> -> memref<1000x64xf32, #tpu.memory_space<vmem_shared>>
        tpu.enqueue_dma source(%dma_start3A_134 : memref<1000x64xf32, #tpu.memory_space<vmem_shared>>) target(%dma_start3A_132 : memref<1000x64xf32, #tpu.memory_space<hbm>>) target_semaphore(%run_scoped3A_129 : memref<!tpu.dma_semaphore, #tpu.memory_space<semaphore_mem>>)
        %dma_wait3A_135 = arith.constant 0 : i32
        %dma_wait3A_136 = tpu.memref_slice %arg6[%arg0, %mul3A_2, %dma_wait3A_135] : memref<2x10000x128xf32, #tpu.memory_space<hbm>> -> memref<1x1000x64xf32, #tpu.memory_space<hbm>>
        %dma_wait3A_137 = tpu.memref_squeeze %dma_wait3A_136 : memref<1x1000x64xf32, #tpu.memory_space<hbm>> -> memref<1000x64xf32, #tpu.memory_space<hbm>>
        %dma_wait3A_138 = arith.constant 0 : i32
        %dma_wait3A_139 = tpu.memref_slice %arg17[%mul3A_2, %dma_wait3A_138] : memref<10000x64xf32, #tpu.memory_space<vmem_shared>> -> memref<1000x64xf32, #tpu.memory_space<vmem_shared>>
        tpu.wait_dma2 semaphore(%run_scoped3A_129 : memref<!tpu.dma_semaphore, #tpu.memory_space<semaphore_mem>>) src(%dma_wait3A_139 : memref<1000x64xf32, #tpu.memory_space<vmem_shared>>) dst(%dma_wait3A_137 : memref<1000x64xf32, #tpu.memory_space<hbm>>)
        tpu.yield
      }) : () -> ()
    } else {
    }
    return
  }
}

#map = affine_map<(d0, d1) -> (0, 0, 0)>
#map1 = affine_map<(d0, d1) -> (0, 0)>
module attributes {stable_mosaic.version = 14 : i64} {
  func.func @_agg_body(%arg0: i32, %arg1: i32, %arg2: memref<2x2560x125xi32, #tpu.memory_space<hbm>>, %arg3: memref<2560x125xi32, #tpu.memory_space<hbm>>, %arg4: memref<20000x64xf32, #tpu.memory_space<hbm>>, %arg5: memref<1000x64xf32, #tpu.memory_space<hbm>>, %arg6: memref<2x10000x128xf32, #tpu.memory_space<hbm>>, %arg7: memref<80x125xi32, #tpu.memory_space<vmem>>, %arg8: memref<80x125xi32, #tpu.memory_space<vmem>>, %arg9: memref<125x64xf32, #tpu.memory_space<vmem>>, %arg10: memref<125x64xf32, #tpu.memory_space<vmem>>, %arg11: memref<125x64xf32, #tpu.memory_space<vmem>>, %arg12: memref<125x64xf32, #tpu.memory_space<vmem>>, %arg13: memref<125x64xf32, #tpu.memory_space<vmem>>, %arg14: memref<125x64xf32, #tpu.memory_space<vmem>>, %arg15: memref<125x64xf32, #tpu.memory_space<vmem>>, %arg16: memref<125x64xf32, #tpu.memory_space<vmem>>, %arg17: memref<10000x64xf32, #tpu.memory_space<vmem_shared>>, %arg18: memref<!tpu.dma_semaphore, #tpu.memory_space<semaphore_mem>>, %arg19: memref<!tpu.dma_semaphore, #tpu.memory_space<semaphore_mem>>, %arg20: memref<!tpu.dma_semaphore, #tpu.memory_space<semaphore_mem>>, %arg21: memref<!tpu.dma_semaphore, #tpu.memory_space<semaphore_mem>>, %arg22: memref<!tpu.dma_semaphore, #tpu.memory_space<semaphore_mem>>, %arg23: memref<!tpu.dma_semaphore, #tpu.memory_space<semaphore_mem>>, %arg24: memref<!tpu.dma_semaphore, #tpu.memory_space<semaphore_mem>>, %arg25: memref<!tpu.dma_semaphore, #tpu.memory_space<semaphore_mem>>, %arg26: memref<!tpu.dma_semaphore, #tpu.memory_space<semaphore_mem>>, %arg27: memref<!tpu.dma_semaphore, #tpu.memory_space<semaphore_mem>>, %arg28: memref<!tpu.dma_semaphore, #tpu.memory_space<semaphore_mem>>, %arg29: memref<!tpu.dma_semaphore, #tpu.memory_space<semaphore_mem>>, %arg30: memref<!tpu.dma_semaphore, #tpu.memory_space<semaphore_mem>>, %arg31: memref<!tpu.dma_semaphore, #tpu.memory_space<semaphore_mem>>, %arg32: memref<!tpu.dma_semaphore, #tpu.memory_space<semaphore_mem>>, %arg33: memref<!tpu.dma_semaphore, #tpu.memory_space<semaphore_mem>>) attributes {dimension_semantics = [#tpu.dimension_semantics<core_parallel>, #tpu.dimension_semantics<subcore_parallel>], iteration_bounds = array<i64: 2, 16>, scalar_prefetch = 0 : i64, scratch_operands = 27 : i64, tpu.core_type = #tpu.core_type<sc_vector_subcore>, window_params = [{transform_indices = #map}, {transform_indices = #map1}, {transform_indices = #map1}, {transform_indices = #map1}, {transform_indices = #map}]} {
    %mul3A = arith.constant 16 : i32
    %mul3A_0 = arith.muli %arg0, %mul3A : i32
    %add3A = arith.addi %mul3A_0, %arg1 : i32
    %mul3A_1 = arith.constant 1000 : i32
    %mul3A_2 = arith.muli %arg1, %mul3A_1 : i32
    %lt3A = arith.constant 10 : i32
    %lt3A_3 = arith.cmpi slt, %arg1, %lt3A : i32
    %convert_element_type3A = arith.extui %lt3A_3 : i1 to i32
    %cond3A = arith.constant 0 : i32
    %cond3A_4 = arith.cmpi ne, %convert_element_type3A, %cond3A : i32
    scf.if %cond3A_4 {
      "tpu.region"() ({
        %run_scoped3A_129 = tpu.sem_alloc : memref<!tpu.dma_semaphore, #tpu.memory_space<semaphore_mem>>
        %dma_start3A_130 = arith.constant 0 : i32
        %dma_start3A_131 = tpu.memref_slice %arg17[%mul3A_2, %dma_start3A_130] : memref<10000x64xf32, #tpu.memory_space<vmem_shared>> -> memref<1000x64xf32, #tpu.memory_space<vmem_shared>>
        tpu.enqueue_dma source(%arg5 : memref<1000x64xf32, #tpu.memory_space<hbm>>) target(%dma_start3A_131 : memref<1000x64xf32, #tpu.memory_space<vmem_shared>>) target_semaphore(%run_scoped3A_129 : memref<!tpu.dma_semaphore, #tpu.memory_space<semaphore_mem>>)
        %dma_wait3A_132 = arith.constant 0 : i32
        %dma_wait3A_133 = tpu.memref_slice %arg17[%mul3A_2, %dma_wait3A_132] : memref<10000x64xf32, #tpu.memory_space<vmem_shared>> -> memref<1000x64xf32, #tpu.memory_space<vmem_shared>>
        tpu.wait_dma2 semaphore(%run_scoped3A_129 : memref<!tpu.dma_semaphore, #tpu.memory_space<semaphore_mem>>) src(%arg5 : memref<1000x64xf32, #tpu.memory_space<hbm>>) dst(%dma_wait3A_133 : memref<1000x64xf32, #tpu.memory_space<vmem_shared>>)
        tpu.yield
      }) : () -> ()
    } else {
    }
    %mul3A_5 = arith.constant 80 : i32
    %mul3A_6 = arith.muli %add3A, %mul3A_5 : i32
    "tpu.region"() ({
      %run_scoped3A_129 = tpu.sem_alloc : memref<!tpu.dma_semaphore, #tpu.memory_space<semaphore_mem>>
      %dma_start3A_130 = arith.constant 0 : i32
      %dma_start3A_131 = tpu.memref_slice %arg3[%mul3A_6, %dma_start3A_130] : memref<2560x125xi32, #tpu.memory_space<hbm>> -> memref<80x125xi32, #tpu.memory_space<hbm>>
      %dma_start3A_132 = arith.constant 0 : i32
      %dma_start3A_133 = tpu.memref_slice %arg3[%mul3A_6, %dma_start3A_132] : memref<2560x125xi32, #tpu.memory_space<hbm>> -> memref<80x125xi32, #tpu.memory_space<hbm>>
      tpu.enqueue_dma source(%dma_start3A_133 : memref<80x125xi32, #tpu.memory_space<hbm>>) target(%arg7 : memref<80x125xi32, #tpu.memory_space<vmem>>) target_semaphore(%run_scoped3A_129 : memref<!tpu.dma_semaphore, #tpu.memory_space<semaphore_mem>>)
      %dma_wait3A_134 = arith.constant 0 : i32
      %dma_wait3A_135 = tpu.memref_slice %arg3[%mul3A_6, %dma_wait3A_134] : memref<2560x125xi32, #tpu.memory_space<hbm>> -> memref<80x125xi32, #tpu.memory_space<hbm>>
      %dma_wait3A_136 = arith.constant 0 : i32
      %dma_wait3A_137 = tpu.memref_slice %arg3[%mul3A_6, %dma_wait3A_136] : memref<2560x125xi32, #tpu.memory_space<hbm>> -> memref<80x125xi32, #tpu.memory_space<hbm>>
      tpu.wait_dma2 semaphore(%run_scoped3A_129 : memref<!tpu.dma_semaphore, #tpu.memory_space<semaphore_mem>>) src(%dma_wait3A_137 : memref<80x125xi32, #tpu.memory_space<hbm>>) dst(%arg7 : memref<80x125xi32, #tpu.memory_space<vmem>>)
      tpu.yield
    }) : () -> ()
    %mul3A_7 = arith.constant 80 : i32
    %mul3A_8 = arith.muli %add3A, %mul3A_7 : i32
    %run_scoped3A = arith.constant 1 : i32
    "tpu.region"() ({
      %run_scoped3A_129 = tpu.sem_alloc : memref<!tpu.dma_semaphore, #tpu.memory_space<semaphore_mem>>
      %dma_start3A_130 = arith.constant 0 : i32
      %dma_start3A_131 = arith.constant 0 : i32
      %dma_start3A_132 = tpu.memref_slice %arg2[%run_scoped3A, %dma_start3A_130, %dma_start3A_131] : memref<2x2560x125xi32, #tpu.memory_space<hbm>> -> memref<1x2560x125xi32, #tpu.memory_space<hbm>>
      %dma_start3A_133 = tpu.memref_squeeze %dma_start3A_132 : memref<1x2560x125xi32, #tpu.memory_space<hbm>> -> memref<2560x125xi32, #tpu.memory_space<hbm>>
      %dma_start3A_134 = arith.constant 0 : i32
      %dma_start3A_135 = tpu.memref_slice %dma_start3A_133[%mul3A_8, %dma_start3A_134] : memref<2560x125xi32, #tpu.memory_space<hbm>> -> memref<80x125xi32, #tpu.memory_space<hbm>>
      %dma_start3A_136 = arith.constant 0 : i32
      %dma_start3A_137 = arith.constant 0 : i32
      %dma_start3A_138 = tpu.memref_slice %arg2[%run_scoped3A, %dma_start3A_136, %dma_start3A_137] : memref<2x2560x125xi32, #tpu.memory_space<hbm>> -> memref<1x2560x125xi32, #tpu.memory_space<hbm>>
      %dma_start3A_139 = tpu.memref_squeeze %dma_start3A_138 : memref<1x2560x125xi32, #tpu.memory_space<hbm>> -> memref<2560x125xi32, #tpu.memory_space<hbm>>
      %dma_start3A_140 = arith.constant 0 : i32
      %dma_start3A_141 = tpu.memref_slice %dma_start3A_139[%mul3A_8, %dma_start3A_140] : memref<2560x125xi32, #tpu.memory_space<hbm>> -> memref<80x125xi32, #tpu.memory_space<hbm>>
      tpu.enqueue_dma source(%dma_start3A_141 : memref<80x125xi32, #tpu.memory_space<hbm>>) target(%arg8 : memref<80x125xi32, #tpu.memory_space<vmem>>) target_semaphore(%run_scoped3A_129 : memref<!tpu.dma_semaphore, #tpu.memory_space<semaphore_mem>>)
      %dma_wait3A_142 = arith.constant 0 : i32
      %dma_wait3A_143 = arith.constant 0 : i32
      %dma_wait3A_144 = tpu.memref_slice %arg2[%run_scoped3A, %dma_wait3A_142, %dma_wait3A_143] : memref<2x2560x125xi32, #tpu.memory_space<hbm>> -> memref<1x2560x125xi32, #tpu.memory_space<hbm>>
      %dma_wait3A_145 = tpu.memref_squeeze %dma_wait3A_144 : memref<1x2560x125xi32, #tpu.memory_space<hbm>> -> memref<2560x125xi32, #tpu.memory_space<hbm>>
      %dma_wait3A_146 = arith.constant 0 : i32
      %dma_wait3A_147 = tpu.memref_slice %dma_wait3A_145[%mul3A_8, %dma_wait3A_146] : memref<2560x125xi32, #tpu.memory_space<hbm>> -> memref<80x125xi32, #tpu.memory_space<hbm>>
      %dma_wait3A_148 = arith.constant 0 : i32
      %dma_wait3A_149 = arith.constant 0 : i32
      %dma_wait3A_150 = tpu.memref_slice %arg2[%run_scoped3A, %dma_wait3A_148, %dma_wait3A_149] : memref<2x2560x125xi32, #tpu.memory_space<hbm>> -> memref<1x2560x125xi32, #tpu.memory_space<hbm>>
      %dma_wait3A_151 = tpu.memref_squeeze %dma_wait3A_150 : memref<1x2560x125xi32, #tpu.memory_space<hbm>> -> memref<2560x125xi32, #tpu.memory_space<hbm>>
      %dma_wait3A_152 = arith.constant 0 : i32
      %dma_wait3A_153 = tpu.memref_slice %dma_wait3A_151[%mul3A_8, %dma_wait3A_152] : memref<2560x125xi32, #tpu.memory_space<hbm>> -> memref<80x125xi32, #tpu.memory_space<hbm>>
      tpu.wait_dma2 semaphore(%run_scoped3A_129 : memref<!tpu.dma_semaphore, #tpu.memory_space<semaphore_mem>>) src(%dma_wait3A_153 : memref<80x125xi32, #tpu.memory_space<hbm>>) dst(%arg8 : memref<80x125xi32, #tpu.memory_space<vmem>>)
      tpu.yield
    }) : () -> ()
    %barrier3A = arith.constant 0 : index
    tpu.barrier barrier_id(%barrier3A)
    %dma_start3A = arith.constant 0 : i32
    %dma_start3A_9 = arith.constant 0 : i32
    %dma_start3A_10 = tpu.memref_slice %arg7[%dma_start3A, %dma_start3A_9] : memref<80x125xi32, #tpu.memory_space<vmem>> -> memref<1x125xi32, #tpu.memory_space<vmem>>
    %dma_start3A_11 = tpu.memref_squeeze %dma_start3A_10 : memref<1x125xi32, #tpu.memory_space<vmem>> -> memref<125xi32, #tpu.memory_space<vmem>>
    %dma_start3A_12 = arith.constant 0 : i32
    %dma_start3A_13 = arith.constant 0 : i32
    %dma_start3A_14 = tpu.memref_slice %arg4[%dma_start3A_12, %dma_start3A_13] : memref<20000x64xf32, #tpu.memory_space<hbm>> -> memref<20000x64xf32, #tpu.memory_space<hbm>>
    tpu.enqueue_indirect_dma source(%dma_start3A_14 : memref<20000x64xf32, #tpu.memory_space<hbm>>) target(%arg9 : memref<125x64xf32, #tpu.memory_space<vmem>>) offsets(%dma_start3A_11 : memref<125xi32, #tpu.memory_space<vmem>>) semaphore(%arg18 : memref<!tpu.dma_semaphore, #tpu.memory_space<semaphore_mem>>)
    %dma_start3A_15 = arith.constant 1 : i32
    %dma_start3A_16 = arith.constant 0 : i32
    %dma_start3A_17 = tpu.memref_slice %arg7[%dma_start3A_15, %dma_start3A_16] : memref<80x125xi32, #tpu.memory_space<vmem>> -> memref<1x125xi32, #tpu.memory_space<vmem>>
    %dma_start3A_18 = tpu.memref_squeeze %dma_start3A_17 : memref<1x125xi32, #tpu.memory_space<vmem>> -> memref<125xi32, #tpu.memory_space<vmem>>
    %dma_start3A_19 = arith.constant 0 : i32
    %dma_start3A_20 = arith.constant 0 : i32
    %dma_start3A_21 = tpu.memref_slice %arg4[%dma_start3A_19, %dma_start3A_20] : memref<20000x64xf32, #tpu.memory_space<hbm>> -> memref<20000x64xf32, #tpu.memory_space<hbm>>
    tpu.enqueue_indirect_dma source(%dma_start3A_21 : memref<20000x64xf32, #tpu.memory_space<hbm>>) target(%arg10 : memref<125x64xf32, #tpu.memory_space<vmem>>) offsets(%dma_start3A_18 : memref<125xi32, #tpu.memory_space<vmem>>) semaphore(%arg19 : memref<!tpu.dma_semaphore, #tpu.memory_space<semaphore_mem>>)
    %dma_start3A_22 = arith.constant 2 : i32
    %dma_start3A_23 = arith.constant 0 : i32
    %dma_start3A_24 = tpu.memref_slice %arg7[%dma_start3A_22, %dma_start3A_23] : memref<80x125xi32, #tpu.memory_space<vmem>> -> memref<1x125xi32, #tpu.memory_space<vmem>>
    %dma_start3A_25 = tpu.memref_squeeze %dma_start3A_24 : memref<1x125xi32, #tpu.memory_space<vmem>> -> memref<125xi32, #tpu.memory_space<vmem>>
    %dma_start3A_26 = arith.constant 0 : i32
    %dma_start3A_27 = arith.constant 0 : i32
    %dma_start3A_28 = tpu.memref_slice %arg4[%dma_start3A_26, %dma_start3A_27] : memref<20000x64xf32, #tpu.memory_space<hbm>> -> memref<20000x64xf32, #tpu.memory_space<hbm>>
    tpu.enqueue_indirect_dma source(%dma_start3A_28 : memref<20000x64xf32, #tpu.memory_space<hbm>>) target(%arg11 : memref<125x64xf32, #tpu.memory_space<vmem>>) offsets(%dma_start3A_25 : memref<125xi32, #tpu.memory_space<vmem>>) semaphore(%arg20 : memref<!tpu.dma_semaphore, #tpu.memory_space<semaphore_mem>>)
    %dma_start3A_29 = arith.constant 3 : i32
    %dma_start3A_30 = arith.constant 0 : i32
    %dma_start3A_31 = tpu.memref_slice %arg7[%dma_start3A_29, %dma_start3A_30] : memref<80x125xi32, #tpu.memory_space<vmem>> -> memref<1x125xi32, #tpu.memory_space<vmem>>
    %dma_start3A_32 = tpu.memref_squeeze %dma_start3A_31 : memref<1x125xi32, #tpu.memory_space<vmem>> -> memref<125xi32, #tpu.memory_space<vmem>>
    %dma_start3A_33 = arith.constant 0 : i32
    %dma_start3A_34 = arith.constant 0 : i32
    %dma_start3A_35 = tpu.memref_slice %arg4[%dma_start3A_33, %dma_start3A_34] : memref<20000x64xf32, #tpu.memory_space<hbm>> -> memref<20000x64xf32, #tpu.memory_space<hbm>>
    tpu.enqueue_indirect_dma source(%dma_start3A_35 : memref<20000x64xf32, #tpu.memory_space<hbm>>) target(%arg12 : memref<125x64xf32, #tpu.memory_space<vmem>>) offsets(%dma_start3A_32 : memref<125xi32, #tpu.memory_space<vmem>>) semaphore(%arg21 : memref<!tpu.dma_semaphore, #tpu.memory_space<semaphore_mem>>)
    %dma_start3A_36 = arith.constant 4 : i32
    %dma_start3A_37 = arith.constant 0 : i32
    %dma_start3A_38 = tpu.memref_slice %arg7[%dma_start3A_36, %dma_start3A_37] : memref<80x125xi32, #tpu.memory_space<vmem>> -> memref<1x125xi32, #tpu.memory_space<vmem>>
    %dma_start3A_39 = tpu.memref_squeeze %dma_start3A_38 : memref<1x125xi32, #tpu.memory_space<vmem>> -> memref<125xi32, #tpu.memory_space<vmem>>
    %dma_start3A_40 = arith.constant 0 : i32
    %dma_start3A_41 = arith.constant 0 : i32
    %dma_start3A_42 = tpu.memref_slice %arg4[%dma_start3A_40, %dma_start3A_41] : memref<20000x64xf32, #tpu.memory_space<hbm>> -> memref<20000x64xf32, #tpu.memory_space<hbm>>
    tpu.enqueue_indirect_dma source(%dma_start3A_42 : memref<20000x64xf32, #tpu.memory_space<hbm>>) target(%arg13 : memref<125x64xf32, #tpu.memory_space<vmem>>) offsets(%dma_start3A_39 : memref<125xi32, #tpu.memory_space<vmem>>) semaphore(%arg22 : memref<!tpu.dma_semaphore, #tpu.memory_space<semaphore_mem>>)
    %dma_start3A_43 = arith.constant 5 : i32
    %dma_start3A_44 = arith.constant 0 : i32
    %dma_start3A_45 = tpu.memref_slice %arg7[%dma_start3A_43, %dma_start3A_44] : memref<80x125xi32, #tpu.memory_space<vmem>> -> memref<1x125xi32, #tpu.memory_space<vmem>>
    %dma_start3A_46 = tpu.memref_squeeze %dma_start3A_45 : memref<1x125xi32, #tpu.memory_space<vmem>> -> memref<125xi32, #tpu.memory_space<vmem>>
    %dma_start3A_47 = arith.constant 0 : i32
    %dma_start3A_48 = arith.constant 0 : i32
    %dma_start3A_49 = tpu.memref_slice %arg4[%dma_start3A_47, %dma_start3A_48] : memref<20000x64xf32, #tpu.memory_space<hbm>> -> memref<20000x64xf32, #tpu.memory_space<hbm>>
    tpu.enqueue_indirect_dma source(%dma_start3A_49 : memref<20000x64xf32, #tpu.memory_space<hbm>>) target(%arg14 : memref<125x64xf32, #tpu.memory_space<vmem>>) offsets(%dma_start3A_46 : memref<125xi32, #tpu.memory_space<vmem>>) semaphore(%arg23 : memref<!tpu.dma_semaphore, #tpu.memory_space<semaphore_mem>>)
    %dma_start3A_50 = arith.constant 6 : i32
    %dma_start3A_51 = arith.constant 0 : i32
    %dma_start3A_52 = tpu.memref_slice %arg7[%dma_start3A_50, %dma_start3A_51] : memref<80x125xi32, #tpu.memory_space<vmem>> -> memref<1x125xi32, #tpu.memory_space<vmem>>
    %dma_start3A_53 = tpu.memref_squeeze %dma_start3A_52 : memref<1x125xi32, #tpu.memory_space<vmem>> -> memref<125xi32, #tpu.memory_space<vmem>>
    %dma_start3A_54 = arith.constant 0 : i32
    %dma_start3A_55 = arith.constant 0 : i32
    %dma_start3A_56 = tpu.memref_slice %arg4[%dma_start3A_54, %dma_start3A_55] : memref<20000x64xf32, #tpu.memory_space<hbm>> -> memref<20000x64xf32, #tpu.memory_space<hbm>>
    tpu.enqueue_indirect_dma source(%dma_start3A_56 : memref<20000x64xf32, #tpu.memory_space<hbm>>) target(%arg15 : memref<125x64xf32, #tpu.memory_space<vmem>>) offsets(%dma_start3A_53 : memref<125xi32, #tpu.memory_space<vmem>>) semaphore(%arg24 : memref<!tpu.dma_semaphore, #tpu.memory_space<semaphore_mem>>)
    %dma_start3A_57 = arith.constant 7 : i32
    %dma_start3A_58 = arith.constant 0 : i32
    %dma_start3A_59 = tpu.memref_slice %arg7[%dma_start3A_57, %dma_start3A_58] : memref<80x125xi32, #tpu.memory_space<vmem>> -> memref<1x125xi32, #tpu.memory_space<vmem>>
    %dma_start3A_60 = tpu.memref_squeeze %dma_start3A_59 : memref<1x125xi32, #tpu.memory_space<vmem>> -> memref<125xi32, #tpu.memory_space<vmem>>
    %dma_start3A_61 = arith.constant 0 : i32
    %dma_start3A_62 = arith.constant 0 : i32
    %dma_start3A_63 = tpu.memref_slice %arg4[%dma_start3A_61, %dma_start3A_62] : memref<20000x64xf32, #tpu.memory_space<hbm>> -> memref<20000x64xf32, #tpu.memory_space<hbm>>
    tpu.enqueue_indirect_dma source(%dma_start3A_63 : memref<20000x64xf32, #tpu.memory_space<hbm>>) target(%arg16 : memref<125x64xf32, #tpu.memory_space<vmem>>) offsets(%dma_start3A_60 : memref<125xi32, #tpu.memory_space<vmem>>) semaphore(%arg25 : memref<!tpu.dma_semaphore, #tpu.memory_space<semaphore_mem>>)
    %scan3A = arith.constant 0 : i32
    %scan3A_64 = arith.constant 10 : i32
    %scan3A_65 = arith.addi %scan3A, %scan3A_64 : i32
    %scan3A_66 = arith.constant 1 : i32
    scf.for %scan3A_129 = %scan3A to %scan3A_65 step %scan3A_66  : i32 {
      %mul3A_130 = arith.constant 8 : i32
      %mul3A_131 = arith.muli %scan3A_129, %mul3A_130 : i32
      %add3A_132 = arith.constant 0 : i32
      %add3A_133 = arith.addi %add3A_132, %mul3A_131 : i32
      %add3A_134 = arith.constant 0 : i32
      %add3A_135 = arith.addi %add3A_133, %add3A_134 : i32
      %dma_wait3A_136 = arith.constant 0 : i32
      %dma_wait3A_137 = tpu.memref_slice %arg7[%add3A_135, %dma_wait3A_136] : memref<80x125xi32, #tpu.memory_space<vmem>> -> memref<1x125xi32, #tpu.memory_space<vmem>>
      %dma_wait3A_138 = tpu.memref_squeeze %dma_wait3A_137 : memref<1x125xi32, #tpu.memory_space<vmem>> -> memref<125xi32, #tpu.memory_space<vmem>>
      %dma_wait3A_139 = arith.constant 0 : i32
      %dma_wait3A_140 = arith.constant 0 : i32
      %dma_wait3A_141 = tpu.memref_slice %arg4[%dma_wait3A_139, %dma_wait3A_140] : memref<20000x64xf32, #tpu.memory_space<hbm>> -> memref<20000x64xf32, #tpu.memory_space<hbm>>
      tpu.wait_indirect_dma semaphore(%arg18 : memref<!tpu.dma_semaphore, #tpu.memory_space<semaphore_mem>>) src(%dma_wait3A_141 : memref<20000x64xf32, #tpu.memory_space<hbm>>) dst(%arg9 : memref<125x64xf32, #tpu.memory_space<vmem>>)
      %add3A_142 = arith.constant 0 : i32
      %add3A_143 = arith.addi %add3A_133, %add3A_142 : i32
      %dma_start3A_144 = arith.constant 0 : i32
      %dma_start3A_145 = tpu.memref_slice %arg8[%add3A_143, %dma_start3A_144] : memref<80x125xi32, #tpu.memory_space<vmem>> -> memref<1x125xi32, #tpu.memory_space<vmem>>
      %dma_start3A_146 = tpu.memref_squeeze %dma_start3A_145 : memref<1x125xi32, #tpu.memory_space<vmem>> -> memref<125xi32, #tpu.memory_space<vmem>>
      %dma_start3A_147 = arith.constant 0 : i32
      %dma_start3A_148 = arith.constant 0 : i32
      %dma_start3A_149 = tpu.memref_slice %arg17[%dma_start3A_147, %dma_start3A_148] : memref<10000x64xf32, #tpu.memory_space<vmem_shared>> -> memref<10000x64xf32, #tpu.memory_space<vmem_shared>>
      tpu.enqueue_indirect_dma source(%arg9 : memref<125x64xf32, #tpu.memory_space<vmem>>) target(%dma_start3A_149 : memref<10000x64xf32, #tpu.memory_space<vmem_shared>>) offsets(%dma_start3A_146 : memref<125xi32, #tpu.memory_space<vmem>>) semaphore(%arg26 : memref<!tpu.dma_semaphore, #tpu.memory_space<semaphore_mem>>) {add = true}
      %add3A_150 = arith.constant 1 : i32
      %add3A_151 = arith.addi %add3A_133, %add3A_150 : i32
      %dma_wait3A_152 = arith.constant 0 : i32
      %dma_wait3A_153 = tpu.memref_slice %arg7[%add3A_151, %dma_wait3A_152] : memref<80x125xi32, #tpu.memory_space<vmem>> -> memref<1x125xi32, #tpu.memory_space<vmem>>
      %dma_wait3A_154 = tpu.memref_squeeze %dma_wait3A_153 : memref<1x125xi32, #tpu.memory_space<vmem>> -> memref<125xi32, #tpu.memory_space<vmem>>
      %dma_wait3A_155 = arith.constant 0 : i32
      %dma_wait3A_156 = arith.constant 0 : i32
      %dma_wait3A_157 = tpu.memref_slice %arg4[%dma_wait3A_155, %dma_wait3A_156] : memref<20000x64xf32, #tpu.memory_space<hbm>> -> memref<20000x64xf32, #tpu.memory_space<hbm>>
      tpu.wait_indirect_dma semaphore(%arg19 : memref<!tpu.dma_semaphore, #tpu.memory_space<semaphore_mem>>) src(%dma_wait3A_157 : memref<20000x64xf32, #tpu.memory_space<hbm>>) dst(%arg10 : memref<125x64xf32, #tpu.memory_space<vmem>>)
      %add3A_158 = arith.constant 1 : i32
      %add3A_159 = arith.addi %add3A_133, %add3A_158 : i32
      %dma_start3A_160 = arith.constant 0 : i32
      %dma_start3A_161 = tpu.memref_slice %arg8[%add3A_159, %dma_start3A_160] : memref<80x125xi32, #tpu.memory_space<vmem>> -> memref<1x125xi32, #tpu.memory_space<vmem>>
      %dma_start3A_162 = tpu.memref_squeeze %dma_start3A_161 : memref<1x125xi32, #tpu.memory_space<vmem>> -> memref<125xi32, #tpu.memory_space<vmem>>
      %dma_start3A_163 = arith.constant 0 : i32
      %dma_start3A_164 = arith.constant 0 : i32
      %dma_start3A_165 = tpu.memref_slice %arg17[%dma_start3A_163, %dma_start3A_164] : memref<10000x64xf32, #tpu.memory_space<vmem_shared>> -> memref<10000x64xf32, #tpu.memory_space<vmem_shared>>
      tpu.enqueue_indirect_dma source(%arg10 : memref<125x64xf32, #tpu.memory_space<vmem>>) target(%dma_start3A_165 : memref<10000x64xf32, #tpu.memory_space<vmem_shared>>) offsets(%dma_start3A_162 : memref<125xi32, #tpu.memory_space<vmem>>) semaphore(%arg27 : memref<!tpu.dma_semaphore, #tpu.memory_space<semaphore_mem>>) {add = true}
      %add3A_166 = arith.constant 2 : i32
      %add3A_167 = arith.addi %add3A_133, %add3A_166 : i32
      %dma_wait3A_168 = arith.constant 0 : i32
      %dma_wait3A_169 = tpu.memref_slice %arg7[%add3A_167, %dma_wait3A_168] : memref<80x125xi32, #tpu.memory_space<vmem>> -> memref<1x125xi32, #tpu.memory_space<vmem>>
      %dma_wait3A_170 = tpu.memref_squeeze %dma_wait3A_169 : memref<1x125xi32, #tpu.memory_space<vmem>> -> memref<125xi32, #tpu.memory_space<vmem>>
      %dma_wait3A_171 = arith.constant 0 : i32
      %dma_wait3A_172 = arith.constant 0 : i32
      %dma_wait3A_173 = tpu.memref_slice %arg4[%dma_wait3A_171, %dma_wait3A_172] : memref<20000x64xf32, #tpu.memory_space<hbm>> -> memref<20000x64xf32, #tpu.memory_space<hbm>>
      tpu.wait_indirect_dma semaphore(%arg20 : memref<!tpu.dma_semaphore, #tpu.memory_space<semaphore_mem>>) src(%dma_wait3A_173 : memref<20000x64xf32, #tpu.memory_space<hbm>>) dst(%arg11 : memref<125x64xf32, #tpu.memory_space<vmem>>)
      %add3A_174 = arith.constant 2 : i32
      %add3A_175 = arith.addi %add3A_133, %add3A_174 : i32
      %dma_start3A_176 = arith.constant 0 : i32
      %dma_start3A_177 = tpu.memref_slice %arg8[%add3A_175, %dma_start3A_176] : memref<80x125xi32, #tpu.memory_space<vmem>> -> memref<1x125xi32, #tpu.memory_space<vmem>>
      %dma_start3A_178 = tpu.memref_squeeze %dma_start3A_177 : memref<1x125xi32, #tpu.memory_space<vmem>> -> memref<125xi32, #tpu.memory_space<vmem>>
      %dma_start3A_179 = arith.constant 0 : i32
      %dma_start3A_180 = arith.constant 0 : i32
      %dma_start3A_181 = tpu.memref_slice %arg17[%dma_start3A_179, %dma_start3A_180] : memref<10000x64xf32, #tpu.memory_space<vmem_shared>> -> memref<10000x64xf32, #tpu.memory_space<vmem_shared>>
      tpu.enqueue_indirect_dma source(%arg11 : memref<125x64xf32, #tpu.memory_space<vmem>>) target(%dma_start3A_181 : memref<10000x64xf32, #tpu.memory_space<vmem_shared>>) offsets(%dma_start3A_178 : memref<125xi32, #tpu.memory_space<vmem>>) semaphore(%arg28 : memref<!tpu.dma_semaphore, #tpu.memory_space<semaphore_mem>>) {add = true}
      %add3A_182 = arith.constant 3 : i32
      %add3A_183 = arith.addi %add3A_133, %add3A_182 : i32
      %dma_wait3A_184 = arith.constant 0 : i32
      %dma_wait3A_185 = tpu.memref_slice %arg7[%add3A_183, %dma_wait3A_184] : memref<80x125xi32, #tpu.memory_space<vmem>> -> memref<1x125xi32, #tpu.memory_space<vmem>>
      %dma_wait3A_186 = tpu.memref_squeeze %dma_wait3A_185 : memref<1x125xi32, #tpu.memory_space<vmem>> -> memref<125xi32, #tpu.memory_space<vmem>>
      %dma_wait3A_187 = arith.constant 0 : i32
      %dma_wait3A_188 = arith.constant 0 : i32
      %dma_wait3A_189 = tpu.memref_slice %arg4[%dma_wait3A_187, %dma_wait3A_188] : memref<20000x64xf32, #tpu.memory_space<hbm>> -> memref<20000x64xf32, #tpu.memory_space<hbm>>
      tpu.wait_indirect_dma semaphore(%arg21 : memref<!tpu.dma_semaphore, #tpu.memory_space<semaphore_mem>>) src(%dma_wait3A_189 : memref<20000x64xf32, #tpu.memory_space<hbm>>) dst(%arg12 : memref<125x64xf32, #tpu.memory_space<vmem>>)
      %add3A_190 = arith.constant 3 : i32
      %add3A_191 = arith.addi %add3A_133, %add3A_190 : i32
      %dma_start3A_192 = arith.constant 0 : i32
      %dma_start3A_193 = tpu.memref_slice %arg8[%add3A_191, %dma_start3A_192] : memref<80x125xi32, #tpu.memory_space<vmem>> -> memref<1x125xi32, #tpu.memory_space<vmem>>
      %dma_start3A_194 = tpu.memref_squeeze %dma_start3A_193 : memref<1x125xi32, #tpu.memory_space<vmem>> -> memref<125xi32, #tpu.memory_space<vmem>>
      %dma_start3A_195 = arith.constant 0 : i32
      %dma_start3A_196 = arith.constant 0 : i32
      %dma_start3A_197 = tpu.memref_slice %arg17[%dma_start3A_195, %dma_start3A_196] : memref<10000x64xf32, #tpu.memory_space<vmem_shared>> -> memref<10000x64xf32, #tpu.memory_space<vmem_shared>>
      tpu.enqueue_indirect_dma source(%arg12 : memref<125x64xf32, #tpu.memory_space<vmem>>) target(%dma_start3A_197 : memref<10000x64xf32, #tpu.memory_space<vmem_shared>>) offsets(%dma_start3A_194 : memref<125xi32, #tpu.memory_space<vmem>>) semaphore(%arg29 : memref<!tpu.dma_semaphore, #tpu.memory_space<semaphore_mem>>) {add = true}
      %add3A_198 = arith.constant 4 : i32
      %add3A_199 = arith.addi %add3A_133, %add3A_198 : i32
      %dma_wait3A_200 = arith.constant 0 : i32
      %dma_wait3A_201 = tpu.memref_slice %arg7[%add3A_199, %dma_wait3A_200] : memref<80x125xi32, #tpu.memory_space<vmem>> -> memref<1x125xi32, #tpu.memory_space<vmem>>
      %dma_wait3A_202 = tpu.memref_squeeze %dma_wait3A_201 : memref<1x125xi32, #tpu.memory_space<vmem>> -> memref<125xi32, #tpu.memory_space<vmem>>
      %dma_wait3A_203 = arith.constant 0 : i32
      %dma_wait3A_204 = arith.constant 0 : i32
      %dma_wait3A_205 = tpu.memref_slice %arg4[%dma_wait3A_203, %dma_wait3A_204] : memref<20000x64xf32, #tpu.memory_space<hbm>> -> memref<20000x64xf32, #tpu.memory_space<hbm>>
      tpu.wait_indirect_dma semaphore(%arg22 : memref<!tpu.dma_semaphore, #tpu.memory_space<semaphore_mem>>) src(%dma_wait3A_205 : memref<20000x64xf32, #tpu.memory_space<hbm>>) dst(%arg13 : memref<125x64xf32, #tpu.memory_space<vmem>>)
      %add3A_206 = arith.constant 4 : i32
      %add3A_207 = arith.addi %add3A_133, %add3A_206 : i32
      %dma_start3A_208 = arith.constant 0 : i32
      %dma_start3A_209 = tpu.memref_slice %arg8[%add3A_207, %dma_start3A_208] : memref<80x125xi32, #tpu.memory_space<vmem>> -> memref<1x125xi32, #tpu.memory_space<vmem>>
      %dma_start3A_210 = tpu.memref_squeeze %dma_start3A_209 : memref<1x125xi32, #tpu.memory_space<vmem>> -> memref<125xi32, #tpu.memory_space<vmem>>
      %dma_start3A_211 = arith.constant 0 : i32
      %dma_start3A_212 = arith.constant 0 : i32
      %dma_start3A_213 = tpu.memref_slice %arg17[%dma_start3A_211, %dma_start3A_212] : memref<10000x64xf32, #tpu.memory_space<vmem_shared>> -> memref<10000x64xf32, #tpu.memory_space<vmem_shared>>
      tpu.enqueue_indirect_dma source(%arg13 : memref<125x64xf32, #tpu.memory_space<vmem>>) target(%dma_start3A_213 : memref<10000x64xf32, #tpu.memory_space<vmem_shared>>) offsets(%dma_start3A_210 : memref<125xi32, #tpu.memory_space<vmem>>) semaphore(%arg30 : memref<!tpu.dma_semaphore, #tpu.memory_space<semaphore_mem>>) {add = true}
      %add3A_214 = arith.constant 5 : i32
      %add3A_215 = arith.addi %add3A_133, %add3A_214 : i32
      %dma_wait3A_216 = arith.constant 0 : i32
      %dma_wait3A_217 = tpu.memref_slice %arg7[%add3A_215, %dma_wait3A_216] : memref<80x125xi32, #tpu.memory_space<vmem>> -> memref<1x125xi32, #tpu.memory_space<vmem>>
      %dma_wait3A_218 = tpu.memref_squeeze %dma_wait3A_217 : memref<1x125xi32, #tpu.memory_space<vmem>> -> memref<125xi32, #tpu.memory_space<vmem>>
      %dma_wait3A_219 = arith.constant 0 : i32
      %dma_wait3A_220 = arith.constant 0 : i32
      %dma_wait3A_221 = tpu.memref_slice %arg4[%dma_wait3A_219, %dma_wait3A_220] : memref<20000x64xf32, #tpu.memory_space<hbm>> -> memref<20000x64xf32, #tpu.memory_space<hbm>>
      tpu.wait_indirect_dma semaphore(%arg23 : memref<!tpu.dma_semaphore, #tpu.memory_space<semaphore_mem>>) src(%dma_wait3A_221 : memref<20000x64xf32, #tpu.memory_space<hbm>>) dst(%arg14 : memref<125x64xf32, #tpu.memory_space<vmem>>)
      %add3A_222 = arith.constant 5 : i32
      %add3A_223 = arith.addi %add3A_133, %add3A_222 : i32
      %dma_start3A_224 = arith.constant 0 : i32
      %dma_start3A_225 = tpu.memref_slice %arg8[%add3A_223, %dma_start3A_224] : memref<80x125xi32, #tpu.memory_space<vmem>> -> memref<1x125xi32, #tpu.memory_space<vmem>>
      %dma_start3A_226 = tpu.memref_squeeze %dma_start3A_225 : memref<1x125xi32, #tpu.memory_space<vmem>> -> memref<125xi32, #tpu.memory_space<vmem>>
      %dma_start3A_227 = arith.constant 0 : i32
      %dma_start3A_228 = arith.constant 0 : i32
      %dma_start3A_229 = tpu.memref_slice %arg17[%dma_start3A_227, %dma_start3A_228] : memref<10000x64xf32, #tpu.memory_space<vmem_shared>> -> memref<10000x64xf32, #tpu.memory_space<vmem_shared>>
      tpu.enqueue_indirect_dma source(%arg14 : memref<125x64xf32, #tpu.memory_space<vmem>>) target(%dma_start3A_229 : memref<10000x64xf32, #tpu.memory_space<vmem_shared>>) offsets(%dma_start3A_226 : memref<125xi32, #tpu.memory_space<vmem>>) semaphore(%arg31 : memref<!tpu.dma_semaphore, #tpu.memory_space<semaphore_mem>>) {add = true}
      %add3A_230 = arith.constant 6 : i32
      %add3A_231 = arith.addi %add3A_133, %add3A_230 : i32
      %dma_wait3A_232 = arith.constant 0 : i32
      %dma_wait3A_233 = tpu.memref_slice %arg7[%add3A_231, %dma_wait3A_232] : memref<80x125xi32, #tpu.memory_space<vmem>> -> memref<1x125xi32, #tpu.memory_space<vmem>>
      %dma_wait3A_234 = tpu.memref_squeeze %dma_wait3A_233 : memref<1x125xi32, #tpu.memory_space<vmem>> -> memref<125xi32, #tpu.memory_space<vmem>>
      %dma_wait3A_235 = arith.constant 0 : i32
      %dma_wait3A_236 = arith.constant 0 : i32
      %dma_wait3A_237 = tpu.memref_slice %arg4[%dma_wait3A_235, %dma_wait3A_236] : memref<20000x64xf32, #tpu.memory_space<hbm>> -> memref<20000x64xf32, #tpu.memory_space<hbm>>
      tpu.wait_indirect_dma semaphore(%arg24 : memref<!tpu.dma_semaphore, #tpu.memory_space<semaphore_mem>>) src(%dma_wait3A_237 : memref<20000x64xf32, #tpu.memory_space<hbm>>) dst(%arg15 : memref<125x64xf32, #tpu.memory_space<vmem>>)
      %add3A_238 = arith.constant 6 : i32
      %add3A_239 = arith.addi %add3A_133, %add3A_238 : i32
      %dma_start3A_240 = arith.constant 0 : i32
      %dma_start3A_241 = tpu.memref_slice %arg8[%add3A_239, %dma_start3A_240] : memref<80x125xi32, #tpu.memory_space<vmem>> -> memref<1x125xi32, #tpu.memory_space<vmem>>
      %dma_start3A_242 = tpu.memref_squeeze %dma_start3A_241 : memref<1x125xi32, #tpu.memory_space<vmem>> -> memref<125xi32, #tpu.memory_space<vmem>>
      %dma_start3A_243 = arith.constant 0 : i32
      %dma_start3A_244 = arith.constant 0 : i32
      %dma_start3A_245 = tpu.memref_slice %arg17[%dma_start3A_243, %dma_start3A_244] : memref<10000x64xf32, #tpu.memory_space<vmem_shared>> -> memref<10000x64xf32, #tpu.memory_space<vmem_shared>>
      tpu.enqueue_indirect_dma source(%arg15 : memref<125x64xf32, #tpu.memory_space<vmem>>) target(%dma_start3A_245 : memref<10000x64xf32, #tpu.memory_space<vmem_shared>>) offsets(%dma_start3A_242 : memref<125xi32, #tpu.memory_space<vmem>>) semaphore(%arg32 : memref<!tpu.dma_semaphore, #tpu.memory_space<semaphore_mem>>) {add = true}
      %add3A_246 = arith.constant 7 : i32
      %add3A_247 = arith.addi %add3A_133, %add3A_246 : i32
      %dma_wait3A_248 = arith.constant 0 : i32
      %dma_wait3A_249 = tpu.memref_slice %arg7[%add3A_247, %dma_wait3A_248] : memref<80x125xi32, #tpu.memory_space<vmem>> -> memref<1x125xi32, #tpu.memory_space<vmem>>
      %dma_wait3A_250 = tpu.memref_squeeze %dma_wait3A_249 : memref<1x125xi32, #tpu.memory_space<vmem>> -> memref<125xi32, #tpu.memory_space<vmem>>
      %dma_wait3A_251 = arith.constant 0 : i32
      %dma_wait3A_252 = arith.constant 0 : i32
      %dma_wait3A_253 = tpu.memref_slice %arg4[%dma_wait3A_251, %dma_wait3A_252] : memref<20000x64xf32, #tpu.memory_space<hbm>> -> memref<20000x64xf32, #tpu.memory_space<hbm>>
      tpu.wait_indirect_dma semaphore(%arg25 : memref<!tpu.dma_semaphore, #tpu.memory_space<semaphore_mem>>) src(%dma_wait3A_253 : memref<20000x64xf32, #tpu.memory_space<hbm>>) dst(%arg16 : memref<125x64xf32, #tpu.memory_space<vmem>>)
      %add3A_254 = arith.constant 7 : i32
      %add3A_255 = arith.addi %add3A_133, %add3A_254 : i32
      %dma_start3A_256 = arith.constant 0 : i32
      %dma_start3A_257 = tpu.memref_slice %arg8[%add3A_255, %dma_start3A_256] : memref<80x125xi32, #tpu.memory_space<vmem>> -> memref<1x125xi32, #tpu.memory_space<vmem>>
      %dma_start3A_258 = tpu.memref_squeeze %dma_start3A_257 : memref<1x125xi32, #tpu.memory_space<vmem>> -> memref<125xi32, #tpu.memory_space<vmem>>
      %dma_start3A_259 = arith.constant 0 : i32
      %dma_start3A_260 = arith.constant 0 : i32
      %dma_start3A_261 = tpu.memref_slice %arg17[%dma_start3A_259, %dma_start3A_260] : memref<10000x64xf32, #tpu.memory_space<vmem_shared>> -> memref<10000x64xf32, #tpu.memory_space<vmem_shared>>
      tpu.enqueue_indirect_dma source(%arg16 : memref<125x64xf32, #tpu.memory_space<vmem>>) target(%dma_start3A_261 : memref<10000x64xf32, #tpu.memory_space<vmem_shared>>) offsets(%dma_start3A_258 : memref<125xi32, #tpu.memory_space<vmem>>) semaphore(%arg33 : memref<!tpu.dma_semaphore, #tpu.memory_space<semaphore_mem>>) {add = true}
      %add3A_262 = arith.constant 0 : i32
      %add3A_263 = arith.addi %add3A_133, %add3A_262 : i32
      %add3A_264 = arith.constant 8 : i32
      %add3A_265 = arith.addi %add3A_263, %add3A_264 : i32
      %lt3A_266 = arith.constant 80 : i32
      %lt3A_267 = arith.cmpi slt, %add3A_265, %lt3A_266 : i32
      %convert_element_type3A_268 = arith.extui %lt3A_267 : i1 to i32
      %cond3A_269 = arith.constant 0 : i32
      %cond3A_270 = arith.cmpi ne, %convert_element_type3A_268, %cond3A_269 : i32
      scf.if %cond3A_270 {
        %add3A_334 = arith.constant 0 : i32
        %add3A_335 = arith.addi %add3A_133, %add3A_334 : i32
        %dma_wait3A_336 = arith.constant 0 : i32
        %dma_wait3A_337 = tpu.memref_slice %arg8[%add3A_335, %dma_wait3A_336] : memref<80x125xi32, #tpu.memory_space<vmem>> -> memref<1x125xi32, #tpu.memory_space<vmem>>
        %dma_wait3A_338 = tpu.memref_squeeze %dma_wait3A_337 : memref<1x125xi32, #tpu.memory_space<vmem>> -> memref<125xi32, #tpu.memory_space<vmem>>
        %dma_wait3A_339 = arith.constant 0 : i32
        %dma_wait3A_340 = arith.constant 0 : i32
        %dma_wait3A_341 = tpu.memref_slice %arg17[%dma_wait3A_339, %dma_wait3A_340] : memref<10000x64xf32, #tpu.memory_space<vmem_shared>> -> memref<10000x64xf32, #tpu.memory_space<vmem_shared>>
        tpu.wait_indirect_dma semaphore(%arg26 : memref<!tpu.dma_semaphore, #tpu.memory_space<semaphore_mem>>) src(%arg9 : memref<125x64xf32, #tpu.memory_space<vmem>>) dst(%dma_wait3A_341 : memref<10000x64xf32, #tpu.memory_space<vmem_shared>>)
        %add3A_342 = arith.constant 0 : i32
        %add3A_343 = arith.addi %add3A_133, %add3A_342 : i32
        %add3A_344 = arith.constant 8 : i32
        %add3A_345 = arith.addi %add3A_343, %add3A_344 : i32
        %dma_start3A_346 = arith.constant 0 : i32
        %dma_start3A_347 = tpu.memref_slice %arg7[%add3A_345, %dma_start3A_346] : memref<80x125xi32, #tpu.memory_space<vmem>> -> memref<1x125xi32, #tpu.memory_space<vmem>>
        %dma_start3A_348 = tpu.memref_squeeze %dma_start3A_347 : memref<1x125xi32, #tpu.memory_space<vmem>> -> memref<125xi32, #tpu.memory_space<vmem>>
        %dma_start3A_349 = arith.constant 0 : i32
        %dma_start3A_350 = arith.constant 0 : i32
        %dma_start3A_351 = tpu.memref_slice %arg4[%dma_start3A_349, %dma_start3A_350] : memref<20000x64xf32, #tpu.memory_space<hbm>> -> memref<20000x64xf32, #tpu.memory_space<hbm>>
        tpu.enqueue_indirect_dma source(%dma_start3A_351 : memref<20000x64xf32, #tpu.memory_space<hbm>>) target(%arg9 : memref<125x64xf32, #tpu.memory_space<vmem>>) offsets(%dma_start3A_348 : memref<125xi32, #tpu.memory_space<vmem>>) semaphore(%arg18 : memref<!tpu.dma_semaphore, #tpu.memory_space<semaphore_mem>>)
      } else {
      }
      %add3A_271 = arith.constant 1 : i32
      %add3A_272 = arith.addi %add3A_133, %add3A_271 : i32
      %add3A_273 = arith.constant 8 : i32
      %add3A_274 = arith.addi %add3A_272, %add3A_273 : i32
      %lt3A_275 = arith.constant 80 : i32
      %lt3A_276 = arith.cmpi slt, %add3A_274, %lt3A_275 : i32
      %convert_element_type3A_277 = arith.extui %lt3A_276 : i1 to i32
      %cond3A_278 = arith.constant 0 : i32
      %cond3A_279 = arith.cmpi ne, %convert_element_type3A_277, %cond3A_278 : i32
      scf.if %cond3A_279 {
        %add3A_334 = arith.constant 1 : i32
        %add3A_335 = arith.addi %add3A_133, %add3A_334 : i32
        %dma_wait3A_336 = arith.constant 0 : i32
        %dma_wait3A_337 = tpu.memref_slice %arg8[%add3A_335, %dma_wait3A_336] : memref<80x125xi32, #tpu.memory_space<vmem>> -> memref<1x125xi32, #tpu.memory_space<vmem>>
        %dma_wait3A_338 = tpu.memref_squeeze %dma_wait3A_337 : memref<1x125xi32, #tpu.memory_space<vmem>> -> memref<125xi32, #tpu.memory_space<vmem>>
        %dma_wait3A_339 = arith.constant 0 : i32
        %dma_wait3A_340 = arith.constant 0 : i32
        %dma_wait3A_341 = tpu.memref_slice %arg17[%dma_wait3A_339, %dma_wait3A_340] : memref<10000x64xf32, #tpu.memory_space<vmem_shared>> -> memref<10000x64xf32, #tpu.memory_space<vmem_shared>>
        tpu.wait_indirect_dma semaphore(%arg27 : memref<!tpu.dma_semaphore, #tpu.memory_space<semaphore_mem>>) src(%arg10 : memref<125x64xf32, #tpu.memory_space<vmem>>) dst(%dma_wait3A_341 : memref<10000x64xf32, #tpu.memory_space<vmem_shared>>)
        %add3A_342 = arith.constant 1 : i32
        %add3A_343 = arith.addi %add3A_133, %add3A_342 : i32
        %add3A_344 = arith.constant 8 : i32
        %add3A_345 = arith.addi %add3A_343, %add3A_344 : i32
        %dma_start3A_346 = arith.constant 0 : i32
        %dma_start3A_347 = tpu.memref_slice %arg7[%add3A_345, %dma_start3A_346] : memref<80x125xi32, #tpu.memory_space<vmem>> -> memref<1x125xi32, #tpu.memory_space<vmem>>
        %dma_start3A_348 = tpu.memref_squeeze %dma_start3A_347 : memref<1x125xi32, #tpu.memory_space<vmem>> -> memref<125xi32, #tpu.memory_space<vmem>>
        %dma_start3A_349 = arith.constant 0 : i32
        %dma_start3A_350 = arith.constant 0 : i32
        %dma_start3A_351 = tpu.memref_slice %arg4[%dma_start3A_349, %dma_start3A_350] : memref<20000x64xf32, #tpu.memory_space<hbm>> -> memref<20000x64xf32, #tpu.memory_space<hbm>>
        tpu.enqueue_indirect_dma source(%dma_start3A_351 : memref<20000x64xf32, #tpu.memory_space<hbm>>) target(%arg10 : memref<125x64xf32, #tpu.memory_space<vmem>>) offsets(%dma_start3A_348 : memref<125xi32, #tpu.memory_space<vmem>>) semaphore(%arg19 : memref<!tpu.dma_semaphore, #tpu.memory_space<semaphore_mem>>)
      } else {
      }
      %add3A_280 = arith.constant 2 : i32
      %add3A_281 = arith.addi %add3A_133, %add3A_280 : i32
      %add3A_282 = arith.constant 8 : i32
      %add3A_283 = arith.addi %add3A_281, %add3A_282 : i32
      %lt3A_284 = arith.constant 80 : i32
      %lt3A_285 = arith.cmpi slt, %add3A_283, %lt3A_284 : i32
      %convert_element_type3A_286 = arith.extui %lt3A_285 : i1 to i32
      %cond3A_287 = arith.constant 0 : i32
      %cond3A_288 = arith.cmpi ne, %convert_element_type3A_286, %cond3A_287 : i32
      scf.if %cond3A_288 {
        %add3A_334 = arith.constant 2 : i32
        %add3A_335 = arith.addi %add3A_133, %add3A_334 : i32
        %dma_wait3A_336 = arith.constant 0 : i32
        %dma_wait3A_337 = tpu.memref_slice %arg8[%add3A_335, %dma_wait3A_336] : memref<80x125xi32, #tpu.memory_space<vmem>> -> memref<1x125xi32, #tpu.memory_space<vmem>>
        %dma_wait3A_338 = tpu.memref_squeeze %dma_wait3A_337 : memref<1x125xi32, #tpu.memory_space<vmem>> -> memref<125xi32, #tpu.memory_space<vmem>>
        %dma_wait3A_339 = arith.constant 0 : i32
        %dma_wait3A_340 = arith.constant 0 : i32
        %dma_wait3A_341 = tpu.memref_slice %arg17[%dma_wait3A_339, %dma_wait3A_340] : memref<10000x64xf32, #tpu.memory_space<vmem_shared>> -> memref<10000x64xf32, #tpu.memory_space<vmem_shared>>
        tpu.wait_indirect_dma semaphore(%arg28 : memref<!tpu.dma_semaphore, #tpu.memory_space<semaphore_mem>>) src(%arg11 : memref<125x64xf32, #tpu.memory_space<vmem>>) dst(%dma_wait3A_341 : memref<10000x64xf32, #tpu.memory_space<vmem_shared>>)
        %add3A_342 = arith.constant 2 : i32
        %add3A_343 = arith.addi %add3A_133, %add3A_342 : i32
        %add3A_344 = arith.constant 8 : i32
        %add3A_345 = arith.addi %add3A_343, %add3A_344 : i32
        %dma_start3A_346 = arith.constant 0 : i32
        %dma_start3A_347 = tpu.memref_slice %arg7[%add3A_345, %dma_start3A_346] : memref<80x125xi32, #tpu.memory_space<vmem>> -> memref<1x125xi32, #tpu.memory_space<vmem>>
        %dma_start3A_348 = tpu.memref_squeeze %dma_start3A_347 : memref<1x125xi32, #tpu.memory_space<vmem>> -> memref<125xi32, #tpu.memory_space<vmem>>
        %dma_start3A_349 = arith.constant 0 : i32
        %dma_start3A_350 = arith.constant 0 : i32
        %dma_start3A_351 = tpu.memref_slice %arg4[%dma_start3A_349, %dma_start3A_350] : memref<20000x64xf32, #tpu.memory_space<hbm>> -> memref<20000x64xf32, #tpu.memory_space<hbm>>
        tpu.enqueue_indirect_dma source(%dma_start3A_351 : memref<20000x64xf32, #tpu.memory_space<hbm>>) target(%arg11 : memref<125x64xf32, #tpu.memory_space<vmem>>) offsets(%dma_start3A_348 : memref<125xi32, #tpu.memory_space<vmem>>) semaphore(%arg20 : memref<!tpu.dma_semaphore, #tpu.memory_space<semaphore_mem>>)
      } else {
      }
      %add3A_289 = arith.constant 3 : i32
      %add3A_290 = arith.addi %add3A_133, %add3A_289 : i32
      %add3A_291 = arith.constant 8 : i32
      %add3A_292 = arith.addi %add3A_290, %add3A_291 : i32
      %lt3A_293 = arith.constant 80 : i32
      %lt3A_294 = arith.cmpi slt, %add3A_292, %lt3A_293 : i32
      %convert_element_type3A_295 = arith.extui %lt3A_294 : i1 to i32
      %cond3A_296 = arith.constant 0 : i32
      %cond3A_297 = arith.cmpi ne, %convert_element_type3A_295, %cond3A_296 : i32
      scf.if %cond3A_297 {
        %add3A_334 = arith.constant 3 : i32
        %add3A_335 = arith.addi %add3A_133, %add3A_334 : i32
        %dma_wait3A_336 = arith.constant 0 : i32
        %dma_wait3A_337 = tpu.memref_slice %arg8[%add3A_335, %dma_wait3A_336] : memref<80x125xi32, #tpu.memory_space<vmem>> -> memref<1x125xi32, #tpu.memory_space<vmem>>
        %dma_wait3A_338 = tpu.memref_squeeze %dma_wait3A_337 : memref<1x125xi32, #tpu.memory_space<vmem>> -> memref<125xi32, #tpu.memory_space<vmem>>
        %dma_wait3A_339 = arith.constant 0 : i32
        %dma_wait3A_340 = arith.constant 0 : i32
        %dma_wait3A_341 = tpu.memref_slice %arg17[%dma_wait3A_339, %dma_wait3A_340] : memref<10000x64xf32, #tpu.memory_space<vmem_shared>> -> memref<10000x64xf32, #tpu.memory_space<vmem_shared>>
        tpu.wait_indirect_dma semaphore(%arg29 : memref<!tpu.dma_semaphore, #tpu.memory_space<semaphore_mem>>) src(%arg12 : memref<125x64xf32, #tpu.memory_space<vmem>>) dst(%dma_wait3A_341 : memref<10000x64xf32, #tpu.memory_space<vmem_shared>>)
        %add3A_342 = arith.constant 3 : i32
        %add3A_343 = arith.addi %add3A_133, %add3A_342 : i32
        %add3A_344 = arith.constant 8 : i32
        %add3A_345 = arith.addi %add3A_343, %add3A_344 : i32
        %dma_start3A_346 = arith.constant 0 : i32
        %dma_start3A_347 = tpu.memref_slice %arg7[%add3A_345, %dma_start3A_346] : memref<80x125xi32, #tpu.memory_space<vmem>> -> memref<1x125xi32, #tpu.memory_space<vmem>>
        %dma_start3A_348 = tpu.memref_squeeze %dma_start3A_347 : memref<1x125xi32, #tpu.memory_space<vmem>> -> memref<125xi32, #tpu.memory_space<vmem>>
        %dma_start3A_349 = arith.constant 0 : i32
        %dma_start3A_350 = arith.constant 0 : i32
        %dma_start3A_351 = tpu.memref_slice %arg4[%dma_start3A_349, %dma_start3A_350] : memref<20000x64xf32, #tpu.memory_space<hbm>> -> memref<20000x64xf32, #tpu.memory_space<hbm>>
        tpu.enqueue_indirect_dma source(%dma_start3A_351 : memref<20000x64xf32, #tpu.memory_space<hbm>>) target(%arg12 : memref<125x64xf32, #tpu.memory_space<vmem>>) offsets(%dma_start3A_348 : memref<125xi32, #tpu.memory_space<vmem>>) semaphore(%arg21 : memref<!tpu.dma_semaphore, #tpu.memory_space<semaphore_mem>>)
      } else {
      }
      %add3A_298 = arith.constant 4 : i32
      %add3A_299 = arith.addi %add3A_133, %add3A_298 : i32
      %add3A_300 = arith.constant 8 : i32
      %add3A_301 = arith.addi %add3A_299, %add3A_300 : i32
      %lt3A_302 = arith.constant 80 : i32
      %lt3A_303 = arith.cmpi slt, %add3A_301, %lt3A_302 : i32
      %convert_element_type3A_304 = arith.extui %lt3A_303 : i1 to i32
      %cond3A_305 = arith.constant 0 : i32
      %cond3A_306 = arith.cmpi ne, %convert_element_type3A_304, %cond3A_305 : i32
      scf.if %cond3A_306 {
        %add3A_334 = arith.constant 4 : i32
        %add3A_335 = arith.addi %add3A_133, %add3A_334 : i32
        %dma_wait3A_336 = arith.constant 0 : i32
        %dma_wait3A_337 = tpu.memref_slice %arg8[%add3A_335, %dma_wait3A_336] : memref<80x125xi32, #tpu.memory_space<vmem>> -> memref<1x125xi32, #tpu.memory_space<vmem>>
        %dma_wait3A_338 = tpu.memref_squeeze %dma_wait3A_337 : memref<1x125xi32, #tpu.memory_space<vmem>> -> memref<125xi32, #tpu.memory_space<vmem>>
        %dma_wait3A_339 = arith.constant 0 : i32
        %dma_wait3A_340 = arith.constant 0 : i32
        %dma_wait3A_341 = tpu.memref_slice %arg17[%dma_wait3A_339, %dma_wait3A_340] : memref<10000x64xf32, #tpu.memory_space<vmem_shared>> -> memref<10000x64xf32, #tpu.memory_space<vmem_shared>>
        tpu.wait_indirect_dma semaphore(%arg30 : memref<!tpu.dma_semaphore, #tpu.memory_space<semaphore_mem>>) src(%arg13 : memref<125x64xf32, #tpu.memory_space<vmem>>) dst(%dma_wait3A_341 : memref<10000x64xf32, #tpu.memory_space<vmem_shared>>)
        %add3A_342 = arith.constant 4 : i32
        %add3A_343 = arith.addi %add3A_133, %add3A_342 : i32
        %add3A_344 = arith.constant 8 : i32
        %add3A_345 = arith.addi %add3A_343, %add3A_344 : i32
        %dma_start3A_346 = arith.constant 0 : i32
        %dma_start3A_347 = tpu.memref_slice %arg7[%add3A_345, %dma_start3A_346] : memref<80x125xi32, #tpu.memory_space<vmem>> -> memref<1x125xi32, #tpu.memory_space<vmem>>
        %dma_start3A_348 = tpu.memref_squeeze %dma_start3A_347 : memref<1x125xi32, #tpu.memory_space<vmem>> -> memref<125xi32, #tpu.memory_space<vmem>>
        %dma_start3A_349 = arith.constant 0 : i32
        %dma_start3A_350 = arith.constant 0 : i32
        %dma_start3A_351 = tpu.memref_slice %arg4[%dma_start3A_349, %dma_start3A_350] : memref<20000x64xf32, #tpu.memory_space<hbm>> -> memref<20000x64xf32, #tpu.memory_space<hbm>>
        tpu.enqueue_indirect_dma source(%dma_start3A_351 : memref<20000x64xf32, #tpu.memory_space<hbm>>) target(%arg13 : memref<125x64xf32, #tpu.memory_space<vmem>>) offsets(%dma_start3A_348 : memref<125xi32, #tpu.memory_space<vmem>>) semaphore(%arg22 : memref<!tpu.dma_semaphore, #tpu.memory_space<semaphore_mem>>)
      } else {
      }
      %add3A_307 = arith.constant 5 : i32
      %add3A_308 = arith.addi %add3A_133, %add3A_307 : i32
      %add3A_309 = arith.constant 8 : i32
      %add3A_310 = arith.addi %add3A_308, %add3A_309 : i32
      %lt3A_311 = arith.constant 80 : i32
      %lt3A_312 = arith.cmpi slt, %add3A_310, %lt3A_311 : i32
      %convert_element_type3A_313 = arith.extui %lt3A_312 : i1 to i32
      %cond3A_314 = arith.constant 0 : i32
      %cond3A_315 = arith.cmpi ne, %convert_element_type3A_313, %cond3A_314 : i32
      scf.if %cond3A_315 {
        %add3A_334 = arith.constant 5 : i32
        %add3A_335 = arith.addi %add3A_133, %add3A_334 : i32
        %dma_wait3A_336 = arith.constant 0 : i32
        %dma_wait3A_337 = tpu.memref_slice %arg8[%add3A_335, %dma_wait3A_336] : memref<80x125xi32, #tpu.memory_space<vmem>> -> memref<1x125xi32, #tpu.memory_space<vmem>>
        %dma_wait3A_338 = tpu.memref_squeeze %dma_wait3A_337 : memref<1x125xi32, #tpu.memory_space<vmem>> -> memref<125xi32, #tpu.memory_space<vmem>>
        %dma_wait3A_339 = arith.constant 0 : i32
        %dma_wait3A_340 = arith.constant 0 : i32
        %dma_wait3A_341 = tpu.memref_slice %arg17[%dma_wait3A_339, %dma_wait3A_340] : memref<10000x64xf32, #tpu.memory_space<vmem_shared>> -> memref<10000x64xf32, #tpu.memory_space<vmem_shared>>
        tpu.wait_indirect_dma semaphore(%arg31 : memref<!tpu.dma_semaphore, #tpu.memory_space<semaphore_mem>>) src(%arg14 : memref<125x64xf32, #tpu.memory_space<vmem>>) dst(%dma_wait3A_341 : memref<10000x64xf32, #tpu.memory_space<vmem_shared>>)
        %add3A_342 = arith.constant 5 : i32
        %add3A_343 = arith.addi %add3A_133, %add3A_342 : i32
        %add3A_344 = arith.constant 8 : i32
        %add3A_345 = arith.addi %add3A_343, %add3A_344 : i32
        %dma_start3A_346 = arith.constant 0 : i32
        %dma_start3A_347 = tpu.memref_slice %arg7[%add3A_345, %dma_start3A_346] : memref<80x125xi32, #tpu.memory_space<vmem>> -> memref<1x125xi32, #tpu.memory_space<vmem>>
        %dma_start3A_348 = tpu.memref_squeeze %dma_start3A_347 : memref<1x125xi32, #tpu.memory_space<vmem>> -> memref<125xi32, #tpu.memory_space<vmem>>
        %dma_start3A_349 = arith.constant 0 : i32
        %dma_start3A_350 = arith.constant 0 : i32
        %dma_start3A_351 = tpu.memref_slice %arg4[%dma_start3A_349, %dma_start3A_350] : memref<20000x64xf32, #tpu.memory_space<hbm>> -> memref<20000x64xf32, #tpu.memory_space<hbm>>
        tpu.enqueue_indirect_dma source(%dma_start3A_351 : memref<20000x64xf32, #tpu.memory_space<hbm>>) target(%arg14 : memref<125x64xf32, #tpu.memory_space<vmem>>) offsets(%dma_start3A_348 : memref<125xi32, #tpu.memory_space<vmem>>) semaphore(%arg23 : memref<!tpu.dma_semaphore, #tpu.memory_space<semaphore_mem>>)
      } else {
      }
      %add3A_316 = arith.constant 6 : i32
      %add3A_317 = arith.addi %add3A_133, %add3A_316 : i32
      %add3A_318 = arith.constant 8 : i32
      %add3A_319 = arith.addi %add3A_317, %add3A_318 : i32
      %lt3A_320 = arith.constant 80 : i32
      %lt3A_321 = arith.cmpi slt, %add3A_319, %lt3A_320 : i32
      %convert_element_type3A_322 = arith.extui %lt3A_321 : i1 to i32
      %cond3A_323 = arith.constant 0 : i32
      %cond3A_324 = arith.cmpi ne, %convert_element_type3A_322, %cond3A_323 : i32
      scf.if %cond3A_324 {
        %add3A_334 = arith.constant 6 : i32
        %add3A_335 = arith.addi %add3A_133, %add3A_334 : i32
        %dma_wait3A_336 = arith.constant 0 : i32
        %dma_wait3A_337 = tpu.memref_slice %arg8[%add3A_335, %dma_wait3A_336] : memref<80x125xi32, #tpu.memory_space<vmem>> -> memref<1x125xi32, #tpu.memory_space<vmem>>
        %dma_wait3A_338 = tpu.memref_squeeze %dma_wait3A_337 : memref<1x125xi32, #tpu.memory_space<vmem>> -> memref<125xi32, #tpu.memory_space<vmem>>
        %dma_wait3A_339 = arith.constant 0 : i32
        %dma_wait3A_340 = arith.constant 0 : i32
        %dma_wait3A_341 = tpu.memref_slice %arg17[%dma_wait3A_339, %dma_wait3A_340] : memref<10000x64xf32, #tpu.memory_space<vmem_shared>> -> memref<10000x64xf32, #tpu.memory_space<vmem_shared>>
        tpu.wait_indirect_dma semaphore(%arg32 : memref<!tpu.dma_semaphore, #tpu.memory_space<semaphore_mem>>) src(%arg15 : memref<125x64xf32, #tpu.memory_space<vmem>>) dst(%dma_wait3A_341 : memref<10000x64xf32, #tpu.memory_space<vmem_shared>>)
        %add3A_342 = arith.constant 6 : i32
        %add3A_343 = arith.addi %add3A_133, %add3A_342 : i32
        %add3A_344 = arith.constant 8 : i32
        %add3A_345 = arith.addi %add3A_343, %add3A_344 : i32
        %dma_start3A_346 = arith.constant 0 : i32
        %dma_start3A_347 = tpu.memref_slice %arg7[%add3A_345, %dma_start3A_346] : memref<80x125xi32, #tpu.memory_space<vmem>> -> memref<1x125xi32, #tpu.memory_space<vmem>>
        %dma_start3A_348 = tpu.memref_squeeze %dma_start3A_347 : memref<1x125xi32, #tpu.memory_space<vmem>> -> memref<125xi32, #tpu.memory_space<vmem>>
        %dma_start3A_349 = arith.constant 0 : i32
        %dma_start3A_350 = arith.constant 0 : i32
        %dma_start3A_351 = tpu.memref_slice %arg4[%dma_start3A_349, %dma_start3A_350] : memref<20000x64xf32, #tpu.memory_space<hbm>> -> memref<20000x64xf32, #tpu.memory_space<hbm>>
        tpu.enqueue_indirect_dma source(%dma_start3A_351 : memref<20000x64xf32, #tpu.memory_space<hbm>>) target(%arg15 : memref<125x64xf32, #tpu.memory_space<vmem>>) offsets(%dma_start3A_348 : memref<125xi32, #tpu.memory_space<vmem>>) semaphore(%arg24 : memref<!tpu.dma_semaphore, #tpu.memory_space<semaphore_mem>>)
      } else {
      }
      %add3A_325 = arith.constant 7 : i32
      %add3A_326 = arith.addi %add3A_133, %add3A_325 : i32
      %add3A_327 = arith.constant 8 : i32
      %add3A_328 = arith.addi %add3A_326, %add3A_327 : i32
      %lt3A_329 = arith.constant 80 : i32
      %lt3A_330 = arith.cmpi slt, %add3A_328, %lt3A_329 : i32
      %convert_element_type3A_331 = arith.extui %lt3A_330 : i1 to i32
      %cond3A_332 = arith.constant 0 : i32
      %cond3A_333 = arith.cmpi ne, %convert_element_type3A_331, %cond3A_332 : i32
      scf.if %cond3A_333 {
        %add3A_334 = arith.constant 7 : i32
        %add3A_335 = arith.addi %add3A_133, %add3A_334 : i32
        %dma_wait3A_336 = arith.constant 0 : i32
        %dma_wait3A_337 = tpu.memref_slice %arg8[%add3A_335, %dma_wait3A_336] : memref<80x125xi32, #tpu.memory_space<vmem>> -> memref<1x125xi32, #tpu.memory_space<vmem>>
        %dma_wait3A_338 = tpu.memref_squeeze %dma_wait3A_337 : memref<1x125xi32, #tpu.memory_space<vmem>> -> memref<125xi32, #tpu.memory_space<vmem>>
        %dma_wait3A_339 = arith.constant 0 : i32
        %dma_wait3A_340 = arith.constant 0 : i32
        %dma_wait3A_341 = tpu.memref_slice %arg17[%dma_wait3A_339, %dma_wait3A_340] : memref<10000x64xf32, #tpu.memory_space<vmem_shared>> -> memref<10000x64xf32, #tpu.memory_space<vmem_shared>>
        tpu.wait_indirect_dma semaphore(%arg33 : memref<!tpu.dma_semaphore, #tpu.memory_space<semaphore_mem>>) src(%arg16 : memref<125x64xf32, #tpu.memory_space<vmem>>) dst(%dma_wait3A_341 : memref<10000x64xf32, #tpu.memory_space<vmem_shared>>)
        %add3A_342 = arith.constant 7 : i32
        %add3A_343 = arith.addi %add3A_133, %add3A_342 : i32
        %add3A_344 = arith.constant 8 : i32
        %add3A_345 = arith.addi %add3A_343, %add3A_344 : i32
        %dma_start3A_346 = arith.constant 0 : i32
        %dma_start3A_347 = tpu.memref_slice %arg7[%add3A_345, %dma_start3A_346] : memref<80x125xi32, #tpu.memory_space<vmem>> -> memref<1x125xi32, #tpu.memory_space<vmem>>
        %dma_start3A_348 = tpu.memref_squeeze %dma_start3A_347 : memref<1x125xi32, #tpu.memory_space<vmem>> -> memref<125xi32, #tpu.memory_space<vmem>>
        %dma_start3A_349 = arith.constant 0 : i32
        %dma_start3A_350 = arith.constant 0 : i32
        %dma_start3A_351 = tpu.memref_slice %arg4[%dma_start3A_349, %dma_start3A_350] : memref<20000x64xf32, #tpu.memory_space<hbm>> -> memref<20000x64xf32, #tpu.memory_space<hbm>>
        tpu.enqueue_indirect_dma source(%dma_start3A_351 : memref<20000x64xf32, #tpu.memory_space<hbm>>) target(%arg16 : memref<125x64xf32, #tpu.memory_space<vmem>>) offsets(%dma_start3A_348 : memref<125xi32, #tpu.memory_space<vmem>>) semaphore(%arg25 : memref<!tpu.dma_semaphore, #tpu.memory_space<semaphore_mem>>)
      } else {
      }
    }
    %scan3A_67 = arith.constant 10 : i32
    %dma_wait3A = arith.constant 72 : i32
    %dma_wait3A_68 = arith.constant 0 : i32
    %dma_wait3A_69 = tpu.memref_slice %arg8[%dma_wait3A, %dma_wait3A_68] : memref<80x125xi32, #tpu.memory_space<vmem>> -> memref<1x125xi32, #tpu.memory_space<vmem>>
    %dma_wait3A_70 = tpu.memref_squeeze %dma_wait3A_69 : memref<1x125xi32, #tpu.memory_space<vmem>> -> memref<125xi32, #tpu.memory_space<vmem>>
    %dma_wait3A_71 = arith.constant 0 : i32
    %dma_wait3A_72 = arith.constant 0 : i32
    %dma_wait3A_73 = tpu.memref_slice %arg17[%dma_wait3A_71, %dma_wait3A_72] : memref<10000x64xf32, #tpu.memory_space<vmem_shared>> -> memref<10000x64xf32, #tpu.memory_space<vmem_shared>>
    tpu.wait_indirect_dma semaphore(%arg26 : memref<!tpu.dma_semaphore, #tpu.memory_space<semaphore_mem>>) src(%arg9 : memref<125x64xf32, #tpu.memory_space<vmem>>) dst(%dma_wait3A_73 : memref<10000x64xf32, #tpu.memory_space<vmem_shared>>)
    %dma_wait3A_74 = arith.constant 73 : i32
    %dma_wait3A_75 = arith.constant 0 : i32
    %dma_wait3A_76 = tpu.memref_slice %arg8[%dma_wait3A_74, %dma_wait3A_75] : memref<80x125xi32, #tpu.memory_space<vmem>> -> memref<1x125xi32, #tpu.memory_space<vmem>>
    %dma_wait3A_77 = tpu.memref_squeeze %dma_wait3A_76 : memref<1x125xi32, #tpu.memory_space<vmem>> -> memref<125xi32, #tpu.memory_space<vmem>>
    %dma_wait3A_78 = arith.constant 0 : i32
    %dma_wait3A_79 = arith.constant 0 : i32
    %dma_wait3A_80 = tpu.memref_slice %arg17[%dma_wait3A_78, %dma_wait3A_79] : memref<10000x64xf32, #tpu.memory_space<vmem_shared>> -> memref<10000x64xf32, #tpu.memory_space<vmem_shared>>
    tpu.wait_indirect_dma semaphore(%arg27 : memref<!tpu.dma_semaphore, #tpu.memory_space<semaphore_mem>>) src(%arg10 : memref<125x64xf32, #tpu.memory_space<vmem>>) dst(%dma_wait3A_80 : memref<10000x64xf32, #tpu.memory_space<vmem_shared>>)
    %dma_wait3A_81 = arith.constant 74 : i32
    %dma_wait3A_82 = arith.constant 0 : i32
    %dma_wait3A_83 = tpu.memref_slice %arg8[%dma_wait3A_81, %dma_wait3A_82] : memref<80x125xi32, #tpu.memory_space<vmem>> -> memref<1x125xi32, #tpu.memory_space<vmem>>
    %dma_wait3A_84 = tpu.memref_squeeze %dma_wait3A_83 : memref<1x125xi32, #tpu.memory_space<vmem>> -> memref<125xi32, #tpu.memory_space<vmem>>
    %dma_wait3A_85 = arith.constant 0 : i32
    %dma_wait3A_86 = arith.constant 0 : i32
    %dma_wait3A_87 = tpu.memref_slice %arg17[%dma_wait3A_85, %dma_wait3A_86] : memref<10000x64xf32, #tpu.memory_space<vmem_shared>> -> memref<10000x64xf32, #tpu.memory_space<vmem_shared>>
    tpu.wait_indirect_dma semaphore(%arg28 : memref<!tpu.dma_semaphore, #tpu.memory_space<semaphore_mem>>) src(%arg11 : memref<125x64xf32, #tpu.memory_space<vmem>>) dst(%dma_wait3A_87 : memref<10000x64xf32, #tpu.memory_space<vmem_shared>>)
    %dma_wait3A_88 = arith.constant 75 : i32
    %dma_wait3A_89 = arith.constant 0 : i32
    %dma_wait3A_90 = tpu.memref_slice %arg8[%dma_wait3A_88, %dma_wait3A_89] : memref<80x125xi32, #tpu.memory_space<vmem>> -> memref<1x125xi32, #tpu.memory_space<vmem>>
    %dma_wait3A_91 = tpu.memref_squeeze %dma_wait3A_90 : memref<1x125xi32, #tpu.memory_space<vmem>> -> memref<125xi32, #tpu.memory_space<vmem>>
    %dma_wait3A_92 = arith.constant 0 : i32
    %dma_wait3A_93 = arith.constant 0 : i32
    %dma_wait3A_94 = tpu.memref_slice %arg17[%dma_wait3A_92, %dma_wait3A_93] : memref<10000x64xf32, #tpu.memory_space<vmem_shared>> -> memref<10000x64xf32, #tpu.memory_space<vmem_shared>>
    tpu.wait_indirect_dma semaphore(%arg29 : memref<!tpu.dma_semaphore, #tpu.memory_space<semaphore_mem>>) src(%arg12 : memref<125x64xf32, #tpu.memory_space<vmem>>) dst(%dma_wait3A_94 : memref<10000x64xf32, #tpu.memory_space<vmem_shared>>)
    %dma_wait3A_95 = arith.constant 76 : i32
    %dma_wait3A_96 = arith.constant 0 : i32
    %dma_wait3A_97 = tpu.memref_slice %arg8[%dma_wait3A_95, %dma_wait3A_96] : memref<80x125xi32, #tpu.memory_space<vmem>> -> memref<1x125xi32, #tpu.memory_space<vmem>>
    %dma_wait3A_98 = tpu.memref_squeeze %dma_wait3A_97 : memref<1x125xi32, #tpu.memory_space<vmem>> -> memref<125xi32, #tpu.memory_space<vmem>>
    %dma_wait3A_99 = arith.constant 0 : i32
    %dma_wait3A_100 = arith.constant 0 : i32
    %dma_wait3A_101 = tpu.memref_slice %arg17[%dma_wait3A_99, %dma_wait3A_100] : memref<10000x64xf32, #tpu.memory_space<vmem_shared>> -> memref<10000x64xf32, #tpu.memory_space<vmem_shared>>
    tpu.wait_indirect_dma semaphore(%arg30 : memref<!tpu.dma_semaphore, #tpu.memory_space<semaphore_mem>>) src(%arg13 : memref<125x64xf32, #tpu.memory_space<vmem>>) dst(%dma_wait3A_101 : memref<10000x64xf32, #tpu.memory_space<vmem_shared>>)
    %dma_wait3A_102 = arith.constant 77 : i32
    %dma_wait3A_103 = arith.constant 0 : i32
    %dma_wait3A_104 = tpu.memref_slice %arg8[%dma_wait3A_102, %dma_wait3A_103] : memref<80x125xi32, #tpu.memory_space<vmem>> -> memref<1x125xi32, #tpu.memory_space<vmem>>
    %dma_wait3A_105 = tpu.memref_squeeze %dma_wait3A_104 : memref<1x125xi32, #tpu.memory_space<vmem>> -> memref<125xi32, #tpu.memory_space<vmem>>
    %dma_wait3A_106 = arith.constant 0 : i32
    %dma_wait3A_107 = arith.constant 0 : i32
    %dma_wait3A_108 = tpu.memref_slice %arg17[%dma_wait3A_106, %dma_wait3A_107] : memref<10000x64xf32, #tpu.memory_space<vmem_shared>> -> memref<10000x64xf32, #tpu.memory_space<vmem_shared>>
    tpu.wait_indirect_dma semaphore(%arg31 : memref<!tpu.dma_semaphore, #tpu.memory_space<semaphore_mem>>) src(%arg14 : memref<125x64xf32, #tpu.memory_space<vmem>>) dst(%dma_wait3A_108 : memref<10000x64xf32, #tpu.memory_space<vmem_shared>>)
    %dma_wait3A_109 = arith.constant 78 : i32
    %dma_wait3A_110 = arith.constant 0 : i32
    %dma_wait3A_111 = tpu.memref_slice %arg8[%dma_wait3A_109, %dma_wait3A_110] : memref<80x125xi32, #tpu.memory_space<vmem>> -> memref<1x125xi32, #tpu.memory_space<vmem>>
    %dma_wait3A_112 = tpu.memref_squeeze %dma_wait3A_111 : memref<1x125xi32, #tpu.memory_space<vmem>> -> memref<125xi32, #tpu.memory_space<vmem>>
    %dma_wait3A_113 = arith.constant 0 : i32
    %dma_wait3A_114 = arith.constant 0 : i32
    %dma_wait3A_115 = tpu.memref_slice %arg17[%dma_wait3A_113, %dma_wait3A_114] : memref<10000x64xf32, #tpu.memory_space<vmem_shared>> -> memref<10000x64xf32, #tpu.memory_space<vmem_shared>>
    tpu.wait_indirect_dma semaphore(%arg32 : memref<!tpu.dma_semaphore, #tpu.memory_space<semaphore_mem>>) src(%arg15 : memref<125x64xf32, #tpu.memory_space<vmem>>) dst(%dma_wait3A_115 : memref<10000x64xf32, #tpu.memory_space<vmem_shared>>)
    %dma_wait3A_116 = arith.constant 79 : i32
    %dma_wait3A_117 = arith.constant 0 : i32
    %dma_wait3A_118 = tpu.memref_slice %arg8[%dma_wait3A_116, %dma_wait3A_117] : memref<80x125xi32, #tpu.memory_space<vmem>> -> memref<1x125xi32, #tpu.memory_space<vmem>>
    %dma_wait3A_119 = tpu.memref_squeeze %dma_wait3A_118 : memref<1x125xi32, #tpu.memory_space<vmem>> -> memref<125xi32, #tpu.memory_space<vmem>>
    %dma_wait3A_120 = arith.constant 0 : i32
    %dma_wait3A_121 = arith.constant 0 : i32
    %dma_wait3A_122 = tpu.memref_slice %arg17[%dma_wait3A_120, %dma_wait3A_121] : memref<10000x64xf32, #tpu.memory_space<vmem_shared>> -> memref<10000x64xf32, #tpu.memory_space<vmem_shared>>
    tpu.wait_indirect_dma semaphore(%arg33 : memref<!tpu.dma_semaphore, #tpu.memory_space<semaphore_mem>>) src(%arg16 : memref<125x64xf32, #tpu.memory_space<vmem>>) dst(%dma_wait3A_122 : memref<10000x64xf32, #tpu.memory_space<vmem_shared>>)
    %barrier3A_123 = arith.constant 0 : index
    tpu.barrier barrier_id(%barrier3A_123)
    %lt3A_124 = arith.constant 10 : i32
    %lt3A_125 = arith.cmpi slt, %arg1, %lt3A_124 : i32
    %convert_element_type3A_126 = arith.extui %lt3A_125 : i1 to i32
    %cond3A_127 = arith.constant 0 : i32
    %cond3A_128 = arith.cmpi ne, %convert_element_type3A_126, %cond3A_127 : i32
    scf.if %cond3A_128 {
      "tpu.region"() ({
        %run_scoped3A_129 = tpu.sem_alloc : memref<!tpu.dma_semaphore, #tpu.memory_space<semaphore_mem>>
        %dma_start3A_130 = arith.constant 0 : i32
        %dma_start3A_131 = tpu.memref_slice %arg6[%arg0, %mul3A_2, %dma_start3A_130] : memref<2x10000x128xf32, #tpu.memory_space<hbm>> -> memref<1x1000x64xf32, #tpu.memory_space<hbm>>
        %dma_start3A_132 = tpu.memref_squeeze %dma_start3A_131 : memref<1x1000x64xf32, #tpu.memory_space<hbm>> -> memref<1000x64xf32, #tpu.memory_space<hbm>>
        %dma_start3A_133 = arith.constant 0 : i32
        %dma_start3A_134 = tpu.memref_slice %arg17[%mul3A_2, %dma_start3A_133] : memref<10000x64xf32, #tpu.memory_space<vmem_shared>> -> memref<1000x64xf32, #tpu.memory_space<vmem_shared>>
        tpu.enqueue_dma source(%dma_start3A_134 : memref<1000x64xf32, #tpu.memory_space<vmem_shared>>) target(%dma_start3A_132 : memref<1000x64xf32, #tpu.memory_space<hbm>>) target_semaphore(%run_scoped3A_129 : memref<!tpu.dma_semaphore, #tpu.memory_space<semaphore_mem>>)
        %dma_wait3A_135 = arith.constant 0 : i32
        %dma_wait3A_136 = tpu.memref_slice %arg6[%arg0, %mul3A_2, %dma_wait3A_135] : memref<2x10000x128xf32, #tpu.memory_space<hbm>> -> memref<1x1000x64xf32, #tpu.memory_space<hbm>>
        %dma_wait3A_137 = tpu.memref_squeeze %dma_wait3A_136 : memref<1x1000x64xf32, #tpu.memory_space<hbm>> -> memref<1000x64xf32, #tpu.memory_space<hbm>>
        %dma_wait3A_138 = arith.constant 0 : i32
        %dma_wait3A_139 = tpu.memref_slice %arg17[%mul3A_2, %dma_wait3A_138] : memref<10000x64xf32, #tpu.memory_space<vmem_shared>> -> memref<1000x64xf32, #tpu.memory_space<vmem_shared>>
        tpu.wait_dma2 semaphore(%run_scoped3A_129 : memref<!tpu.dma_semaphore, #tpu.memory_space<semaphore_mem>>) src(%dma_wait3A_139 : memref<1000x64xf32, #tpu.memory_space<vmem_shared>>) dst(%dma_wait3A_137 : memref<1000x64xf32, #tpu.memory_space<hbm>>)
        tpu.yield
      }) : () -> ()
    } else {
    }
    return
  }
}

#map = affine_map<(d0, d1) -> (0, 0, 0)>
#map1 = affine_map<(d0, d1) -> (0, 0)>
module attributes {stable_mosaic.version = 14 : i64} {
  func.func @_deg_body(%arg0: i32, %arg1: i32, %arg2: memref<2x2560x125xi32, #tpu.memory_space<hbm>>, %arg3: memref<125x8xf32, #tpu.memory_space<hbm>>, %arg4: memref<1000x8xf32, #tpu.memory_space<hbm>>, %arg5: memref<20000x8xf32, #tpu.memory_space<hbm>>, %arg6: memref<80x125xi32, #tpu.memory_space<vmem>>, %arg7: memref<125x8xf32, #tpu.memory_space<vmem>>, %arg8: memref<10000x8xf32, #tpu.memory_space<vmem_shared>>) attributes {dimension_semantics = [#tpu.dimension_semantics<core_parallel>, #tpu.dimension_semantics<subcore_parallel>], iteration_bounds = array<i64: 2, 16>, scalar_prefetch = 0 : i64, scratch_operands = 3 : i64, tpu.core_type = #tpu.core_type<sc_vector_subcore>, window_params = [{transform_indices = #map}, {transform_indices = #map1}, {transform_indices = #map1}, {transform_indices = #map1}]} {
    %mul3A = arith.constant 16 : i32
    %mul3A_0 = arith.muli %arg0, %mul3A : i32
    %add3A = arith.addi %mul3A_0, %arg1 : i32
    %mul3A_1 = arith.constant 1000 : i32
    %mul3A_2 = arith.muli %arg1, %mul3A_1 : i32
    %lt3A = arith.constant 10 : i32
    %lt3A_3 = arith.cmpi slt, %arg1, %lt3A : i32
    %convert_element_type3A = arith.extui %lt3A_3 : i1 to i32
    %cond3A = arith.constant 0 : i32
    %cond3A_4 = arith.cmpi ne, %convert_element_type3A, %cond3A : i32
    scf.if %cond3A_4 {
      "tpu.region"() ({
        %run_scoped3A_17 = tpu.sem_alloc : memref<!tpu.dma_semaphore, #tpu.memory_space<semaphore_mem>>
        %dma_start3A = arith.constant 0 : i32
        %dma_start3A_18 = tpu.memref_slice %arg8[%mul3A_2, %dma_start3A] : memref<10000x8xf32, #tpu.memory_space<vmem_shared>> -> memref<1000x8xf32, #tpu.memory_space<vmem_shared>>
        tpu.enqueue_dma source(%arg4 : memref<1000x8xf32, #tpu.memory_space<hbm>>) target(%dma_start3A_18 : memref<1000x8xf32, #tpu.memory_space<vmem_shared>>) target_semaphore(%run_scoped3A_17 : memref<!tpu.dma_semaphore, #tpu.memory_space<semaphore_mem>>)
        %dma_wait3A = arith.constant 0 : i32
        %dma_wait3A_19 = tpu.memref_slice %arg8[%mul3A_2, %dma_wait3A] : memref<10000x8xf32, #tpu.memory_space<vmem_shared>> -> memref<1000x8xf32, #tpu.memory_space<vmem_shared>>
        tpu.wait_dma2 semaphore(%run_scoped3A_17 : memref<!tpu.dma_semaphore, #tpu.memory_space<semaphore_mem>>) src(%arg4 : memref<1000x8xf32, #tpu.memory_space<hbm>>) dst(%dma_wait3A_19 : memref<1000x8xf32, #tpu.memory_space<vmem_shared>>)
        tpu.yield
      }) : () -> ()
    } else {
    }
    "tpu.region"() ({
      %run_scoped3A_17 = tpu.sem_alloc : memref<!tpu.dma_semaphore, #tpu.memory_space<semaphore_mem>>
      tpu.enqueue_dma source(%arg3 : memref<125x8xf32, #tpu.memory_space<hbm>>) target(%arg7 : memref<125x8xf32, #tpu.memory_space<vmem>>) target_semaphore(%run_scoped3A_17 : memref<!tpu.dma_semaphore, #tpu.memory_space<semaphore_mem>>)
      tpu.wait_dma2 semaphore(%run_scoped3A_17 : memref<!tpu.dma_semaphore, #tpu.memory_space<semaphore_mem>>) src(%arg3 : memref<125x8xf32, #tpu.memory_space<hbm>>) dst(%arg7 : memref<125x8xf32, #tpu.memory_space<vmem>>)
      tpu.yield
    }) : () -> ()
    %mul3A_5 = arith.constant 80 : i32
    %mul3A_6 = arith.muli %add3A, %mul3A_5 : i32
    %run_scoped3A = arith.constant 1 : i32
    "tpu.region"() ({
      %run_scoped3A_17 = tpu.sem_alloc : memref<!tpu.dma_semaphore, #tpu.memory_space<semaphore_mem>>
      %dma_start3A = arith.constant 0 : i32
      %dma_start3A_18 = arith.constant 0 : i32
      %dma_start3A_19 = tpu.memref_slice %arg2[%run_scoped3A, %dma_start3A, %dma_start3A_18] : memref<2x2560x125xi32, #tpu.memory_space<hbm>> -> memref<1x2560x125xi32, #tpu.memory_space<hbm>>
      %dma_start3A_20 = tpu.memref_squeeze %dma_start3A_19 : memref<1x2560x125xi32, #tpu.memory_space<hbm>> -> memref<2560x125xi32, #tpu.memory_space<hbm>>
      %dma_start3A_21 = arith.constant 0 : i32
      %dma_start3A_22 = tpu.memref_slice %dma_start3A_20[%mul3A_6, %dma_start3A_21] : memref<2560x125xi32, #tpu.memory_space<hbm>> -> memref<80x125xi32, #tpu.memory_space<hbm>>
      %dma_start3A_23 = arith.constant 0 : i32
      %dma_start3A_24 = arith.constant 0 : i32
      %dma_start3A_25 = tpu.memref_slice %arg2[%run_scoped3A, %dma_start3A_23, %dma_start3A_24] : memref<2x2560x125xi32, #tpu.memory_space<hbm>> -> memref<1x2560x125xi32, #tpu.memory_space<hbm>>
      %dma_start3A_26 = tpu.memref_squeeze %dma_start3A_25 : memref<1x2560x125xi32, #tpu.memory_space<hbm>> -> memref<2560x125xi32, #tpu.memory_space<hbm>>
      %dma_start3A_27 = arith.constant 0 : i32
      %dma_start3A_28 = tpu.memref_slice %dma_start3A_26[%mul3A_6, %dma_start3A_27] : memref<2560x125xi32, #tpu.memory_space<hbm>> -> memref<80x125xi32, #tpu.memory_space<hbm>>
      tpu.enqueue_dma source(%dma_start3A_28 : memref<80x125xi32, #tpu.memory_space<hbm>>) target(%arg6 : memref<80x125xi32, #tpu.memory_space<vmem>>) target_semaphore(%run_scoped3A_17 : memref<!tpu.dma_semaphore, #tpu.memory_space<semaphore_mem>>)
      %dma_wait3A = arith.constant 0 : i32
      %dma_wait3A_29 = arith.constant 0 : i32
      %dma_wait3A_30 = tpu.memref_slice %arg2[%run_scoped3A, %dma_wait3A, %dma_wait3A_29] : memref<2x2560x125xi32, #tpu.memory_space<hbm>> -> memref<1x2560x125xi32, #tpu.memory_space<hbm>>
      %dma_wait3A_31 = tpu.memref_squeeze %dma_wait3A_30 : memref<1x2560x125xi32, #tpu.memory_space<hbm>> -> memref<2560x125xi32, #tpu.memory_space<hbm>>
      %dma_wait3A_32 = arith.constant 0 : i32
      %dma_wait3A_33 = tpu.memref_slice %dma_wait3A_31[%mul3A_6, %dma_wait3A_32] : memref<2560x125xi32, #tpu.memory_space<hbm>> -> memref<80x125xi32, #tpu.memory_space<hbm>>
      %dma_wait3A_34 = arith.constant 0 : i32
      %dma_wait3A_35 = arith.constant 0 : i32
      %dma_wait3A_36 = tpu.memref_slice %arg2[%run_scoped3A, %dma_wait3A_34, %dma_wait3A_35] : memref<2x2560x125xi32, #tpu.memory_space<hbm>> -> memref<1x2560x125xi32, #tpu.memory_space<hbm>>
      %dma_wait3A_37 = tpu.memref_squeeze %dma_wait3A_36 : memref<1x2560x125xi32, #tpu.memory_space<hbm>> -> memref<2560x125xi32, #tpu.memory_space<hbm>>
      %dma_wait3A_38 = arith.constant 0 : i32
      %dma_wait3A_39 = tpu.memref_slice %dma_wait3A_37[%mul3A_6, %dma_wait3A_38] : memref<2560x125xi32, #tpu.memory_space<hbm>> -> memref<80x125xi32, #tpu.memory_space<hbm>>
      tpu.wait_dma2 semaphore(%run_scoped3A_17 : memref<!tpu.dma_semaphore, #tpu.memory_space<semaphore_mem>>) src(%dma_wait3A_39 : memref<80x125xi32, #tpu.memory_space<hbm>>) dst(%arg6 : memref<80x125xi32, #tpu.memory_space<vmem>>)
      tpu.yield
    }) : () -> ()
    %barrier3A = arith.constant 0 : index
    tpu.barrier barrier_id(%barrier3A)
    %scan3A = arith.constant 0 : i32
    %scan3A_7 = arith.constant 80 : i32
    %scan3A_8 = arith.addi %scan3A, %scan3A_7 : i32
    %scan3A_9 = arith.constant 1 : i32
    scf.for %scan3A_17 = %scan3A to %scan3A_8 step %scan3A_9  : i32 {
      %mul3A_18 = arith.constant 1 : i32
      %mul3A_19 = arith.muli %scan3A_17, %mul3A_18 : i32
      %add3A_20 = arith.constant 0 : i32
      %add3A_21 = arith.addi %add3A_20, %mul3A_19 : i32
      "tpu.region"() ({
        %run_scoped3A_22 = tpu.sem_alloc : memref<!tpu.dma_semaphore, #tpu.memory_space<semaphore_mem>>
        %dma_start3A = arith.constant 0 : i32
        %dma_start3A_23 = tpu.memref_slice %arg6[%add3A_21, %dma_start3A] : memref<80x125xi32, #tpu.memory_space<vmem>> -> memref<1x125xi32, #tpu.memory_space<vmem>>
        %dma_start3A_24 = tpu.memref_squeeze %dma_start3A_23 : memref<1x125xi32, #tpu.memory_space<vmem>> -> memref<125xi32, #tpu.memory_space<vmem>>
        %dma_start3A_25 = arith.constant 0 : i32
        %dma_start3A_26 = arith.constant 0 : i32
        %dma_start3A_27 = tpu.memref_slice %arg8[%dma_start3A_25, %dma_start3A_26] : memref<10000x8xf32, #tpu.memory_space<vmem_shared>> -> memref<10000x8xf32, #tpu.memory_space<vmem_shared>>
        tpu.enqueue_indirect_dma source(%arg7 : memref<125x8xf32, #tpu.memory_space<vmem>>) target(%dma_start3A_27 : memref<10000x8xf32, #tpu.memory_space<vmem_shared>>) offsets(%dma_start3A_24 : memref<125xi32, #tpu.memory_space<vmem>>) semaphore(%run_scoped3A_22 : memref<!tpu.dma_semaphore, #tpu.memory_space<semaphore_mem>>) {add = true}
        %dma_wait3A = arith.constant 0 : i32
        %dma_wait3A_28 = tpu.memref_slice %arg6[%add3A_21, %dma_wait3A] : memref<80x125xi32, #tpu.memory_space<vmem>> -> memref<1x125xi32, #tpu.memory_space<vmem>>
        %dma_wait3A_29 = tpu.memref_squeeze %dma_wait3A_28 : memref<1x125xi32, #tpu.memory_space<vmem>> -> memref<125xi32, #tpu.memory_space<vmem>>
        %dma_wait3A_30 = arith.constant 0 : i32
        %dma_wait3A_31 = arith.constant 0 : i32
        %dma_wait3A_32 = tpu.memref_slice %arg8[%dma_wait3A_30, %dma_wait3A_31] : memref<10000x8xf32, #tpu.memory_space<vmem_shared>> -> memref<10000x8xf32, #tpu.memory_space<vmem_shared>>
        tpu.wait_indirect_dma semaphore(%run_scoped3A_22 : memref<!tpu.dma_semaphore, #tpu.memory_space<semaphore_mem>>) src(%arg7 : memref<125x8xf32, #tpu.memory_space<vmem>>) dst(%dma_wait3A_32 : memref<10000x8xf32, #tpu.memory_space<vmem_shared>>)
        tpu.yield
      }) : () -> ()
    }
    %scan3A_10 = arith.constant 80 : i32
    %barrier3A_11 = arith.constant 0 : index
    tpu.barrier barrier_id(%barrier3A_11)
    %lt3A_12 = arith.constant 10 : i32
    %lt3A_13 = arith.cmpi slt, %arg1, %lt3A_12 : i32
    %convert_element_type3A_14 = arith.extui %lt3A_13 : i1 to i32
    %cond3A_15 = arith.constant 0 : i32
    %cond3A_16 = arith.cmpi ne, %convert_element_type3A_14, %cond3A_15 : i32
    scf.if %cond3A_16 {
      %mul3A_17 = arith.constant 10000 : i32
      %mul3A_18 = arith.muli %arg0, %mul3A_17 : i32
      %add3A_19 = arith.addi %mul3A_18, %mul3A_2 : i32
      "tpu.region"() ({
        %run_scoped3A_20 = tpu.sem_alloc : memref<!tpu.dma_semaphore, #tpu.memory_space<semaphore_mem>>
        %dma_start3A = arith.constant 0 : i32
        %dma_start3A_21 = tpu.memref_slice %arg5[%add3A_19, %dma_start3A] : memref<20000x8xf32, #tpu.memory_space<hbm>> -> memref<1000x8xf32, #tpu.memory_space<hbm>>
        %dma_start3A_22 = arith.constant 0 : i32
        %dma_start3A_23 = tpu.memref_slice %arg8[%mul3A_2, %dma_start3A_22] : memref<10000x8xf32, #tpu.memory_space<vmem_shared>> -> memref<1000x8xf32, #tpu.memory_space<vmem_shared>>
        tpu.enqueue_dma source(%dma_start3A_23 : memref<1000x8xf32, #tpu.memory_space<vmem_shared>>) target(%dma_start3A_21 : memref<1000x8xf32, #tpu.memory_space<hbm>>) target_semaphore(%run_scoped3A_20 : memref<!tpu.dma_semaphore, #tpu.memory_space<semaphore_mem>>)
        %dma_wait3A = arith.constant 0 : i32
        %dma_wait3A_24 = tpu.memref_slice %arg5[%add3A_19, %dma_wait3A] : memref<20000x8xf32, #tpu.memory_space<hbm>> -> memref<1000x8xf32, #tpu.memory_space<hbm>>
        %dma_wait3A_25 = arith.constant 0 : i32
        %dma_wait3A_26 = tpu.memref_slice %arg8[%mul3A_2, %dma_wait3A_25] : memref<10000x8xf32, #tpu.memory_space<vmem_shared>> -> memref<1000x8xf32, #tpu.memory_space<vmem_shared>>
        tpu.wait_dma2 semaphore(%run_scoped3A_20 : memref<!tpu.dma_semaphore, #tpu.memory_space<semaphore_mem>>) src(%dma_wait3A_26 : memref<1000x8xf32, #tpu.memory_space<vmem_shared>>) dst(%dma_wait3A_24 : memref<1000x8xf32, #tpu.memory_space<hbm>>)
        tpu.yield
      }) : () -> ()
    } else {
    }
    return
  }
}

#map = affine_map<(d0, d1) -> (0, 0, 0)>
#map1 = affine_map<(d0, d1) -> (0, 0)>
module attributes {stable_mosaic.version = 14 : i64} {
  func.func @_agg_body(%arg0: i32, %arg1: i32, %arg2: memref<2x2560x125xi32, #tpu.memory_space<hbm>>, %arg3: memref<2560x125xi32, #tpu.memory_space<hbm>>, %arg4: memref<20000x64xf32, #tpu.memory_space<hbm>>, %arg5: memref<1000x64xf32, #tpu.memory_space<hbm>>, %arg6: memref<2x10000x128xf32, #tpu.memory_space<hbm>>, %arg7: memref<80x125xi32, #tpu.memory_space<vmem>>, %arg8: memref<80x125xi32, #tpu.memory_space<vmem>>, %arg9: memref<125x64xf32, #tpu.memory_space<vmem>>, %arg10: memref<125x64xf32, #tpu.memory_space<vmem>>, %arg11: memref<125x64xf32, #tpu.memory_space<vmem>>, %arg12: memref<125x64xf32, #tpu.memory_space<vmem>>, %arg13: memref<125x64xf32, #tpu.memory_space<vmem>>, %arg14: memref<125x64xf32, #tpu.memory_space<vmem>>, %arg15: memref<125x64xf32, #tpu.memory_space<vmem>>, %arg16: memref<125x64xf32, #tpu.memory_space<vmem>>, %arg17: memref<10000x64xf32, #tpu.memory_space<vmem_shared>>, %arg18: memref<!tpu.dma_semaphore, #tpu.memory_space<semaphore_mem>>, %arg19: memref<!tpu.dma_semaphore, #tpu.memory_space<semaphore_mem>>, %arg20: memref<!tpu.dma_semaphore, #tpu.memory_space<semaphore_mem>>, %arg21: memref<!tpu.dma_semaphore, #tpu.memory_space<semaphore_mem>>, %arg22: memref<!tpu.dma_semaphore, #tpu.memory_space<semaphore_mem>>, %arg23: memref<!tpu.dma_semaphore, #tpu.memory_space<semaphore_mem>>, %arg24: memref<!tpu.dma_semaphore, #tpu.memory_space<semaphore_mem>>, %arg25: memref<!tpu.dma_semaphore, #tpu.memory_space<semaphore_mem>>, %arg26: memref<!tpu.dma_semaphore, #tpu.memory_space<semaphore_mem>>, %arg27: memref<!tpu.dma_semaphore, #tpu.memory_space<semaphore_mem>>, %arg28: memref<!tpu.dma_semaphore, #tpu.memory_space<semaphore_mem>>, %arg29: memref<!tpu.dma_semaphore, #tpu.memory_space<semaphore_mem>>, %arg30: memref<!tpu.dma_semaphore, #tpu.memory_space<semaphore_mem>>, %arg31: memref<!tpu.dma_semaphore, #tpu.memory_space<semaphore_mem>>, %arg32: memref<!tpu.dma_semaphore, #tpu.memory_space<semaphore_mem>>, %arg33: memref<!tpu.dma_semaphore, #tpu.memory_space<semaphore_mem>>) attributes {dimension_semantics = [#tpu.dimension_semantics<core_parallel>, #tpu.dimension_semantics<subcore_parallel>], iteration_bounds = array<i64: 2, 16>, scalar_prefetch = 0 : i64, scratch_operands = 27 : i64, tpu.core_type = #tpu.core_type<sc_vector_subcore>, window_params = [{transform_indices = #map}, {transform_indices = #map1}, {transform_indices = #map1}, {transform_indices = #map1}, {transform_indices = #map}]} {
    %mul3A = arith.constant 16 : i32
    %mul3A_0 = arith.muli %arg0, %mul3A : i32
    %add3A = arith.addi %mul3A_0, %arg1 : i32
    %mul3A_1 = arith.constant 1000 : i32
    %mul3A_2 = arith.muli %arg1, %mul3A_1 : i32
    %lt3A = arith.constant 10 : i32
    %lt3A_3 = arith.cmpi slt, %arg1, %lt3A : i32
    %convert_element_type3A = arith.extui %lt3A_3 : i1 to i32
    %cond3A = arith.constant 0 : i32
    %cond3A_4 = arith.cmpi ne, %convert_element_type3A, %cond3A : i32
    scf.if %cond3A_4 {
      "tpu.region"() ({
        %run_scoped3A_129 = tpu.sem_alloc : memref<!tpu.dma_semaphore, #tpu.memory_space<semaphore_mem>>
        %dma_start3A_130 = arith.constant 0 : i32
        %dma_start3A_131 = tpu.memref_slice %arg17[%mul3A_2, %dma_start3A_130] : memref<10000x64xf32, #tpu.memory_space<vmem_shared>> -> memref<1000x64xf32, #tpu.memory_space<vmem_shared>>
        tpu.enqueue_dma source(%arg5 : memref<1000x64xf32, #tpu.memory_space<hbm>>) target(%dma_start3A_131 : memref<1000x64xf32, #tpu.memory_space<vmem_shared>>) target_semaphore(%run_scoped3A_129 : memref<!tpu.dma_semaphore, #tpu.memory_space<semaphore_mem>>)
        %dma_wait3A_132 = arith.constant 0 : i32
        %dma_wait3A_133 = tpu.memref_slice %arg17[%mul3A_2, %dma_wait3A_132] : memref<10000x64xf32, #tpu.memory_space<vmem_shared>> -> memref<1000x64xf32, #tpu.memory_space<vmem_shared>>
        tpu.wait_dma2 semaphore(%run_scoped3A_129 : memref<!tpu.dma_semaphore, #tpu.memory_space<semaphore_mem>>) src(%arg5 : memref<1000x64xf32, #tpu.memory_space<hbm>>) dst(%dma_wait3A_133 : memref<1000x64xf32, #tpu.memory_space<vmem_shared>>)
        tpu.yield
      }) : () -> ()
    } else {
    }
    %mul3A_5 = arith.constant 80 : i32
    %mul3A_6 = arith.muli %add3A, %mul3A_5 : i32
    "tpu.region"() ({
      %run_scoped3A_129 = tpu.sem_alloc : memref<!tpu.dma_semaphore, #tpu.memory_space<semaphore_mem>>
      %dma_start3A_130 = arith.constant 0 : i32
      %dma_start3A_131 = tpu.memref_slice %arg3[%mul3A_6, %dma_start3A_130] : memref<2560x125xi32, #tpu.memory_space<hbm>> -> memref<80x125xi32, #tpu.memory_space<hbm>>
      %dma_start3A_132 = arith.constant 0 : i32
      %dma_start3A_133 = tpu.memref_slice %arg3[%mul3A_6, %dma_start3A_132] : memref<2560x125xi32, #tpu.memory_space<hbm>> -> memref<80x125xi32, #tpu.memory_space<hbm>>
      tpu.enqueue_dma source(%dma_start3A_133 : memref<80x125xi32, #tpu.memory_space<hbm>>) target(%arg7 : memref<80x125xi32, #tpu.memory_space<vmem>>) target_semaphore(%run_scoped3A_129 : memref<!tpu.dma_semaphore, #tpu.memory_space<semaphore_mem>>)
      %dma_wait3A_134 = arith.constant 0 : i32
      %dma_wait3A_135 = tpu.memref_slice %arg3[%mul3A_6, %dma_wait3A_134] : memref<2560x125xi32, #tpu.memory_space<hbm>> -> memref<80x125xi32, #tpu.memory_space<hbm>>
      %dma_wait3A_136 = arith.constant 0 : i32
      %dma_wait3A_137 = tpu.memref_slice %arg3[%mul3A_6, %dma_wait3A_136] : memref<2560x125xi32, #tpu.memory_space<hbm>> -> memref<80x125xi32, #tpu.memory_space<hbm>>
      tpu.wait_dma2 semaphore(%run_scoped3A_129 : memref<!tpu.dma_semaphore, #tpu.memory_space<semaphore_mem>>) src(%dma_wait3A_137 : memref<80x125xi32, #tpu.memory_space<hbm>>) dst(%arg7 : memref<80x125xi32, #tpu.memory_space<vmem>>)
      tpu.yield
    }) : () -> ()
    %mul3A_7 = arith.constant 80 : i32
    %mul3A_8 = arith.muli %add3A, %mul3A_7 : i32
    %run_scoped3A = arith.constant 1 : i32
    "tpu.region"() ({
      %run_scoped3A_129 = tpu.sem_alloc : memref<!tpu.dma_semaphore, #tpu.memory_space<semaphore_mem>>
      %dma_start3A_130 = arith.constant 0 : i32
      %dma_start3A_131 = arith.constant 0 : i32
      %dma_start3A_132 = tpu.memref_slice %arg2[%run_scoped3A, %dma_start3A_130, %dma_start3A_131] : memref<2x2560x125xi32, #tpu.memory_space<hbm>> -> memref<1x2560x125xi32, #tpu.memory_space<hbm>>
      %dma_start3A_133 = tpu.memref_squeeze %dma_start3A_132 : memref<1x2560x125xi32, #tpu.memory_space<hbm>> -> memref<2560x125xi32, #tpu.memory_space<hbm>>
      %dma_start3A_134 = arith.constant 0 : i32
      %dma_start3A_135 = tpu.memref_slice %dma_start3A_133[%mul3A_8, %dma_start3A_134] : memref<2560x125xi32, #tpu.memory_space<hbm>> -> memref<80x125xi32, #tpu.memory_space<hbm>>
      %dma_start3A_136 = arith.constant 0 : i32
      %dma_start3A_137 = arith.constant 0 : i32
      %dma_start3A_138 = tpu.memref_slice %arg2[%run_scoped3A, %dma_start3A_136, %dma_start3A_137] : memref<2x2560x125xi32, #tpu.memory_space<hbm>> -> memref<1x2560x125xi32, #tpu.memory_space<hbm>>
      %dma_start3A_139 = tpu.memref_squeeze %dma_start3A_138 : memref<1x2560x125xi32, #tpu.memory_space<hbm>> -> memref<2560x125xi32, #tpu.memory_space<hbm>>
      %dma_start3A_140 = arith.constant 0 : i32
      %dma_start3A_141 = tpu.memref_slice %dma_start3A_139[%mul3A_8, %dma_start3A_140] : memref<2560x125xi32, #tpu.memory_space<hbm>> -> memref<80x125xi32, #tpu.memory_space<hbm>>
      tpu.enqueue_dma source(%dma_start3A_141 : memref<80x125xi32, #tpu.memory_space<hbm>>) target(%arg8 : memref<80x125xi32, #tpu.memory_space<vmem>>) target_semaphore(%run_scoped3A_129 : memref<!tpu.dma_semaphore, #tpu.memory_space<semaphore_mem>>)
      %dma_wait3A_142 = arith.constant 0 : i32
      %dma_wait3A_143 = arith.constant 0 : i32
      %dma_wait3A_144 = tpu.memref_slice %arg2[%run_scoped3A, %dma_wait3A_142, %dma_wait3A_143] : memref<2x2560x125xi32, #tpu.memory_space<hbm>> -> memref<1x2560x125xi32, #tpu.memory_space<hbm>>
      %dma_wait3A_145 = tpu.memref_squeeze %dma_wait3A_144 : memref<1x2560x125xi32, #tpu.memory_space<hbm>> -> memref<2560x125xi32, #tpu.memory_space<hbm>>
      %dma_wait3A_146 = arith.constant 0 : i32
      %dma_wait3A_147 = tpu.memref_slice %dma_wait3A_145[%mul3A_8, %dma_wait3A_146] : memref<2560x125xi32, #tpu.memory_space<hbm>> -> memref<80x125xi32, #tpu.memory_space<hbm>>
      %dma_wait3A_148 = arith.constant 0 : i32
      %dma_wait3A_149 = arith.constant 0 : i32
      %dma_wait3A_150 = tpu.memref_slice %arg2[%run_scoped3A, %dma_wait3A_148, %dma_wait3A_149] : memref<2x2560x125xi32, #tpu.memory_space<hbm>> -> memref<1x2560x125xi32, #tpu.memory_space<hbm>>
      %dma_wait3A_151 = tpu.memref_squeeze %dma_wait3A_150 : memref<1x2560x125xi32, #tpu.memory_space<hbm>> -> memref<2560x125xi32, #tpu.memory_space<hbm>>
      %dma_wait3A_152 = arith.constant 0 : i32
      %dma_wait3A_153 = tpu.memref_slice %dma_wait3A_151[%mul3A_8, %dma_wait3A_152] : memref<2560x125xi32, #tpu.memory_space<hbm>> -> memref<80x125xi32, #tpu.memory_space<hbm>>
      tpu.wait_dma2 semaphore(%run_scoped3A_129 : memref<!tpu.dma_semaphore, #tpu.memory_space<semaphore_mem>>) src(%dma_wait3A_153 : memref<80x125xi32, #tpu.memory_space<hbm>>) dst(%arg8 : memref<80x125xi32, #tpu.memory_space<vmem>>)
      tpu.yield
    }) : () -> ()
    %barrier3A = arith.constant 0 : index
    tpu.barrier barrier_id(%barrier3A)
    %dma_start3A = arith.constant 0 : i32
    %dma_start3A_9 = arith.constant 0 : i32
    %dma_start3A_10 = tpu.memref_slice %arg7[%dma_start3A, %dma_start3A_9] : memref<80x125xi32, #tpu.memory_space<vmem>> -> memref<1x125xi32, #tpu.memory_space<vmem>>
    %dma_start3A_11 = tpu.memref_squeeze %dma_start3A_10 : memref<1x125xi32, #tpu.memory_space<vmem>> -> memref<125xi32, #tpu.memory_space<vmem>>
    %dma_start3A_12 = arith.constant 0 : i32
    %dma_start3A_13 = arith.constant 0 : i32
    %dma_start3A_14 = tpu.memref_slice %arg4[%dma_start3A_12, %dma_start3A_13] : memref<20000x64xf32, #tpu.memory_space<hbm>> -> memref<20000x64xf32, #tpu.memory_space<hbm>>
    tpu.enqueue_indirect_dma source(%dma_start3A_14 : memref<20000x64xf32, #tpu.memory_space<hbm>>) target(%arg9 : memref<125x64xf32, #tpu.memory_space<vmem>>) offsets(%dma_start3A_11 : memref<125xi32, #tpu.memory_space<vmem>>) semaphore(%arg18 : memref<!tpu.dma_semaphore, #tpu.memory_space<semaphore_mem>>)
    %dma_start3A_15 = arith.constant 1 : i32
    %dma_start3A_16 = arith.constant 0 : i32
    %dma_start3A_17 = tpu.memref_slice %arg7[%dma_start3A_15, %dma_start3A_16] : memref<80x125xi32, #tpu.memory_space<vmem>> -> memref<1x125xi32, #tpu.memory_space<vmem>>
    %dma_start3A_18 = tpu.memref_squeeze %dma_start3A_17 : memref<1x125xi32, #tpu.memory_space<vmem>> -> memref<125xi32, #tpu.memory_space<vmem>>
    %dma_start3A_19 = arith.constant 0 : i32
    %dma_start3A_20 = arith.constant 0 : i32
    %dma_start3A_21 = tpu.memref_slice %arg4[%dma_start3A_19, %dma_start3A_20] : memref<20000x64xf32, #tpu.memory_space<hbm>> -> memref<20000x64xf32, #tpu.memory_space<hbm>>
    tpu.enqueue_indirect_dma source(%dma_start3A_21 : memref<20000x64xf32, #tpu.memory_space<hbm>>) target(%arg10 : memref<125x64xf32, #tpu.memory_space<vmem>>) offsets(%dma_start3A_18 : memref<125xi32, #tpu.memory_space<vmem>>) semaphore(%arg19 : memref<!tpu.dma_semaphore, #tpu.memory_space<semaphore_mem>>)
    %dma_start3A_22 = arith.constant 2 : i32
    %dma_start3A_23 = arith.constant 0 : i32
    %dma_start3A_24 = tpu.memref_slice %arg7[%dma_start3A_22, %dma_start3A_23] : memref<80x125xi32, #tpu.memory_space<vmem>> -> memref<1x125xi32, #tpu.memory_space<vmem>>
    %dma_start3A_25 = tpu.memref_squeeze %dma_start3A_24 : memref<1x125xi32, #tpu.memory_space<vmem>> -> memref<125xi32, #tpu.memory_space<vmem>>
    %dma_start3A_26 = arith.constant 0 : i32
    %dma_start3A_27 = arith.constant 0 : i32
    %dma_start3A_28 = tpu.memref_slice %arg4[%dma_start3A_26, %dma_start3A_27] : memref<20000x64xf32, #tpu.memory_space<hbm>> -> memref<20000x64xf32, #tpu.memory_space<hbm>>
    tpu.enqueue_indirect_dma source(%dma_start3A_28 : memref<20000x64xf32, #tpu.memory_space<hbm>>) target(%arg11 : memref<125x64xf32, #tpu.memory_space<vmem>>) offsets(%dma_start3A_25 : memref<125xi32, #tpu.memory_space<vmem>>) semaphore(%arg20 : memref<!tpu.dma_semaphore, #tpu.memory_space<semaphore_mem>>)
    %dma_start3A_29 = arith.constant 3 : i32
    %dma_start3A_30 = arith.constant 0 : i32
    %dma_start3A_31 = tpu.memref_slice %arg7[%dma_start3A_29, %dma_start3A_30] : memref<80x125xi32, #tpu.memory_space<vmem>> -> memref<1x125xi32, #tpu.memory_space<vmem>>
    %dma_start3A_32 = tpu.memref_squeeze %dma_start3A_31 : memref<1x125xi32, #tpu.memory_space<vmem>> -> memref<125xi32, #tpu.memory_space<vmem>>
    %dma_start3A_33 = arith.constant 0 : i32
    %dma_start3A_34 = arith.constant 0 : i32
    %dma_start3A_35 = tpu.memref_slice %arg4[%dma_start3A_33, %dma_start3A_34] : memref<20000x64xf32, #tpu.memory_space<hbm>> -> memref<20000x64xf32, #tpu.memory_space<hbm>>
    tpu.enqueue_indirect_dma source(%dma_start3A_35 : memref<20000x64xf32, #tpu.memory_space<hbm>>) target(%arg12 : memref<125x64xf32, #tpu.memory_space<vmem>>) offsets(%dma_start3A_32 : memref<125xi32, #tpu.memory_space<vmem>>) semaphore(%arg21 : memref<!tpu.dma_semaphore, #tpu.memory_space<semaphore_mem>>)
    %dma_start3A_36 = arith.constant 4 : i32
    %dma_start3A_37 = arith.constant 0 : i32
    %dma_start3A_38 = tpu.memref_slice %arg7[%dma_start3A_36, %dma_start3A_37] : memref<80x125xi32, #tpu.memory_space<vmem>> -> memref<1x125xi32, #tpu.memory_space<vmem>>
    %dma_start3A_39 = tpu.memref_squeeze %dma_start3A_38 : memref<1x125xi32, #tpu.memory_space<vmem>> -> memref<125xi32, #tpu.memory_space<vmem>>
    %dma_start3A_40 = arith.constant 0 : i32
    %dma_start3A_41 = arith.constant 0 : i32
    %dma_start3A_42 = tpu.memref_slice %arg4[%dma_start3A_40, %dma_start3A_41] : memref<20000x64xf32, #tpu.memory_space<hbm>> -> memref<20000x64xf32, #tpu.memory_space<hbm>>
    tpu.enqueue_indirect_dma source(%dma_start3A_42 : memref<20000x64xf32, #tpu.memory_space<hbm>>) target(%arg13 : memref<125x64xf32, #tpu.memory_space<vmem>>) offsets(%dma_start3A_39 : memref<125xi32, #tpu.memory_space<vmem>>) semaphore(%arg22 : memref<!tpu.dma_semaphore, #tpu.memory_space<semaphore_mem>>)
    %dma_start3A_43 = arith.constant 5 : i32
    %dma_start3A_44 = arith.constant 0 : i32
    %dma_start3A_45 = tpu.memref_slice %arg7[%dma_start3A_43, %dma_start3A_44] : memref<80x125xi32, #tpu.memory_space<vmem>> -> memref<1x125xi32, #tpu.memory_space<vmem>>
    %dma_start3A_46 = tpu.memref_squeeze %dma_start3A_45 : memref<1x125xi32, #tpu.memory_space<vmem>> -> memref<125xi32, #tpu.memory_space<vmem>>
    %dma_start3A_47 = arith.constant 0 : i32
    %dma_start3A_48 = arith.constant 0 : i32
    %dma_start3A_49 = tpu.memref_slice %arg4[%dma_start3A_47, %dma_start3A_48] : memref<20000x64xf32, #tpu.memory_space<hbm>> -> memref<20000x64xf32, #tpu.memory_space<hbm>>
    tpu.enqueue_indirect_dma source(%dma_start3A_49 : memref<20000x64xf32, #tpu.memory_space<hbm>>) target(%arg14 : memref<125x64xf32, #tpu.memory_space<vmem>>) offsets(%dma_start3A_46 : memref<125xi32, #tpu.memory_space<vmem>>) semaphore(%arg23 : memref<!tpu.dma_semaphore, #tpu.memory_space<semaphore_mem>>)
    %dma_start3A_50 = arith.constant 6 : i32
    %dma_start3A_51 = arith.constant 0 : i32
    %dma_start3A_52 = tpu.memref_slice %arg7[%dma_start3A_50, %dma_start3A_51] : memref<80x125xi32, #tpu.memory_space<vmem>> -> memref<1x125xi32, #tpu.memory_space<vmem>>
    %dma_start3A_53 = tpu.memref_squeeze %dma_start3A_52 : memref<1x125xi32, #tpu.memory_space<vmem>> -> memref<125xi32, #tpu.memory_space<vmem>>
    %dma_start3A_54 = arith.constant 0 : i32
    %dma_start3A_55 = arith.constant 0 : i32
    %dma_start3A_56 = tpu.memref_slice %arg4[%dma_start3A_54, %dma_start3A_55] : memref<20000x64xf32, #tpu.memory_space<hbm>> -> memref<20000x64xf32, #tpu.memory_space<hbm>>
    tpu.enqueue_indirect_dma source(%dma_start3A_56 : memref<20000x64xf32, #tpu.memory_space<hbm>>) target(%arg15 : memref<125x64xf32, #tpu.memory_space<vmem>>) offsets(%dma_start3A_53 : memref<125xi32, #tpu.memory_space<vmem>>) semaphore(%arg24 : memref<!tpu.dma_semaphore, #tpu.memory_space<semaphore_mem>>)
    %dma_start3A_57 = arith.constant 7 : i32
    %dma_start3A_58 = arith.constant 0 : i32
    %dma_start3A_59 = tpu.memref_slice %arg7[%dma_start3A_57, %dma_start3A_58] : memref<80x125xi32, #tpu.memory_space<vmem>> -> memref<1x125xi32, #tpu.memory_space<vmem>>
    %dma_start3A_60 = tpu.memref_squeeze %dma_start3A_59 : memref<1x125xi32, #tpu.memory_space<vmem>> -> memref<125xi32, #tpu.memory_space<vmem>>
    %dma_start3A_61 = arith.constant 0 : i32
    %dma_start3A_62 = arith.constant 0 : i32
    %dma_start3A_63 = tpu.memref_slice %arg4[%dma_start3A_61, %dma_start3A_62] : memref<20000x64xf32, #tpu.memory_space<hbm>> -> memref<20000x64xf32, #tpu.memory_space<hbm>>
    tpu.enqueue_indirect_dma source(%dma_start3A_63 : memref<20000x64xf32, #tpu.memory_space<hbm>>) target(%arg16 : memref<125x64xf32, #tpu.memory_space<vmem>>) offsets(%dma_start3A_60 : memref<125xi32, #tpu.memory_space<vmem>>) semaphore(%arg25 : memref<!tpu.dma_semaphore, #tpu.memory_space<semaphore_mem>>)
    %scan3A = arith.constant 0 : i32
    %scan3A_64 = arith.constant 10 : i32
    %scan3A_65 = arith.addi %scan3A, %scan3A_64 : i32
    %scan3A_66 = arith.constant 1 : i32
    scf.for %scan3A_129 = %scan3A to %scan3A_65 step %scan3A_66  : i32 {
      %mul3A_130 = arith.constant 8 : i32
      %mul3A_131 = arith.muli %scan3A_129, %mul3A_130 : i32
      %add3A_132 = arith.constant 0 : i32
      %add3A_133 = arith.addi %add3A_132, %mul3A_131 : i32
      %add3A_134 = arith.constant 0 : i32
      %add3A_135 = arith.addi %add3A_133, %add3A_134 : i32
      %dma_wait3A_136 = arith.constant 0 : i32
      %dma_wait3A_137 = tpu.memref_slice %arg7[%add3A_135, %dma_wait3A_136] : memref<80x125xi32, #tpu.memory_space<vmem>> -> memref<1x125xi32, #tpu.memory_space<vmem>>
      %dma_wait3A_138 = tpu.memref_squeeze %dma_wait3A_137 : memref<1x125xi32, #tpu.memory_space<vmem>> -> memref<125xi32, #tpu.memory_space<vmem>>
      %dma_wait3A_139 = arith.constant 0 : i32
      %dma_wait3A_140 = arith.constant 0 : i32
      %dma_wait3A_141 = tpu.memref_slice %arg4[%dma_wait3A_139, %dma_wait3A_140] : memref<20000x64xf32, #tpu.memory_space<hbm>> -> memref<20000x64xf32, #tpu.memory_space<hbm>>
      tpu.wait_indirect_dma semaphore(%arg18 : memref<!tpu.dma_semaphore, #tpu.memory_space<semaphore_mem>>) src(%dma_wait3A_141 : memref<20000x64xf32, #tpu.memory_space<hbm>>) dst(%arg9 : memref<125x64xf32, #tpu.memory_space<vmem>>)
      %add3A_142 = arith.constant 0 : i32
      %add3A_143 = arith.addi %add3A_133, %add3A_142 : i32
      %dma_start3A_144 = arith.constant 0 : i32
      %dma_start3A_145 = tpu.memref_slice %arg8[%add3A_143, %dma_start3A_144] : memref<80x125xi32, #tpu.memory_space<vmem>> -> memref<1x125xi32, #tpu.memory_space<vmem>>
      %dma_start3A_146 = tpu.memref_squeeze %dma_start3A_145 : memref<1x125xi32, #tpu.memory_space<vmem>> -> memref<125xi32, #tpu.memory_space<vmem>>
      %dma_start3A_147 = arith.constant 0 : i32
      %dma_start3A_148 = arith.constant 0 : i32
      %dma_start3A_149 = tpu.memref_slice %arg17[%dma_start3A_147, %dma_start3A_148] : memref<10000x64xf32, #tpu.memory_space<vmem_shared>> -> memref<10000x64xf32, #tpu.memory_space<vmem_shared>>
      tpu.enqueue_indirect_dma source(%arg9 : memref<125x64xf32, #tpu.memory_space<vmem>>) target(%dma_start3A_149 : memref<10000x64xf32, #tpu.memory_space<vmem_shared>>) offsets(%dma_start3A_146 : memref<125xi32, #tpu.memory_space<vmem>>) semaphore(%arg26 : memref<!tpu.dma_semaphore, #tpu.memory_space<semaphore_mem>>) {add = true}
      %add3A_150 = arith.constant 1 : i32
      %add3A_151 = arith.addi %add3A_133, %add3A_150 : i32
      %dma_wait3A_152 = arith.constant 0 : i32
      %dma_wait3A_153 = tpu.memref_slice %arg7[%add3A_151, %dma_wait3A_152] : memref<80x125xi32, #tpu.memory_space<vmem>> -> memref<1x125xi32, #tpu.memory_space<vmem>>
      %dma_wait3A_154 = tpu.memref_squeeze %dma_wait3A_153 : memref<1x125xi32, #tpu.memory_space<vmem>> -> memref<125xi32, #tpu.memory_space<vmem>>
      %dma_wait3A_155 = arith.constant 0 : i32
      %dma_wait3A_156 = arith.constant 0 : i32
      %dma_wait3A_157 = tpu.memref_slice %arg4[%dma_wait3A_155, %dma_wait3A_156] : memref<20000x64xf32, #tpu.memory_space<hbm>> -> memref<20000x64xf32, #tpu.memory_space<hbm>>
      tpu.wait_indirect_dma semaphore(%arg19 : memref<!tpu.dma_semaphore, #tpu.memory_space<semaphore_mem>>) src(%dma_wait3A_157 : memref<20000x64xf32, #tpu.memory_space<hbm>>) dst(%arg10 : memref<125x64xf32, #tpu.memory_space<vmem>>)
      %add3A_158 = arith.constant 1 : i32
      %add3A_159 = arith.addi %add3A_133, %add3A_158 : i32
      %dma_start3A_160 = arith.constant 0 : i32
      %dma_start3A_161 = tpu.memref_slice %arg8[%add3A_159, %dma_start3A_160] : memref<80x125xi32, #tpu.memory_space<vmem>> -> memref<1x125xi32, #tpu.memory_space<vmem>>
      %dma_start3A_162 = tpu.memref_squeeze %dma_start3A_161 : memref<1x125xi32, #tpu.memory_space<vmem>> -> memref<125xi32, #tpu.memory_space<vmem>>
      %dma_start3A_163 = arith.constant 0 : i32
      %dma_start3A_164 = arith.constant 0 : i32
      %dma_start3A_165 = tpu.memref_slice %arg17[%dma_start3A_163, %dma_start3A_164] : memref<10000x64xf32, #tpu.memory_space<vmem_shared>> -> memref<10000x64xf32, #tpu.memory_space<vmem_shared>>
      tpu.enqueue_indirect_dma source(%arg10 : memref<125x64xf32, #tpu.memory_space<vmem>>) target(%dma_start3A_165 : memref<10000x64xf32, #tpu.memory_space<vmem_shared>>) offsets(%dma_start3A_162 : memref<125xi32, #tpu.memory_space<vmem>>) semaphore(%arg27 : memref<!tpu.dma_semaphore, #tpu.memory_space<semaphore_mem>>) {add = true}
      %add3A_166 = arith.constant 2 : i32
      %add3A_167 = arith.addi %add3A_133, %add3A_166 : i32
      %dma_wait3A_168 = arith.constant 0 : i32
      %dma_wait3A_169 = tpu.memref_slice %arg7[%add3A_167, %dma_wait3A_168] : memref<80x125xi32, #tpu.memory_space<vmem>> -> memref<1x125xi32, #tpu.memory_space<vmem>>
      %dma_wait3A_170 = tpu.memref_squeeze %dma_wait3A_169 : memref<1x125xi32, #tpu.memory_space<vmem>> -> memref<125xi32, #tpu.memory_space<vmem>>
      %dma_wait3A_171 = arith.constant 0 : i32
      %dma_wait3A_172 = arith.constant 0 : i32
      %dma_wait3A_173 = tpu.memref_slice %arg4[%dma_wait3A_171, %dma_wait3A_172] : memref<20000x64xf32, #tpu.memory_space<hbm>> -> memref<20000x64xf32, #tpu.memory_space<hbm>>
      tpu.wait_indirect_dma semaphore(%arg20 : memref<!tpu.dma_semaphore, #tpu.memory_space<semaphore_mem>>) src(%dma_wait3A_173 : memref<20000x64xf32, #tpu.memory_space<hbm>>) dst(%arg11 : memref<125x64xf32, #tpu.memory_space<vmem>>)
      %add3A_174 = arith.constant 2 : i32
      %add3A_175 = arith.addi %add3A_133, %add3A_174 : i32
      %dma_start3A_176 = arith.constant 0 : i32
      %dma_start3A_177 = tpu.memref_slice %arg8[%add3A_175, %dma_start3A_176] : memref<80x125xi32, #tpu.memory_space<vmem>> -> memref<1x125xi32, #tpu.memory_space<vmem>>
      %dma_start3A_178 = tpu.memref_squeeze %dma_start3A_177 : memref<1x125xi32, #tpu.memory_space<vmem>> -> memref<125xi32, #tpu.memory_space<vmem>>
      %dma_start3A_179 = arith.constant 0 : i32
      %dma_start3A_180 = arith.constant 0 : i32
      %dma_start3A_181 = tpu.memref_slice %arg17[%dma_start3A_179, %dma_start3A_180] : memref<10000x64xf32, #tpu.memory_space<vmem_shared>> -> memref<10000x64xf32, #tpu.memory_space<vmem_shared>>
      tpu.enqueue_indirect_dma source(%arg11 : memref<125x64xf32, #tpu.memory_space<vmem>>) target(%dma_start3A_181 : memref<10000x64xf32, #tpu.memory_space<vmem_shared>>) offsets(%dma_start3A_178 : memref<125xi32, #tpu.memory_space<vmem>>) semaphore(%arg28 : memref<!tpu.dma_semaphore, #tpu.memory_space<semaphore_mem>>) {add = true}
      %add3A_182 = arith.constant 3 : i32
      %add3A_183 = arith.addi %add3A_133, %add3A_182 : i32
      %dma_wait3A_184 = arith.constant 0 : i32
      %dma_wait3A_185 = tpu.memref_slice %arg7[%add3A_183, %dma_wait3A_184] : memref<80x125xi32, #tpu.memory_space<vmem>> -> memref<1x125xi32, #tpu.memory_space<vmem>>
      %dma_wait3A_186 = tpu.memref_squeeze %dma_wait3A_185 : memref<1x125xi32, #tpu.memory_space<vmem>> -> memref<125xi32, #tpu.memory_space<vmem>>
      %dma_wait3A_187 = arith.constant 0 : i32
      %dma_wait3A_188 = arith.constant 0 : i32
      %dma_wait3A_189 = tpu.memref_slice %arg4[%dma_wait3A_187, %dma_wait3A_188] : memref<20000x64xf32, #tpu.memory_space<hbm>> -> memref<20000x64xf32, #tpu.memory_space<hbm>>
      tpu.wait_indirect_dma semaphore(%arg21 : memref<!tpu.dma_semaphore, #tpu.memory_space<semaphore_mem>>) src(%dma_wait3A_189 : memref<20000x64xf32, #tpu.memory_space<hbm>>) dst(%arg12 : memref<125x64xf32, #tpu.memory_space<vmem>>)
      %add3A_190 = arith.constant 3 : i32
      %add3A_191 = arith.addi %add3A_133, %add3A_190 : i32
      %dma_start3A_192 = arith.constant 0 : i32
      %dma_start3A_193 = tpu.memref_slice %arg8[%add3A_191, %dma_start3A_192] : memref<80x125xi32, #tpu.memory_space<vmem>> -> memref<1x125xi32, #tpu.memory_space<vmem>>
      %dma_start3A_194 = tpu.memref_squeeze %dma_start3A_193 : memref<1x125xi32, #tpu.memory_space<vmem>> -> memref<125xi32, #tpu.memory_space<vmem>>
      %dma_start3A_195 = arith.constant 0 : i32
      %dma_start3A_196 = arith.constant 0 : i32
      %dma_start3A_197 = tpu.memref_slice %arg17[%dma_start3A_195, %dma_start3A_196] : memref<10000x64xf32, #tpu.memory_space<vmem_shared>> -> memref<10000x64xf32, #tpu.memory_space<vmem_shared>>
      tpu.enqueue_indirect_dma source(%arg12 : memref<125x64xf32, #tpu.memory_space<vmem>>) target(%dma_start3A_197 : memref<10000x64xf32, #tpu.memory_space<vmem_shared>>) offsets(%dma_start3A_194 : memref<125xi32, #tpu.memory_space<vmem>>) semaphore(%arg29 : memref<!tpu.dma_semaphore, #tpu.memory_space<semaphore_mem>>) {add = true}
      %add3A_198 = arith.constant 4 : i32
      %add3A_199 = arith.addi %add3A_133, %add3A_198 : i32
      %dma_wait3A_200 = arith.constant 0 : i32
      %dma_wait3A_201 = tpu.memref_slice %arg7[%add3A_199, %dma_wait3A_200] : memref<80x125xi32, #tpu.memory_space<vmem>> -> memref<1x125xi32, #tpu.memory_space<vmem>>
      %dma_wait3A_202 = tpu.memref_squeeze %dma_wait3A_201 : memref<1x125xi32, #tpu.memory_space<vmem>> -> memref<125xi32, #tpu.memory_space<vmem>>
      %dma_wait3A_203 = arith.constant 0 : i32
      %dma_wait3A_204 = arith.constant 0 : i32
      %dma_wait3A_205 = tpu.memref_slice %arg4[%dma_wait3A_203, %dma_wait3A_204] : memref<20000x64xf32, #tpu.memory_space<hbm>> -> memref<20000x64xf32, #tpu.memory_space<hbm>>
      tpu.wait_indirect_dma semaphore(%arg22 : memref<!tpu.dma_semaphore, #tpu.memory_space<semaphore_mem>>) src(%dma_wait3A_205 : memref<20000x64xf32, #tpu.memory_space<hbm>>) dst(%arg13 : memref<125x64xf32, #tpu.memory_space<vmem>>)
      %add3A_206 = arith.constant 4 : i32
      %add3A_207 = arith.addi %add3A_133, %add3A_206 : i32
      %dma_start3A_208 = arith.constant 0 : i32
      %dma_start3A_209 = tpu.memref_slice %arg8[%add3A_207, %dma_start3A_208] : memref<80x125xi32, #tpu.memory_space<vmem>> -> memref<1x125xi32, #tpu.memory_space<vmem>>
      %dma_start3A_210 = tpu.memref_squeeze %dma_start3A_209 : memref<1x125xi32, #tpu.memory_space<vmem>> -> memref<125xi32, #tpu.memory_space<vmem>>
      %dma_start3A_211 = arith.constant 0 : i32
      %dma_start3A_212 = arith.constant 0 : i32
      %dma_start3A_213 = tpu.memref_slice %arg17[%dma_start3A_211, %dma_start3A_212] : memref<10000x64xf32, #tpu.memory_space<vmem_shared>> -> memref<10000x64xf32, #tpu.memory_space<vmem_shared>>
      tpu.enqueue_indirect_dma source(%arg13 : memref<125x64xf32, #tpu.memory_space<vmem>>) target(%dma_start3A_213 : memref<10000x64xf32, #tpu.memory_space<vmem_shared>>) offsets(%dma_start3A_210 : memref<125xi32, #tpu.memory_space<vmem>>) semaphore(%arg30 : memref<!tpu.dma_semaphore, #tpu.memory_space<semaphore_mem>>) {add = true}
      %add3A_214 = arith.constant 5 : i32
      %add3A_215 = arith.addi %add3A_133, %add3A_214 : i32
      %dma_wait3A_216 = arith.constant 0 : i32
      %dma_wait3A_217 = tpu.memref_slice %arg7[%add3A_215, %dma_wait3A_216] : memref<80x125xi32, #tpu.memory_space<vmem>> -> memref<1x125xi32, #tpu.memory_space<vmem>>
      %dma_wait3A_218 = tpu.memref_squeeze %dma_wait3A_217 : memref<1x125xi32, #tpu.memory_space<vmem>> -> memref<125xi32, #tpu.memory_space<vmem>>
      %dma_wait3A_219 = arith.constant 0 : i32
      %dma_wait3A_220 = arith.constant 0 : i32
      %dma_wait3A_221 = tpu.memref_slice %arg4[%dma_wait3A_219, %dma_wait3A_220] : memref<20000x64xf32, #tpu.memory_space<hbm>> -> memref<20000x64xf32, #tpu.memory_space<hbm>>
      tpu.wait_indirect_dma semaphore(%arg23 : memref<!tpu.dma_semaphore, #tpu.memory_space<semaphore_mem>>) src(%dma_wait3A_221 : memref<20000x64xf32, #tpu.memory_space<hbm>>) dst(%arg14 : memref<125x64xf32, #tpu.memory_space<vmem>>)
      %add3A_222 = arith.constant 5 : i32
      %add3A_223 = arith.addi %add3A_133, %add3A_222 : i32
      %dma_start3A_224 = arith.constant 0 : i32
      %dma_start3A_225 = tpu.memref_slice %arg8[%add3A_223, %dma_start3A_224] : memref<80x125xi32, #tpu.memory_space<vmem>> -> memref<1x125xi32, #tpu.memory_space<vmem>>
      %dma_start3A_226 = tpu.memref_squeeze %dma_start3A_225 : memref<1x125xi32, #tpu.memory_space<vmem>> -> memref<125xi32, #tpu.memory_space<vmem>>
      %dma_start3A_227 = arith.constant 0 : i32
      %dma_start3A_228 = arith.constant 0 : i32
      %dma_start3A_229 = tpu.memref_slice %arg17[%dma_start3A_227, %dma_start3A_228] : memref<10000x64xf32, #tpu.memory_space<vmem_shared>> -> memref<10000x64xf32, #tpu.memory_space<vmem_shared>>
      tpu.enqueue_indirect_dma source(%arg14 : memref<125x64xf32, #tpu.memory_space<vmem>>) target(%dma_start3A_229 : memref<10000x64xf32, #tpu.memory_space<vmem_shared>>) offsets(%dma_start3A_226 : memref<125xi32, #tpu.memory_space<vmem>>) semaphore(%arg31 : memref<!tpu.dma_semaphore, #tpu.memory_space<semaphore_mem>>) {add = true}
      %add3A_230 = arith.constant 6 : i32
      %add3A_231 = arith.addi %add3A_133, %add3A_230 : i32
      %dma_wait3A_232 = arith.constant 0 : i32
      %dma_wait3A_233 = tpu.memref_slice %arg7[%add3A_231, %dma_wait3A_232] : memref<80x125xi32, #tpu.memory_space<vmem>> -> memref<1x125xi32, #tpu.memory_space<vmem>>
      %dma_wait3A_234 = tpu.memref_squeeze %dma_wait3A_233 : memref<1x125xi32, #tpu.memory_space<vmem>> -> memref<125xi32, #tpu.memory_space<vmem>>
      %dma_wait3A_235 = arith.constant 0 : i32
      %dma_wait3A_236 = arith.constant 0 : i32
      %dma_wait3A_237 = tpu.memref_slice %arg4[%dma_wait3A_235, %dma_wait3A_236] : memref<20000x64xf32, #tpu.memory_space<hbm>> -> memref<20000x64xf32, #tpu.memory_space<hbm>>
      tpu.wait_indirect_dma semaphore(%arg24 : memref<!tpu.dma_semaphore, #tpu.memory_space<semaphore_mem>>) src(%dma_wait3A_237 : memref<20000x64xf32, #tpu.memory_space<hbm>>) dst(%arg15 : memref<125x64xf32, #tpu.memory_space<vmem>>)
      %add3A_238 = arith.constant 6 : i32
      %add3A_239 = arith.addi %add3A_133, %add3A_238 : i32
      %dma_start3A_240 = arith.constant 0 : i32
      %dma_start3A_241 = tpu.memref_slice %arg8[%add3A_239, %dma_start3A_240] : memref<80x125xi32, #tpu.memory_space<vmem>> -> memref<1x125xi32, #tpu.memory_space<vmem>>
      %dma_start3A_242 = tpu.memref_squeeze %dma_start3A_241 : memref<1x125xi32, #tpu.memory_space<vmem>> -> memref<125xi32, #tpu.memory_space<vmem>>
      %dma_start3A_243 = arith.constant 0 : i32
      %dma_start3A_244 = arith.constant 0 : i32
      %dma_start3A_245 = tpu.memref_slice %arg17[%dma_start3A_243, %dma_start3A_244] : memref<10000x64xf32, #tpu.memory_space<vmem_shared>> -> memref<10000x64xf32, #tpu.memory_space<vmem_shared>>
      tpu.enqueue_indirect_dma source(%arg15 : memref<125x64xf32, #tpu.memory_space<vmem>>) target(%dma_start3A_245 : memref<10000x64xf32, #tpu.memory_space<vmem_shared>>) offsets(%dma_start3A_242 : memref<125xi32, #tpu.memory_space<vmem>>) semaphore(%arg32 : memref<!tpu.dma_semaphore, #tpu.memory_space<semaphore_mem>>) {add = true}
      %add3A_246 = arith.constant 7 : i32
      %add3A_247 = arith.addi %add3A_133, %add3A_246 : i32
      %dma_wait3A_248 = arith.constant 0 : i32
      %dma_wait3A_249 = tpu.memref_slice %arg7[%add3A_247, %dma_wait3A_248] : memref<80x125xi32, #tpu.memory_space<vmem>> -> memref<1x125xi32, #tpu.memory_space<vmem>>
      %dma_wait3A_250 = tpu.memref_squeeze %dma_wait3A_249 : memref<1x125xi32, #tpu.memory_space<vmem>> -> memref<125xi32, #tpu.memory_space<vmem>>
      %dma_wait3A_251 = arith.constant 0 : i32
      %dma_wait3A_252 = arith.constant 0 : i32
      %dma_wait3A_253 = tpu.memref_slice %arg4[%dma_wait3A_251, %dma_wait3A_252] : memref<20000x64xf32, #tpu.memory_space<hbm>> -> memref<20000x64xf32, #tpu.memory_space<hbm>>
      tpu.wait_indirect_dma semaphore(%arg25 : memref<!tpu.dma_semaphore, #tpu.memory_space<semaphore_mem>>) src(%dma_wait3A_253 : memref<20000x64xf32, #tpu.memory_space<hbm>>) dst(%arg16 : memref<125x64xf32, #tpu.memory_space<vmem>>)
      %add3A_254 = arith.constant 7 : i32
      %add3A_255 = arith.addi %add3A_133, %add3A_254 : i32
      %dma_start3A_256 = arith.constant 0 : i32
      %dma_start3A_257 = tpu.memref_slice %arg8[%add3A_255, %dma_start3A_256] : memref<80x125xi32, #tpu.memory_space<vmem>> -> memref<1x125xi32, #tpu.memory_space<vmem>>
      %dma_start3A_258 = tpu.memref_squeeze %dma_start3A_257 : memref<1x125xi32, #tpu.memory_space<vmem>> -> memref<125xi32, #tpu.memory_space<vmem>>
      %dma_start3A_259 = arith.constant 0 : i32
      %dma_start3A_260 = arith.constant 0 : i32
      %dma_start3A_261 = tpu.memref_slice %arg17[%dma_start3A_259, %dma_start3A_260] : memref<10000x64xf32, #tpu.memory_space<vmem_shared>> -> memref<10000x64xf32, #tpu.memory_space<vmem_shared>>
      tpu.enqueue_indirect_dma source(%arg16 : memref<125x64xf32, #tpu.memory_space<vmem>>) target(%dma_start3A_261 : memref<10000x64xf32, #tpu.memory_space<vmem_shared>>) offsets(%dma_start3A_258 : memref<125xi32, #tpu.memory_space<vmem>>) semaphore(%arg33 : memref<!tpu.dma_semaphore, #tpu.memory_space<semaphore_mem>>) {add = true}
      %add3A_262 = arith.constant 0 : i32
      %add3A_263 = arith.addi %add3A_133, %add3A_262 : i32
      %add3A_264 = arith.constant 8 : i32
      %add3A_265 = arith.addi %add3A_263, %add3A_264 : i32
      %lt3A_266 = arith.constant 80 : i32
      %lt3A_267 = arith.cmpi slt, %add3A_265, %lt3A_266 : i32
      %convert_element_type3A_268 = arith.extui %lt3A_267 : i1 to i32
      %cond3A_269 = arith.constant 0 : i32
      %cond3A_270 = arith.cmpi ne, %convert_element_type3A_268, %cond3A_269 : i32
      scf.if %cond3A_270 {
        %add3A_334 = arith.constant 0 : i32
        %add3A_335 = arith.addi %add3A_133, %add3A_334 : i32
        %dma_wait3A_336 = arith.constant 0 : i32
        %dma_wait3A_337 = tpu.memref_slice %arg8[%add3A_335, %dma_wait3A_336] : memref<80x125xi32, #tpu.memory_space<vmem>> -> memref<1x125xi32, #tpu.memory_space<vmem>>
        %dma_wait3A_338 = tpu.memref_squeeze %dma_wait3A_337 : memref<1x125xi32, #tpu.memory_space<vmem>> -> memref<125xi32, #tpu.memory_space<vmem>>
        %dma_wait3A_339 = arith.constant 0 : i32
        %dma_wait3A_340 = arith.constant 0 : i32
        %dma_wait3A_341 = tpu.memref_slice %arg17[%dma_wait3A_339, %dma_wait3A_340] : memref<10000x64xf32, #tpu.memory_space<vmem_shared>> -> memref<10000x64xf32, #tpu.memory_space<vmem_shared>>
        tpu.wait_indirect_dma semaphore(%arg26 : memref<!tpu.dma_semaphore, #tpu.memory_space<semaphore_mem>>) src(%arg9 : memref<125x64xf32, #tpu.memory_space<vmem>>) dst(%dma_wait3A_341 : memref<10000x64xf32, #tpu.memory_space<vmem_shared>>)
        %add3A_342 = arith.constant 0 : i32
        %add3A_343 = arith.addi %add3A_133, %add3A_342 : i32
        %add3A_344 = arith.constant 8 : i32
        %add3A_345 = arith.addi %add3A_343, %add3A_344 : i32
        %dma_start3A_346 = arith.constant 0 : i32
        %dma_start3A_347 = tpu.memref_slice %arg7[%add3A_345, %dma_start3A_346] : memref<80x125xi32, #tpu.memory_space<vmem>> -> memref<1x125xi32, #tpu.memory_space<vmem>>
        %dma_start3A_348 = tpu.memref_squeeze %dma_start3A_347 : memref<1x125xi32, #tpu.memory_space<vmem>> -> memref<125xi32, #tpu.memory_space<vmem>>
        %dma_start3A_349 = arith.constant 0 : i32
        %dma_start3A_350 = arith.constant 0 : i32
        %dma_start3A_351 = tpu.memref_slice %arg4[%dma_start3A_349, %dma_start3A_350] : memref<20000x64xf32, #tpu.memory_space<hbm>> -> memref<20000x64xf32, #tpu.memory_space<hbm>>
        tpu.enqueue_indirect_dma source(%dma_start3A_351 : memref<20000x64xf32, #tpu.memory_space<hbm>>) target(%arg9 : memref<125x64xf32, #tpu.memory_space<vmem>>) offsets(%dma_start3A_348 : memref<125xi32, #tpu.memory_space<vmem>>) semaphore(%arg18 : memref<!tpu.dma_semaphore, #tpu.memory_space<semaphore_mem>>)
      } else {
      }
      %add3A_271 = arith.constant 1 : i32
      %add3A_272 = arith.addi %add3A_133, %add3A_271 : i32
      %add3A_273 = arith.constant 8 : i32
      %add3A_274 = arith.addi %add3A_272, %add3A_273 : i32
      %lt3A_275 = arith.constant 80 : i32
      %lt3A_276 = arith.cmpi slt, %add3A_274, %lt3A_275 : i32
      %convert_element_type3A_277 = arith.extui %lt3A_276 : i1 to i32
      %cond3A_278 = arith.constant 0 : i32
      %cond3A_279 = arith.cmpi ne, %convert_element_type3A_277, %cond3A_278 : i32
      scf.if %cond3A_279 {
        %add3A_334 = arith.constant 1 : i32
        %add3A_335 = arith.addi %add3A_133, %add3A_334 : i32
        %dma_wait3A_336 = arith.constant 0 : i32
        %dma_wait3A_337 = tpu.memref_slice %arg8[%add3A_335, %dma_wait3A_336] : memref<80x125xi32, #tpu.memory_space<vmem>> -> memref<1x125xi32, #tpu.memory_space<vmem>>
        %dma_wait3A_338 = tpu.memref_squeeze %dma_wait3A_337 : memref<1x125xi32, #tpu.memory_space<vmem>> -> memref<125xi32, #tpu.memory_space<vmem>>
        %dma_wait3A_339 = arith.constant 0 : i32
        %dma_wait3A_340 = arith.constant 0 : i32
        %dma_wait3A_341 = tpu.memref_slice %arg17[%dma_wait3A_339, %dma_wait3A_340] : memref<10000x64xf32, #tpu.memory_space<vmem_shared>> -> memref<10000x64xf32, #tpu.memory_space<vmem_shared>>
        tpu.wait_indirect_dma semaphore(%arg27 : memref<!tpu.dma_semaphore, #tpu.memory_space<semaphore_mem>>) src(%arg10 : memref<125x64xf32, #tpu.memory_space<vmem>>) dst(%dma_wait3A_341 : memref<10000x64xf32, #tpu.memory_space<vmem_shared>>)
        %add3A_342 = arith.constant 1 : i32
        %add3A_343 = arith.addi %add3A_133, %add3A_342 : i32
        %add3A_344 = arith.constant 8 : i32
        %add3A_345 = arith.addi %add3A_343, %add3A_344 : i32
        %dma_start3A_346 = arith.constant 0 : i32
        %dma_start3A_347 = tpu.memref_slice %arg7[%add3A_345, %dma_start3A_346] : memref<80x125xi32, #tpu.memory_space<vmem>> -> memref<1x125xi32, #tpu.memory_space<vmem>>
        %dma_start3A_348 = tpu.memref_squeeze %dma_start3A_347 : memref<1x125xi32, #tpu.memory_space<vmem>> -> memref<125xi32, #tpu.memory_space<vmem>>
        %dma_start3A_349 = arith.constant 0 : i32
        %dma_start3A_350 = arith.constant 0 : i32
        %dma_start3A_351 = tpu.memref_slice %arg4[%dma_start3A_349, %dma_start3A_350] : memref<20000x64xf32, #tpu.memory_space<hbm>> -> memref<20000x64xf32, #tpu.memory_space<hbm>>
        tpu.enqueue_indirect_dma source(%dma_start3A_351 : memref<20000x64xf32, #tpu.memory_space<hbm>>) target(%arg10 : memref<125x64xf32, #tpu.memory_space<vmem>>) offsets(%dma_start3A_348 : memref<125xi32, #tpu.memory_space<vmem>>) semaphore(%arg19 : memref<!tpu.dma_semaphore, #tpu.memory_space<semaphore_mem>>)
      } else {
      }
      %add3A_280 = arith.constant 2 : i32
      %add3A_281 = arith.addi %add3A_133, %add3A_280 : i32
      %add3A_282 = arith.constant 8 : i32
      %add3A_283 = arith.addi %add3A_281, %add3A_282 : i32
      %lt3A_284 = arith.constant 80 : i32
      %lt3A_285 = arith.cmpi slt, %add3A_283, %lt3A_284 : i32
      %convert_element_type3A_286 = arith.extui %lt3A_285 : i1 to i32
      %cond3A_287 = arith.constant 0 : i32
      %cond3A_288 = arith.cmpi ne, %convert_element_type3A_286, %cond3A_287 : i32
      scf.if %cond3A_288 {
        %add3A_334 = arith.constant 2 : i32
        %add3A_335 = arith.addi %add3A_133, %add3A_334 : i32
        %dma_wait3A_336 = arith.constant 0 : i32
        %dma_wait3A_337 = tpu.memref_slice %arg8[%add3A_335, %dma_wait3A_336] : memref<80x125xi32, #tpu.memory_space<vmem>> -> memref<1x125xi32, #tpu.memory_space<vmem>>
        %dma_wait3A_338 = tpu.memref_squeeze %dma_wait3A_337 : memref<1x125xi32, #tpu.memory_space<vmem>> -> memref<125xi32, #tpu.memory_space<vmem>>
        %dma_wait3A_339 = arith.constant 0 : i32
        %dma_wait3A_340 = arith.constant 0 : i32
        %dma_wait3A_341 = tpu.memref_slice %arg17[%dma_wait3A_339, %dma_wait3A_340] : memref<10000x64xf32, #tpu.memory_space<vmem_shared>> -> memref<10000x64xf32, #tpu.memory_space<vmem_shared>>
        tpu.wait_indirect_dma semaphore(%arg28 : memref<!tpu.dma_semaphore, #tpu.memory_space<semaphore_mem>>) src(%arg11 : memref<125x64xf32, #tpu.memory_space<vmem>>) dst(%dma_wait3A_341 : memref<10000x64xf32, #tpu.memory_space<vmem_shared>>)
        %add3A_342 = arith.constant 2 : i32
        %add3A_343 = arith.addi %add3A_133, %add3A_342 : i32
        %add3A_344 = arith.constant 8 : i32
        %add3A_345 = arith.addi %add3A_343, %add3A_344 : i32
        %dma_start3A_346 = arith.constant 0 : i32
        %dma_start3A_347 = tpu.memref_slice %arg7[%add3A_345, %dma_start3A_346] : memref<80x125xi32, #tpu.memory_space<vmem>> -> memref<1x125xi32, #tpu.memory_space<vmem>>
        %dma_start3A_348 = tpu.memref_squeeze %dma_start3A_347 : memref<1x125xi32, #tpu.memory_space<vmem>> -> memref<125xi32, #tpu.memory_space<vmem>>
        %dma_start3A_349 = arith.constant 0 : i32
        %dma_start3A_350 = arith.constant 0 : i32
        %dma_start3A_351 = tpu.memref_slice %arg4[%dma_start3A_349, %dma_start3A_350] : memref<20000x64xf32, #tpu.memory_space<hbm>> -> memref<20000x64xf32, #tpu.memory_space<hbm>>
        tpu.enqueue_indirect_dma source(%dma_start3A_351 : memref<20000x64xf32, #tpu.memory_space<hbm>>) target(%arg11 : memref<125x64xf32, #tpu.memory_space<vmem>>) offsets(%dma_start3A_348 : memref<125xi32, #tpu.memory_space<vmem>>) semaphore(%arg20 : memref<!tpu.dma_semaphore, #tpu.memory_space<semaphore_mem>>)
      } else {
      }
      %add3A_289 = arith.constant 3 : i32
      %add3A_290 = arith.addi %add3A_133, %add3A_289 : i32
      %add3A_291 = arith.constant 8 : i32
      %add3A_292 = arith.addi %add3A_290, %add3A_291 : i32
      %lt3A_293 = arith.constant 80 : i32
      %lt3A_294 = arith.cmpi slt, %add3A_292, %lt3A_293 : i32
      %convert_element_type3A_295 = arith.extui %lt3A_294 : i1 to i32
      %cond3A_296 = arith.constant 0 : i32
      %cond3A_297 = arith.cmpi ne, %convert_element_type3A_295, %cond3A_296 : i32
      scf.if %cond3A_297 {
        %add3A_334 = arith.constant 3 : i32
        %add3A_335 = arith.addi %add3A_133, %add3A_334 : i32
        %dma_wait3A_336 = arith.constant 0 : i32
        %dma_wait3A_337 = tpu.memref_slice %arg8[%add3A_335, %dma_wait3A_336] : memref<80x125xi32, #tpu.memory_space<vmem>> -> memref<1x125xi32, #tpu.memory_space<vmem>>
        %dma_wait3A_338 = tpu.memref_squeeze %dma_wait3A_337 : memref<1x125xi32, #tpu.memory_space<vmem>> -> memref<125xi32, #tpu.memory_space<vmem>>
        %dma_wait3A_339 = arith.constant 0 : i32
        %dma_wait3A_340 = arith.constant 0 : i32
        %dma_wait3A_341 = tpu.memref_slice %arg17[%dma_wait3A_339, %dma_wait3A_340] : memref<10000x64xf32, #tpu.memory_space<vmem_shared>> -> memref<10000x64xf32, #tpu.memory_space<vmem_shared>>
        tpu.wait_indirect_dma semaphore(%arg29 : memref<!tpu.dma_semaphore, #tpu.memory_space<semaphore_mem>>) src(%arg12 : memref<125x64xf32, #tpu.memory_space<vmem>>) dst(%dma_wait3A_341 : memref<10000x64xf32, #tpu.memory_space<vmem_shared>>)
        %add3A_342 = arith.constant 3 : i32
        %add3A_343 = arith.addi %add3A_133, %add3A_342 : i32
        %add3A_344 = arith.constant 8 : i32
        %add3A_345 = arith.addi %add3A_343, %add3A_344 : i32
        %dma_start3A_346 = arith.constant 0 : i32
        %dma_start3A_347 = tpu.memref_slice %arg7[%add3A_345, %dma_start3A_346] : memref<80x125xi32, #tpu.memory_space<vmem>> -> memref<1x125xi32, #tpu.memory_space<vmem>>
        %dma_start3A_348 = tpu.memref_squeeze %dma_start3A_347 : memref<1x125xi32, #tpu.memory_space<vmem>> -> memref<125xi32, #tpu.memory_space<vmem>>
        %dma_start3A_349 = arith.constant 0 : i32
        %dma_start3A_350 = arith.constant 0 : i32
        %dma_start3A_351 = tpu.memref_slice %arg4[%dma_start3A_349, %dma_start3A_350] : memref<20000x64xf32, #tpu.memory_space<hbm>> -> memref<20000x64xf32, #tpu.memory_space<hbm>>
        tpu.enqueue_indirect_dma source(%dma_start3A_351 : memref<20000x64xf32, #tpu.memory_space<hbm>>) target(%arg12 : memref<125x64xf32, #tpu.memory_space<vmem>>) offsets(%dma_start3A_348 : memref<125xi32, #tpu.memory_space<vmem>>) semaphore(%arg21 : memref<!tpu.dma_semaphore, #tpu.memory_space<semaphore_mem>>)
      } else {
      }
      %add3A_298 = arith.constant 4 : i32
      %add3A_299 = arith.addi %add3A_133, %add3A_298 : i32
      %add3A_300 = arith.constant 8 : i32
      %add3A_301 = arith.addi %add3A_299, %add3A_300 : i32
      %lt3A_302 = arith.constant 80 : i32
      %lt3A_303 = arith.cmpi slt, %add3A_301, %lt3A_302 : i32
      %convert_element_type3A_304 = arith.extui %lt3A_303 : i1 to i32
      %cond3A_305 = arith.constant 0 : i32
      %cond3A_306 = arith.cmpi ne, %convert_element_type3A_304, %cond3A_305 : i32
      scf.if %cond3A_306 {
        %add3A_334 = arith.constant 4 : i32
        %add3A_335 = arith.addi %add3A_133, %add3A_334 : i32
        %dma_wait3A_336 = arith.constant 0 : i32
        %dma_wait3A_337 = tpu.memref_slice %arg8[%add3A_335, %dma_wait3A_336] : memref<80x125xi32, #tpu.memory_space<vmem>> -> memref<1x125xi32, #tpu.memory_space<vmem>>
        %dma_wait3A_338 = tpu.memref_squeeze %dma_wait3A_337 : memref<1x125xi32, #tpu.memory_space<vmem>> -> memref<125xi32, #tpu.memory_space<vmem>>
        %dma_wait3A_339 = arith.constant 0 : i32
        %dma_wait3A_340 = arith.constant 0 : i32
        %dma_wait3A_341 = tpu.memref_slice %arg17[%dma_wait3A_339, %dma_wait3A_340] : memref<10000x64xf32, #tpu.memory_space<vmem_shared>> -> memref<10000x64xf32, #tpu.memory_space<vmem_shared>>
        tpu.wait_indirect_dma semaphore(%arg30 : memref<!tpu.dma_semaphore, #tpu.memory_space<semaphore_mem>>) src(%arg13 : memref<125x64xf32, #tpu.memory_space<vmem>>) dst(%dma_wait3A_341 : memref<10000x64xf32, #tpu.memory_space<vmem_shared>>)
        %add3A_342 = arith.constant 4 : i32
        %add3A_343 = arith.addi %add3A_133, %add3A_342 : i32
        %add3A_344 = arith.constant 8 : i32
        %add3A_345 = arith.addi %add3A_343, %add3A_344 : i32
        %dma_start3A_346 = arith.constant 0 : i32
        %dma_start3A_347 = tpu.memref_slice %arg7[%add3A_345, %dma_start3A_346] : memref<80x125xi32, #tpu.memory_space<vmem>> -> memref<1x125xi32, #tpu.memory_space<vmem>>
        %dma_start3A_348 = tpu.memref_squeeze %dma_start3A_347 : memref<1x125xi32, #tpu.memory_space<vmem>> -> memref<125xi32, #tpu.memory_space<vmem>>
        %dma_start3A_349 = arith.constant 0 : i32
        %dma_start3A_350 = arith.constant 0 : i32
        %dma_start3A_351 = tpu.memref_slice %arg4[%dma_start3A_349, %dma_start3A_350] : memref<20000x64xf32, #tpu.memory_space<hbm>> -> memref<20000x64xf32, #tpu.memory_space<hbm>>
        tpu.enqueue_indirect_dma source(%dma_start3A_351 : memref<20000x64xf32, #tpu.memory_space<hbm>>) target(%arg13 : memref<125x64xf32, #tpu.memory_space<vmem>>) offsets(%dma_start3A_348 : memref<125xi32, #tpu.memory_space<vmem>>) semaphore(%arg22 : memref<!tpu.dma_semaphore, #tpu.memory_space<semaphore_mem>>)
      } else {
      }
      %add3A_307 = arith.constant 5 : i32
      %add3A_308 = arith.addi %add3A_133, %add3A_307 : i32
      %add3A_309 = arith.constant 8 : i32
      %add3A_310 = arith.addi %add3A_308, %add3A_309 : i32
      %lt3A_311 = arith.constant 80 : i32
      %lt3A_312 = arith.cmpi slt, %add3A_310, %lt3A_311 : i32
      %convert_element_type3A_313 = arith.extui %lt3A_312 : i1 to i32
      %cond3A_314 = arith.constant 0 : i32
      %cond3A_315 = arith.cmpi ne, %convert_element_type3A_313, %cond3A_314 : i32
      scf.if %cond3A_315 {
        %add3A_334 = arith.constant 5 : i32
        %add3A_335 = arith.addi %add3A_133, %add3A_334 : i32
        %dma_wait3A_336 = arith.constant 0 : i32
        %dma_wait3A_337 = tpu.memref_slice %arg8[%add3A_335, %dma_wait3A_336] : memref<80x125xi32, #tpu.memory_space<vmem>> -> memref<1x125xi32, #tpu.memory_space<vmem>>
        %dma_wait3A_338 = tpu.memref_squeeze %dma_wait3A_337 : memref<1x125xi32, #tpu.memory_space<vmem>> -> memref<125xi32, #tpu.memory_space<vmem>>
        %dma_wait3A_339 = arith.constant 0 : i32
        %dma_wait3A_340 = arith.constant 0 : i32
        %dma_wait3A_341 = tpu.memref_slice %arg17[%dma_wait3A_339, %dma_wait3A_340] : memref<10000x64xf32, #tpu.memory_space<vmem_shared>> -> memref<10000x64xf32, #tpu.memory_space<vmem_shared>>
        tpu.wait_indirect_dma semaphore(%arg31 : memref<!tpu.dma_semaphore, #tpu.memory_space<semaphore_mem>>) src(%arg14 : memref<125x64xf32, #tpu.memory_space<vmem>>) dst(%dma_wait3A_341 : memref<10000x64xf32, #tpu.memory_space<vmem_shared>>)
        %add3A_342 = arith.constant 5 : i32
        %add3A_343 = arith.addi %add3A_133, %add3A_342 : i32
        %add3A_344 = arith.constant 8 : i32
        %add3A_345 = arith.addi %add3A_343, %add3A_344 : i32
        %dma_start3A_346 = arith.constant 0 : i32
        %dma_start3A_347 = tpu.memref_slice %arg7[%add3A_345, %dma_start3A_346] : memref<80x125xi32, #tpu.memory_space<vmem>> -> memref<1x125xi32, #tpu.memory_space<vmem>>
        %dma_start3A_348 = tpu.memref_squeeze %dma_start3A_347 : memref<1x125xi32, #tpu.memory_space<vmem>> -> memref<125xi32, #tpu.memory_space<vmem>>
        %dma_start3A_349 = arith.constant 0 : i32
        %dma_start3A_350 = arith.constant 0 : i32
        %dma_start3A_351 = tpu.memref_slice %arg4[%dma_start3A_349, %dma_start3A_350] : memref<20000x64xf32, #tpu.memory_space<hbm>> -> memref<20000x64xf32, #tpu.memory_space<hbm>>
        tpu.enqueue_indirect_dma source(%dma_start3A_351 : memref<20000x64xf32, #tpu.memory_space<hbm>>) target(%arg14 : memref<125x64xf32, #tpu.memory_space<vmem>>) offsets(%dma_start3A_348 : memref<125xi32, #tpu.memory_space<vmem>>) semaphore(%arg23 : memref<!tpu.dma_semaphore, #tpu.memory_space<semaphore_mem>>)
      } else {
      }
      %add3A_316 = arith.constant 6 : i32
      %add3A_317 = arith.addi %add3A_133, %add3A_316 : i32
      %add3A_318 = arith.constant 8 : i32
      %add3A_319 = arith.addi %add3A_317, %add3A_318 : i32
      %lt3A_320 = arith.constant 80 : i32
      %lt3A_321 = arith.cmpi slt, %add3A_319, %lt3A_320 : i32
      %convert_element_type3A_322 = arith.extui %lt3A_321 : i1 to i32
      %cond3A_323 = arith.constant 0 : i32
      %cond3A_324 = arith.cmpi ne, %convert_element_type3A_322, %cond3A_323 : i32
      scf.if %cond3A_324 {
        %add3A_334 = arith.constant 6 : i32
        %add3A_335 = arith.addi %add3A_133, %add3A_334 : i32
        %dma_wait3A_336 = arith.constant 0 : i32
        %dma_wait3A_337 = tpu.memref_slice %arg8[%add3A_335, %dma_wait3A_336] : memref<80x125xi32, #tpu.memory_space<vmem>> -> memref<1x125xi32, #tpu.memory_space<vmem>>
        %dma_wait3A_338 = tpu.memref_squeeze %dma_wait3A_337 : memref<1x125xi32, #tpu.memory_space<vmem>> -> memref<125xi32, #tpu.memory_space<vmem>>
        %dma_wait3A_339 = arith.constant 0 : i32
        %dma_wait3A_340 = arith.constant 0 : i32
        %dma_wait3A_341 = tpu.memref_slice %arg17[%dma_wait3A_339, %dma_wait3A_340] : memref<10000x64xf32, #tpu.memory_space<vmem_shared>> -> memref<10000x64xf32, #tpu.memory_space<vmem_shared>>
        tpu.wait_indirect_dma semaphore(%arg32 : memref<!tpu.dma_semaphore, #tpu.memory_space<semaphore_mem>>) src(%arg15 : memref<125x64xf32, #tpu.memory_space<vmem>>) dst(%dma_wait3A_341 : memref<10000x64xf32, #tpu.memory_space<vmem_shared>>)
        %add3A_342 = arith.constant 6 : i32
        %add3A_343 = arith.addi %add3A_133, %add3A_342 : i32
        %add3A_344 = arith.constant 8 : i32
        %add3A_345 = arith.addi %add3A_343, %add3A_344 : i32
        %dma_start3A_346 = arith.constant 0 : i32
        %dma_start3A_347 = tpu.memref_slice %arg7[%add3A_345, %dma_start3A_346] : memref<80x125xi32, #tpu.memory_space<vmem>> -> memref<1x125xi32, #tpu.memory_space<vmem>>
        %dma_start3A_348 = tpu.memref_squeeze %dma_start3A_347 : memref<1x125xi32, #tpu.memory_space<vmem>> -> memref<125xi32, #tpu.memory_space<vmem>>
        %dma_start3A_349 = arith.constant 0 : i32
        %dma_start3A_350 = arith.constant 0 : i32
        %dma_start3A_351 = tpu.memref_slice %arg4[%dma_start3A_349, %dma_start3A_350] : memref<20000x64xf32, #tpu.memory_space<hbm>> -> memref<20000x64xf32, #tpu.memory_space<hbm>>
        tpu.enqueue_indirect_dma source(%dma_start3A_351 : memref<20000x64xf32, #tpu.memory_space<hbm>>) target(%arg15 : memref<125x64xf32, #tpu.memory_space<vmem>>) offsets(%dma_start3A_348 : memref<125xi32, #tpu.memory_space<vmem>>) semaphore(%arg24 : memref<!tpu.dma_semaphore, #tpu.memory_space<semaphore_mem>>)
      } else {
      }
      %add3A_325 = arith.constant 7 : i32
      %add3A_326 = arith.addi %add3A_133, %add3A_325 : i32
      %add3A_327 = arith.constant 8 : i32
      %add3A_328 = arith.addi %add3A_326, %add3A_327 : i32
      %lt3A_329 = arith.constant 80 : i32
      %lt3A_330 = arith.cmpi slt, %add3A_328, %lt3A_329 : i32
      %convert_element_type3A_331 = arith.extui %lt3A_330 : i1 to i32
      %cond3A_332 = arith.constant 0 : i32
      %cond3A_333 = arith.cmpi ne, %convert_element_type3A_331, %cond3A_332 : i32
      scf.if %cond3A_333 {
        %add3A_334 = arith.constant 7 : i32
        %add3A_335 = arith.addi %add3A_133, %add3A_334 : i32
        %dma_wait3A_336 = arith.constant 0 : i32
        %dma_wait3A_337 = tpu.memref_slice %arg8[%add3A_335, %dma_wait3A_336] : memref<80x125xi32, #tpu.memory_space<vmem>> -> memref<1x125xi32, #tpu.memory_space<vmem>>
        %dma_wait3A_338 = tpu.memref_squeeze %dma_wait3A_337 : memref<1x125xi32, #tpu.memory_space<vmem>> -> memref<125xi32, #tpu.memory_space<vmem>>
        %dma_wait3A_339 = arith.constant 0 : i32
        %dma_wait3A_340 = arith.constant 0 : i32
        %dma_wait3A_341 = tpu.memref_slice %arg17[%dma_wait3A_339, %dma_wait3A_340] : memref<10000x64xf32, #tpu.memory_space<vmem_shared>> -> memref<10000x64xf32, #tpu.memory_space<vmem_shared>>
        tpu.wait_indirect_dma semaphore(%arg33 : memref<!tpu.dma_semaphore, #tpu.memory_space<semaphore_mem>>) src(%arg16 : memref<125x64xf32, #tpu.memory_space<vmem>>) dst(%dma_wait3A_341 : memref<10000x64xf32, #tpu.memory_space<vmem_shared>>)
        %add3A_342 = arith.constant 7 : i32
        %add3A_343 = arith.addi %add3A_133, %add3A_342 : i32
        %add3A_344 = arith.constant 8 : i32
        %add3A_345 = arith.addi %add3A_343, %add3A_344 : i32
        %dma_start3A_346 = arith.constant 0 : i32
        %dma_start3A_347 = tpu.memref_slice %arg7[%add3A_345, %dma_start3A_346] : memref<80x125xi32, #tpu.memory_space<vmem>> -> memref<1x125xi32, #tpu.memory_space<vmem>>
        %dma_start3A_348 = tpu.memref_squeeze %dma_start3A_347 : memref<1x125xi32, #tpu.memory_space<vmem>> -> memref<125xi32, #tpu.memory_space<vmem>>
        %dma_start3A_349 = arith.constant 0 : i32
        %dma_start3A_350 = arith.constant 0 : i32
        %dma_start3A_351 = tpu.memref_slice %arg4[%dma_start3A_349, %dma_start3A_350] : memref<20000x64xf32, #tpu.memory_space<hbm>> -> memref<20000x64xf32, #tpu.memory_space<hbm>>
        tpu.enqueue_indirect_dma source(%dma_start3A_351 : memref<20000x64xf32, #tpu.memory_space<hbm>>) target(%arg16 : memref<125x64xf32, #tpu.memory_space<vmem>>) offsets(%dma_start3A_348 : memref<125xi32, #tpu.memory_space<vmem>>) semaphore(%arg25 : memref<!tpu.dma_semaphore, #tpu.memory_space<semaphore_mem>>)
      } else {
      }
    }
    %scan3A_67 = arith.constant 10 : i32
    %dma_wait3A = arith.constant 72 : i32
    %dma_wait3A_68 = arith.constant 0 : i32
    %dma_wait3A_69 = tpu.memref_slice %arg8[%dma_wait3A, %dma_wait3A_68] : memref<80x125xi32, #tpu.memory_space<vmem>> -> memref<1x125xi32, #tpu.memory_space<vmem>>
    %dma_wait3A_70 = tpu.memref_squeeze %dma_wait3A_69 : memref<1x125xi32, #tpu.memory_space<vmem>> -> memref<125xi32, #tpu.memory_space<vmem>>
    %dma_wait3A_71 = arith.constant 0 : i32
    %dma_wait3A_72 = arith.constant 0 : i32
    %dma_wait3A_73 = tpu.memref_slice %arg17[%dma_wait3A_71, %dma_wait3A_72] : memref<10000x64xf32, #tpu.memory_space<vmem_shared>> -> memref<10000x64xf32, #tpu.memory_space<vmem_shared>>
    tpu.wait_indirect_dma semaphore(%arg26 : memref<!tpu.dma_semaphore, #tpu.memory_space<semaphore_mem>>) src(%arg9 : memref<125x64xf32, #tpu.memory_space<vmem>>) dst(%dma_wait3A_73 : memref<10000x64xf32, #tpu.memory_space<vmem_shared>>)
    %dma_wait3A_74 = arith.constant 73 : i32
    %dma_wait3A_75 = arith.constant 0 : i32
    %dma_wait3A_76 = tpu.memref_slice %arg8[%dma_wait3A_74, %dma_wait3A_75] : memref<80x125xi32, #tpu.memory_space<vmem>> -> memref<1x125xi32, #tpu.memory_space<vmem>>
    %dma_wait3A_77 = tpu.memref_squeeze %dma_wait3A_76 : memref<1x125xi32, #tpu.memory_space<vmem>> -> memref<125xi32, #tpu.memory_space<vmem>>
    %dma_wait3A_78 = arith.constant 0 : i32
    %dma_wait3A_79 = arith.constant 0 : i32
    %dma_wait3A_80 = tpu.memref_slice %arg17[%dma_wait3A_78, %dma_wait3A_79] : memref<10000x64xf32, #tpu.memory_space<vmem_shared>> -> memref<10000x64xf32, #tpu.memory_space<vmem_shared>>
    tpu.wait_indirect_dma semaphore(%arg27 : memref<!tpu.dma_semaphore, #tpu.memory_space<semaphore_mem>>) src(%arg10 : memref<125x64xf32, #tpu.memory_space<vmem>>) dst(%dma_wait3A_80 : memref<10000x64xf32, #tpu.memory_space<vmem_shared>>)
    %dma_wait3A_81 = arith.constant 74 : i32
    %dma_wait3A_82 = arith.constant 0 : i32
    %dma_wait3A_83 = tpu.memref_slice %arg8[%dma_wait3A_81, %dma_wait3A_82] : memref<80x125xi32, #tpu.memory_space<vmem>> -> memref<1x125xi32, #tpu.memory_space<vmem>>
    %dma_wait3A_84 = tpu.memref_squeeze %dma_wait3A_83 : memref<1x125xi32, #tpu.memory_space<vmem>> -> memref<125xi32, #tpu.memory_space<vmem>>
    %dma_wait3A_85 = arith.constant 0 : i32
    %dma_wait3A_86 = arith.constant 0 : i32
    %dma_wait3A_87 = tpu.memref_slice %arg17[%dma_wait3A_85, %dma_wait3A_86] : memref<10000x64xf32, #tpu.memory_space<vmem_shared>> -> memref<10000x64xf32, #tpu.memory_space<vmem_shared>>
    tpu.wait_indirect_dma semaphore(%arg28 : memref<!tpu.dma_semaphore, #tpu.memory_space<semaphore_mem>>) src(%arg11 : memref<125x64xf32, #tpu.memory_space<vmem>>) dst(%dma_wait3A_87 : memref<10000x64xf32, #tpu.memory_space<vmem_shared>>)
    %dma_wait3A_88 = arith.constant 75 : i32
    %dma_wait3A_89 = arith.constant 0 : i32
    %dma_wait3A_90 = tpu.memref_slice %arg8[%dma_wait3A_88, %dma_wait3A_89] : memref<80x125xi32, #tpu.memory_space<vmem>> -> memref<1x125xi32, #tpu.memory_space<vmem>>
    %dma_wait3A_91 = tpu.memref_squeeze %dma_wait3A_90 : memref<1x125xi32, #tpu.memory_space<vmem>> -> memref<125xi32, #tpu.memory_space<vmem>>
    %dma_wait3A_92 = arith.constant 0 : i32
    %dma_wait3A_93 = arith.constant 0 : i32
    %dma_wait3A_94 = tpu.memref_slice %arg17[%dma_wait3A_92, %dma_wait3A_93] : memref<10000x64xf32, #tpu.memory_space<vmem_shared>> -> memref<10000x64xf32, #tpu.memory_space<vmem_shared>>
    tpu.wait_indirect_dma semaphore(%arg29 : memref<!tpu.dma_semaphore, #tpu.memory_space<semaphore_mem>>) src(%arg12 : memref<125x64xf32, #tpu.memory_space<vmem>>) dst(%dma_wait3A_94 : memref<10000x64xf32, #tpu.memory_space<vmem_shared>>)
    %dma_wait3A_95 = arith.constant 76 : i32
    %dma_wait3A_96 = arith.constant 0 : i32
    %dma_wait3A_97 = tpu.memref_slice %arg8[%dma_wait3A_95, %dma_wait3A_96] : memref<80x125xi32, #tpu.memory_space<vmem>> -> memref<1x125xi32, #tpu.memory_space<vmem>>
    %dma_wait3A_98 = tpu.memref_squeeze %dma_wait3A_97 : memref<1x125xi32, #tpu.memory_space<vmem>> -> memref<125xi32, #tpu.memory_space<vmem>>
    %dma_wait3A_99 = arith.constant 0 : i32
    %dma_wait3A_100 = arith.constant 0 : i32
    %dma_wait3A_101 = tpu.memref_slice %arg17[%dma_wait3A_99, %dma_wait3A_100] : memref<10000x64xf32, #tpu.memory_space<vmem_shared>> -> memref<10000x64xf32, #tpu.memory_space<vmem_shared>>
    tpu.wait_indirect_dma semaphore(%arg30 : memref<!tpu.dma_semaphore, #tpu.memory_space<semaphore_mem>>) src(%arg13 : memref<125x64xf32, #tpu.memory_space<vmem>>) dst(%dma_wait3A_101 : memref<10000x64xf32, #tpu.memory_space<vmem_shared>>)
    %dma_wait3A_102 = arith.constant 77 : i32
    %dma_wait3A_103 = arith.constant 0 : i32
    %dma_wait3A_104 = tpu.memref_slice %arg8[%dma_wait3A_102, %dma_wait3A_103] : memref<80x125xi32, #tpu.memory_space<vmem>> -> memref<1x125xi32, #tpu.memory_space<vmem>>
    %dma_wait3A_105 = tpu.memref_squeeze %dma_wait3A_104 : memref<1x125xi32, #tpu.memory_space<vmem>> -> memref<125xi32, #tpu.memory_space<vmem>>
    %dma_wait3A_106 = arith.constant 0 : i32
    %dma_wait3A_107 = arith.constant 0 : i32
    %dma_wait3A_108 = tpu.memref_slice %arg17[%dma_wait3A_106, %dma_wait3A_107] : memref<10000x64xf32, #tpu.memory_space<vmem_shared>> -> memref<10000x64xf32, #tpu.memory_space<vmem_shared>>
    tpu.wait_indirect_dma semaphore(%arg31 : memref<!tpu.dma_semaphore, #tpu.memory_space<semaphore_mem>>) src(%arg14 : memref<125x64xf32, #tpu.memory_space<vmem>>) dst(%dma_wait3A_108 : memref<10000x64xf32, #tpu.memory_space<vmem_shared>>)
    %dma_wait3A_109 = arith.constant 78 : i32
    %dma_wait3A_110 = arith.constant 0 : i32
    %dma_wait3A_111 = tpu.memref_slice %arg8[%dma_wait3A_109, %dma_wait3A_110] : memref<80x125xi32, #tpu.memory_space<vmem>> -> memref<1x125xi32, #tpu.memory_space<vmem>>
    %dma_wait3A_112 = tpu.memref_squeeze %dma_wait3A_111 : memref<1x125xi32, #tpu.memory_space<vmem>> -> memref<125xi32, #tpu.memory_space<vmem>>
    %dma_wait3A_113 = arith.constant 0 : i32
    %dma_wait3A_114 = arith.constant 0 : i32
    %dma_wait3A_115 = tpu.memref_slice %arg17[%dma_wait3A_113, %dma_wait3A_114] : memref<10000x64xf32, #tpu.memory_space<vmem_shared>> -> memref<10000x64xf32, #tpu.memory_space<vmem_shared>>
    tpu.wait_indirect_dma semaphore(%arg32 : memref<!tpu.dma_semaphore, #tpu.memory_space<semaphore_mem>>) src(%arg15 : memref<125x64xf32, #tpu.memory_space<vmem>>) dst(%dma_wait3A_115 : memref<10000x64xf32, #tpu.memory_space<vmem_shared>>)
    %dma_wait3A_116 = arith.constant 79 : i32
    %dma_wait3A_117 = arith.constant 0 : i32
    %dma_wait3A_118 = tpu.memref_slice %arg8[%dma_wait3A_116, %dma_wait3A_117] : memref<80x125xi32, #tpu.memory_space<vmem>> -> memref<1x125xi32, #tpu.memory_space<vmem>>
    %dma_wait3A_119 = tpu.memref_squeeze %dma_wait3A_118 : memref<1x125xi32, #tpu.memory_space<vmem>> -> memref<125xi32, #tpu.memory_space<vmem>>
    %dma_wait3A_120 = arith.constant 0 : i32
    %dma_wait3A_121 = arith.constant 0 : i32
    %dma_wait3A_122 = tpu.memref_slice %arg17[%dma_wait3A_120, %dma_wait3A_121] : memref<10000x64xf32, #tpu.memory_space<vmem_shared>> -> memref<10000x64xf32, #tpu.memory_space<vmem_shared>>
    tpu.wait_indirect_dma semaphore(%arg33 : memref<!tpu.dma_semaphore, #tpu.memory_space<semaphore_mem>>) src(%arg16 : memref<125x64xf32, #tpu.memory_space<vmem>>) dst(%dma_wait3A_122 : memref<10000x64xf32, #tpu.memory_space<vmem_shared>>)
    %barrier3A_123 = arith.constant 0 : index
    tpu.barrier barrier_id(%barrier3A_123)
    %lt3A_124 = arith.constant 10 : i32
    %lt3A_125 = arith.cmpi slt, %arg1, %lt3A_124 : i32
    %convert_element_type3A_126 = arith.extui %lt3A_125 : i1 to i32
    %cond3A_127 = arith.constant 0 : i32
    %cond3A_128 = arith.cmpi ne, %convert_element_type3A_126, %cond3A_127 : i32
    scf.if %cond3A_128 {
      "tpu.region"() ({
        %run_scoped3A_129 = tpu.sem_alloc : memref<!tpu.dma_semaphore, #tpu.memory_space<semaphore_mem>>
        %dma_start3A_130 = arith.constant 0 : i32
        %dma_start3A_131 = tpu.memref_slice %arg6[%arg0, %mul3A_2, %dma_start3A_130] : memref<2x10000x128xf32, #tpu.memory_space<hbm>> -> memref<1x1000x64xf32, #tpu.memory_space<hbm>>
        %dma_start3A_132 = tpu.memref_squeeze %dma_start3A_131 : memref<1x1000x64xf32, #tpu.memory_space<hbm>> -> memref<1000x64xf32, #tpu.memory_space<hbm>>
        %dma_start3A_133 = arith.constant 0 : i32
        %dma_start3A_134 = tpu.memref_slice %arg17[%mul3A_2, %dma_start3A_133] : memref<10000x64xf32, #tpu.memory_space<vmem_shared>> -> memref<1000x64xf32, #tpu.memory_space<vmem_shared>>
        tpu.enqueue_dma source(%dma_start3A_134 : memref<1000x64xf32, #tpu.memory_space<vmem_shared>>) target(%dma_start3A_132 : memref<1000x64xf32, #tpu.memory_space<hbm>>) target_semaphore(%run_scoped3A_129 : memref<!tpu.dma_semaphore, #tpu.memory_space<semaphore_mem>>)
        %dma_wait3A_135 = arith.constant 0 : i32
        %dma_wait3A_136 = tpu.memref_slice %arg6[%arg0, %mul3A_2, %dma_wait3A_135] : memref<2x10000x128xf32, #tpu.memory_space<hbm>> -> memref<1x1000x64xf32, #tpu.memory_space<hbm>>
        %dma_wait3A_137 = tpu.memref_squeeze %dma_wait3A_136 : memref<1x1000x64xf32, #tpu.memory_space<hbm>> -> memref<1000x64xf32, #tpu.memory_space<hbm>>
        %dma_wait3A_138 = arith.constant 0 : i32
        %dma_wait3A_139 = tpu.memref_slice %arg17[%mul3A_2, %dma_wait3A_138] : memref<10000x64xf32, #tpu.memory_space<vmem_shared>> -> memref<1000x64xf32, #tpu.memory_space<vmem_shared>>
        tpu.wait_dma2 semaphore(%run_scoped3A_129 : memref<!tpu.dma_semaphore, #tpu.memory_space<semaphore_mem>>) src(%dma_wait3A_139 : memref<1000x64xf32, #tpu.memory_space<vmem_shared>>) dst(%dma_wait3A_137 : memref<1000x64xf32, #tpu.memory_space<hbm>>)
        tpu.yield
      }) : () -> ()
    } else {
    }
    return
  }
}

module attributes {stable_mosaic.version = 14 : i64} {
  func.func @_tc_in_body(%arg0: i32, %arg1: memref<2000x128xf32, #tpu.memory_space<vmem>>, %arg2: memref<128x64xf32, #tpu.memory_space<vmem>>, %arg3: memref<2000x2xf32, #tpu.memory_space<vmem>>, %arg4: memref<2000x128xf32, #tpu.memory_space<vmem>>) attributes {dimension_semantics = [#tpu.dimension_semantics<arbitrary>], iteration_bounds = array<i64: 5>, scalar_prefetch = 0 : i64, scratch_operands = 0 : i64, tpu.core_type = #tpu.core_type<tc>, window_params = [{transform_indices = @transform_0, window_bounds = array<i64: 2000, 128>}, {pipeline_mode = #tpu.pipeline_mode<synchronous>, transform_indices = @transform_1, window_bounds = array<i64: 128, 64>}, {transform_indices = @transform_2, window_bounds = array<i64: 2000, 2>}, {transform_indices = @transform_3, window_bounds = array<i64: 2000, 128>}]} {
    %get3A = arith.constant 0 : index
    %get3A_0 = arith.constant 0 : index
    %get3A_1 = vector.load %arg3[%get3A, %get3A_0] : memref<2000x2xf32, #tpu.memory_space<vmem>>, vector<2000x1xf32>
    %add3A = arith.constant 1.000000e+00 : f32
    %add3A_2 = vector.broadcast %add3A : f32 to vector<2000x1xf32>
    %add3A_3 = arith.addf %add3A_2, %get3A_1 : vector<2000x1xf32>
    %get3A_4 = arith.constant 0 : index
    %get3A_5 = arith.constant 1 : index
    %get3A_6 = vector.load %arg3[%get3A_4, %get3A_5] : memref<2000x2xf32, #tpu.memory_space<vmem>>, vector<2000x1xf32>
    %add3A_7 = arith.addf %add3A_3, %get3A_6 : vector<2000x1xf32>
    %rsqrt3A = math.rsqrt %add3A_7 : vector<2000x1xf32>
    %get3A_8 = arith.constant 0 : index
    %get3A_9 = arith.constant 0 : index
    %get3A_10 = vector.load %arg1[%get3A_8, %get3A_9] : memref<2000x128xf32, #tpu.memory_space<vmem>>, vector<2000x128xf32>
    %get3A_11 = arith.constant 0 : index
    %get3A_12 = arith.constant 0 : index
    %get3A_13 = vector.load %arg2[%get3A_11, %get3A_12] : memref<128x64xf32, #tpu.memory_space<vmem>>, vector<128x64xf32>
    %dot_general3A = arith.constant dense<0.000000e+00> : vector<2000x64xf32>
    %dot_general3A_14 = tpu.matmul %get3A_10, %get3A_13, %dot_general3A {dimension_numbers = #tpu.dot_dimension_numbers<[1], [0], [0], [1], [0, 0, 1, 1], [], []>, transpose_lhs_hint = false} : vector<2000x128xf32>, vector<128x64xf32>, vector<2000x64xf32> -> vector<2000x64xf32>
    %mul3A = vector.broadcast %rsqrt3A : vector<2000x1xf32> to vector<2000x64xf32>
    %mul3A_15 = arith.mulf %dot_general3A_14, %mul3A : vector<2000x64xf32>
    %swap3A = arith.constant 0 : index
    %swap3A_16 = arith.constant 0 : index
    %swap3A_17 = vector.load %arg4[%swap3A, %swap3A_16] : memref<2000x128xf32, #tpu.memory_space<vmem>>, vector<2000x64xf32>
    tpu.vector_store %arg4[%swap3A, %swap3A_16], %mul3A_15 {strides = array<i32>} : memref<2000x128xf32, #tpu.memory_space<vmem>>, vector<2000x64xf32>,
    return
  }
  func.func @transform_0(%arg0: i32) -> (i32, i32) {
    %c0_i32 = arith.constant 0 : i32
    %c0_i32_0 = arith.constant 0 : i32
    return %arg0, %c0_i32 : i32, i32
  }
  func.func @transform_1(%arg0: i32) -> (i32, i32) {
    %c0_i32 = arith.constant 0 : i32
    %c0_i32_0 = arith.constant 0 : i32
    %c0_i32_1 = arith.constant 0 : i32
    return %c0_i32, %c0_i32_0 : i32, i32
  }
  func.func @transform_2(%arg0: i32) -> (i32, i32) {
    %c0_i32 = arith.constant 0 : i32
    %c0_i32_0 = arith.constant 0 : i32
    return %arg0, %c0_i32 : i32, i32
  }
  func.func @transform_3(%arg0: i32) -> (i32, i32) {
    %c0_i32 = arith.constant 0 : i32
    %c0_i32_0 = arith.constant 0 : i32
    return %arg0, %c0_i32 : i32, i32
  }
}

module attributes {stable_mosaic.version = 14 : i64} {
  func.func @_tc_mid_body(%arg0: i32, %arg1: memref<2000x128xf32, #tpu.memory_space<vmem>>, %arg2: memref<2x2000x128xf32, #tpu.memory_space<vmem>>, %arg3: memref<2000x2xf32, #tpu.memory_space<vmem>>, %arg4: memref<64x64xf32, #tpu.memory_space<vmem>>, %arg5: memref<64xf32, #tpu.memory_space<vmem>>, %arg6: memref<2000x128xf32, #tpu.memory_space<vmem>>) attributes {dimension_semantics = [#tpu.dimension_semantics<arbitrary>], iteration_bounds = array<i64: 5>, scalar_prefetch = 0 : i64, scratch_operands = 0 : i64, tpu.core_type = #tpu.core_type<tc>, window_params = [{transform_indices = @transform_0, window_bounds = array<i64: 2000, 128>}, {transform_indices = @transform_1, window_bounds = array<i64: 2, 2000, 128>}, {transform_indices = @transform_2, window_bounds = array<i64: 2000, 2>}, {pipeline_mode = #tpu.pipeline_mode<synchronous>, transform_indices = @transform_3, window_bounds = array<i64: 64, 64>}, {pipeline_mode = #tpu.pipeline_mode<synchronous>, transform_indices = @transform_4, window_bounds = array<i64: 64>}, {transform_indices = @transform_5, window_bounds = array<i64: 2000, 128>}]} {
    %get3A = arith.constant 0 : index
    %get3A_0 = arith.constant 0 : index
    %get3A_1 = vector.load %arg3[%get3A, %get3A_0] : memref<2000x2xf32, #tpu.memory_space<vmem>>, vector<2000x1xf32>
    %add3A = arith.constant 1.000000e+00 : f32
    %add3A_2 = vector.broadcast %add3A : f32 to vector<2000x1xf32>
    %add3A_3 = arith.addf %add3A_2, %get3A_1 : vector<2000x1xf32>
    %get3A_4 = arith.constant 0 : index
    %get3A_5 = arith.constant 1 : index
    %get3A_6 = vector.load %arg3[%get3A_4, %get3A_5] : memref<2000x2xf32, #tpu.memory_space<vmem>>, vector<2000x1xf32>
    %add3A_7 = arith.addf %add3A_3, %get3A_6 : vector<2000x1xf32>
    %rsqrt3A = math.rsqrt %add3A_7 : vector<2000x1xf32>
    %get3A_8 = arith.constant 0 : index
    %get3A_9 = arith.constant 0 : index
    %get3A_10 = vector.load %arg1[%get3A_8, %get3A_9] : memref<2000x128xf32, #tpu.memory_space<vmem>>, vector<2000x64xf32>
    %get3A_11 = arith.constant 0 : index
    %get3A_12 = arith.constant 0 : index
    %get3A_13 = arith.constant 0 : index
    %get3A_14 = vector.load %arg2[%get3A_11, %get3A_12, %get3A_13] : memref<2x2000x128xf32, #tpu.memory_space<vmem>>, vector<1x2000x64xf32>
    %get3A_15 = vector.shape_cast %get3A_14 : vector<1x2000x64xf32> to vector<2000x64xf32>
    %add3A_16 = arith.addf %get3A_10, %get3A_15 : vector<2000x64xf32>
    %get3A_17 = arith.constant 1 : index
    %get3A_18 = arith.constant 0 : index
    %get3A_19 = arith.constant 0 : index
    %get3A_20 = vector.load %arg2[%get3A_17, %get3A_18, %get3A_19] : memref<2x2000x128xf32, #tpu.memory_space<vmem>>, vector<1x2000x64xf32>
    %get3A_21 = vector.shape_cast %get3A_20 : vector<1x2000x64xf32> to vector<2000x64xf32>
    %add3A_22 = arith.addf %add3A_16, %get3A_21 : vector<2000x64xf32>
    %mul3A = vector.broadcast %rsqrt3A : vector<2000x1xf32> to vector<2000x64xf32>
    %mul3A_23 = arith.mulf %add3A_22, %mul3A : vector<2000x64xf32>
    %get3A_24 = arith.constant 0 : index
    %get3A_25 = vector.load %arg5[%get3A_24] : memref<64xf32, #tpu.memory_space<vmem>>, vector<64xf32>
    %broadcast_in_dim3A = vector.shape_cast %get3A_25 : vector<64xf32> to vector<1x64xf32>
    %add3A_26 = vector.broadcast %broadcast_in_dim3A : vector<1x64xf32> to vector<2000x64xf32>
    %add3A_27 = arith.addf %mul3A_23, %add3A_26 : vector<2000x64xf32>
    %max3A = arith.constant 0.000000e+00 : f32
    %max3A_28 = vector.broadcast %max3A : f32 to vector<2000x64xf32>
    %max3A_29 = arith.maximumf %add3A_27, %max3A_28 : vector<2000x64xf32>
    %get3A_30 = arith.constant 0 : index
    %get3A_31 = arith.constant 0 : index
    %get3A_32 = vector.load %arg4[%get3A_30, %get3A_31] : memref<64x64xf32, #tpu.memory_space<vmem>>, vector<64x64xf32>
    %dot_general3A = arith.constant dense<0.000000e+00> : vector<2000x64xf32>
    %dot_general3A_33 = tpu.matmul %max3A_29, %get3A_32, %dot_general3A {dimension_numbers = #tpu.dot_dimension_numbers<[1], [0], [0], [1], [0, 0, 1, 1], [], []>, transpose_lhs_hint = false} : vector<2000x64xf32>, vector<64x64xf32>, vector<2000x64xf32> -> vector<2000x64xf32>
    %mul3A_34 = vector.broadcast %rsqrt3A : vector<2000x1xf32> to vector<2000x64xf32>
    %mul3A_35 = arith.mulf %dot_general3A_33, %mul3A_34 : vector<2000x64xf32>
    %swap3A = arith.constant 0 : index
    %swap3A_36 = arith.constant 0 : index
    %swap3A_37 = vector.load %arg6[%swap3A, %swap3A_36] : memref<2000x128xf32, #tpu.memory_space<vmem>>, vector<2000x64xf32>
    tpu.vector_store %arg6[%swap3A, %swap3A_36], %mul3A_35 {strides = array<i32>} : memref<2000x128xf32, #tpu.memory_space<vmem>>, vector<2000x64xf32>,
    return
  }
  func.func @transform_0(%arg0: i32) -> (i32, i32) {
    %c0_i32 = arith.constant 0 : i32
    %c0_i32_0 = arith.constant 0 : i32
    return %arg0, %c0_i32 : i32, i32
  }
  func.func @transform_1(%arg0: i32) -> (i32, i32, i32) {
    %c0_i32 = arith.constant 0 : i32
    %c0_i32_0 = arith.constant 0 : i32
    %c0_i32_1 = arith.constant 0 : i32
    return %c0_i32, %arg0, %c0_i32_0 : i32, i32, i32
  }
  func.func @transform_2(%arg0: i32) -> (i32, i32) {
    %c0_i32 = arith.constant 0 : i32
    %c0_i32_0 = arith.constant 0 : i32
    return %arg0, %c0_i32 : i32, i32
  }
  func.func @transform_3(%arg0: i32) -> (i32, i32) {
    %c0_i32 = arith.constant 0 : i32
    %c0_i32_0 = arith.constant 0 : i32
    %c0_i32_1 = arith.constant 0 : i32
    return %c0_i32, %c0_i32_0 : i32, i32
  }
  func.func @transform_4(%arg0: i32) -> i32 {
    %c0_i32 = arith.constant 0 : i32
    %c0_i32_0 = arith.constant 0 : i32
    return %c0_i32 : i32
  }
  func.func @transform_5(%arg0: i32) -> (i32, i32) {
    %c0_i32 = arith.constant 0 : i32
    %c0_i32_0 = arith.constant 0 : i32
    return %arg0, %c0_i32 : i32, i32
  }
}

module attributes {stable_mosaic.version = 14 : i64} {
  func.func @_tc_head_body(%arg0: i32, %arg1: memref<2000x128xf32, #tpu.memory_space<vmem>>, %arg2: memref<2x2000x128xf32, #tpu.memory_space<vmem>>, %arg3: memref<2000x2xf32, #tpu.memory_space<vmem>>, %arg4: memref<64xf32, #tpu.memory_space<vmem>>, %arg5: memref<1x1x2000xi32, #tpu.memory_space<vmem>>, %arg6: memref<64x32xf32, #tpu.memory_space<vmem>>, %arg7: memref<64x64xf32, #tpu.memory_space<vmem>>, %arg8: memref<32x64xf32, #tpu.memory_space<vmem>>, %arg9: memref<64xf32, #tpu.memory_space<vmem>>, %arg10: memref<64x1xf32, #tpu.memory_space<vmem>>, %arg11: memref<1x1xf32, #tpu.memory_space<vmem>>, %arg12: memref<64x1xf32, #tpu.memory_space<vmem>>, %arg13: memref<64x64xf32, #tpu.memory_space<vmem>>, %arg14: memref<64x1xf32, #tpu.memory_space<vmem>>) attributes {dimension_semantics = [#tpu.dimension_semantics<arbitrary>], iteration_bounds = array<i64: 5>, scalar_prefetch = 0 : i64, scratch_operands = 2 : i64, tpu.core_type = #tpu.core_type<tc>, window_params = [{transform_indices = @transform_0, window_bounds = array<i64: 2000, 128>}, {transform_indices = @transform_1, window_bounds = array<i64: 2, 2000, 128>}, {transform_indices = @transform_2, window_bounds = array<i64: 2000, 2>}, {pipeline_mode = #tpu.pipeline_mode<synchronous>, transform_indices = @transform_3, window_bounds = array<i64: 64>}, {transform_indices = @transform_4, window_bounds = array<i64: 1, 1, 2000>}, {pipeline_mode = #tpu.pipeline_mode<synchronous>, transform_indices = @transform_5, window_bounds = array<i64: 64, 32>}, {pipeline_mode = #tpu.pipeline_mode<synchronous>, transform_indices = @transform_6, window_bounds = array<i64: 64, 64>}, {pipeline_mode = #tpu.pipeline_mode<synchronous>, transform_indices = @transform_7, window_bounds = array<i64: 32, 64>}, {pipeline_mode = #tpu.pipeline_mode<synchronous>, transform_indices = @transform_8, window_bounds = array<i64: 64>}, {pipeline_mode = #tpu.pipeline_mode<synchronous>, transform_indices = @transform_9, window_bounds = array<i64: 64, 1>}, {pipeline_mode = #tpu.pipeline_mode<synchronous>, transform_indices = @transform_10, window_bounds = array<i64: 1, 1>}, {pipeline_mode = #tpu.pipeline_mode<synchronous>, transform_indices = @transform_11, window_bounds = array<i64: 64, 1>}]} {
    %eq3A = arith.constant 0 : i32
    %eq3A_0 = arith.cmpi eq, %arg0, %eq3A : i32
    %convert_element_type3A = arith.extui %eq3A_0 : i1 to i32
    %cond3A = arith.constant 0 : i32
    %cond3A_1 = arith.cmpi ne, %convert_element_type3A, %cond3A : i32
    scf.if %cond3A_1 {
      %broadcast_in_dim3A_64 = arith.constant 0.000000e+00 : f32
      %broadcast_in_dim3A_65 = vector.broadcast %broadcast_in_dim3A_64 : f32 to vector<64x64xf32>
      %swap3A_66 = arith.constant 0 : index
      %swap3A_67 = arith.constant 0 : index
      %swap3A_68 = vector.load %arg13[%swap3A_66, %swap3A_67] : memref<64x64xf32, #tpu.memory_space<vmem>>, vector<64x64xf32>
      tpu.vector_store %arg13[%swap3A_66, %swap3A_67], %broadcast_in_dim3A_65 {strides = array<i32>} : memref<64x64xf32, #tpu.memory_space<vmem>>, vector<64x64xf32>,
      %broadcast_in_dim3A_69 = arith.constant 0.000000e+00 : f32
      %broadcast_in_dim3A_70 = vector.broadcast %broadcast_in_dim3A_69 : f32 to vector<64x1xf32>
      %swap3A_71 = arith.constant 0 : index
      %swap3A_72 = arith.constant 0 : index
      %swap3A_73 = vector.load %arg14[%swap3A_71, %swap3A_72] : memref<64x1xf32, #tpu.memory_space<vmem>>, vector<64x1xf32>
      tpu.vector_store %arg14[%swap3A_71, %swap3A_72], %broadcast_in_dim3A_70 {strides = array<i32>} : memref<64x1xf32, #tpu.memory_space<vmem>>, vector<64x1xf32>,
    } else {
    }
    %get3A = arith.constant 0 : index
    %get3A_2 = arith.constant 0 : index
    %get3A_3 = vector.load %arg3[%get3A, %get3A_2] : memref<2000x2xf32, #tpu.memory_space<vmem>>, vector<2000x1xf32>
    %add3A = arith.constant 1.000000e+00 : f32
    %add3A_4 = vector.broadcast %add3A : f32 to vector<2000x1xf32>
    %add3A_5 = arith.addf %add3A_4, %get3A_3 : vector<2000x1xf32>
    %get3A_6 = arith.constant 0 : index
    %get3A_7 = arith.constant 1 : index
    %get3A_8 = vector.load %arg3[%get3A_6, %get3A_7] : memref<2000x2xf32, #tpu.memory_space<vmem>>, vector<2000x1xf32>
    %add3A_9 = arith.addf %add3A_5, %get3A_8 : vector<2000x1xf32>
    %rsqrt3A = math.rsqrt %add3A_9 : vector<2000x1xf32>
    %get3A_10 = arith.constant 0 : index
    %get3A_11 = arith.constant 0 : index
    %get3A_12 = vector.load %arg1[%get3A_10, %get3A_11] : memref<2000x128xf32, #tpu.memory_space<vmem>>, vector<2000x64xf32>
    %get3A_13 = arith.constant 0 : index
    %get3A_14 = arith.constant 0 : index
    %get3A_15 = arith.constant 0 : index
    %get3A_16 = vector.load %arg2[%get3A_13, %get3A_14, %get3A_15] : memref<2x2000x128xf32, #tpu.memory_space<vmem>>, vector<1x2000x64xf32>
    %get3A_17 = vector.shape_cast %get3A_16 : vector<1x2000x64xf32> to vector<2000x64xf32>
    %add3A_18 = arith.addf %get3A_12, %get3A_17 : vector<2000x64xf32>
    %get3A_19 = arith.constant 1 : index
    %get3A_20 = arith.constant 0 : index
    %get3A_21 = arith.constant 0 : index
    %get3A_22 = vector.load %arg2[%get3A_19, %get3A_20, %get3A_21] : memref<2x2000x128xf32, #tpu.memory_space<vmem>>, vector<1x2000x64xf32>
    %get3A_23 = vector.shape_cast %get3A_22 : vector<1x2000x64xf32> to vector<2000x64xf32>
    %add3A_24 = arith.addf %add3A_18, %get3A_23 : vector<2000x64xf32>
    %mul3A = vector.broadcast %rsqrt3A : vector<2000x1xf32> to vector<2000x64xf32>
    %mul3A_25 = arith.mulf %add3A_24, %mul3A : vector<2000x64xf32>
    %get3A_26 = arith.constant 0 : index
    %get3A_27 = vector.load %arg4[%get3A_26] : memref<64xf32, #tpu.memory_space<vmem>>, vector<64xf32>
    %broadcast_in_dim3A = vector.shape_cast %get3A_27 : vector<64xf32> to vector<1x64xf32>
    %add3A_28 = vector.broadcast %broadcast_in_dim3A : vector<1x64xf32> to vector<2000x64xf32>
    %add3A_29 = arith.addf %mul3A_25, %add3A_28 : vector<2000x64xf32>
    %max3A = arith.constant 0.000000e+00 : f32
    %max3A_30 = vector.broadcast %max3A : f32 to vector<2000x64xf32>
    %max3A_31 = arith.maximumf %add3A_29, %max3A_30 : vector<2000x64xf32>
    %get3A_32 = arith.constant 0 : index
    %get3A_33 = arith.constant 0 : index
    %get3A_34 = arith.constant 0 : index
    %get3A_35 = vector.load %arg5[%get3A_32, %get3A_33, %get3A_34] : memref<1x1x2000xi32, #tpu.memory_space<vmem>>, vector<1x1x2000xi32>
    %get3A_36 = vector.shape_cast %get3A_35 : vector<1x1x2000xi32> to vector<2000xi32>
    %iota3A = tpu.iota {dimensions = array<i32: 0>} : vector<64x2000xi32>
    %broadcast_in_dim3A_37 = vector.shape_cast %get3A_36 : vector<2000xi32> to vector<1x2000xi32>
    %broadcast_in_dim3A_38 = vector.shape_cast %broadcast_in_dim3A_37 : vector<1x2000xi32> to vector<1x2000xi32>
    %broadcast_in_dim3A_39 = vector.broadcast %broadcast_in_dim3A_38 : vector<1x2000xi32> to vector<64x2000xi32>
    %eq3A_40 = arith.cmpi eq, %iota3A, %broadcast_in_dim3A_39 : vector<64x2000xi32>
    %convert_element_type3A_41 = arith.extui %eq3A_40 : vector<64x2000xi1> to vector<64x2000xi32>
    %convert_element_type3A_42 = arith.sitofp %convert_element_type3A_41 : vector<64x2000xi32> to vector<64x2000xf32>
    %get3A_43 = arith.constant 0 : index
    %get3A_44 = arith.constant 0 : index
    %get3A_45 = vector.load %arg13[%get3A_43, %get3A_44] : memref<64x64xf32, #tpu.memory_space<vmem>>, vector<64x64xf32>
    %dot_general3A = arith.constant dense<0.000000e+00> : vector<64x64xf32>
    %dot_general3A_46 = tpu.matmul %convert_element_type3A_42, %max3A_31, %dot_general3A {dimension_numbers = #tpu.dot_dimension_numbers<[1], [0], [0], [1], [0, 0, 1, 1], [], []>, transpose_lhs_hint = false} : vector<64x2000xf32>, vector<2000x64xf32>, vector<64x64xf32> -> vector<64x64xf32>
    %add3A_47 = arith.addf %get3A_45, %dot_general3A_46 : vector<64x64xf32>
    %swap3A = arith.constant 0 : index
    %swap3A_48 = arith.constant 0 : index
    %swap3A_49 = vector.load %arg13[%swap3A, %swap3A_48] : memref<64x64xf32, #tpu.memory_space<vmem>>, vector<64x64xf32>
    tpu.vector_store %arg13[%swap3A, %swap3A_48], %add3A_47 {strides = array<i32>} : memref<64x64xf32, #tpu.memory_space<vmem>>, vector<64x64xf32>,
    %get3A_50 = arith.constant 0 : index
    %get3A_51 = arith.constant 0 : index
    %get3A_52 = vector.load %arg14[%get3A_50, %get3A_51] : memref<64x1xf32, #tpu.memory_space<vmem>>, vector<64x1xf32>
    %reduce_sum3A = arith.constant dense<0.000000e+00> : vector<64xf32>
    %reduce_sum3A_53 = vector.multi_reduction <add>, %convert_element_type3A_42, %reduce_sum3A [1] : vector<64x2000xf32> to vector<64xf32>
    %broadcast_in_dim3A_54 = vector.shape_cast %reduce_sum3A_53 : vector<64xf32> to vector<64x1xf32>
    %add3A_55 = arith.addf %get3A_52, %broadcast_in_dim3A_54 : vector<64x1xf32>
    %swap3A_56 = arith.constant 0 : index
    %swap3A_57 = arith.constant 0 : index
    %swap3A_58 = vector.load %arg14[%swap3A_56, %swap3A_57] : memref<64x1xf32, #tpu.memory_space<vmem>>, vector<64x1xf32>
    tpu.vector_store %arg14[%swap3A_56, %swap3A_57], %add3A_55 {strides = array<i32>} : memref<64x1xf32, #tpu.memory_space<vmem>>, vector<64x1xf32>,
    %eq3A_59 = arith.constant 4 : i32
    %eq3A_60 = arith.cmpi eq, %arg0, %eq3A_59 : i32
    %convert_element_type3A_61 = arith.extui %eq3A_60 : i1 to i32
    %cond3A_62 = arith.constant 0 : i32
    %cond3A_63 = arith.cmpi ne, %convert_element_type3A_61, %cond3A_62 : i32
    scf.if %cond3A_63 {
      %get3A_64 = arith.constant 0 : index
      %get3A_65 = arith.constant 0 : index
      %get3A_66 = vector.load %arg13[%get3A_64, %get3A_65] : memref<64x64xf32, #tpu.memory_space<vmem>>, vector<64x64xf32>
      %get3A_67 = arith.constant 0 : index
      %get3A_68 = arith.constant 0 : index
      %get3A_69 = vector.load %arg14[%get3A_67, %get3A_68] : memref<64x1xf32, #tpu.memory_space<vmem>>, vector<64x1xf32>
      %max3A_70 = arith.constant 1.000000e+00 : f32
      %max3A_71 = vector.broadcast %max3A_70 : f32 to vector<64x1xf32>
      %max3A_72 = arith.maximumf %get3A_69, %max3A_71 : vector<64x1xf32>
      %div3A = vector.broadcast %max3A_72 : vector<64x1xf32> to vector<64x64xf32>
      %div3A_73 = arith.divf %get3A_66, %div3A : vector<64x64xf32>
      %get3A_74 = arith.constant 0 : index
      %get3A_75 = arith.constant 0 : index
      %get3A_76 = vector.load %arg7[%get3A_74, %get3A_75] : memref<64x64xf32, #tpu.memory_space<vmem>>, vector<64x64xf32>
      %dot_general3A_77 = arith.constant dense<0.000000e+00> : vector<64x64xf32>
      %dot_general3A_78 = tpu.matmul %div3A_73, %get3A_76, %dot_general3A_77 {dimension_numbers = #tpu.dot_dimension_numbers<[1], [0], [0], [1], [0, 0, 1, 1], [], []>, transpose_lhs_hint = false} : vector<64x64xf32>, vector<64x64xf32>, vector<64x64xf32> -> vector<64x64xf32>
      %get3A_79 = arith.constant 0 : index
      %get3A_80 = arith.constant 0 : index
      %get3A_81 = vector.load %arg6[%get3A_79, %get3A_80] : memref<64x32xf32, #tpu.memory_space<vmem>>, vector<64x32xf32>
      %get3A_82 = arith.constant 0 : index
      %get3A_83 = arith.constant 0 : index
      %get3A_84 = vector.load %arg8[%get3A_82, %get3A_83] : memref<32x64xf32, #tpu.memory_space<vmem>>, vector<32x64xf32>
      %dot_general3A_85 = arith.constant dense<0.000000e+00> : vector<64x64xf32>
      %dot_general3A_86 = tpu.matmul %get3A_81, %get3A_84, %dot_general3A_85 {dimension_numbers = #tpu.dot_dimension_numbers<[1], [0], [0], [1], [0, 0, 1, 1], [], []>, transpose_lhs_hint = false} : vector<64x32xf32>, vector<32x64xf32>, vector<64x64xf32> -> vector<64x64xf32>
      %add3A_87 = arith.addf %dot_general3A_78, %dot_general3A_86 : vector<64x64xf32>
      %get3A_88 = arith.constant 0 : index
      %get3A_89 = vector.load %arg9[%get3A_88] : memref<64xf32, #tpu.memory_space<vmem>>, vector<64xf32>
      %broadcast_in_dim3A_90 = vector.shape_cast %get3A_89 : vector<64xf32> to vector<1x64xf32>
      %add3A_91 = vector.broadcast %broadcast_in_dim3A_90 : vector<1x64xf32> to vector<64x64xf32>
      %add3A_92 = arith.addf %add3A_87, %add3A_91 : vector<64x64xf32>
      %max3A_93 = arith.constant 0.000000e+00 : f32
      %max3A_94 = vector.broadcast %max3A_93 : f32 to vector<64x64xf32>
      %max3A_95 = arith.maximumf %add3A_92, %max3A_94 : vector<64x64xf32>
      %get3A_96 = arith.constant 0 : index
      %get3A_97 = arith.constant 0 : index
      %get3A_98 = vector.load %arg10[%get3A_96, %get3A_97] : memref<64x1xf32, #tpu.memory_space<vmem>>, vector<64x1xf32>
      %dot_general3A_99 = arith.constant dense<0.000000e+00> : vector<64x1xf32>
      %dot_general3A_100 = tpu.matmul %max3A_95, %get3A_98, %dot_general3A_99 {dimension_numbers = #tpu.dot_dimension_numbers<[1], [0], [0], [1], [0, 0, 1, 1], [], []>, transpose_lhs_hint = false} : vector<64x64xf32>, vector<64x1xf32>, vector<64x1xf32> -> vector<64x1xf32>
      %get3A_101 = arith.constant 0 : index
      %get3A_102 = arith.constant 0 : index
      %get3A_103 = vector.load %arg11[%get3A_101, %get3A_102] : memref<1x1xf32, #tpu.memory_space<vmem>>, vector<1x1xf32>
      %add3A_104 = vector.broadcast %get3A_103 : vector<1x1xf32> to vector<64x1xf32>
      %add3A_105 = arith.addf %dot_general3A_100, %add3A_104 : vector<64x1xf32>
      %swap3A_106 = arith.constant 0 : index
      %swap3A_107 = arith.constant 0 : index
      %swap3A_108 = vector.load %arg12[%swap3A_106, %swap3A_107] : memref<64x1xf32, #tpu.memory_space<vmem>>, vector<64x1xf32>
      tpu.vector_store %arg12[%swap3A_106, %swap3A_107], %add3A_105 {strides = array<i32>} : memref<64x1xf32, #tpu.memory_space<vmem>>, vector<64x1xf32>,
    } else {
    }
    return
  }
  func.func @transform_0(%arg0: i32) -> (i32, i32) {
    %c0_i32 = arith.constant 0 : i32
    %c0_i32_0 = arith.constant 0 : i32
    return %arg0, %c0_i32 : i32, i32
  }
  func.func @transform_1(%arg0: i32) -> (i32, i32, i32) {
    %c0_i32 = arith.constant 0 : i32
    %c0_i32_0 = arith.constant 0 : i32
    %c0_i32_1 = arith.constant 0 : i32
    return %c0_i32, %arg0, %c0_i32_0 : i32, i32, i32
  }
  func.func @transform_2(%arg0: i32) -> (i32, i32) {
    %c0_i32 = arith.constant 0 : i32
    %c0_i32_0 = arith.constant 0 : i32
    return %arg0, %c0_i32 : i32, i32
  }
  func.func @transform_3(%arg0: i32) -> i32 {
    %c0_i32 = arith.constant 0 : i32
    %c0_i32_0 = arith.constant 0 : i32
    return %c0_i32 : i32
  }
  func.func @transform_4(%arg0: i32) -> (i32, i32, i32) {
    %c0_i32 = arith.constant 0 : i32
    %c0_i32_0 = arith.constant 0 : i32
    %c0_i32_1 = arith.constant 0 : i32
    return %arg0, %c0_i32, %c0_i32_0 : i32, i32, i32
  }
  func.func @transform_5(%arg0: i32) -> (i32, i32) {
    %c0_i32 = arith.constant 0 : i32
    %c0_i32_0 = arith.constant 0 : i32
    %c0_i32_1 = arith.constant 0 : i32
    return %c0_i32, %c0_i32_0 : i32, i32
  }
  func.func @transform_6(%arg0: i32) -> (i32, i32) {
    %c0_i32 = arith.constant 0 : i32
    %c0_i32_0 = arith.constant 0 : i32
    %c0_i32_1 = arith.constant 0 : i32
    return %c0_i32, %c0_i32_0 : i32, i32
  }
  func.func @transform_7(%arg0: i32) -> (i32, i32) {
    %c0_i32 = arith.constant 0 : i32
    %c0_i32_0 = arith.constant 0 : i32
    %c0_i32_1 = arith.constant 0 : i32
    return %c0_i32, %c0_i32_0 : i32, i32
  }
  func.func @transform_8(%arg0: i32) -> i32 {
    %c0_i32 = arith.constant 0 : i32
    %c0_i32_0 = arith.constant 0 : i32
    return %c0_i32 : i32
  }
  func.func @transform_9(%arg0: i32) -> (i32, i32) {
    %c0_i32 = arith.constant 0 : i32
    %c0_i32_0 = arith.constant 0 : i32
    %c0_i32_1 = arith.constant 0 : i32
    return %c0_i32, %c0_i32_0 : i32, i32
  }
  func.func @transform_10(%arg0: i32) -> (i32, i32) {
    %c0_i32 = arith.constant 0 : i32
    %c0_i32_0 = arith.constant 0 : i32
    %c0_i32_1 = arith.constant 0 : i32
    return %c0_i32, %c0_i32_0 : i32, i32
  }
  func.func @transform_11(%arg0: i32) -> (i32, i32) {
    %c0_i32 = arith.constant 0 : i32
    %c0_i32_0 = arith.constant 0 : i32
    %c0_i32_1 = arith.constant 0 : i32
    return %c0_i32, %c0_i32_0 : i32, i32
  }
}

</mosaic_0001>

<sc_bundles>
// kernel: kernel.10.cloned.1.call-start
scs
__scs_entry_jumppad:
0x0: {  	(pc) =	sbr.rel $0x88, $3  }
0x1: {  	(tag) =	ssettag $0x0;
	lr =	simm.s32 $0x1  }
0x2: {  	[smem:$0x3F93] =	sst lr;
	_ =	strace $0xD0000000  }
0x3: {  	_ = 	snop  }
0x4: {  	_ = 	snop  }
0x5: {  	_ = 	snop  }
0x6: {  	_ = 	snop  }
0x7: {  	_ = 	snop  }
__scs_overlays_trampoline_lowered:
0x8: {  	[smem:$0x3FA2] =	sst s0  }
0x9: {  	[smem:$0x3FA3] =	sst s1  }
0xa: {  	[smem:$0x3FA4] =	sst s2  }
0xb: {  	[smem:$0x3FA5] =	sst s3  }
0xc: {  	[smem:$0x3FA6] =	sst s4  }
0xd: {  	[smem:$0x3FA7] =	sst s5  }
0xe: {  	[smem:$0x3FA8] =	sst s6  }
0xf: {  	[smem:$0x3FA9] =	sst s7  }
0x10: {  	[smem:$0x3FAA] =	sst s8  }
0x11: {  	[smem:$0x3FAB] =	sst s9;
	s0 =	simm.s32 @!p0 $0x0  }
0x12: {  	s1 =	sld [smem:$0x3F91];
	s0 =	simm.s32 @p0 $0x1  }
0x13: {  	[smem:$0x3FAC] =	sst s0;
	s0 =	simm.s32 @!p1 $0x0  }
0x14: {  	s2 =	sld [smem:$0x3F90];
	s0 =	simm.s32 @p1 $0x1  }
0x15: {  	[smem:$0x3FAD] =	sst s0;
	s0 =	simm.s32 @!p2 $0x0  }
0x16: {  	s3 =	sld [smem:$0x3FDB];
	s0 =	simm.s32 @p2 $0x1  }
0x17: {  	s4 =	simm.s32 $0x1BF5;
	[smem:$0x3FAF] =	sst s0  }
0x18: {  	s0 =	sld [smem:$0x3F92];
	_ =	swait.ge [sflag:s4], $0x0  }
0x19: {  	s7 =	sld [smem:$0x3F93]  }
0x1a: {  	s8 =	sadd.s32 $0xFFFFE003, lr  }
0x1b: {  	s9 =	sadd.s32 $0xFFFFFEF7, lr;
	s5 =	simm.s32 $0xFFFFFFFF;
	p2 =	slt.u32 s8, $0xFFFFF086  }
0x1c: {  	p1 =	slt.u32 s9, $0xF7A;
	s5 =	simm.s32 @!p2 $0x0  }
0x1d: {  	s5 =	simm.s32 @p1 $0x1;
	p0 =	seq.s32 s7, s2  }
0x1e: {  	s7 =	smul.u32 @!p0 $0xF7A, s2;
	p2 =	seq.s32 @!p0 s5, $0x0  }
0x1f: {  	s9 =	smul.u32 $0xF7A, s1;
	s8 =	simm.s32 @!p0 $0x1BF5;
	p2 =	por !p2, p0  }
0x20: {  	[sflag:s8] =	ssyncset.s32 @!p0 $0xFFFFF086;
	s6 =	sadd.s32 @!p0 s3, s7;
	s7 =	simm.s32 @!p0 $0x108  }
0x21: {  	s3 =	sadd.s32 s3, s9;
	s6 =	sadd.s32 @!p0 $0x88, s6;
	s7 =	simm.s32 @p2 $0x1082  }
0x22: {  	[simem:s7], [sflag:s8] =	dma.local @!p0 [hbm:s6], $0xF7A  }
0x23: {  	s9 =	sor.u32 $0xD0000000, s2;
	s6 =	simm.s32 $0x108;
	_ =	swait.ge @!p0 [sflag:s8], $0x0  }
0x24: {  	s3 =	sadd.s32 $0x88, s3;
	s6 =	simm.s32 @!p1 $0x1082;
	[sflag:s4] =	ssyncset.s32 $0xFFFFF086  }
0x25: {  	[simem:s6], [sflag:s4] =	dma.local [hbm:s3], $0xF7A  }
0x26: {  	[smem:$0x3F93] =	sst s1;
	(tag) =	ssettag s2;
	_ =	strace s9  }
0x27: {  	s1 =	sld [smem:$0x3FA3]  }
0x28: {  	s2 =	sld [smem:$0x3FA4]  }
0x29: {  	s4 =	sld [smem:$0x3FA6]  }
0x2a: {  	p0 =	seq.s32 s5, $0x0;
	s5 =	sld [smem:$0x3FA7]  }
0x2b: {  	s6 =	sld [smem:$0x3FA8]  }
0x2c: {  	s7 =	sld [smem:$0x3FA9]  }
0x2d: {  	s3 =	simm.s32 $0x108;
	s8 =	sld [smem:$0x3FAA]  }
0x2e: {  	s3 =	simm.s32 @!p0 $0x1082;
	s9 =	sld [smem:$0x3FAB]  }
0x2f: {  	lr =	sadd.s32 s0, s3;
	s0 =	sld [smem:$0x3FA2]  }
0x30: {  	s3 =	sld [smem:$0x3FA5]  }
0x31: {  	[smem:$0x3FAE] =	sst s10  }
0x32: {  	s10 =	sld [smem:$0x3FAC];
	_ =	sdelay $0x3  }
0x33: {  	p0 =	seq.s32 s10, $0x1;
	s10 =	sld [smem:$0x3FAE];
	_ =	sdelay $0x3  }
0x34: {  	[smem:$0x3FAE] =	sst s10  }
0x35: {  	s10 =	sld [smem:$0x3FAD];
	_ =	sdelay $0x3  }
0x36: {  	p1 =	seq.s32 s10, $0x1;
	s10 =	sld [smem:$0x3FAE];
	_ =	sdelay $0x3  }
0x37: {  	[smem:$0x3FAE] =	sst s10  }
0x38: {  	s10 =	sld [smem:$0x3FAF]  }
0x39: {  	_ = 	snop;
	(pc) =	sbr.ind lr, $3  }
0x3a: {  	_ = 	snop  }
0x3b: {  	_ = 	snop  }
0x3c: {  	p2 =	seq.s32 s10, $0x1;
	s10 =	sld [smem:$0x3FAE]  }
0x3d: {  	_ =	shalt  }
0x3e: {  	_ =	shalt  }
0x3f: {  	_ =	shalt  }
0x40: {  	_ =	shalt  }
0x41: {  	_ =	shalt  }
0x42: {  	_ =	shalt  }
0x43: {  	_ =	shalt  }
0x44: {  	_ =	shalt  }
0x45: {  	_ =	shalt  }
0x46: {  	_ =	shalt  }
0x47: {  	_ =	shalt  }
0x48: {  	_ =	shalt  }
0x49: {  	_ =	shalt  }
0x4a: {  	_ =	shalt  }
0x4b: {  	_ =	shalt  }
0x4c: {  	_ =	shalt  }
0x4d: {  	_ =	shalt  }
0x4e: {  	_ =	shalt  }
0x4f: {  	_ =	shalt  }
0x50: {  	_ =	shalt  }
0x51: {  	_ =	shalt  }
0x52: {  	_ =	shalt  }
0x53: {  	_ =	shalt  }
0x54: {  	_ =	shalt  }
0x55: {  	_ =	shalt  }
0x56: {  	_ =	shalt  }
0x57: {  	_ =	shalt  }
0x58: {  	_ =	shalt  }
0x59: {  	_ =	shalt  }
0x5a: {  	_ =	shalt  }
0x5b: {  	_ =	shalt  }
0x5c: {  	_ =	shalt  }
0x5d: {  	_ =	shalt  }
0x5e: {  	_ =	shalt  }
0x5f: {  	_ =	shalt  }
0x60: {  	_ =	shalt  }
0x61: {  	_ =	shalt  }
0x62: {  	_ =	shalt  }
0x63: {  	_ =	shalt  }
0x64: {  	_ =	shalt  }
0x65: {  	_ =	shalt  }
0x66: {  	_ =	shalt  }
0x67: {  	_ =	shalt  }
0x68: {  	_ =	shalt  }
0x69: {  	_ =	shalt  }
0x6a: {  	_ =	shalt  }
0x6b: {  	_ =	shalt  }
0x6c: {  	_ =	shalt  }
0x6d: {  	_ =	shalt  }
0x6e: {  	_ =	shalt  }
0x6f: {  	_ =	shalt  }
0x70: {  	_ =	shalt  }
0x71: {  	_ =	shalt  }
0x72: {  	_ =	shalt  }
0x73: {  	_ =	shalt  }
0x74: {  	_ =	shalt  }
0x75: {  	_ =	shalt  }
0x76: {  	_ =	shalt  }
0x77: {  	_ =	shalt  }
0x78: {  	_ =	shalt  }
0x79: {  	_ =	shalt  }
0x7a: {  	_ =	shalt  }
0x7b: {  	_ =	shalt  }
0x7c: {  	_ =	shalt  }
0x7d: {  	_ =	shalt  }
0x7e: {  	_ =	shalt  }
0x7f: {  	_ =	shalt  }
0x80: {  	_ =	shalt  }
0x81: {  	_ =	shalt  }
0x82: {  	_ =	shalt  }
0x83: {  	_ =	shalt  }
0x84: {  	_ =	shalt  }
0x85: {  	_ =	shalt  }
0x86: {  	_ =	shalt  }
0x87: {  	_ =	shalt  }
.Lfunc_end0:
.L_simem_size_0:
called_computation_lowered:
.L_overlay_start_0:
0x88: {  	s2 =	sld [smem:$0x3FD9]  }
0x89: {  	s3 =	sld [smem:$0x3FFE];
	_ =	sdelay $0x1  }
0x8a: {  	s1 =	srdreg.scid  }
0x8b: {  	s0 =	sand.u32 $0x1, s1  }
0x8c: {  	s16 =	sshll.u32 s0, $0xA;
	s2 =	sadd.s32 s3, s2  }
0x8d: {  	s2 =	sadd.s32 s2, s16  }
0x8e: {  	[smem:$0x3FBA] =	sst s2  }
0x8f: {  	_ = 	snop  }
0x90: {  	(tm) =	ssettm $0x1  }
0x91: {  	s17 =	sld [smem:$0x3FFB];
	_ =	sdelay $0x3  }
0x92: {  	_ =	strace s17  }
0x93: {  	s2 =	sld [smem:$0x3FFC];
	_ =	sdelay $0x3  }
0x94: {  	_ =	strace s2  }
0x95: {  	s2 =	sld [smem:$0x3FFD];
	_ =	sdelay $0x3  }
0x96: {  	_ =	strace s2  }
0x97: {  	_ =	strace $0x8FFFFFFF  }
0x98: {  	s18 =	sld [smem:$0x3FDB];
	_ =	sdelay $0x1  }
0x99: {  	s19 =	simm.s32 $_scs_section_size  }
0x9a: {  	s4 =	simm.s32 $_size__tile_overlayer_lowered;
	s5 =	simm.s32 $_tile_overlayer_lowered  }
0x9b: {  	s22 =	simm.s32 $0x1BFF;
	s21 =	sshll.u32 s5, $0x1;
	s2 =	sadd.s32 s19, s18  }
0x9c: {  	s6 =	simm.s32 $0x0;
	s20 =	sshll.u32 s4, $0x1;
	s4 =	sadd.s32 s21, s2  }
0x9d: {  	[timem:s6], [sflag:s22] =	dma.local [hbm:s4], s20  }
0x9e: {  	_ =	swait.ge [sflag:s22], s20  }
0x9f: {  	s3 =	ssub.s32 $0x0, s20;
	[sflag:s22] =	ssyncset.done $0x0  }
0xa0: {  	[sflag:s22] =	ssyncadd.s32 s3;
	_ =	sdelay $0x1  }
0xa1: {  	s23 =	simm.s32 $0x1B8B  }
0xa2: {  	_ =	swait.ge [sflag:s23], $0x1  }
0xa3: {  	[sflag:s23] =	ssyncset.done $0x0  }
0xa4: {  	s25 =	simm.s32 $0x1B8E;
	s24 =	sld [smem:$0x3FFE];
	[sflag:s23] =	ssyncadd.s32 $0xFFFFFFFF  }
0xa5: {  	s26 =	simm.s32 $execute0_lowered;
	[smem:$0x3FD2] =	sst s25  }
0xa6: {  	s4 =	sshll.u32 s26, $0x1;
	_ =	strace $0x80000046;
	[dreg:$0x1] =	wrdreg $0xFFFFFFFF  }
0xa7: {  	s28 =	simm.s32 $_size_execute0_lowered;
	s2 =	sadd.s32 s2, s4;
	[dreg:$0x0] =	wrdreg $0x0  }
0xa8: {  	s4 =	sshll.u32 s28, $0x1;
	[dreg:$0x2] =	wrdreg s2  }
0xa9: {  	[dreg:$0x3] =	wrdreg s4  }
0xaa: {  	[dreg:$0x4] =	wrdreg $0xC0  }
0xab: {  	_ =	task [dreg:s6], $0x5FFFF  }
0xac: {  	[dreg:$0x1] =	wrdreg $0xFFFFFFFF  }
0xad: {  	[dreg:$0x0] =	wrdreg $0x60  }
0xae: {  	[dreg:$0x2] =	wrdreg s24  }
0xaf: {  	[dreg:$0x3] =	wrdreg $0x2BE80  }
0xb0: {  	[dreg:$0x4] =	wrdreg $0x9  }
0xb1: {  	_ =	task.clear_ibuf [dreg:s6], $0x5FFFF;
	_ =	strace $0x90000046  }
0xb2: {  	s29 =	simm.s32 $0x9;
	_ =	strace $0x80000048  }
0xb3: {  	_ =	swait.ge [sflag:s29], $0x1  }
0xb4: {  	[sflag:s29] =	ssyncadd.s32 $0xFFFFFFFF  }
0xb5: {  	_ =	strace $0x90000048  }
0xb6: {  	_ =	sfence  }
0xb7: {  	s30 =	sld [smem:$0x0];
	_ =	sdelay $0x2  }
0xb8: {  	s31 =	sshll.u32 s1, $0xD;
	s1 =	sshrl.u32 s1, $0x2  }
0xb9: {  	s3 =	sand.u32 $0x4000, s31;
	s1 =	sadd.s32 s1, s30  }
0xba: {  	s0 =	sor.u32 s3, s0;
	s1 =	sshll.u32 s1, $0x11  }
0xbb: {  	s0 =	sor.u32 s1, s0  }
0xbc: {  	s0 =	sadd.s32 $0x8F2B, s0  }
0xbd: {  	[sflag:s0] =	ssyncadd.remote.s32 $0x1  }
0xbe: {  	_ =	sfence.sel $0xFFFF  }
0xbf: {  	[dreg:$0x0] =	wrdreg $0xFFFFFFFF;
	(pc) =	sbr.abs _section_cstart, $3  }
0xc0: {  	[dreg:$0x1] =	wrdreg $0xFFFFFFFF  }
0xc1: {  	_ =	task.clear_ibuf [dreg:s6], $0x2FFFF;
	_ =	strace $0x9FFFFFFF  }
0xc2: {  	(tm) =	ssettm $0x7FFFFFFF  }
0xc3: {  	_ =	shalt  }
tec
execute0_lowered:
.L_overlay_start_1:
0x0: {  	(tag) =	ssettag $0x1  }
0x1: {  	s6 =	rddreg [dreg:$0x0]  }
0x2: {  	s1 =	rddreg [dreg:$0x1]  }
0x3: {  	s0 =	rddreg [dreg:$0x2]  }
0x4: {  	s3 =	simm.s32 $0x0;
	s4 =	srdreg.scid;
	s2 =	stileid.u32  }
0x5: {  	s14 =	simm.s32 $0x0;
	[smem:$0x7FF] =	sst s3;
	s7 =	sand.u32 $0x1, s4  }
0x6: {  	s4 =	sadd.s32 $0x17800, s6;
	s8 =	smul.u32 $0x3E8, s2;
	s5 =	sadd.s32 $0x17400, s6  }
0x7: {  	s11 =	smul.u32 $0x7D00, s2;
	s12 =	sadd.s32 $0xD400, s6;
	p0 =	sgt.u32 s2, $0x9  }
0x8: {  	_ =	strace $0x80000047;
	s9 =	ssub.s32 $0x2, s7;
	s30 =	sshll.u32 s7, $0x4  }
0x9: {  	s7 =	smul.u32 $0x2710, s7;
	s10 =	sshrl.u32 s9, $0x1;
	s8 =	sadd.s32 s8, s6  }
0xa: {  	s11 =	sshrl.u32 s11, $0x2;
	s9 =	ssub.s32 s9, s10;
	s10 =	sor.u32 s2, s30  }
0xb: {  	s11 =	sadd.s32 s11, s1;
	s31 =	sadd.s32 s7, s8;
	s8 =	sshll.u32 @!p0 s2, $0x6  }
0xc: {  	s13 =	smul.u32 $0x500, s10;
	s6 =	sadd.s32 $0x17A00, s31;
	s7 =	smax.u32 s9, $0x1  }
0xd: {  	s8 =	sor.u32 @!p0 $0x1C01, s8;
	s9 =	sshrl.u32 @!p0 s11, $0x3;
	s10 =	simm.s32 $0x2800  }
0xe: {  	s11 =	simm.s32 $0x1;
	s12 =	sadd.s32 s13, s12;
	s13 =	simm.s32 $0x7D  }
.LBB2_1:
0xf: {  	[spmem:s9], [sflag:s8] =	dma.local @!p0 [hbm:s5], $0x3E8  }
0x10: {  	s15 =	simm.s32 @!p0 $0x1  }
0x11: {  	_ =	swait.ge @!p0 [sflag:s15], $0x3E8  }
0x12: {  	[sflag:s15] =	ssyncset.done @!p0 $0x0  }
0x13: {  	[sflag:s15] =	ssyncadd.s32 @!p0 $0xFFFFFC18  }
0x14: {  	[tilespmem:s10], [sflag:$0x1] =	stream.linear.gather [hbm4b:s4+s3], $0x3E8, $0x38;
	[tilespmem:$0x3F70] =	vst v63  }
0x15: {  	_ =	swait.ge [sflag:s11], $0x3E8  }
0x16: {  	[sflag:s11] =	ssyncset.done $0x0  }
0x17: {  	[sflag:s11] =	ssyncadd.s32 $0xFFFFFC18  }
0x18: {  	[tilespmem:s3], [sflag:$0x1] =	stream.linear.gather [hbm4b:s12+s3], $0x2800, $0x38;
	[tilespmem:$0x3F70] =	vst v63  }
0x19: {  	_ =	swait.ge [sflag:s11], $0x2800  }
0x1a: {  	[sflag:s11] =	ssyncset.done $0x0  }
0x1b: {  	[sflag:s11] =	ssyncadd.s32 $0xFFFFD800  }
0x1c: {  	s31 =	simm.s32 $0x0;
	[bflag:$0x0] =	sbarrier.arrive $0xFFFF  }
0x1d: {  	[spmem:s1] =	stream.indirect.scatter.add.f32 [tilespmem:s10], [sflag:$0x1], $0x8, s31, s13, $0xb8;
	[tilespmem:$0x3F70] =	vst v63  }
0x1e: {  	_ =	swait.ge [sflag:s11], $0x3E8  }
0x1f: {  	s15 =	simm.s32 $0x200;
	[sflag:s11] =	ssyncset.done $0x0  }
.LBB2_2:
0x20: {  	s16 =	sshra.s32 s15, $0x2;
	[sflag:s11] =	ssyncadd.s32 $0xFFFFFC18;
	p1 =	sne.s32 s15, $0x9E00  }
0x21: {  	[spmem:s1] =	stream.indirect.scatter.add.f32 [tilespmem:s10], [sflag:$0x1], $0x8, s16, s13, $0xb8;
	[tilespmem:$0x3F70] =	vst v63  }
.Ltmp0:
0x22: {  	_ = 	snop;
	(pc) =	sbr.rel @p1 .LBB2_2-.Ltmp0, $4  }
0x23: {  	_ = 	snop  }
0x24: {  	s15 =	sadd.s32 $0x200, s15  }
0x25: {  	_ =	swait.ge [sflag:s11], $0x3E8  }
0x26: {  	[sflag:s11] =	ssyncset.done $0x0  }
0x27: {  	s14 =	sadd.s32 $0x1, s14  }
0x28: {  	[sflag:s11] =	ssyncadd.s32 $0xFFFFFC18;
	p1 =	sne.s32 s14, s7  }
.Ltmp1:
0x29: {  	s15 =	simm.s32 @!p0 $0x1;
	[bflag:$0x0] =	sbarrier.arrive $0xFFFF;
	(pc) =	sbr.rel @p1 .LBB2_1-.Ltmp1, $4  }
0x2a: {  	[hbm:s6], [sflag:s8] =	dma.local @!p0 [spmem:s9], $0x3E8  }
0x2b: {  	_ =	swait.ge @!p0 [sflag:s15], $0x3E8  }
0x2c: {  	[sflag:s15] =	ssyncset.done @!p0 $0x0  }
0x2d: {  	[sflag:s15] =	ssyncadd.s32 @!p0 $0xFFFFFC18  }
0x2e: {  	_ =	sfence.sel $0x180000  }
0x2f: {  	[bflag:$0x0] =	sbarrier.arrive $0xFFFF  }
0x30: {  	p0 =	sne.s32 s2, $0x0;
	_ =	strace $0x90000047  }
0x31: {  	s0 =	sadd.s32 @!p0 $0x100000, s0;
	[bflag:$0x2] =	sbarrier.arrive $0xFFFF  }
0x32: {  	[sflag:s0] =	ssyncadd.tile.s32 @!p0 $0x1;
	_ =	shalt  }
.Lfunc_end2:
_tile_overlayer_lowered:
.L_overlay_start_2:
0x33: {  	(tag) =	ssettag $0x2  }
0x34: {  	s0 =	rddreg [dreg:$0x0];
	s2 =	stileid.u32  }
0x35: {  	s1 =	rddreg [dreg:$0x1];
	p0 =	sne.s32 s2, $0x0  }
0x36: {  	s3 =	rddreg [dreg:$0x2];
	[bflag:$0x3] =	sbarrier.arrive $0xFFFF;
	s2 =	simm.s32 @!p0 $0x1C01  }
0x37: {  	[timem:s3], [sflag:s2] =	dma.local @!p0 [hbm:s0], s1  }
0x38: {  	s0 =	simm.s32 @!p0 $0x1  }
0x39: {  	_ =	swait.ge @!p0 [sflag:s0], s1  }
0x3a: {  	s1 =	ssub.s32 @!p0 $0x0, s1;
	[sflag:s0] =	ssyncset.done @!p0 $0x0  }
0x3b: {  	[sflag:s0] =	ssyncadd.s32 @!p0 s1  }
0x3c: {  	[bflag:$0x3] =	sbarrier.arrive $0xFFFF  }
0x3d: {  	_ =	shalt  }

// kernel: kernel.13.cloned.1.call-start
scs
__scs_entry_jumppad:
0x0: {  	(pc) =	sbr.rel $0x88, $3  }
0x1: {  	(tag) =	ssettag $0x0;
	lr =	simm.s32 $0x1  }
0x2: {  	[smem:$0x3F93] =	sst lr;
	_ =	strace $0xD0000000  }
0x3: {  	_ = 	snop  }
0x4: {  	_ = 	snop  }
0x5: {  	_ = 	snop  }
0x6: {  	_ = 	snop  }
0x7: {  	_ = 	snop  }
__scs_overlays_trampoline_lowered:
0x8: {  	[smem:$0x3FA2] =	sst s0  }
0x9: {  	[smem:$0x3FA3] =	sst s1  }
0xa: {  	[smem:$0x3FA4] =	sst s2  }
0xb: {  	[smem:$0x3FA5] =	sst s3  }
0xc: {  	[smem:$0x3FA6] =	sst s4  }
0xd: {  	[smem:$0x3FA7] =	sst s5  }
0xe: {  	[smem:$0x3FA8] =	sst s6  }
0xf: {  	[smem:$0x3FA9] =	sst s7  }
0x10: {  	[smem:$0x3FAA] =	sst s8  }
0x11: {  	[smem:$0x3FAB] =	sst s9;
	s0 =	simm.s32 @!p0 $0x0  }
0x12: {  	s1 =	sld [smem:$0x3F91];
	s0 =	simm.s32 @p0 $0x1  }
0x13: {  	[smem:$0x3FAC] =	sst s0;
	s0 =	simm.s32 @!p1 $0x0  }
0x14: {  	s2 =	sld [smem:$0x3F90];
	s0 =	simm.s32 @p1 $0x1  }
0x15: {  	[smem:$0x3FAD] =	sst s0;
	s0 =	simm.s32 @!p2 $0x0  }
0x16: {  	s3 =	sld [smem:$0x3FDB];
	s0 =	simm.s32 @p2 $0x1  }
0x17: {  	s4 =	simm.s32 $0x1BF5;
	[smem:$0x3FAF] =	sst s0  }
0x18: {  	s0 =	sld [smem:$0x3F92];
	_ =	swait.ge [sflag:s4], $0x0  }
0x19: {  	s7 =	sld [smem:$0x3F93]  }
0x1a: {  	s8 =	sadd.s32 $0xFFFFE003, lr  }
0x1b: {  	s9 =	sadd.s32 $0xFFFFFEF7, lr;
	s5 =	simm.s32 $0xFFFFFFFF;
	p2 =	slt.u32 s8, $0xFFFFF086  }
0x1c: {  	p1 =	slt.u32 s9, $0xF7A;
	s5 =	simm.s32 @!p2 $0x0  }
0x1d: {  	s5 =	simm.s32 @p1 $0x1;
	p0 =	seq.s32 s7, s2  }
0x1e: {  	s7 =	smul.u32 @!p0 $0xF7A, s2;
	p2 =	seq.s32 @!p0 s5, $0x0  }
0x1f: {  	s9 =	smul.u32 $0xF7A, s1;
	s8 =	simm.s32 @!p0 $0x1BF5;
	p2 =	por !p2, p0  }
0x20: {  	[sflag:s8] =	ssyncset.s32 @!p0 $0xFFFFF086;
	s6 =	sadd.s32 @!p0 s3, s7;
	s7 =	simm.s32 @!p0 $0x108  }
0x21: {  	s3 =	sadd.s32 s3, s9;
	s6 =	sadd.s32 @!p0 $0x88, s6;
	s7 =	simm.s32 @p2 $0x1082  }
0x22: {  	[simem:s7], [sflag:s8] =	dma.local @!p0 [hbm:s6], $0xF7A  }
0x23: {  	s9 =	sor.u32 $0xD0000000, s2;
	s6 =	simm.s32 $0x108;
	_ =	swait.ge @!p0 [sflag:s8], $0x0  }
0x24: {  	s3 =	sadd.s32 $0x88, s3;
	s6 =	simm.s32 @!p1 $0x1082;
	[sflag:s4] =	ssyncset.s32 $0xFFFFF086  }
0x25: {  	[simem:s6], [sflag:s4] =	dma.local [hbm:s3], $0xF7A  }
0x26: {  	[smem:$0x3F93] =	sst s1;
	(tag) =	ssettag s2;
	_ =	strace s9  }
0x27: {  	s1 =	sld [smem:$0x3FA3]  }
0x28: {  	s2 =	sld [smem:$0x3FA4]  }
0x29: {  	s4 =	sld [smem:$0x3FA6]  }
0x2a: {  	p0 =	seq.s32 s5, $0x0;
	s5 =	sld [smem:$0x3FA7]  }
0x2b: {  	s6 =	sld [smem:$0x3FA8]  }
0x2c: {  	s7 =	sld [smem:$0x3FA9]  }
0x2d: {  	s3 =	simm.s32 $0x108;
	s8 =	sld [smem:$0x3FAA]  }
0x2e: {  	s3 =	simm.s32 @!p0 $0x1082;
	s9 =	sld [smem:$0x3FAB]  }
0x2f: {  	lr =	sadd.s32 s0, s3;
	s0 =	sld [smem:$0x3FA2]  }
0x30: {  	s3 =	sld [smem:$0x3FA5]  }
0x31: {  	[smem:$0x3FAE] =	sst s10  }
0x32: {  	s10 =	sld [smem:$0x3FAC];
	_ =	sdelay $0x3  }
0x33: {  	p0 =	seq.s32 s10, $0x1;
	s10 =	sld [smem:$0x3FAE];
	_ =	sdelay $0x3  }
0x34: {  	[smem:$0x3FAE] =	sst s10  }
0x35: {  	s10 =	sld [smem:$0x3FAD];
	_ =	sdelay $0x3  }
0x36: {  	p1 =	seq.s32 s10, $0x1;
	s10 =	sld [smem:$0x3FAE];
	_ =	sdelay $0x3  }
0x37: {  	[smem:$0x3FAE] =	sst s10  }
0x38: {  	s10 =	sld [smem:$0x3FAF]  }
0x39: {  	_ = 	snop;
	(pc) =	sbr.ind lr, $3  }
0x3a: {  	_ = 	snop  }
0x3b: {  	_ = 	snop  }
0x3c: {  	p2 =	seq.s32 s10, $0x1;
	s10 =	sld [smem:$0x3FAE]  }
0x3d: {  	_ =	shalt  }
0x3e: {  	_ =	shalt  }
0x3f: {  	_ =	shalt  }
0x40: {  	_ =	shalt  }
0x41: {  	_ =	shalt  }
0x42: {  	_ =	shalt  }
0x43: {  	_ =	shalt  }
0x44: {  	_ =	shalt  }
0x45: {  	_ =	shalt  }
0x46: {  	_ =	shalt  }
0x47: {  	_ =	shalt  }
0x48: {  	_ =	shalt  }
0x49: {  	_ =	shalt  }
0x4a: {  	_ =	shalt  }
0x4b: {  	_ =	shalt  }
0x4c: {  	_ =	shalt  }
0x4d: {  	_ =	shalt  }
0x4e: {  	_ =	shalt  }
0x4f: {  	_ =	shalt  }
0x50: {  	_ =	shalt  }
0x51: {  	_ =	shalt  }
0x52: {  	_ =	shalt  }
0x53: {  	_ =	shalt  }
0x54: {  	_ =	shalt  }
0x55: {  	_ =	shalt  }
0x56: {  	_ =	shalt  }
0x57: {  	_ =	shalt  }
0x58: {  	_ =	shalt  }
0x59: {  	_ =	shalt  }
0x5a: {  	_ =	shalt  }
0x5b: {  	_ =	shalt  }
0x5c: {  	_ =	shalt  }
0x5d: {  	_ =	shalt  }
0x5e: {  	_ =	shalt  }
0x5f: {  	_ =	shalt  }
0x60: {  	_ =	shalt  }
0x61: {  	_ =	shalt  }
0x62: {  	_ =	shalt  }
0x63: {  	_ =	shalt  }
0x64: {  	_ =	shalt  }
0x65: {  	_ =	shalt  }
0x66: {  	_ =	shalt  }
0x67: {  	_ =	shalt  }
0x68: {  	_ =	shalt  }
0x69: {  	_ =	shalt  }
0x6a: {  	_ =	shalt  }
0x6b: {  	_ =	shalt  }
0x6c: {  	_ =	shalt  }
0x6d: {  	_ =	shalt  }
0x6e: {  	_ =	shalt  }
0x6f: {  	_ =	shalt  }
0x70: {  	_ =	shalt  }
0x71: {  	_ =	shalt  }
0x72: {  	_ =	shalt  }
0x73: {  	_ =	shalt  }
0x74: {  	_ =	shalt  }
0x75: {  	_ =	shalt  }
0x76: {  	_ =	shalt  }
0x77: {  	_ =	shalt  }
0x78: {  	_ =	shalt  }
0x79: {  	_ =	shalt  }
0x7a: {  	_ =	shalt  }
0x7b: {  	_ =	shalt  }
0x7c: {  	_ =	shalt  }
0x7d: {  	_ =	shalt  }
0x7e: {  	_ =	shalt  }
0x7f: {  	_ =	shalt  }
0x80: {  	_ =	shalt  }
0x81: {  	_ =	shalt  }
0x82: {  	_ =	shalt  }
0x83: {  	_ =	shalt  }
0x84: {  	_ =	shalt  }
0x85: {  	_ =	shalt  }
0x86: {  	_ =	shalt  }
0x87: {  	_ =	shalt  }
.Lfunc_end0:
.L_simem_size_0:
called_computation.1_lowered:
.L_overlay_start_0:
0x88: {  	s2 =	sld [smem:$0x3FD9]  }
0x89: {  	s3 =	sld [smem:$0x3FFE];
	_ =	sdelay $0x1  }
0x8a: {  	s1 =	srdreg.scid  }
0x8b: {  	s0 =	sand.u32 $0x1, s1  }
0x8c: {  	s16 =	sshll.u32 s0, $0xA;
	s2 =	sadd.s32 s3, s2  }
0x8d: {  	s2 =	sadd.s32 s2, s16  }
0x8e: {  	[smem:$0x3FBA] =	sst s2  }
0x8f: {  	_ = 	snop  }
0x90: {  	(tm) =	ssettm $0x1  }
0x91: {  	s17 =	sld [smem:$0x3FFB];
	_ =	sdelay $0x3  }
0x92: {  	_ =	strace s17  }
0x93: {  	s2 =	sld [smem:$0x3FFC];
	_ =	sdelay $0x3  }
0x94: {  	_ =	strace s2  }
0x95: {  	s2 =	sld [smem:$0x3FFD];
	_ =	sdelay $0x3  }
0x96: {  	_ =	strace s2  }
0x97: {  	_ =	strace $0x8FFFFFFF  }
0x98: {  	s18 =	sld [smem:$0x3FDB];
	_ =	sdelay $0x1  }
0x99: {  	s19 =	simm.s32 $_scs_section_size  }
0x9a: {  	s4 =	simm.s32 $_size__tile_overlayer_lowered;
	s5 =	simm.s32 $_tile_overlayer_lowered  }
0x9b: {  	s22 =	simm.s32 $0x1BFF;
	s21 =	sshll.u32 s5, $0x1;
	s2 =	sadd.s32 s19, s18  }
0x9c: {  	s6 =	simm.s32 $0x0;
	s20 =	sshll.u32 s4, $0x1;
	s4 =	sadd.s32 s21, s2  }
0x9d: {  	[timem:s6], [sflag:s22] =	dma.local [hbm:s4], s20  }
0x9e: {  	_ =	swait.ge [sflag:s22], s20  }
0x9f: {  	s3 =	ssub.s32 $0x0, s20;
	[sflag:s22] =	ssyncset.done $0x0  }
0xa0: {  	[sflag:s22] =	ssyncadd.s32 s3;
	_ =	sdelay $0x1  }
0xa1: {  	s23 =	simm.s32 $0x1B8B  }
0xa2: {  	_ =	swait.ge [sflag:s23], $0x1  }
0xa3: {  	[sflag:s23] =	ssyncset.done $0x0  }
0xa4: {  	s25 =	simm.s32 $0x1B8E;
	s24 =	sld [smem:$0x3FFE];
	[sflag:s23] =	ssyncadd.s32 $0xFFFFFFFF  }
0xa5: {  	s26 =	simm.s32 $execute0_lowered;
	[smem:$0x3FD2] =	sst s25  }
0xa6: {  	s4 =	sshll.u32 s26, $0x1;
	_ =	strace $0x80000049;
	[dreg:$0x1] =	wrdreg $0xFFFFFFFF  }
0xa7: {  	s28 =	simm.s32 $_size_execute0_lowered;
	s2 =	sadd.s32 s2, s4;
	[dreg:$0x0] =	wrdreg $0x0  }
0xa8: {  	s4 =	sshll.u32 s28, $0x1;
	[dreg:$0x2] =	wrdreg s2  }
0xa9: {  	[dreg:$0x3] =	wrdreg s4  }
0xaa: {  	[dreg:$0x4] =	wrdreg $0xC0  }
0xab: {  	_ =	task [dreg:s6], $0x5FFFF  }
0xac: {  	[dreg:$0x1] =	wrdreg $0xFFFFFFFF  }
0xad: {  	[dreg:$0x0] =	wrdreg $0x60  }
0xae: {  	[dreg:$0x2] =	wrdreg s24  }
0xaf: {  	[dreg:$0x3] =	wrdreg $0x14A000  }
0xb0: {  	[dreg:$0x4] =	wrdreg $0x9  }
0xb1: {  	_ =	task.clear_ibuf [dreg:s6], $0x5FFFF;
	_ =	strace $0x90000049  }
0xb2: {  	s29 =	simm.s32 $0x9;
	_ =	strace $0x8000004B  }
0xb3: {  	_ =	swait.ge [sflag:s29], $0x1  }
0xb4: {  	[sflag:s29] =	ssyncadd.s32 $0xFFFFFFFF  }
0xb5: {  	_ =	strace $0x9000004B  }
0xb6: {  	_ =	sfence  }
0xb7: {  	s30 =	sld [smem:$0x0];
	_ =	sdelay $0x2  }
0xb8: {  	s31 =	sshll.u32 s1, $0xD;
	s1 =	sshrl.u32 s1, $0x2  }
0xb9: {  	s3 =	sand.u32 $0x4000, s31;
	s1 =	sadd.s32 s1, s30  }
0xba: {  	s0 =	sor.u32 s3, s0;
	s1 =	sshll.u32 s1, $0x11  }
0xbb: {  	s0 =	sor.u32 s1, s0  }
0xbc: {  	s0 =	sadd.s32 $0x8F2B, s0  }
0xbd: {  	[sflag:s0] =	ssyncadd.remote.s32 $0x1  }
0xbe: {  	_ =	sfence.sel $0xFFFF  }
0xbf: {  	[dreg:$0x0] =	wrdreg $0xFFFFFFFF;
	(pc) =	sbr.abs _section_cstart, $3  }
0xc0: {  	[dreg:$0x1] =	wrdreg $0xFFFFFFFF  }
0xc1: {  	_ =	task.clear_ibuf [dreg:s6], $0x2FFFF;
	_ =	strace $0x9FFFFFFF  }
0xc2: {  	(tm) =	ssettm $0x7FFFFFFF  }
0xc3: {  	_ =	shalt  }
tec
execute0_lowered:
.L_overlay_start_1:
0x0: {  	(tag) =	ssettag $0x1  }
0x1: {  	s0 =	srdreg.scid;
	s3 =	rddreg [dreg:$0x0]  }
0x2: {  	s9 =	stileid.u32;
	s2 =	rddreg [dreg:$0x1];
	s4 =	simm.s32 $0x0  }
0x3: {  	s14 =	simm.s32 $0x7D;
	s15 =	simm.s32 $0x5000;
	s17 =	simm.s32 $0x6F40  }
0x4: {  	s19 =	simm.s32 $0x8E80;
	s21 =	simm.s32 $0xADC0;
	s23 =	simm.s32 $0xCD00  }
0x5: {  	s28 =	simm.s32 $0x10B80;
	s30 =	simm.s32 $0x12AC0;
	s31 =	simm.s32 $0x1  }
0x6: {  	s13 =	simm.s32 $0x4;
	s16 =	simm.s32 $0x5;
	s18 =	simm.s32 $0x6  }
0x7: {  	s20 =	simm.s32 $0x7;
	s22 =	simm.s32 $0x8;
	s24 =	simm.s32 $0x9  }
0x8: {  	s29 =	simm.s32 $0xB;
	s12 =	simm.s32 $0x10;
	s0 =	sand.u32 $0x1, s0  }
0x9: {  	[smem:$0x7FF] =	sst s4;
	s6 =	smul.u32 $0x1F400, s9;
	s4 =	sadd.s32 $0x26A00, s3  }
0xa: {  	s25 =	smul.u32 $0x3E800, s9;
	s8 =	sadd.s32 $0x17400, s3;
	p0 =	sgt.u32 s9, $0x9  }
0xb: {  	s1 =	sshll.u32 s0, $0x4;
	s5 =	smul.u32 $0x138800, s0;
	_ =	strace $0x8000004A  }
0xc: {  	[dreg:$0x3] =	wrdreg s8;
	s0 =	ssub.s32 $0x2, s0;
	s1 =	sor.u32 s9, s1  }
0xd: {  	s26 =	sshrl.u32 s0, $0x1;
	s1 =	smul.u32 $0x500, s1;
	s5 =	sadd.s32 s6, s5  }
0xe: {  	s6 =	sshrl.u32 s25, $0x2;
	s0 =	ssub.s32 s0, s26;
	s25 =	simm.s32 $0xEC40  }
0xf: {  	s26 =	simm.s32 $0xA;
	s5 =	sshrl.u32 s5, $0x3;
	s6 =	sadd.s32 s6, s2  }
0x10: {  	s0 =	smax.u32 s0, $0x1;
	s7 =	sadd.s32 s1, s3;
	s5 =	sadd.s32 s5, s3  }
0x11: {  	s3 =	sadd.s32 $0xD400, s3;
	[dreg:$0x6] =	wrdreg s0;
	s11 =	sshrl.u32 @!p0 s6, $0x3  }
0x12: {  	s0 =	simm.s32 $0x3;
	s7 =	sadd.s32 $0x1CA00, s7;
	[dreg:$0x8] =	wrdreg s11  }
0x13: {  	s6 =	simm.s32 $0xD;
	s5 =	sadd.s32 $0x4DC00, s5;
	[dreg:$0x4] =	wrdreg s7  }
0x14: {  	s8 =	sadd.s32 s1, s3;
	s1 =	simm.s32 $0x2;
	[dreg:$0x5] =	wrdreg s5  }
0x15: {  	s7 =	sshll.u32 @!p0 s9, $0x6;
	[dreg:$0x9] =	wrdreg s8;
	s9 =	simm.s32 $0x0  }
0x16: {  	s5 =	simm.s32 $0xC;
	s10 =	sor.u32 @!p0 $0x1C11, s7;
	[dreg:$0xa] =	wrdreg s9  }
0x17: {  	s8 =	simm.s32 $0xF;
	s7 =	simm.s32 $0xE;
	[dreg:$0x7] =	wrdreg s10  }
.LBB2_1:
0x18: {  	s9 =	rddreg [dreg:$0x3]  }
0x19: {  	[spmem:s11], [sflag:s10] =	dma.local @!p0 [hbm:s9], $0x1F40  }
0x1a: {  	s9 =	simm.s32 @!p0 $0x11  }
0x1b: {  	_ =	swait.ge @!p0 [sflag:s9], $0x1F40  }
0x1c: {  	[sflag:s9] =	ssyncset.done @!p0 $0x0  }
0x1d: {  	s3 =	rddreg [dreg:$0x4];
	[sflag:s9] =	ssyncadd.s32 @!p0 $0xFFFFE0C0;
	s9 =	simm.s32 $0x0  }
0x1e: {  	[tilespmem:s9], [sflag:$0x11] =	stream.linear.gather [hbm4b:s3+s9], $0x2800, $0x38;
	[tilespmem:$0x1E640] =	vst v63  }
0x1f: {  	s3 =	simm.s32 $0x11  }
0x20: {  	_ =	swait.ge [sflag:s3], $0x2800  }
0x21: {  	[sflag:s3] =	ssyncset.done $0x0  }
0x22: {  	s11 =	simm.s32 $0x2800;
	s10 =	rddreg [dreg:$0x9];
	[sflag:s3] =	ssyncadd.s32 $0xFFFFD800  }
0x23: {  	[tilespmem:s11], [sflag:$0x11] =	stream.linear.gather [hbm4b:s10+s9], $0x2800, $0x38;
	[tilespmem:$0x1E640] =	vst v63  }
0x24: {  	_ =	swait.ge [sflag:s3], $0x2800  }
0x25: {  	[sflag:s3] =	ssyncset.done $0x0  }
0x26: {  	[sflag:s3] =	ssyncadd.s32 $0xFFFFD800  }
0x27: {  	[bflag:$0x0] =	sbarrier.arrive $0xFFFF  }
0x28: {  	[tilespmem:s15], [sflag:$0x1] =	stream.indirect.gather [hbm4b:s4+s14], $0x40, s9, s14, $0xb8;
	[tilespmem:$0x1E640] =	vst v63  }
0x29: {  	s11 =	simm.s32 $0x80  }
0x2a: {  	[tilespmem:s17], [sflag:$0x2] =	stream.indirect.gather [hbm4b:s4+s14], $0x40, s11, s14, $0xb8;
	[tilespmem:$0x1E640] =	vst v63  }
0x2b: {  	s9 =	simm.s32 $0x100  }
0x2c: {  	[tilespmem:s19], [sflag:$0x3] =	stream.indirect.gather [hbm4b:s4+s14], $0x40, s9, s14, $0xb8;
	[tilespmem:$0x1E640] =	vst v63  }
0x2d: {  	s10 =	simm.s32 $0x180  }
0x2e: {  	[tilespmem:s21], [sflag:$0x4] =	stream.indirect.gather [hbm4b:s4+s14], $0x40, s10, s14, $0xb8;
	[tilespmem:$0x1E640] =	vst v63  }
0x2f: {  	s11 =	simm.s32 $0x200  }
0x30: {  	[tilespmem:s23], [sflag:$0x5] =	stream.indirect.gather [hbm4b:s4+s14], $0x40, s11, s14, $0xb8;
	[tilespmem:$0x1E640] =	vst v63  }
0x31: {  	s9 =	simm.s32 $0x280  }
0x32: {  	[tilespmem:s25], [sflag:$0x6] =	stream.indirect.gather [hbm4b:s4+s14], $0x40, s9, s14, $0xb8;
	[tilespmem:$0x1E640] =	vst v63  }
0x33: {  	s10 =	simm.s32 $0x300  }
0x34: {  	[tilespmem:s28], [sflag:$0x7] =	stream.indirect.gather [hbm4b:s4+s14], $0x40, s10, s14, $0xb8;
	[tilespmem:$0x1E640] =	vst v63  }
0x35: {  	s11 =	simm.s32 $0x380  }
0x36: {  	[tilespmem:s30], [sflag:$0x8] =	stream.indirect.gather [hbm4b:s4+s14], $0x40, s11, s14, $0xb8;
	[tilespmem:$0x1E640] =	vst v63  }
0x37: {  	_ =	swait.ge [sflag:s31], $0x1F40  }
0x38: {  	[sflag:s31] =	ssyncset.done $0x0  }
0x39: {  	s3 =	simm.s32 $0x2800;
	[sflag:s31] =	ssyncadd.s32 $0xFFFFE0C0  }
0x3a: {  	[spmem:s2] =	stream.indirect.scatter.add.f32 [tilespmem:s15], [sflag:$0x9], $0x40, s3, s14, $0xb8;
	[tilespmem:$0x1E640] =	vst v63  }
0x3b: {  	_ =	swait.ge [sflag:s1], $0x1F40  }
0x3c: {  	[sflag:s1] =	ssyncset.done $0x0  }
0x3d: {  	s10 =	simm.s32 $0x2880;
	[sflag:s1] =	ssyncadd.s32 $0xFFFFE0C0  }
0x3e: {  	[spmem:s2] =	stream.indirect.scatter.add.f32 [tilespmem:s17], [sflag:$0xA], $0x40, s10, s14, $0xb8;
	[tilespmem:$0x1E640] =	vst v63  }
0x3f: {  	_ =	swait.ge [sflag:s0], $0x1F40  }
0x40: {  	[sflag:s0] =	ssyncset.done $0x0  }
0x41: {  	s11 =	simm.s32 $0x2900;
	[sflag:s0] =	ssyncadd.s32 $0xFFFFE0C0  }
0x42: {  	[spmem:s2] =	stream.indirect.scatter.add.f32 [tilespmem:s19], [sflag:$0xB], $0x40, s11, s14, $0xb8;
	[tilespmem:$0x1E640] =	vst v63  }
0x43: {  	_ =	swait.ge [sflag:s13], $0x1F40  }
0x44: {  	[sflag:s13] =	ssyncset.done $0x0  }
0x45: {  	s3 =	simm.s32 $0x2980;
	[sflag:s13] =	ssyncadd.s32 $0xFFFFE0C0  }
0x46: {  	[spmem:s2] =	stream.indirect.scatter.add.f32 [tilespmem:s21], [sflag:$0xC], $0x40, s3, s14, $0xb8;
	[tilespmem:$0x1E640] =	vst v63  }
0x47: {  	_ =	swait.ge [sflag:s16], $0x1F40  }
0x48: {  	[sflag:s16] =	ssyncset.done $0x0  }
0x49: {  	s10 =	simm.s32 $0x2A00;
	[sflag:s16] =	ssyncadd.s32 $0xFFFFE0C0  }
0x4a: {  	[spmem:s2] =	stream.indirect.scatter.add.f32 [tilespmem:s23], [sflag:$0xD], $0x40, s10, s14, $0xb8;
	[tilespmem:$0x1E640] =	vst v63  }
0x4b: {  	_ =	swait.ge [sflag:s18], $0x1F40  }
0x4c: {  	[sflag:s18] =	ssyncset.done $0x0  }
0x4d: {  	s11 =	simm.s32 $0x2A80;
	[sflag:s18] =	ssyncadd.s32 $0xFFFFE0C0  }
0x4e: {  	[spmem:s2] =	stream.indirect.scatter.add.f32 [tilespmem:s25], [sflag:$0xE], $0x40, s11, s14, $0xb8;
	[tilespmem:$0x1E640] =	vst v63  }
0x4f: {  	_ =	swait.ge [sflag:s20], $0x1F40  }
0x50: {  	[sflag:s20] =	ssyncset.done $0x0  }
0x51: {  	s3 =	simm.s32 $0x2B00;
	[sflag:s20] =	ssyncadd.s32 $0xFFFFE0C0  }
0x52: {  	[spmem:s2] =	stream.indirect.scatter.add.f32 [tilespmem:s28], [sflag:$0xF], $0x40, s3, s14, $0xb8;
	[tilespmem:$0x1E640] =	vst v63  }
0x53: {  	_ =	swait.ge [sflag:s22], $0x1F40  }
0x54: {  	[sflag:s22] =	ssyncset.done $0x0  }
0x55: {  	s10 =	simm.s32 $0x2B80;
	[sflag:s22] =	ssyncadd.s32 $0xFFFFE0C0  }
0x56: {  	[spmem:s2] =	stream.indirect.scatter.add.f32 [tilespmem:s30], [sflag:$0x10], $0x40, s10, s14, $0xb8;
	[tilespmem:$0x1E640] =	vst v63  }
0x57: {  	_ =	swait.ge [sflag:s24], $0x1F40  }
0x58: {  	[sflag:s24] =	ssyncset.done $0x0  }
0x59: {  	s11 =	simm.s32 $0x400;
	[sflag:s24] =	ssyncadd.s32 $0xFFFFE0C0  }
0x5a: {  	[tilespmem:s15], [sflag:$0x1] =	stream.indirect.gather [hbm4b:s4+s14], $0x40, s11, s14, $0xb8;
	[tilespmem:$0x1E640] =	vst v63  }
0x5b: {  	_ =	swait.ge [sflag:s26], $0x1F40  }
0x5c: {  	[sflag:s26] =	ssyncset.done $0x0  }
0x5d: {  	s3 =	simm.s32 $0x480;
	[sflag:s26] =	ssyncadd.s32 $0xFFFFE0C0  }
0x5e: {  	[tilespmem:s17], [sflag:$0x2] =	stream.indirect.gather [hbm4b:s4+s14], $0x40, s3, s14, $0xb8;
	[tilespmem:$0x1E640] =	vst v63  }
0x5f: {  	_ =	swait.ge [sflag:s29], $0x1F40  }
0x60: {  	[sflag:s29] =	ssyncset.done $0x0  }
0x61: {  	s10 =	simm.s32 $0x500;
	[sflag:s29] =	ssyncadd.s32 $0xFFFFE0C0  }
0x62: {  	[tilespmem:s19], [sflag:$0x3] =	stream.indirect.gather [hbm4b:s4+s14], $0x40, s10, s14, $0xb8;
	[tilespmem:$0x1E640] =	vst v63  }
0x63: {  	_ =	swait.ge [sflag:s5], $0x1F40  }
0x64: {  	[sflag:s5] =	ssyncset.done $0x0  }
0x65: {  	s11 =	simm.s32 $0x580;
	[sflag:s5] =	ssyncadd.s32 $0xFFFFE0C0  }
0x66: {  	[tilespmem:s21], [sflag:$0x4] =	stream.indirect.gather [hbm4b:s4+s14], $0x40, s11, s14, $0xb8;
	[tilespmem:$0x1E640] =	vst v63  }
0x67: {  	_ =	swait.ge [sflag:s6], $0x1F40  }
0x68: {  	[sflag:s6] =	ssyncset.done $0x0  }
0x69: {  	s3 =	simm.s32 $0x600;
	[sflag:s6] =	ssyncadd.s32 $0xFFFFE0C0  }
0x6a: {  	[tilespmem:s23], [sflag:$0x5] =	stream.indirect.gather [hbm4b:s4+s14], $0x40, s3, s14, $0xb8;
	[tilespmem:$0x1E640] =	vst v63  }
0x6b: {  	_ =	swait.ge [sflag:s7], $0x1F40  }
0x6c: {  	[sflag:s7] =	ssyncset.done $0x0  }
0x6d: {  	s10 =	simm.s32 $0x680;
	[sflag:s7] =	ssyncadd.s32 $0xFFFFE0C0  }
0x6e: {  	[tilespmem:s25], [sflag:$0x6] =	stream.indirect.gather [hbm4b:s4+s14], $0x40, s10, s14, $0xb8;
	[tilespmem:$0x1E640] =	vst v63  }
0x6f: {  	_ =	swait.ge [sflag:s8], $0x1F40  }
0x70: {  	[sflag:s8] =	ssyncset.done $0x0  }
0x71: {  	s11 =	simm.s32 $0x700;
	[sflag:s8] =	ssyncadd.s32 $0xFFFFE0C0  }
0x72: {  	[tilespmem:s28], [sflag:$0x7] =	stream.indirect.gather [hbm4b:s4+s14], $0x40, s11, s14, $0xb8;
	[tilespmem:$0x1E640] =	vst v63  }
0x73: {  	_ =	swait.ge [sflag:s12], $0x1F40  }
0x74: {  	[sflag:s12] =	ssyncset.done $0x0  }
0x75: {  	s9 =	simm.s32 $0x1000;
	s10 =	simm.s32 $0x780;
	[sflag:s12] =	ssyncadd.s32 $0xFFFFE0C0  }
.LBB2_2:
0x76: {  	[tilespmem:s30], [sflag:$0x8] =	stream.indirect.gather [hbm4b:s4+s14], $0x40, s10, s14, $0xb8;
	[tilespmem:$0x1E640] =	vst v63  }
0x77: {  	s10 =	smov.u32 s9  }
0x78: {  	p1 =	sne.s32 s9, $0x8000;
	s9 =	sadd.s32 $0x1000, s9;
	_ =	swait.ge [sflag:s31], $0x1F40  }
0x79: {  	s10 =	sshra.s32 s10, $0x2;
	[sflag:s31] =	ssyncset.done $0x0  }
0x7a: {  	s11 =	sadd.s32 $0x2800, s10;
	[sflag:s31] =	ssyncadd.s32 $0xFFFFE0C0  }
0x7b: {  	[spmem:s2] =	stream.indirect.scatter.add.f32 [tilespmem:s15], [sflag:$0x9], $0x40, s11, s14, $0xb8;
	[tilespmem:$0x1E640] =	vst v63  }
0x7c: {  	_ =	swait.ge [sflag:s1], $0x1F40  }
0x7d: {  	[sflag:s1] =	ssyncset.done $0x0  }
0x7e: {  	s11 =	sadd.s32 $0x2880, s10;
	[sflag:s1] =	ssyncadd.s32 $0xFFFFE0C0  }
0x7f: {  	[spmem:s2] =	stream.indirect.scatter.add.f32 [tilespmem:s17], [sflag:$0xA], $0x40, s11, s14, $0xb8;
	[tilespmem:$0x1E640] =	vst v63  }
0x80: {  	_ =	swait.ge [sflag:s0], $0x1F40  }
0x81: {  	[sflag:s0] =	ssyncset.done $0x0  }
0x82: {  	s11 =	sadd.s32 $0x2900, s10;
	[sflag:s0] =	ssyncadd.s32 $0xFFFFE0C0  }
0x83: {  	[spmem:s2] =	stream.indirect.scatter.add.f32 [tilespmem:s19], [sflag:$0xB], $0x40, s11, s14, $0xb8;
	[tilespmem:$0x1E640] =	vst v63  }
0x84: {  	_ =	swait.ge [sflag:s13], $0x1F40  }
0x85: {  	[sflag:s13] =	ssyncset.done $0x0  }
0x86: {  	s11 =	sadd.s32 $0x2980, s10;
	[sflag:s13] =	ssyncadd.s32 $0xFFFFE0C0  }
0x87: {  	[spmem:s2] =	stream.indirect.scatter.add.f32 [tilespmem:s21], [sflag:$0xC], $0x40, s11, s14, $0xb8;
	[tilespmem:$0x1E640] =	vst v63  }
0x88: {  	_ =	swait.ge [sflag:s16], $0x1F40  }
0x89: {  	[sflag:s16] =	ssyncset.done $0x0  }
0x8a: {  	s11 =	sadd.s32 $0x2A00, s10;
	[sflag:s16] =	ssyncadd.s32 $0xFFFFE0C0  }
0x8b: {  	[spmem:s2] =	stream.indirect.scatter.add.f32 [tilespmem:s23], [sflag:$0xD], $0x40, s11, s14, $0xb8;
	[tilespmem:$0x1E640] =	vst v63  }
0x8c: {  	_ =	swait.ge [sflag:s18], $0x1F40  }
0x8d: {  	[sflag:s18] =	ssyncset.done $0x0  }
0x8e: {  	s11 =	sadd.s32 $0x2A80, s10;
	[sflag:s18] =	ssyncadd.s32 $0xFFFFE0C0  }
0x8f: {  	[spmem:s2] =	stream.indirect.scatter.add.f32 [tilespmem:s25], [sflag:$0xE], $0x40, s11, s14, $0xb8;
	[tilespmem:$0x1E640] =	vst v63  }
0x90: {  	_ =	swait.ge [sflag:s20], $0x1F40  }
0x91: {  	[sflag:s20] =	ssyncset.done $0x0  }
0x92: {  	s11 =	sadd.s32 $0x2B00, s10;
	[sflag:s20] =	ssyncadd.s32 $0xFFFFE0C0  }
0x93: {  	[spmem:s2] =	stream.indirect.scatter.add.f32 [tilespmem:s28], [sflag:$0xF], $0x40, s11, s14, $0xb8;
	[tilespmem:$0x1E640] =	vst v63  }
0x94: {  	_ =	swait.ge [sflag:s22], $0x1F40  }
0x95: {  	[sflag:s22] =	ssyncset.done $0x0  }
0x96: {  	s11 =	sadd.s32 $0x2B80, s10;
	[sflag:s22] =	ssyncadd.s32 $0xFFFFE0C0  }
0x97: {  	[spmem:s2] =	stream.indirect.scatter.add.f32 [tilespmem:s30], [sflag:$0x10], $0x40, s11, s14, $0xb8;
	[tilespmem:$0x1E640] =	vst v63  }
0x98: {  	_ =	swait.ge [sflag:s24], $0x1F40  }
0x99: {  	[sflag:s24] =	ssyncset.done $0x0  }
0x9a: {  	s11 =	sadd.s32 $0x400, s10;
	[sflag:s24] =	ssyncadd.s32 $0xFFFFE0C0  }
0x9b: {  	[tilespmem:s15], [sflag:$0x1] =	stream.indirect.gather [hbm4b:s4+s14], $0x40, s11, s14, $0xb8;
	[tilespmem:$0x1E640] =	vst v63  }
0x9c: {  	_ =	swait.ge [sflag:s26], $0x1F40  }
0x9d: {  	[sflag:s26] =	ssyncset.done $0x0  }
0x9e: {  	s11 =	sadd.s32 $0x480, s10;
	[sflag:s26] =	ssyncadd.s32 $0xFFFFE0C0  }
0x9f: {  	[tilespmem:s17], [sflag:$0x2] =	stream.indirect.gather [hbm4b:s4+s14], $0x40, s11, s14, $0xb8;
	[tilespmem:$0x1E640] =	vst v63  }
0xa0: {  	_ =	swait.ge [sflag:s29], $0x1F40  }
0xa1: {  	[sflag:s29] =	ssyncset.done $0x0  }
0xa2: {  	s11 =	sadd.s32 $0x500, s10;
	[sflag:s29] =	ssyncadd.s32 $0xFFFFE0C0  }
0xa3: {  	[tilespmem:s19], [sflag:$0x3] =	stream.indirect.gather [hbm4b:s4+s14], $0x40, s11, s14, $0xb8;
	[tilespmem:$0x1E640] =	vst v63  }
0xa4: {  	_ =	swait.ge [sflag:s5], $0x1F40  }
0xa5: {  	[sflag:s5] =	ssyncset.done $0x0  }
0xa6: {  	s11 =	sadd.s32 $0x580, s10;
	[sflag:s5] =	ssyncadd.s32 $0xFFFFE0C0  }
0xa7: {  	[tilespmem:s21], [sflag:$0x4] =	stream.indirect.gather [hbm4b:s4+s14], $0x40, s11, s14, $0xb8;
	[tilespmem:$0x1E640] =	vst v63  }
0xa8: {  	_ =	swait.ge [sflag:s6], $0x1F40  }
0xa9: {  	[sflag:s6] =	ssyncset.done $0x0  }
0xaa: {  	s11 =	sadd.s32 $0x600, s10;
	[sflag:s6] =	ssyncadd.s32 $0xFFFFE0C0  }
0xab: {  	[tilespmem:s23], [sflag:$0x5] =	stream.indirect.gather [hbm4b:s4+s14], $0x40, s11, s14, $0xb8;
	[tilespmem:$0x1E640] =	vst v63  }
0xac: {  	_ =	swait.ge [sflag:s7], $0x1F40  }
0xad: {  	[sflag:s7] =	ssyncset.done $0x0  }
0xae: {  	s11 =	sadd.s32 $0x680, s10;
	[sflag:s7] =	ssyncadd.s32 $0xFFFFE0C0  }
0xaf: {  	[tilespmem:s25], [sflag:$0x6] =	stream.indirect.gather [hbm4b:s4+s14], $0x40, s11, s14, $0xb8;
	[tilespmem:$0x1E640] =	vst v63  }
0xb0: {  	_ =	swait.ge [sflag:s8], $0x1F40  }
0xb1: {  	[sflag:s8] =	ssyncset.done $0x0  }
.Ltmp0:
0xb2: {  	s11 =	sadd.s32 $0x700, s10;
	[sflag:s8] =	ssyncadd.s32 $0xFFFFE0C0;
	(pc) =	sbr.rel @p1 .LBB2_2-.Ltmp0, $4  }
0xb3: {  	[tilespmem:s28], [sflag:$0x7] =	stream.indirect.gather [hbm4b:s4+s14], $0x40, s11, s14, $0xb8;
	[tilespmem:$0x1E640] =	vst v63  }
0xb4: {  	_ =	swait.ge [sflag:s12], $0x1F40  }
0xb5: {  	[sflag:s12] =	ssyncset.done $0x0  }
0xb6: {  	s10 =	sadd.s32 $0x780, s10;
	[sflag:s12] =	ssyncadd.s32 $0xFFFFE0C0  }
0xb7: {  	[tilespmem:s30], [sflag:$0x8] =	stream.indirect.gather [hbm4b:s4+s14], $0x40, s10, s14, $0xb8;
	[tilespmem:$0x1E640] =	vst v63  }
0xb8: {  	_ =	swait.ge [sflag:s31], $0x1F40  }
0xb9: {  	[sflag:s31] =	ssyncset.done $0x0  }
0xba: {  	s3 =	simm.s32 $0x4C00;
	[sflag:s31] =	ssyncadd.s32 $0xFFFFE0C0  }
0xbb: {  	[spmem:s2] =	stream.indirect.scatter.add.f32 [tilespmem:s15], [sflag:$0x9], $0x40, s3, s14, $0xb8;
	[tilespmem:$0x1E640] =	vst v63  }
0xbc: {  	_ =	swait.ge [sflag:s1], $0x1F40  }
0xbd: {  	[sflag:s1] =	ssyncset.done $0x0  }
0xbe: {  	s15 =	simm.s32 $0x4C80;
	[sflag:s1] =	ssyncadd.s32 $0xFFFFE0C0  }
0xbf: {  	[spmem:s2] =	stream.indirect.scatter.add.f32 [tilespmem:s17], [sflag:$0xA], $0x40, s15, s14, $0xb8;
	[tilespmem:$0x1E640] =	vst v63  }
0xc0: {  	_ =	swait.ge [sflag:s0], $0x1F40  }
0xc1: {  	[sflag:s0] =	ssyncset.done $0x0  }
0xc2: {  	s9 =	simm.s32 $0x4D00;
	[sflag:s0] =	ssyncadd.s32 $0xFFFFE0C0  }
0xc3: {  	[spmem:s2] =	stream.indirect.scatter.add.f32 [tilespmem:s19], [sflag:$0xB], $0x40, s9, s14, $0xb8;
	[tilespmem:$0x1E640] =	vst v63  }
0xc4: {  	_ =	swait.ge [sflag:s13], $0x1F40  }
0xc5: {  	[sflag:s13] =	ssyncset.done $0x0  }
0xc6: {  	s10 =	simm.s32 $0x4D80;
	[sflag:s13] =	ssyncadd.s32 $0xFFFFE0C0  }
0xc7: {  	[spmem:s2] =	stream.indirect.scatter.add.f32 [tilespmem:s21], [sflag:$0xC], $0x40, s10, s14, $0xb8;
	[tilespmem:$0x1E640] =	vst v63  }
0xc8: {  	_ =	swait.ge [sflag:s16], $0x1F40  }
0xc9: {  	[sflag:s16] =	ssyncset.done $0x0  }
0xca: {  	s11 =	simm.s32 $0x4E00;
	[sflag:s16] =	ssyncadd.s32 $0xFFFFE0C0  }
0xcb: {  	[spmem:s2] =	stream.indirect.scatter.add.f32 [tilespmem:s23], [sflag:$0xD], $0x40, s11, s14, $0xb8;
	[tilespmem:$0x1E640] =	vst v63  }
0xcc: {  	_ =	swait.ge [sflag:s18], $0x1F40  }
0xcd: {  	[sflag:s18] =	ssyncset.done $0x0  }
0xce: {  	s15 =	simm.s32 $0x4E80;
	[sflag:s18] =	ssyncadd.s32 $0xFFFFE0C0  }
0xcf: {  	[spmem:s2] =	stream.indirect.scatter.add.f32 [tilespmem:s25], [sflag:$0xE], $0x40, s15, s14, $0xb8;
	[tilespmem:$0x1E640] =	vst v63  }
0xd0: {  	_ =	swait.ge [sflag:s20], $0x1F40  }
0xd1: {  	[sflag:s20] =	ssyncset.done $0x0  }
0xd2: {  	s17 =	simm.s32 $0x4F00;
	[sflag:s20] =	ssyncadd.s32 $0xFFFFE0C0  }
0xd3: {  	[spmem:s2] =	stream.indirect.scatter.add.f32 [tilespmem:s28], [sflag:$0xF], $0x40, s17, s14, $0xb8;
	[tilespmem:$0x1E640] =	vst v63  }
0xd4: {  	_ =	swait.ge [sflag:s22], $0x1F40  }
0xd5: {  	[sflag:s22] =	ssyncset.done $0x0  }
0xd6: {  	s9 =	simm.s32 $0x4F80;
	[sflag:s22] =	ssyncadd.s32 $0xFFFFE0C0  }
0xd7: {  	[spmem:s2] =	stream.indirect.scatter.add.f32 [tilespmem:s30], [sflag:$0x10], $0x40, s9, s14, $0xb8;
	[tilespmem:$0x1E640] =	vst v63  }
0xd8: {  	_ =	swait.ge [sflag:s24], $0x1F40  }
0xd9: {  	[sflag:s24] =	ssyncset.done $0x0  }
0xda: {  	[sflag:s24] =	ssyncadd.s32 $0xFFFFE0C0  }
0xdb: {  	_ =	swait.ge [sflag:s26], $0x1F40  }
0xdc: {  	[sflag:s26] =	ssyncset.done $0x0  }
0xdd: {  	[sflag:s26] =	ssyncadd.s32 $0xFFFFE0C0  }
0xde: {  	_ =	swait.ge [sflag:s29], $0x1F40  }
0xdf: {  	[sflag:s29] =	ssyncset.done $0x0  }
0xe0: {  	[sflag:s29] =	ssyncadd.s32 $0xFFFFE0C0  }
0xe1: {  	_ =	swait.ge [sflag:s5], $0x1F40  }
0xe2: {  	[sflag:s5] =	ssyncset.done $0x0  }
0xe3: {  	[sflag:s5] =	ssyncadd.s32 $0xFFFFE0C0  }
0xe4: {  	_ =	swait.ge [sflag:s6], $0x1F40  }
0xe5: {  	[sflag:s6] =	ssyncset.done $0x0  }
0xe6: {  	[sflag:s6] =	ssyncadd.s32 $0xFFFFE0C0  }
0xe7: {  	_ =	swait.ge [sflag:s7], $0x1F40  }
0xe8: {  	[sflag:s7] =	ssyncset.done $0x0  }
0xe9: {  	[sflag:s7] =	ssyncadd.s32 $0xFFFFE0C0  }
0xea: {  	_ =	swait.ge [sflag:s8], $0x1F40  }
0xeb: {  	[sflag:s8] =	ssyncset.done $0x0  }
0xec: {  	[sflag:s8] =	ssyncadd.s32 $0xFFFFE0C0  }
0xed: {  	_ =	swait.ge [sflag:s12], $0x1F40  }
0xee: {  	[sflag:s12] =	ssyncset.done $0x0  }
0xef: {  	[sflag:s12] =	ssyncadd.s32 $0xFFFFE0C0  }
0xf0: {  	[bflag:$0x0] =	sbarrier.arrive $0xFFFF  }
0xf1: {  	s3 =	rddreg [dreg:$0x5]  }
0xf2: {  	s10 =	simm.s32 @!p0 $0x10;
	s15 =	rddreg [dreg:$0x7]  }
0xf3: {  	s11 =	simm.s32 @!p0 $0x8;
	s9 =	simm.s32 @!p0 $0x1;
	s17 =	rddreg [dreg:$0x8]  }
0xf4: {  	[hbm:s3@s10], [sflag:s15] =	dma.strided @!p0 [spmem:s17@s11], $0x1F40, s9, $0x8   }
0xf5: {  	s3 =	simm.s32 @!p0 $0x11  }
0xf6: {  	_ =	swait.ge @!p0 [sflag:s3], $0x1F40  }
0xf7: {  	s10 =	rddreg [dreg:$0xa]  }
0xf8: {  	s9 =	rddreg [dreg:$0x6];
	s11 =	sadd.s32 $0x1, s10  }
0xf9: {  	p1 =	sne.s32 s11, s9  }
.Ltmp1:
0xfa: {  	_ = 	snop;
	(pc) =	sbr.rel @p1 .LBB2_1-.Ltmp1, $4  }
0xfb: {  	_ = 	snop  }
0xfc: {  	s17 =	simm.s32 $0x6F40;
	[dreg:$0xa] =	wrdreg s11  }
0xfd: {  	[sflag:s3] =	ssyncset.done @!p0 $0x0;
	s10 =	simm.s32 @!p0 $0x11;
	s11 =	rddreg [dreg:$0x8]  }
0xfe: {  	s15 =	simm.s32 $0x5000;
	[sflag:s10] =	ssyncadd.s32 @!p0 $0xFFFFE0C0;
	s10 =	rddreg [dreg:$0x7]  }
0xff: {  	_ =	sfence.sel $0x180000  }
0x100: {  	[bflag:$0x0] =	sbarrier.arrive $0xFFFF  }
0x101: {  	_ =	strace $0x9000004A  }
0x102: {  	s0 =	stileid.u32;
	[bflag:$0x2] =	sbarrier.arrive $0xFFFF  }
0x103: {  	p0 =	sne.s32 s0, $0x0;
	s0 =	rddreg [dreg:$0x2]  }
0x104: {  	s0 =	sadd.s32 @!p0 $0x100000, s0  }
0x105: {  	[sflag:s0] =	ssyncadd.tile.s32 @!p0 $0x1;
	_ =	shalt  }
.Lfunc_end2:
_tile_overlayer_lowered:
.L_overlay_start_2:
0x106: {  	(tag) =	ssettag $0x2  }
0x107: {  	s0 =	rddreg [dreg:$0x0];
	s2 =	stileid.u32  }
0x108: {  	s1 =	rddreg [dreg:$0x1];
	p0 =	sne.s32 s2, $0x0  }
0x109: {  	s3 =	rddreg [dreg:$0x2];
	[bflag:$0x3] =	sbarrier.arrive $0xFFFF;
	s2 =	simm.s32 @!p0 $0x1C11  }
0x10a: {  	[timem:s3], [sflag:s2] =	dma.local @!p0 [hbm:s0], s1  }
0x10b: {  	s0 =	simm.s32 @!p0 $0x11  }
0x10c: {  	_ =	swait.ge @!p0 [sflag:s0], s1  }
0x10d: {  	s1 =	ssub.s32 @!p0 $0x0, s1;
	[sflag:s0] =	ssyncset.done @!p0 $0x0  }
0x10e: {  	[sflag:s0] =	ssyncadd.s32 @!p0 s1  }
0x10f: {  	[bflag:$0x3] =	sbarrier.arrive $0xFFFF  }
0x110: {  	_ =	shalt  }

// kernel: kernel.16.cloned.1.call-start
scs
__scs_entry_jumppad:
0x0: {  	(pc) =	sbr.rel $0x88, $3  }
0x1: {  	(tag) =	ssettag $0x0;
	lr =	simm.s32 $0x1  }
0x2: {  	[smem:$0x3F93] =	sst lr;
	_ =	strace $0xD0000000  }
0x3: {  	_ = 	snop  }
0x4: {  	_ = 	snop  }
0x5: {  	_ = 	snop  }
0x6: {  	_ = 	snop  }
0x7: {  	_ = 	snop  }
__scs_overlays_trampoline_lowered:
0x8: {  	[smem:$0x3FA2] =	sst s0  }
0x9: {  	[smem:$0x3FA3] =	sst s1  }
0xa: {  	[smem:$0x3FA4] =	sst s2  }
0xb: {  	[smem:$0x3FA5] =	sst s3  }
0xc: {  	[smem:$0x3FA6] =	sst s4  }
0xd: {  	[smem:$0x3FA7] =	sst s5  }
0xe: {  	[smem:$0x3FA8] =	sst s6  }
0xf: {  	[smem:$0x3FA9] =	sst s7  }
0x10: {  	[smem:$0x3FAA] =	sst s8  }
0x11: {  	[smem:$0x3FAB] =	sst s9;
	s0 =	simm.s32 @!p0 $0x0  }
0x12: {  	s1 =	sld [smem:$0x3F91];
	s0 =	simm.s32 @p0 $0x1  }
0x13: {  	[smem:$0x3FAC] =	sst s0;
	s0 =	simm.s32 @!p1 $0x0  }
0x14: {  	s2 =	sld [smem:$0x3F90];
	s0 =	simm.s32 @p1 $0x1  }
0x15: {  	[smem:$0x3FAD] =	sst s0;
	s0 =	simm.s32 @!p2 $0x0  }
0x16: {  	s3 =	sld [smem:$0x3FDB];
	s0 =	simm.s32 @p2 $0x1  }
0x17: {  	s4 =	simm.s32 $0x1BF5;
	[smem:$0x3FAF] =	sst s0  }
0x18: {  	s0 =	sld [smem:$0x3F92];
	_ =	swait.ge [sflag:s4], $0x0  }
0x19: {  	s7 =	sld [smem:$0x3F93]  }
0x1a: {  	s8 =	sadd.s32 $0xFFFFE003, lr  }
0x1b: {  	s9 =	sadd.s32 $0xFFFFFEF7, lr;
	s5 =	simm.s32 $0xFFFFFFFF;
	p2 =	slt.u32 s8, $0xFFFFF086  }
0x1c: {  	p1 =	slt.u32 s9, $0xF7A;
	s5 =	simm.s32 @!p2 $0x0  }
0x1d: {  	s5 =	simm.s32 @p1 $0x1;
	p0 =	seq.s32 s7, s2  }
0x1e: {  	s7 =	smul.u32 @!p0 $0xF7A, s2;
	p2 =	seq.s32 @!p0 s5, $0x0  }
0x1f: {  	s9 =	smul.u32 $0xF7A, s1;
	s8 =	simm.s32 @!p0 $0x1BF5;
	p2 =	por !p2, p0  }
0x20: {  	[sflag:s8] =	ssyncset.s32 @!p0 $0xFFFFF086;
	s6 =	sadd.s32 @!p0 s3, s7;
	s7 =	simm.s32 @!p0 $0x108  }
0x21: {  	s3 =	sadd.s32 s3, s9;
	s6 =	sadd.s32 @!p0 $0x88, s6;
	s7 =	simm.s32 @p2 $0x1082  }
0x22: {  	[simem:s7], [sflag:s8] =	dma.local @!p0 [hbm:s6], $0xF7A  }
0x23: {  	s9 =	sor.u32 $0xD0000000, s2;
	s6 =	simm.s32 $0x108;
	_ =	swait.ge @!p0 [sflag:s8], $0x0  }
0x24: {  	s3 =	sadd.s32 $0x88, s3;
	s6 =	simm.s32 @!p1 $0x1082;
	[sflag:s4] =	ssyncset.s32 $0xFFFFF086  }
0x25: {  	[simem:s6], [sflag:s4] =	dma.local [hbm:s3], $0xF7A  }
0x26: {  	[smem:$0x3F93] =	sst s1;
	(tag) =	ssettag s2;
	_ =	strace s9  }
0x27: {  	s1 =	sld [smem:$0x3FA3]  }
0x28: {  	s2 =	sld [smem:$0x3FA4]  }
0x29: {  	s4 =	sld [smem:$0x3FA6]  }
0x2a: {  	p0 =	seq.s32 s5, $0x0;
	s5 =	sld [smem:$0x3FA7]  }
0x2b: {  	s6 =	sld [smem:$0x3FA8]  }
0x2c: {  	s7 =	sld [smem:$0x3FA9]  }
0x2d: {  	s3 =	simm.s32 $0x108;
	s8 =	sld [smem:$0x3FAA]  }
0x2e: {  	s3 =	simm.s32 @!p0 $0x1082;
	s9 =	sld [smem:$0x3FAB]  }
0x2f: {  	lr =	sadd.s32 s0, s3;
	s0 =	sld [smem:$0x3FA2]  }
0x30: {  	s3 =	sld [smem:$0x3FA5]  }
0x31: {  	[smem:$0x3FAE] =	sst s10  }
0x32: {  	s10 =	sld [smem:$0x3FAC];
	_ =	sdelay $0x3  }
0x33: {  	p0 =	seq.s32 s10, $0x1;
	s10 =	sld [smem:$0x3FAE];
	_ =	sdelay $0x3  }
0x34: {  	[smem:$0x3FAE] =	sst s10  }
0x35: {  	s10 =	sld [smem:$0x3FAD];
	_ =	sdelay $0x3  }
0x36: {  	p1 =	seq.s32 s10, $0x1;
	s10 =	sld [smem:$0x3FAE];
	_ =	sdelay $0x3  }
0x37: {  	[smem:$0x3FAE] =	sst s10  }
0x38: {  	s10 =	sld [smem:$0x3FAF]  }
0x39: {  	_ = 	snop;
	(pc) =	sbr.ind lr, $3  }
0x3a: {  	_ = 	snop  }
0x3b: {  	_ = 	snop  }
0x3c: {  	p2 =	seq.s32 s10, $0x1;
	s10 =	sld [smem:$0x3FAE]  }
0x3d: {  	_ =	shalt  }
0x3e: {  	_ =	shalt  }
0x3f: {  	_ =	shalt  }
0x40: {  	_ =	shalt  }
0x41: {  	_ =	shalt  }
0x42: {  	_ =	shalt  }
0x43: {  	_ =	shalt  }
0x44: {  	_ =	shalt  }
0x45: {  	_ =	shalt  }
0x46: {  	_ =	shalt  }
0x47: {  	_ =	shalt  }
0x48: {  	_ =	shalt  }
0x49: {  	_ =	shalt  }
0x4a: {  	_ =	shalt  }
0x4b: {  	_ =	shalt  }
0x4c: {  	_ =	shalt  }
0x4d: {  	_ =	shalt  }
0x4e: {  	_ =	shalt  }
0x4f: {  	_ =	shalt  }
0x50: {  	_ =	shalt  }
0x51: {  	_ =	shalt  }
0x52: {  	_ =	shalt  }
0x53: {  	_ =	shalt  }
0x54: {  	_ =	shalt  }
0x55: {  	_ =	shalt  }
0x56: {  	_ =	shalt  }
0x57: {  	_ =	shalt  }
0x58: {  	_ =	shalt  }
0x59: {  	_ =	shalt  }
0x5a: {  	_ =	shalt  }
0x5b: {  	_ =	shalt  }
0x5c: {  	_ =	shalt  }
0x5d: {  	_ =	shalt  }
0x5e: {  	_ =	shalt  }
0x5f: {  	_ =	shalt  }
0x60: {  	_ =	shalt  }
0x61: {  	_ =	shalt  }
0x62: {  	_ =	shalt  }
0x63: {  	_ =	shalt  }
0x64: {  	_ =	shalt  }
0x65: {  	_ =	shalt  }
0x66: {  	_ =	shalt  }
0x67: {  	_ =	shalt  }
0x68: {  	_ =	shalt  }
0x69: {  	_ =	shalt  }
0x6a: {  	_ =	shalt  }
0x6b: {  	_ =	shalt  }
0x6c: {  	_ =	shalt  }
0x6d: {  	_ =	shalt  }
0x6e: {  	_ =	shalt  }
0x6f: {  	_ =	shalt  }
0x70: {  	_ =	shalt  }
0x71: {  	_ =	shalt  }
0x72: {  	_ =	shalt  }
0x73: {  	_ =	shalt  }
0x74: {  	_ =	shalt  }
0x75: {  	_ =	shalt  }
0x76: {  	_ =	shalt  }
0x77: {  	_ =	shalt  }
0x78: {  	_ =	shalt  }
0x79: {  	_ =	shalt  }
0x7a: {  	_ =	shalt  }
0x7b: {  	_ =	shalt  }
0x7c: {  	_ =	shalt  }
0x7d: {  	_ =	shalt  }
0x7e: {  	_ =	shalt  }
0x7f: {  	_ =	shalt  }
0x80: {  	_ =	shalt  }
0x81: {  	_ =	shalt  }
0x82: {  	_ =	shalt  }
0x83: {  	_ =	shalt  }
0x84: {  	_ =	shalt  }
0x85: {  	_ =	shalt  }
0x86: {  	_ =	shalt  }
0x87: {  	_ =	shalt  }
.Lfunc_end0:
.L_simem_size_0:
called_computation.2_lowered:
.L_overlay_start_0:
0x88: {  	s2 =	sld [smem:$0x3FD9]  }
0x89: {  	s3 =	sld [smem:$0x3FFE];
	_ =	sdelay $0x1  }
0x8a: {  	s1 =	srdreg.scid  }
0x8b: {  	s0 =	sand.u32 $0x1, s1  }
0x8c: {  	s16 =	sshll.u32 s0, $0xA;
	s2 =	sadd.s32 s3, s2  }
0x8d: {  	s2 =	sadd.s32 s2, s16  }
0x8e: {  	[smem:$0x3FBA] =	sst s2  }
0x8f: {  	_ = 	snop  }
0x90: {  	(tm) =	ssettm $0x1  }
0x91: {  	s17 =	sld [smem:$0x3FFB];
	_ =	sdelay $0x3  }
0x92: {  	_ =	strace s17  }
0x93: {  	s2 =	sld [smem:$0x3FFC];
	_ =	sdelay $0x3  }
0x94: {  	_ =	strace s2  }
0x95: {  	s2 =	sld [smem:$0x3FFD];
	_ =	sdelay $0x3  }
0x96: {  	_ =	strace s2  }
0x97: {  	_ =	strace $0x8FFFFFFF  }
0x98: {  	s18 =	sld [smem:$0x3FDB];
	_ =	sdelay $0x1  }
0x99: {  	s19 =	simm.s32 $_scs_section_size  }
0x9a: {  	s4 =	simm.s32 $_size__tile_overlayer_lowered;
	s5 =	simm.s32 $_tile_overlayer_lowered  }
0x9b: {  	s22 =	simm.s32 $0x1BFF;
	s21 =	sshll.u32 s5, $0x1;
	s2 =	sadd.s32 s19, s18  }
0x9c: {  	s6 =	simm.s32 $0x0;
	s20 =	sshll.u32 s4, $0x1;
	s4 =	sadd.s32 s21, s2  }
0x9d: {  	[timem:s6], [sflag:s22] =	dma.local [hbm:s4], s20  }
0x9e: {  	_ =	swait.ge [sflag:s22], s20  }
0x9f: {  	s3 =	ssub.s32 $0x0, s20;
	[sflag:s22] =	ssyncset.done $0x0  }
0xa0: {  	[sflag:s22] =	ssyncadd.s32 s3;
	_ =	sdelay $0x1  }
0xa1: {  	s23 =	simm.s32 $0x1B8B  }
0xa2: {  	_ =	swait.ge [sflag:s23], $0x1  }
0xa3: {  	[sflag:s23] =	ssyncset.done $0x0  }
0xa4: {  	s25 =	simm.s32 $0x1B8E;
	s24 =	sld [smem:$0x3FFE];
	[sflag:s23] =	ssyncadd.s32 $0xFFFFFFFF  }
0xa5: {  	s26 =	simm.s32 $execute0_lowered;
	[smem:$0x3FD2] =	sst s25  }
0xa6: {  	s4 =	sshll.u32 s26, $0x1;
	_ =	strace $0x8000004C;
	[dreg:$0x1] =	wrdreg $0xFFFFFFFF  }
0xa7: {  	s28 =	simm.s32 $_size_execute0_lowered;
	s2 =	sadd.s32 s2, s4;
	[dreg:$0x0] =	wrdreg $0x0  }
0xa8: {  	s4 =	sshll.u32 s28, $0x1;
	[dreg:$0x2] =	wrdreg s2  }
0xa9: {  	[dreg:$0x3] =	wrdreg s4  }
0xaa: {  	[dreg:$0x4] =	wrdreg $0xC0  }
0xab: {  	_ =	task [dreg:s6], $0x5FFFF  }
0xac: {  	[dreg:$0x1] =	wrdreg $0xFFFFFFFF  }
0xad: {  	[dreg:$0x0] =	wrdreg $0x60  }
0xae: {  	[dreg:$0x2] =	wrdreg s24  }
0xaf: {  	[dreg:$0x3] =	wrdreg $0x14A000  }
0xb0: {  	[dreg:$0x4] =	wrdreg $0x9  }
0xb1: {  	_ =	task.clear_ibuf [dreg:s6], $0x5FFFF;
	_ =	strace $0x9000004C  }
0xb2: {  	s29 =	simm.s32 $0x9;
	_ =	strace $0x8000004E  }
0xb3: {  	_ =	swait.ge [sflag:s29], $0x1  }
0xb4: {  	[sflag:s29] =	ssyncadd.s32 $0xFFFFFFFF  }
0xb5: {  	_ =	strace $0x9000004E  }
0xb6: {  	_ =	sfence  }
0xb7: {  	s30 =	sld [smem:$0x0];
	_ =	sdelay $0x2  }
0xb8: {  	s31 =	sshll.u32 s1, $0xD;
	s1 =	sshrl.u32 s1, $0x2  }
0xb9: {  	s3 =	sand.u32 $0x4000, s31;
	s1 =	sadd.s32 s1, s30  }
0xba: {  	s0 =	sor.u32 s3, s0;
	s1 =	sshll.u32 s1, $0x11  }
0xbb: {  	s0 =	sor.u32 s1, s0  }
0xbc: {  	s0 =	sadd.s32 $0x8F2B, s0  }
0xbd: {  	[sflag:s0] =	ssyncadd.remote.s32 $0x1  }
0xbe: {  	_ =	sfence.sel $0xFFFF  }
0xbf: {  	[dreg:$0x0] =	wrdreg $0xFFFFFFFF;
	(pc) =	sbr.abs _section_cstart, $3  }
0xc0: {  	[dreg:$0x1] =	wrdreg $0xFFFFFFFF  }
0xc1: {  	_ =	task.clear_ibuf [dreg:s6], $0x2FFFF;
	_ =	strace $0x9FFFFFFF  }
0xc2: {  	(tm) =	ssettm $0x7FFFFFFF  }
0xc3: {  	_ =	shalt  }
tec
execute0_lowered:
.L_overlay_start_1:
0x0: {  	(tag) =	ssettag $0x1  }
0x1: {  	s0 =	srdreg.scid;
	s3 =	rddreg [dreg:$0x0]  }
0x2: {  	s9 =	stileid.u32;
	s2 =	rddreg [dreg:$0x1];
	s4 =	simm.s32 $0x0  }
0x3: {  	s14 =	simm.s32 $0x7D;
	s15 =	simm.s32 $0x5000;
	s17 =	simm.s32 $0x6F40  }
0x4: {  	s19 =	simm.s32 $0x8E80;
	s21 =	simm.s32 $0xADC0;
	s23 =	simm.s32 $0xCD00  }
0x5: {  	s28 =	simm.s32 $0x10B80;
	s30 =	simm.s32 $0x12AC0;
	s31 =	simm.s32 $0x1  }
0x6: {  	s13 =	simm.s32 $0x4;
	s16 =	simm.s32 $0x5;
	s18 =	simm.s32 $0x6  }
0x7: {  	s20 =	simm.s32 $0x7;
	s22 =	simm.s32 $0x8;
	s24 =	simm.s32 $0x9  }
0x8: {  	s29 =	simm.s32 $0xB;
	s12 =	simm.s32 $0x10;
	s0 =	sand.u32 $0x1, s0  }
0x9: {  	[smem:$0x7FF] =	sst s4;
	s6 =	smul.u32 $0x1F400, s9;
	s4 =	sadd.s32 $0x26A00, s3  }
0xa: {  	s25 =	smul.u32 $0x3E800, s9;
	s8 =	sadd.s32 $0x17400, s3;
	p0 =	sgt.u32 s9, $0x9  }
0xb: {  	s1 =	sshll.u32 s0, $0x4;
	s5 =	smul.u32 $0x138800, s0;
	_ =	strace $0x8000004D  }
0xc: {  	[dreg:$0x3] =	wrdreg s8;
	s0 =	ssub.s32 $0x2, s0;
	s1 =	sor.u32 s9, s1  }
0xd: {  	s26 =	sshrl.u32 s0, $0x1;
	s1 =	smul.u32 $0x500, s1;
	s5 =	sadd.s32 s6, s5  }
0xe: {  	s6 =	sshrl.u32 s25, $0x2;
	s0 =	ssub.s32 s0, s26;
	s25 =	simm.s32 $0xEC40  }
0xf: {  	s26 =	simm.s32 $0xA;
	s5 =	sshrl.u32 s5, $0x3;
	s6 =	sadd.s32 s6, s2  }
0x10: {  	s0 =	smax.u32 s0, $0x1;
	s7 =	sadd.s32 s1, s3;
	s5 =	sadd.s32 s5, s3  }
0x11: {  	s3 =	sadd.s32 $0xD400, s3;
	[dreg:$0x6] =	wrdreg s0;
	s11 =	sshrl.u32 @!p0 s6, $0x3  }
0x12: {  	s0 =	simm.s32 $0x3;
	s7 =	sadd.s32 $0x1CA00, s7;
	[dreg:$0x8] =	wrdreg s11  }
0x13: {  	s6 =	simm.s32 $0xD;
	s5 =	sadd.s32 $0x4DC00, s5;
	[dreg:$0x4] =	wrdreg s7  }
0x14: {  	s8 =	sadd.s32 s1, s3;
	s1 =	simm.s32 $0x2;
	[dreg:$0x5] =	wrdreg s5  }
0x15: {  	s7 =	sshll.u32 @!p0 s9, $0x6;
	[dreg:$0x9] =	wrdreg s8;
	s9 =	simm.s32 $0x0  }
0x16: {  	s5 =	simm.s32 $0xC;
	s10 =	sor.u32 @!p0 $0x1C11, s7;
	[dreg:$0xa] =	wrdreg s9  }
0x17: {  	s8 =	simm.s32 $0xF;
	s7 =	simm.s32 $0xE;
	[dreg:$0x7] =	wrdreg s10  }
.LBB2_1:
0x18: {  	s9 =	rddreg [dreg:$0x3]  }
0x19: {  	[spmem:s11], [sflag:s10] =	dma.local @!p0 [hbm:s9], $0x1F40  }
0x1a: {  	s9 =	simm.s32 @!p0 $0x11  }
0x1b: {  	_ =	swait.ge @!p0 [sflag:s9], $0x1F40  }
0x1c: {  	[sflag:s9] =	ssyncset.done @!p0 $0x0  }
0x1d: {  	s3 =	rddreg [dreg:$0x4];
	[sflag:s9] =	ssyncadd.s32 @!p0 $0xFFFFE0C0;
	s9 =	simm.s32 $0x0  }
0x1e: {  	[tilespmem:s9], [sflag:$0x11] =	stream.linear.gather [hbm4b:s3+s9], $0x2800, $0x38;
	[tilespmem:$0x1E640] =	vst v63  }
0x1f: {  	s3 =	simm.s32 $0x11  }
0x20: {  	_ =	swait.ge [sflag:s3], $0x2800  }
0x21: {  	[sflag:s3] =	ssyncset.done $0x0  }
0x22: {  	s11 =	simm.s32 $0x2800;
	s10 =	rddreg [dreg:$0x9];
	[sflag:s3] =	ssyncadd.s32 $0xFFFFD800  }
0x23: {  	[tilespmem:s11], [sflag:$0x11] =	stream.linear.gather [hbm4b:s10+s9], $0x2800, $0x38;
	[tilespmem:$0x1E640] =	vst v63  }
0x24: {  	_ =	swait.ge [sflag:s3], $0x2800  }
0x25: {  	[sflag:s3] =	ssyncset.done $0x0  }
0x26: {  	[sflag:s3] =	ssyncadd.s32 $0xFFFFD800  }
0x27: {  	[bflag:$0x0] =	sbarrier.arrive $0xFFFF  }
0x28: {  	[tilespmem:s15], [sflag:$0x1] =	stream.indirect.gather [hbm4b:s4+s14], $0x40, s9, s14, $0xb8;
	[tilespmem:$0x1E640] =	vst v63  }
0x29: {  	s11 =	simm.s32 $0x80  }
0x2a: {  	[tilespmem:s17], [sflag:$0x2] =	stream.indirect.gather [hbm4b:s4+s14], $0x40, s11, s14, $0xb8;
	[tilespmem:$0x1E640] =	vst v63  }
0x2b: {  	s9 =	simm.s32 $0x100  }
0x2c: {  	[tilespmem:s19], [sflag:$0x3] =	stream.indirect.gather [hbm4b:s4+s14], $0x40, s9, s14, $0xb8;
	[tilespmem:$0x1E640] =	vst v63  }
0x2d: {  	s10 =	simm.s32 $0x180  }
0x2e: {  	[tilespmem:s21], [sflag:$0x4] =	stream.indirect.gather [hbm4b:s4+s14], $0x40, s10, s14, $0xb8;
	[tilespmem:$0x1E640] =	vst v63  }
0x2f: {  	s11 =	simm.s32 $0x200  }
0x30: {  	[tilespmem:s23], [sflag:$0x5] =	stream.indirect.gather [hbm4b:s4+s14], $0x40, s11, s14, $0xb8;
	[tilespmem:$0x1E640] =	vst v63  }
0x31: {  	s9 =	simm.s32 $0x280  }
0x32: {  	[tilespmem:s25], [sflag:$0x6] =	stream.indirect.gather [hbm4b:s4+s14], $0x40, s9, s14, $0xb8;
	[tilespmem:$0x1E640] =	vst v63  }
0x33: {  	s10 =	simm.s32 $0x300  }
0x34: {  	[tilespmem:s28], [sflag:$0x7] =	stream.indirect.gather [hbm4b:s4+s14], $0x40, s10, s14, $0xb8;
	[tilespmem:$0x1E640] =	vst v63  }
0x35: {  	s11 =	simm.s32 $0x380  }
0x36: {  	[tilespmem:s30], [sflag:$0x8] =	stream.indirect.gather [hbm4b:s4+s14], $0x40, s11, s14, $0xb8;
	[tilespmem:$0x1E640] =	vst v63  }
0x37: {  	_ =	swait.ge [sflag:s31], $0x1F40  }
0x38: {  	[sflag:s31] =	ssyncset.done $0x0  }
0x39: {  	s3 =	simm.s32 $0x2800;
	[sflag:s31] =	ssyncadd.s32 $0xFFFFE0C0  }
0x3a: {  	[spmem:s2] =	stream.indirect.scatter.add.f32 [tilespmem:s15], [sflag:$0x9], $0x40, s3, s14, $0xb8;
	[tilespmem:$0x1E640] =	vst v63  }
0x3b: {  	_ =	swait.ge [sflag:s1], $0x1F40  }
0x3c: {  	[sflag:s1] =	ssyncset.done $0x0  }
0x3d: {  	s10 =	simm.s32 $0x2880;
	[sflag:s1] =	ssyncadd.s32 $0xFFFFE0C0  }
0x3e: {  	[spmem:s2] =	stream.indirect.scatter.add.f32 [tilespmem:s17], [sflag:$0xA], $0x40, s10, s14, $0xb8;
	[tilespmem:$0x1E640] =	vst v63  }
0x3f: {  	_ =	swait.ge [sflag:s0], $0x1F40  }
0x40: {  	[sflag:s0] =	ssyncset.done $0x0  }
0x41: {  	s11 =	simm.s32 $0x2900;
	[sflag:s0] =	ssyncadd.s32 $0xFFFFE0C0  }
0x42: {  	[spmem:s2] =	stream.indirect.scatter.add.f32 [tilespmem:s19], [sflag:$0xB], $0x40, s11, s14, $0xb8;
	[tilespmem:$0x1E640] =	vst v63  }
0x43: {  	_ =	swait.ge [sflag:s13], $0x1F40  }
0x44: {  	[sflag:s13] =	ssyncset.done $0x0  }
0x45: {  	s3 =	simm.s32 $0x2980;
	[sflag:s13] =	ssyncadd.s32 $0xFFFFE0C0  }
0x46: {  	[spmem:s2] =	stream.indirect.scatter.add.f32 [tilespmem:s21], [sflag:$0xC], $0x40, s3, s14, $0xb8;
	[tilespmem:$0x1E640] =	vst v63  }
0x47: {  	_ =	swait.ge [sflag:s16], $0x1F40  }
0x48: {  	[sflag:s16] =	ssyncset.done $0x0  }
0x49: {  	s10 =	simm.s32 $0x2A00;
	[sflag:s16] =	ssyncadd.s32 $0xFFFFE0C0  }
0x4a: {  	[spmem:s2] =	stream.indirect.scatter.add.f32 [tilespmem:s23], [sflag:$0xD], $0x40, s10, s14, $0xb8;
	[tilespmem:$0x1E640] =	vst v63  }
0x4b: {  	_ =	swait.ge [sflag:s18], $0x1F40  }
0x4c: {  	[sflag:s18] =	ssyncset.done $0x0  }
0x4d: {  	s11 =	simm.s32 $0x2A80;
	[sflag:s18] =	ssyncadd.s32 $0xFFFFE0C0  }
0x4e: {  	[spmem:s2] =	stream.indirect.scatter.add.f32 [tilespmem:s25], [sflag:$0xE], $0x40, s11, s14, $0xb8;
	[tilespmem:$0x1E640] =	vst v63  }
0x4f: {  	_ =	swait.ge [sflag:s20], $0x1F40  }
0x50: {  	[sflag:s20] =	ssyncset.done $0x0  }
0x51: {  	s3 =	simm.s32 $0x2B00;
	[sflag:s20] =	ssyncadd.s32 $0xFFFFE0C0  }
0x52: {  	[spmem:s2] =	stream.indirect.scatter.add.f32 [tilespmem:s28], [sflag:$0xF], $0x40, s3, s14, $0xb8;
	[tilespmem:$0x1E640] =	vst v63  }
0x53: {  	_ =	swait.ge [sflag:s22], $0x1F40  }
0x54: {  	[sflag:s22] =	ssyncset.done $0x0  }
0x55: {  	s10 =	simm.s32 $0x2B80;
	[sflag:s22] =	ssyncadd.s32 $0xFFFFE0C0  }
0x56: {  	[spmem:s2] =	stream.indirect.scatter.add.f32 [tilespmem:s30], [sflag:$0x10], $0x40, s10, s14, $0xb8;
	[tilespmem:$0x1E640] =	vst v63  }
0x57: {  	_ =	swait.ge [sflag:s24], $0x1F40  }
0x58: {  	[sflag:s24] =	ssyncset.done $0x0  }
0x59: {  	s11 =	simm.s32 $0x400;
	[sflag:s24] =	ssyncadd.s32 $0xFFFFE0C0  }
0x5a: {  	[tilespmem:s15], [sflag:$0x1] =	stream.indirect.gather [hbm4b:s4+s14], $0x40, s11, s14, $0xb8;
	[tilespmem:$0x1E640] =	vst v63  }
0x5b: {  	_ =	swait.ge [sflag:s26], $0x1F40  }
0x5c: {  	[sflag:s26] =	ssyncset.done $0x0  }
0x5d: {  	s3 =	simm.s32 $0x480;
	[sflag:s26] =	ssyncadd.s32 $0xFFFFE0C0  }
0x5e: {  	[tilespmem:s17], [sflag:$0x2] =	stream.indirect.gather [hbm4b:s4+s14], $0x40, s3, s14, $0xb8;
	[tilespmem:$0x1E640] =	vst v63  }
0x5f: {  	_ =	swait.ge [sflag:s29], $0x1F40  }
0x60: {  	[sflag:s29] =	ssyncset.done $0x0  }
0x61: {  	s10 =	simm.s32 $0x500;
	[sflag:s29] =	ssyncadd.s32 $0xFFFFE0C0  }
0x62: {  	[tilespmem:s19], [sflag:$0x3] =	stream.indirect.gather [hbm4b:s4+s14], $0x40, s10, s14, $0xb8;
	[tilespmem:$0x1E640] =	vst v63  }
0x63: {  	_ =	swait.ge [sflag:s5], $0x1F40  }
0x64: {  	[sflag:s5] =	ssyncset.done $0x0  }
0x65: {  	s11 =	simm.s32 $0x580;
	[sflag:s5] =	ssyncadd.s32 $0xFFFFE0C0  }
0x66: {  	[tilespmem:s21], [sflag:$0x4] =	stream.indirect.gather [hbm4b:s4+s14], $0x40, s11, s14, $0xb8;
	[tilespmem:$0x1E640] =	vst v63  }
0x67: {  	_ =	swait.ge [sflag:s6], $0x1F40  }
0x68: {  	[sflag:s6] =	ssyncset.done $0x0  }
0x69: {  	s3 =	simm.s32 $0x600;
	[sflag:s6] =	ssyncadd.s32 $0xFFFFE0C0  }
0x6a: {  	[tilespmem:s23], [sflag:$0x5] =	stream.indirect.gather [hbm4b:s4+s14], $0x40, s3, s14, $0xb8;
	[tilespmem:$0x1E640] =	vst v63  }
0x6b: {  	_ =	swait.ge [sflag:s7], $0x1F40  }
0x6c: {  	[sflag:s7] =	ssyncset.done $0x0  }
0x6d: {  	s10 =	simm.s32 $0x680;
	[sflag:s7] =	ssyncadd.s32 $0xFFFFE0C0  }
0x6e: {  	[tilespmem:s25], [sflag:$0x6] =	stream.indirect.gather [hbm4b:s4+s14], $0x40, s10, s14, $0xb8;
	[tilespmem:$0x1E640] =	vst v63  }
0x6f: {  	_ =	swait.ge [sflag:s8], $0x1F40  }
0x70: {  	[sflag:s8] =	ssyncset.done $0x0  }
0x71: {  	s11 =	simm.s32 $0x700;
	[sflag:s8] =	ssyncadd.s32 $0xFFFFE0C0  }
0x72: {  	[tilespmem:s28], [sflag:$0x7] =	stream.indirect.gather [hbm4b:s4+s14], $0x40, s11, s14, $0xb8;
	[tilespmem:$0x1E640] =	vst v63  }
0x73: {  	_ =	swait.ge [sflag:s12], $0x1F40  }
0x74: {  	[sflag:s12] =	ssyncset.done $0x0  }
0x75: {  	s9 =	simm.s32 $0x1000;
	s10 =	simm.s32 $0x780;
	[sflag:s12] =	ssyncadd.s32 $0xFFFFE0C0  }
.LBB2_2:
0x76: {  	[tilespmem:s30], [sflag:$0x8] =	stream.indirect.gather [hbm4b:s4+s14], $0x40, s10, s14, $0xb8;
	[tilespmem:$0x1E640] =	vst v63  }
0x77: {  	s10 =	smov.u32 s9  }
0x78: {  	p1 =	sne.s32 s9, $0x8000;
	s9 =	sadd.s32 $0x1000, s9;
	_ =	swait.ge [sflag:s31], $0x1F40  }
0x79: {  	s10 =	sshra.s32 s10, $0x2;
	[sflag:s31] =	ssyncset.done $0x0  }
0x7a: {  	s11 =	sadd.s32 $0x2800, s10;
	[sflag:s31] =	ssyncadd.s32 $0xFFFFE0C0  }
0x7b: {  	[spmem:s2] =	stream.indirect.scatter.add.f32 [tilespmem:s15], [sflag:$0x9], $0x40, s11, s14, $0xb8;
	[tilespmem:$0x1E640] =	vst v63  }
0x7c: {  	_ =	swait.ge [sflag:s1], $0x1F40  }
0x7d: {  	[sflag:s1] =	ssyncset.done $0x0  }
0x7e: {  	s11 =	sadd.s32 $0x2880, s10;
	[sflag:s1] =	ssyncadd.s32 $0xFFFFE0C0  }
0x7f: {  	[spmem:s2] =	stream.indirect.scatter.add.f32 [tilespmem:s17], [sflag:$0xA], $0x40, s11, s14, $0xb8;
	[tilespmem:$0x1E640] =	vst v63  }
0x80: {  	_ =	swait.ge [sflag:s0], $0x1F40  }
0x81: {  	[sflag:s0] =	ssyncset.done $0x0  }
0x82: {  	s11 =	sadd.s32 $0x2900, s10;
	[sflag:s0] =	ssyncadd.s32 $0xFFFFE0C0  }
0x83: {  	[spmem:s2] =	stream.indirect.scatter.add.f32 [tilespmem:s19], [sflag:$0xB], $0x40, s11, s14, $0xb8;
	[tilespmem:$0x1E640] =	vst v63  }
0x84: {  	_ =	swait.ge [sflag:s13], $0x1F40  }
0x85: {  	[sflag:s13] =	ssyncset.done $0x0  }
0x86: {  	s11 =	sadd.s32 $0x2980, s10;
	[sflag:s13] =	ssyncadd.s32 $0xFFFFE0C0  }
0x87: {  	[spmem:s2] =	stream.indirect.scatter.add.f32 [tilespmem:s21], [sflag:$0xC], $0x40, s11, s14, $0xb8;
	[tilespmem:$0x1E640] =	vst v63  }
0x88: {  	_ =	swait.ge [sflag:s16], $0x1F40  }
0x89: {  	[sflag:s16] =	ssyncset.done $0x0  }
0x8a: {  	s11 =	sadd.s32 $0x2A00, s10;
	[sflag:s16] =	ssyncadd.s32 $0xFFFFE0C0  }
0x8b: {  	[spmem:s2] =	stream.indirect.scatter.add.f32 [tilespmem:s23], [sflag:$0xD], $0x40, s11, s14, $0xb8;
	[tilespmem:$0x1E640] =	vst v63  }
0x8c: {  	_ =	swait.ge [sflag:s18], $0x1F40  }
0x8d: {  	[sflag:s18] =	ssyncset.done $0x0  }
0x8e: {  	s11 =	sadd.s32 $0x2A80, s10;
	[sflag:s18] =	ssyncadd.s32 $0xFFFFE0C0  }
0x8f: {  	[spmem:s2] =	stream.indirect.scatter.add.f32 [tilespmem:s25], [sflag:$0xE], $0x40, s11, s14, $0xb8;
	[tilespmem:$0x1E640] =	vst v63  }
0x90: {  	_ =	swait.ge [sflag:s20], $0x1F40  }
0x91: {  	[sflag:s20] =	ssyncset.done $0x0  }
0x92: {  	s11 =	sadd.s32 $0x2B00, s10;
	[sflag:s20] =	ssyncadd.s32 $0xFFFFE0C0  }
0x93: {  	[spmem:s2] =	stream.indirect.scatter.add.f32 [tilespmem:s28], [sflag:$0xF], $0x40, s11, s14, $0xb8;
	[tilespmem:$0x1E640] =	vst v63  }
0x94: {  	_ =	swait.ge [sflag:s22], $0x1F40  }
0x95: {  	[sflag:s22] =	ssyncset.done $0x0  }
0x96: {  	s11 =	sadd.s32 $0x2B80, s10;
	[sflag:s22] =	ssyncadd.s32 $0xFFFFE0C0  }
0x97: {  	[spmem:s2] =	stream.indirect.scatter.add.f32 [tilespmem:s30], [sflag:$0x10], $0x40, s11, s14, $0xb8;
	[tilespmem:$0x1E640] =	vst v63  }
0x98: {  	_ =	swait.ge [sflag:s24], $0x1F40  }
0x99: {  	[sflag:s24] =	ssyncset.done $0x0  }
0x9a: {  	s11 =	sadd.s32 $0x400, s10;
	[sflag:s24] =	ssyncadd.s32 $0xFFFFE0C0  }
0x9b: {  	[tilespmem:s15], [sflag:$0x1] =	stream.indirect.gather [hbm4b:s4+s14], $0x40, s11, s14, $0xb8;
	[tilespmem:$0x1E640] =	vst v63  }
0x9c: {  	_ =	swait.ge [sflag:s26], $0x1F40  }
0x9d: {  	[sflag:s26] =	ssyncset.done $0x0  }
0x9e: {  	s11 =	sadd.s32 $0x480, s10;
	[sflag:s26] =	ssyncadd.s32 $0xFFFFE0C0  }
0x9f: {  	[tilespmem:s17], [sflag:$0x2] =	stream.indirect.gather [hbm4b:s4+s14], $0x40, s11, s14, $0xb8;
	[tilespmem:$0x1E640] =	vst v63  }
0xa0: {  	_ =	swait.ge [sflag:s29], $0x1F40  }
0xa1: {  	[sflag:s29] =	ssyncset.done $0x0  }
0xa2: {  	s11 =	sadd.s32 $0x500, s10;
	[sflag:s29] =	ssyncadd.s32 $0xFFFFE0C0  }
0xa3: {  	[tilespmem:s19], [sflag:$0x3] =	stream.indirect.gather [hbm4b:s4+s14], $0x40, s11, s14, $0xb8;
	[tilespmem:$0x1E640] =	vst v63  }
0xa4: {  	_ =	swait.ge [sflag:s5], $0x1F40  }
0xa5: {  	[sflag:s5] =	ssyncset.done $0x0  }
0xa6: {  	s11 =	sadd.s32 $0x580, s10;
	[sflag:s5] =	ssyncadd.s32 $0xFFFFE0C0  }
0xa7: {  	[tilespmem:s21], [sflag:$0x4] =	stream.indirect.gather [hbm4b:s4+s14], $0x40, s11, s14, $0xb8;
	[tilespmem:$0x1E640] =	vst v63  }
0xa8: {  	_ =	swait.ge [sflag:s6], $0x1F40  }
0xa9: {  	[sflag:s6] =	ssyncset.done $0x0  }
0xaa: {  	s11 =	sadd.s32 $0x600, s10;
	[sflag:s6] =	ssyncadd.s32 $0xFFFFE0C0  }
0xab: {  	[tilespmem:s23], [sflag:$0x5] =	stream.indirect.gather [hbm4b:s4+s14], $0x40, s11, s14, $0xb8;
	[tilespmem:$0x1E640] =	vst v63  }
0xac: {  	_ =	swait.ge [sflag:s7], $0x1F40  }
0xad: {  	[sflag:s7] =	ssyncset.done $0x0  }
0xae: {  	s11 =	sadd.s32 $0x680, s10;
	[sflag:s7] =	ssyncadd.s32 $0xFFFFE0C0  }
0xaf: {  	[tilespmem:s25], [sflag:$0x6] =	stream.indirect.gather [hbm4b:s4+s14], $0x40, s11, s14, $0xb8;
	[tilespmem:$0x1E640] =	vst v63  }
0xb0: {  	_ =	swait.ge [sflag:s8], $0x1F40  }
0xb1: {  	[sflag:s8] =	ssyncset.done $0x0  }
.Ltmp0:
0xb2: {  	s11 =	sadd.s32 $0x700, s10;
	[sflag:s8] =	ssyncadd.s32 $0xFFFFE0C0;
	(pc) =	sbr.rel @p1 .LBB2_2-.Ltmp0, $4  }
0xb3: {  	[tilespmem:s28], [sflag:$0x7] =	stream.indirect.gather [hbm4b:s4+s14], $0x40, s11, s14, $0xb8;
	[tilespmem:$0x1E640] =	vst v63  }
0xb4: {  	_ =	swait.ge [sflag:s12], $0x1F40  }
0xb5: {  	[sflag:s12] =	ssyncset.done $0x0  }
0xb6: {  	s10 =	sadd.s32 $0x780, s10;
	[sflag:s12] =	ssyncadd.s32 $0xFFFFE0C0  }
0xb7: {  	[tilespmem:s30], [sflag:$0x8] =	stream.indirect.gather [hbm4b:s4+s14], $0x40, s10, s14, $0xb8;
	[tilespmem:$0x1E640] =	vst v63  }
0xb8: {  	_ =	swait.ge [sflag:s31], $0x1F40  }
0xb9: {  	[sflag:s31] =	ssyncset.done $0x0  }
0xba: {  	s3 =	simm.s32 $0x4C00;
	[sflag:s31] =	ssyncadd.s32 $0xFFFFE0C0  }
0xbb: {  	[spmem:s2] =	stream.indirect.scatter.add.f32 [tilespmem:s15], [sflag:$0x9], $0x40, s3, s14, $0xb8;
	[tilespmem:$0x1E640] =	vst v63  }
0xbc: {  	_ =	swait.ge [sflag:s1], $0x1F40  }
0xbd: {  	[sflag:s1] =	ssyncset.done $0x0  }
0xbe: {  	s15 =	simm.s32 $0x4C80;
	[sflag:s1] =	ssyncadd.s32 $0xFFFFE0C0  }
0xbf: {  	[spmem:s2] =	stream.indirect.scatter.add.f32 [tilespmem:s17], [sflag:$0xA], $0x40, s15, s14, $0xb8;
	[tilespmem:$0x1E640] =	vst v63  }
0xc0: {  	_ =	swait.ge [sflag:s0], $0x1F40  }
0xc1: {  	[sflag:s0] =	ssyncset.done $0x0  }
0xc2: {  	s9 =	simm.s32 $0x4D00;
	[sflag:s0] =	ssyncadd.s32 $0xFFFFE0C0  }
0xc3: {  	[spmem:s2] =	stream.indirect.scatter.add.f32 [tilespmem:s19], [sflag:$0xB], $0x40, s9, s14, $0xb8;
	[tilespmem:$0x1E640] =	vst v63  }
0xc4: {  	_ =	swait.ge [sflag:s13], $0x1F40  }
0xc5: {  	[sflag:s13] =	ssyncset.done $0x0  }
0xc6: {  	s10 =	simm.s32 $0x4D80;
	[sflag:s13] =	ssyncadd.s32 $0xFFFFE0C0  }
0xc7: {  	[spmem:s2] =	stream.indirect.scatter.add.f32 [tilespmem:s21], [sflag:$0xC], $0x40, s10, s14, $0xb8;
	[tilespmem:$0x1E640] =	vst v63  }
0xc8: {  	_ =	swait.ge [sflag:s16], $0x1F40  }
0xc9: {  	[sflag:s16] =	ssyncset.done $0x0  }
0xca: {  	s11 =	simm.s32 $0x4E00;
	[sflag:s16] =	ssyncadd.s32 $0xFFFFE0C0  }
0xcb: {  	[spmem:s2] =	stream.indirect.scatter.add.f32 [tilespmem:s23], [sflag:$0xD], $0x40, s11, s14, $0xb8;
	[tilespmem:$0x1E640] =	vst v63  }
0xcc: {  	_ =	swait.ge [sflag:s18], $0x1F40  }
0xcd: {  	[sflag:s18] =	ssyncset.done $0x0  }
0xce: {  	s15 =	simm.s32 $0x4E80;
	[sflag:s18] =	ssyncadd.s32 $0xFFFFE0C0  }
0xcf: {  	[spmem:s2] =	stream.indirect.scatter.add.f32 [tilespmem:s25], [sflag:$0xE], $0x40, s15, s14, $0xb8;
	[tilespmem:$0x1E640] =	vst v63  }
0xd0: {  	_ =	swait.ge [sflag:s20], $0x1F40  }
0xd1: {  	[sflag:s20] =	ssyncset.done $0x0  }
0xd2: {  	s17 =	simm.s32 $0x4F00;
	[sflag:s20] =	ssyncadd.s32 $0xFFFFE0C0  }
0xd3: {  	[spmem:s2] =	stream.indirect.scatter.add.f32 [tilespmem:s28], [sflag:$0xF], $0x40, s17, s14, $0xb8;
	[tilespmem:$0x1E640] =	vst v63  }
0xd4: {  	_ =	swait.ge [sflag:s22], $0x1F40  }
0xd5: {  	[sflag:s22] =	ssyncset.done $0x0  }
0xd6: {  	s9 =	simm.s32 $0x4F80;
	[sflag:s22] =	ssyncadd.s32 $0xFFFFE0C0  }
0xd7: {  	[spmem:s2] =	stream.indirect.scatter.add.f32 [tilespmem:s30], [sflag:$0x10], $0x40, s9, s14, $0xb8;
	[tilespmem:$0x1E640] =	vst v63  }
0xd8: {  	_ =	swait.ge [sflag:s24], $0x1F40  }
0xd9: {  	[sflag:s24] =	ssyncset.done $0x0  }
0xda: {  	[sflag:s24] =	ssyncadd.s32 $0xFFFFE0C0  }
0xdb: {  	_ =	swait.ge [sflag:s26], $0x1F40  }
0xdc: {  	[sflag:s26] =	ssyncset.done $0x0  }
0xdd: {  	[sflag:s26] =	ssyncadd.s32 $0xFFFFE0C0  }
0xde: {  	_ =	swait.ge [sflag:s29], $0x1F40  }
0xdf: {  	[sflag:s29] =	ssyncset.done $0x0  }
0xe0: {  	[sflag:s29] =	ssyncadd.s32 $0xFFFFE0C0  }
0xe1: {  	_ =	swait.ge [sflag:s5], $0x1F40  }
0xe2: {  	[sflag:s5] =	ssyncset.done $0x0  }
0xe3: {  	[sflag:s5] =	ssyncadd.s32 $0xFFFFE0C0  }
0xe4: {  	_ =	swait.ge [sflag:s6], $0x1F40  }
0xe5: {  	[sflag:s6] =	ssyncset.done $0x0  }
0xe6: {  	[sflag:s6] =	ssyncadd.s32 $0xFFFFE0C0  }
0xe7: {  	_ =	swait.ge [sflag:s7], $0x1F40  }
0xe8: {  	[sflag:s7] =	ssyncset.done $0x0  }
0xe9: {  	[sflag:s7] =	ssyncadd.s32 $0xFFFFE0C0  }
0xea: {  	_ =	swait.ge [sflag:s8], $0x1F40  }
0xeb: {  	[sflag:s8] =	ssyncset.done $0x0  }
0xec: {  	[sflag:s8] =	ssyncadd.s32 $0xFFFFE0C0  }
0xed: {  	_ =	swait.ge [sflag:s12], $0x1F40  }
0xee: {  	[sflag:s12] =	ssyncset.done $0x0  }
0xef: {  	[sflag:s12] =	ssyncadd.s32 $0xFFFFE0C0  }
0xf0: {  	[bflag:$0x0] =	sbarrier.arrive $0xFFFF  }
0xf1: {  	s3 =	rddreg [dreg:$0x5]  }
0xf2: {  	s10 =	simm.s32 @!p0 $0x10;
	s15 =	rddreg [dreg:$0x7]  }
0xf3: {  	s11 =	simm.s32 @!p0 $0x8;
	s9 =	simm.s32 @!p0 $0x1;
	s17 =	rddreg [dreg:$0x8]  }
0xf4: {  	[hbm:s3@s10], [sflag:s15] =	dma.strided @!p0 [spmem:s17@s11], $0x1F40, s9, $0x8   }
0xf5: {  	s3 =	simm.s32 @!p0 $0x11  }
0xf6: {  	_ =	swait.ge @!p0 [sflag:s3], $0x1F40  }
0xf7: {  	s10 =	rddreg [dreg:$0xa]  }
0xf8: {  	s9 =	rddreg [dreg:$0x6];
	s11 =	sadd.s32 $0x1, s10  }
0xf9: {  	p1 =	sne.s32 s11, s9  }
.Ltmp1:
0xfa: {  	_ = 	snop;
	(pc) =	sbr.rel @p1 .LBB2_1-.Ltmp1, $4  }
0xfb: {  	_ = 	snop  }
0xfc: {  	s17 =	simm.s32 $0x6F40;
	[dreg:$0xa] =	wrdreg s11  }
0xfd: {  	[sflag:s3] =	ssyncset.done @!p0 $0x0;
	s10 =	simm.s32 @!p0 $0x11;
	s11 =	rddreg [dreg:$0x8]  }
0xfe: {  	s15 =	simm.s32 $0x5000;
	[sflag:s10] =	ssyncadd.s32 @!p0 $0xFFFFE0C0;
	s10 =	rddreg [dreg:$0x7]  }
0xff: {  	_ =	sfence.sel $0x180000  }
0x100: {  	[bflag:$0x0] =	sbarrier.arrive $0xFFFF  }
0x101: {  	_ =	strace $0x9000004D  }
0x102: {  	s0 =	stileid.u32;
	[bflag:$0x2] =	sbarrier.arrive $0xFFFF  }
0x103: {  	p0 =	sne.s32 s0, $0x0;
	s0 =	rddreg [dreg:$0x2]  }
0x104: {  	s0 =	sadd.s32 @!p0 $0x100000, s0  }
0x105: {  	[sflag:s0] =	ssyncadd.tile.s32 @!p0 $0x1;
	_ =	shalt  }
.Lfunc_end2:
_tile_overlayer_lowered:
.L_overlay_start_2:
0x106: {  	(tag) =	ssettag $0x2  }
0x107: {  	s0 =	rddreg [dreg:$0x0];
	s2 =	stileid.u32  }
0x108: {  	s1 =	rddreg [dreg:$0x1];
	p0 =	sne.s32 s2, $0x0  }
0x109: {  	s3 =	rddreg [dreg:$0x2];
	[bflag:$0x3] =	sbarrier.arrive $0xFFFF;
	s2 =	simm.s32 @!p0 $0x1C11  }
0x10a: {  	[timem:s3], [sflag:s2] =	dma.local @!p0 [hbm:s0], s1  }
0x10b: {  	s0 =	simm.s32 @!p0 $0x11  }
0x10c: {  	_ =	swait.ge @!p0 [sflag:s0], s1  }
0x10d: {  	s1 =	ssub.s32 @!p0 $0x0, s1;
	[sflag:s0] =	ssyncset.done @!p0 $0x0  }
0x10e: {  	[sflag:s0] =	ssyncadd.s32 @!p0 s1  }
0x10f: {  	[bflag:$0x3] =	sbarrier.arrive $0xFFFF  }
0x110: {  	_ =	shalt  }

// kernel: kernel.19.cloned.1.call-start
scs
__scs_entry_jumppad:
0x0: {  	(pc) =	sbr.rel $0x88, $3  }
0x1: {  	(tag) =	ssettag $0x0;
	lr =	simm.s32 $0x1  }
0x2: {  	[smem:$0x3F93] =	sst lr;
	_ =	strace $0xD0000000  }
0x3: {  	_ = 	snop  }
0x4: {  	_ = 	snop  }
0x5: {  	_ = 	snop  }
0x6: {  	_ = 	snop  }
0x7: {  	_ = 	snop  }
__scs_overlays_trampoline_lowered:
0x8: {  	[smem:$0x3FA2] =	sst s0  }
0x9: {  	[smem:$0x3FA3] =	sst s1  }
0xa: {  	[smem:$0x3FA4] =	sst s2  }
0xb: {  	[smem:$0x3FA5] =	sst s3  }
0xc: {  	[smem:$0x3FA6] =	sst s4  }
0xd: {  	[smem:$0x3FA7] =	sst s5  }
0xe: {  	[smem:$0x3FA8] =	sst s6  }
0xf: {  	[smem:$0x3FA9] =	sst s7  }
0x10: {  	[smem:$0x3FAA] =	sst s8  }
0x11: {  	[smem:$0x3FAB] =	sst s9;
	s0 =	simm.s32 @!p0 $0x0  }
0x12: {  	s1 =	sld [smem:$0x3F91];
	s0 =	simm.s32 @p0 $0x1  }
0x13: {  	[smem:$0x3FAC] =	sst s0;
	s0 =	simm.s32 @!p1 $0x0  }
0x14: {  	s2 =	sld [smem:$0x3F90];
	s0 =	simm.s32 @p1 $0x1  }
0x15: {  	[smem:$0x3FAD] =	sst s0;
	s0 =	simm.s32 @!p2 $0x0  }
0x16: {  	s3 =	sld [smem:$0x3FDB];
	s0 =	simm.s32 @p2 $0x1  }
0x17: {  	s4 =	simm.s32 $0x1BF5;
	[smem:$0x3FAF] =	sst s0  }
0x18: {  	s0 =	sld [smem:$0x3F92];
	_ =	swait.ge [sflag:s4], $0x0  }
0x19: {  	s7 =	sld [smem:$0x3F93]  }
0x1a: {  	s8 =	sadd.s32 $0xFFFFE003, lr  }
0x1b: {  	s9 =	sadd.s32 $0xFFFFFEF7, lr;
	s5 =	simm.s32 $0xFFFFFFFF;
	p2 =	slt.u32 s8, $0xFFFFF086  }
0x1c: {  	p1 =	slt.u32 s9, $0xF7A;
	s5 =	simm.s32 @!p2 $0x0  }
0x1d: {  	s5 =	simm.s32 @p1 $0x1;
	p0 =	seq.s32 s7, s2  }
0x1e: {  	s7 =	smul.u32 @!p0 $0xF7A, s2;
	p2 =	seq.s32 @!p0 s5, $0x0  }
0x1f: {  	s9 =	smul.u32 $0xF7A, s1;
	s8 =	simm.s32 @!p0 $0x1BF5;
	p2 =	por !p2, p0  }
0x20: {  	[sflag:s8] =	ssyncset.s32 @!p0 $0xFFFFF086;
	s6 =	sadd.s32 @!p0 s3, s7;
	s7 =	simm.s32 @!p0 $0x108  }
0x21: {  	s3 =	sadd.s32 s3, s9;
	s6 =	sadd.s32 @!p0 $0x88, s6;
	s7 =	simm.s32 @p2 $0x1082  }
0x22: {  	[simem:s7], [sflag:s8] =	dma.local @!p0 [hbm:s6], $0xF7A  }
0x23: {  	s9 =	sor.u32 $0xD0000000, s2;
	s6 =	simm.s32 $0x108;
	_ =	swait.ge @!p0 [sflag:s8], $0x0  }
0x24: {  	s3 =	sadd.s32 $0x88, s3;
	s6 =	simm.s32 @!p1 $0x1082;
	[sflag:s4] =	ssyncset.s32 $0xFFFFF086  }
0x25: {  	[simem:s6], [sflag:s4] =	dma.local [hbm:s3], $0xF7A  }
0x26: {  	[smem:$0x3F93] =	sst s1;
	(tag) =	ssettag s2;
	_ =	strace s9  }
0x27: {  	s1 =	sld [smem:$0x3FA3]  }
0x28: {  	s2 =	sld [smem:$0x3FA4]  }
0x29: {  	s4 =	sld [smem:$0x3FA6]  }
0x2a: {  	p0 =	seq.s32 s5, $0x0;
	s5 =	sld [smem:$0x3FA7]  }
0x2b: {  	s6 =	sld [smem:$0x3FA8]  }
0x2c: {  	s7 =	sld [smem:$0x3FA9]  }
0x2d: {  	s3 =	simm.s32 $0x108;
	s8 =	sld [smem:$0x3FAA]  }
0x2e: {  	s3 =	simm.s32 @!p0 $0x1082;
	s9 =	sld [smem:$0x3FAB]  }
0x2f: {  	lr =	sadd.s32 s0, s3;
	s0 =	sld [smem:$0x3FA2]  }
0x30: {  	s3 =	sld [smem:$0x3FA5]  }
0x31: {  	[smem:$0x3FAE] =	sst s10  }
0x32: {  	s10 =	sld [smem:$0x3FAC];
	_ =	sdelay $0x3  }
0x33: {  	p0 =	seq.s32 s10, $0x1;
	s10 =	sld [smem:$0x3FAE];
	_ =	sdelay $0x3  }
0x34: {  	[smem:$0x3FAE] =	sst s10  }
0x35: {  	s10 =	sld [smem:$0x3FAD];
	_ =	sdelay $0x3  }
0x36: {  	p1 =	seq.s32 s10, $0x1;
	s10 =	sld [smem:$0x3FAE];
	_ =	sdelay $0x3  }
0x37: {  	[smem:$0x3FAE] =	sst s10  }
0x38: {  	s10 =	sld [smem:$0x3FAF]  }
0x39: {  	_ = 	snop;
	(pc) =	sbr.ind lr, $3  }
0x3a: {  	_ = 	snop  }
0x3b: {  	_ = 	snop  }
0x3c: {  	p2 =	seq.s32 s10, $0x1;
	s10 =	sld [smem:$0x3FAE]  }
0x3d: {  	_ =	shalt  }
0x3e: {  	_ =	shalt  }
0x3f: {  	_ =	shalt  }
0x40: {  	_ =	shalt  }
0x41: {  	_ =	shalt  }
0x42: {  	_ =	shalt  }
0x43: {  	_ =	shalt  }
0x44: {  	_ =	shalt  }
0x45: {  	_ =	shalt  }
0x46: {  	_ =	shalt  }
0x47: {  	_ =	shalt  }
0x48: {  	_ =	shalt  }
0x49: {  	_ =	shalt  }
0x4a: {  	_ =	shalt  }
0x4b: {  	_ =	shalt  }
0x4c: {  	_ =	shalt  }
0x4d: {  	_ =	shalt  }
0x4e: {  	_ =	shalt  }
0x4f: {  	_ =	shalt  }
0x50: {  	_ =	shalt  }
0x51: {  	_ =	shalt  }
0x52: {  	_ =	shalt  }
0x53: {  	_ =	shalt  }
0x54: {  	_ =	shalt  }
0x55: {  	_ =	shalt  }
0x56: {  	_ =	shalt  }
0x57: {  	_ =	shalt  }
0x58: {  	_ =	shalt  }
0x59: {  	_ =	shalt  }
0x5a: {  	_ =	shalt  }
0x5b: {  	_ =	shalt  }
0x5c: {  	_ =	shalt  }
0x5d: {  	_ =	shalt  }
0x5e: {  	_ =	shalt  }
0x5f: {  	_ =	shalt  }
0x60: {  	_ =	shalt  }
0x61: {  	_ =	shalt  }
0x62: {  	_ =	shalt  }
0x63: {  	_ =	shalt  }
0x64: {  	_ =	shalt  }
0x65: {  	_ =	shalt  }
0x66: {  	_ =	shalt  }
0x67: {  	_ =	shalt  }
0x68: {  	_ =	shalt  }
0x69: {  	_ =	shalt  }
0x6a: {  	_ =	shalt  }
0x6b: {  	_ =	shalt  }
0x6c: {  	_ =	shalt  }
0x6d: {  	_ =	shalt  }
0x6e: {  	_ =	shalt  }
0x6f: {  	_ =	shalt  }
0x70: {  	_ =	shalt  }
0x71: {  	_ =	shalt  }
0x72: {  	_ =	shalt  }
0x73: {  	_ =	shalt  }
0x74: {  	_ =	shalt  }
0x75: {  	_ =	shalt  }
0x76: {  	_ =	shalt  }
0x77: {  	_ =	shalt  }
0x78: {  	_ =	shalt  }
0x79: {  	_ =	shalt  }
0x7a: {  	_ =	shalt  }
0x7b: {  	_ =	shalt  }
0x7c: {  	_ =	shalt  }
0x7d: {  	_ =	shalt  }
0x7e: {  	_ =	shalt  }
0x7f: {  	_ =	shalt  }
0x80: {  	_ =	shalt  }
0x81: {  	_ =	shalt  }
0x82: {  	_ =	shalt  }
0x83: {  	_ =	shalt  }
0x84: {  	_ =	shalt  }
0x85: {  	_ =	shalt  }
0x86: {  	_ =	shalt  }
0x87: {  	_ =	shalt  }
.Lfunc_end0:
.L_simem_size_0:
called_computation.3_lowered:
.L_overlay_start_0:
0x88: {  	s2 =	sld [smem:$0x3FD9]  }
0x89: {  	s3 =	sld [smem:$0x3FFE];
	_ =	sdelay $0x1  }
0x8a: {  	s1 =	srdreg.scid  }
0x8b: {  	s0 =	sand.u32 $0x1, s1  }
0x8c: {  	s16 =	sshll.u32 s0, $0xA;
	s2 =	sadd.s32 s3, s2  }
0x8d: {  	s2 =	sadd.s32 s2, s16  }
0x8e: {  	[smem:$0x3FBA] =	sst s2  }
0x8f: {  	_ = 	snop  }
0x90: {  	(tm) =	ssettm $0x1  }
0x91: {  	s17 =	sld [smem:$0x3FFB];
	_ =	sdelay $0x3  }
0x92: {  	_ =	strace s17  }
0x93: {  	s2 =	sld [smem:$0x3FFC];
	_ =	sdelay $0x3  }
0x94: {  	_ =	strace s2  }
0x95: {  	s2 =	sld [smem:$0x3FFD];
	_ =	sdelay $0x3  }
0x96: {  	_ =	strace s2  }
0x97: {  	_ =	strace $0x8FFFFFFF  }
0x98: {  	s18 =	sld [smem:$0x3FDB];
	_ =	sdelay $0x1  }
0x99: {  	s19 =	simm.s32 $_scs_section_size  }
0x9a: {  	s4 =	simm.s32 $_size__tile_overlayer_lowered;
	s5 =	simm.s32 $_tile_overlayer_lowered  }
0x9b: {  	s22 =	simm.s32 $0x1BFF;
	s21 =	sshll.u32 s5, $0x1;
	s2 =	sadd.s32 s19, s18  }
0x9c: {  	s6 =	simm.s32 $0x0;
	s20 =	sshll.u32 s4, $0x1;
	s4 =	sadd.s32 s21, s2  }
0x9d: {  	[timem:s6], [sflag:s22] =	dma.local [hbm:s4], s20  }
0x9e: {  	_ =	swait.ge [sflag:s22], s20  }
0x9f: {  	s3 =	ssub.s32 $0x0, s20;
	[sflag:s22] =	ssyncset.done $0x0  }
0xa0: {  	[sflag:s22] =	ssyncadd.s32 s3;
	_ =	sdelay $0x1  }
0xa1: {  	s23 =	simm.s32 $0x1B8B  }
0xa2: {  	_ =	swait.ge [sflag:s23], $0x1  }
0xa3: {  	[sflag:s23] =	ssyncset.done $0x0  }
0xa4: {  	s25 =	simm.s32 $0x1B8E;
	s24 =	sld [smem:$0x3FFE];
	[sflag:s23] =	ssyncadd.s32 $0xFFFFFFFF  }
0xa5: {  	s26 =	simm.s32 $execute0_lowered;
	[smem:$0x3FD2] =	sst s25  }
0xa6: {  	s4 =	sshll.u32 s26, $0x1;
	_ =	strace $0x8000004F;
	[dreg:$0x1] =	wrdreg $0xFFFFFFFF  }
0xa7: {  	s28 =	simm.s32 $_size_execute0_lowered;
	s2 =	sadd.s32 s2, s4;
	[dreg:$0x0] =	wrdreg $0x0  }
0xa8: {  	s4 =	sshll.u32 s28, $0x1;
	[dreg:$0x2] =	wrdreg s2  }
0xa9: {  	[dreg:$0x3] =	wrdreg s4  }
0xaa: {  	[dreg:$0x4] =	wrdreg $0xC0  }
0xab: {  	_ =	task [dreg:s6], $0x5FFFF  }
0xac: {  	[dreg:$0x1] =	wrdreg $0xFFFFFFFF  }
0xad: {  	[dreg:$0x0] =	wrdreg $0x60  }
0xae: {  	[dreg:$0x2] =	wrdreg s24  }
0xaf: {  	[dreg:$0x3] =	wrdreg $0x14A000  }
0xb0: {  	[dreg:$0x4] =	wrdreg $0x9  }
0xb1: {  	_ =	task.clear_ibuf [dreg:s6], $0x5FFFF;
	_ =	strace $0x9000004F  }
0xb2: {  	s29 =	simm.s32 $0x9;
	_ =	strace $0x80000051  }
0xb3: {  	_ =	swait.ge [sflag:s29], $0x1  }
0xb4: {  	[sflag:s29] =	ssyncadd.s32 $0xFFFFFFFF  }
0xb5: {  	_ =	strace $0x90000051  }
0xb6: {  	_ =	sfence  }
0xb7: {  	s30 =	sld [smem:$0x0];
	_ =	sdelay $0x2  }
0xb8: {  	s31 =	sshll.u32 s1, $0xD;
	s1 =	sshrl.u32 s1, $0x2  }
0xb9: {  	s3 =	sand.u32 $0x4000, s31;
	s1 =	sadd.s32 s1, s30  }
0xba: {  	s0 =	sor.u32 s3, s0;
	s1 =	sshll.u32 s1, $0x11  }
0xbb: {  	s0 =	sor.u32 s1, s0  }
0xbc: {  	s0 =	sadd.s32 $0x8F2B, s0  }
0xbd: {  	[sflag:s0] =	ssyncadd.remote.s32 $0x1  }
0xbe: {  	_ =	sfence.sel $0xFFFF  }
0xbf: {  	[dreg:$0x0] =	wrdreg $0xFFFFFFFF;
	(pc) =	sbr.abs _section_cstart, $3  }
0xc0: {  	[dreg:$0x1] =	wrdreg $0xFFFFFFFF  }
0xc1: {  	_ =	task.clear_ibuf [dreg:s6], $0x2FFFF;
	_ =	strace $0x9FFFFFFF  }
0xc2: {  	(tm) =	ssettm $0x7FFFFFFF  }
0xc3: {  	_ =	shalt  }
tec
execute0_lowered:
.L_overlay_start_1:
0x0: {  	(tag) =	ssettag $0x1  }
0x1: {  	s0 =	srdreg.scid;
	s3 =	rddreg [dreg:$0x0]  }
0x2: {  	s9 =	stileid.u32;
	s2 =	rddreg [dreg:$0x1];
	s4 =	simm.s32 $0x0  }
0x3: {  	s14 =	simm.s32 $0x7D;
	s15 =	simm.s32 $0x5000;
	s17 =	simm.s32 $0x6F40  }
0x4: {  	s19 =	simm.s32 $0x8E80;
	s21 =	simm.s32 $0xADC0;
	s23 =	simm.s32 $0xCD00  }
0x5: {  	s28 =	simm.s32 $0x10B80;
	s30 =	simm.s32 $0x12AC0;
	s31 =	simm.s32 $0x1  }
0x6: {  	s13 =	simm.s32 $0x4;
	s16 =	simm.s32 $0x5;
	s18 =	simm.s32 $0x6  }
0x7: {  	s20 =	simm.s32 $0x7;
	s22 =	simm.s32 $0x8;
	s24 =	simm.s32 $0x9  }
0x8: {  	s29 =	simm.s32 $0xB;
	s12 =	simm.s32 $0x10;
	s0 =	sand.u32 $0x1, s0  }
0x9: {  	[smem:$0x7FF] =	sst s4;
	s6 =	smul.u32 $0x1F400, s9;
	s4 =	sadd.s32 $0x26A00, s3  }
0xa: {  	s25 =	smul.u32 $0x3E800, s9;
	s8 =	sadd.s32 $0x17400, s3;
	p0 =	sgt.u32 s9, $0x9  }
0xb: {  	s1 =	sshll.u32 s0, $0x4;
	s5 =	smul.u32 $0x138800, s0;
	_ =	strace $0x80000050  }
0xc: {  	[dreg:$0x3] =	wrdreg s8;
	s0 =	ssub.s32 $0x2, s0;
	s1 =	sor.u32 s9, s1  }
0xd: {  	s26 =	sshrl.u32 s0, $0x1;
	s1 =	smul.u32 $0x500, s1;
	s5 =	sadd.s32 s6, s5  }
0xe: {  	s6 =	sshrl.u32 s25, $0x2;
	s0 =	ssub.s32 s0, s26;
	s25 =	simm.s32 $0xEC40  }
0xf: {  	s26 =	simm.s32 $0xA;
	s5 =	sshrl.u32 s5, $0x3;
	s6 =	sadd.s32 s6, s2  }
0x10: {  	s0 =	smax.u32 s0, $0x1;
	s7 =	sadd.s32 s1, s3;
	s5 =	sadd.s32 s5, s3  }
0x11: {  	s3 =	sadd.s32 $0xD400, s3;
	[dreg:$0x6] =	wrdreg s0;
	s11 =	sshrl.u32 @!p0 s6, $0x3  }
0x12: {  	s0 =	simm.s32 $0x3;
	s7 =	sadd.s32 $0x1CA00, s7;
	[dreg:$0x8] =	wrdreg s11  }
0x13: {  	s6 =	simm.s32 $0xD;
	s5 =	sadd.s32 $0x4DC00, s5;
	[dreg:$0x4] =	wrdreg s7  }
0x14: {  	s8 =	sadd.s32 s1, s3;
	s1 =	simm.s32 $0x2;
	[dreg:$0x5] =	wrdreg s5  }
0x15: {  	s7 =	sshll.u32 @!p0 s9, $0x6;
	[dreg:$0x9] =	wrdreg s8;
	s9 =	simm.s32 $0x0  }
0x16: {  	s5 =	simm.s32 $0xC;
	s10 =	sor.u32 @!p0 $0x1C11, s7;
	[dreg:$0xa] =	wrdreg s9  }
0x17: {  	s8 =	simm.s32 $0xF;
	s7 =	simm.s32 $0xE;
	[dreg:$0x7] =	wrdreg s10  }
.LBB2_1:
0x18: {  	s9 =	rddreg [dreg:$0x3]  }
0x19: {  	[spmem:s11], [sflag:s10] =	dma.local @!p0 [hbm:s9], $0x1F40  }
0x1a: {  	s9 =	simm.s32 @!p0 $0x11  }
0x1b: {  	_ =	swait.ge @!p0 [sflag:s9], $0x1F40  }
0x1c: {  	[sflag:s9] =	ssyncset.done @!p0 $0x0  }
0x1d: {  	s3 =	rddreg [dreg:$0x4];
	[sflag:s9] =	ssyncadd.s32 @!p0 $0xFFFFE0C0;
	s9 =	simm.s32 $0x0  }
0x1e: {  	[tilespmem:s9], [sflag:$0x11] =	stream.linear.gather [hbm4b:s3+s9], $0x2800, $0x38;
	[tilespmem:$0x1E640] =	vst v63  }
0x1f: {  	s3 =	simm.s32 $0x11  }
0x20: {  	_ =	swait.ge [sflag:s3], $0x2800  }
0x21: {  	[sflag:s3] =	ssyncset.done $0x0  }
0x22: {  	s11 =	simm.s32 $0x2800;
	s10 =	rddreg [dreg:$0x9];
	[sflag:s3] =	ssyncadd.s32 $0xFFFFD800  }
0x23: {  	[tilespmem:s11], [sflag:$0x11] =	stream.linear.gather [hbm4b:s10+s9], $0x2800, $0x38;
	[tilespmem:$0x1E640] =	vst v63  }
0x24: {  	_ =	swait.ge [sflag:s3], $0x2800  }
0x25: {  	[sflag:s3] =	ssyncset.done $0x0  }
0x26: {  	[sflag:s3] =	ssyncadd.s32 $0xFFFFD800  }
0x27: {  	[bflag:$0x0] =	sbarrier.arrive $0xFFFF  }
0x28: {  	[tilespmem:s15], [sflag:$0x1] =	stream.indirect.gather [hbm4b:s4+s14], $0x40, s9, s14, $0xb8;
	[tilespmem:$0x1E640] =	vst v63  }
0x29: {  	s11 =	simm.s32 $0x80  }
0x2a: {  	[tilespmem:s17], [sflag:$0x2] =	stream.indirect.gather [hbm4b:s4+s14], $0x40, s11, s14, $0xb8;
	[tilespmem:$0x1E640] =	vst v63  }
0x2b: {  	s9 =	simm.s32 $0x100  }
0x2c: {  	[tilespmem:s19], [sflag:$0x3] =	stream.indirect.gather [hbm4b:s4+s14], $0x40, s9, s14, $0xb8;
	[tilespmem:$0x1E640] =	vst v63  }
0x2d: {  	s10 =	simm.s32 $0x180  }
0x2e: {  	[tilespmem:s21], [sflag:$0x4] =	stream.indirect.gather [hbm4b:s4+s14], $0x40, s10, s14, $0xb8;
	[tilespmem:$0x1E640] =	vst v63  }
0x2f: {  	s11 =	simm.s32 $0x200  }
0x30: {  	[tilespmem:s23], [sflag:$0x5] =	stream.indirect.gather [hbm4b:s4+s14], $0x40, s11, s14, $0xb8;
	[tilespmem:$0x1E640] =	vst v63  }
0x31: {  	s9 =	simm.s32 $0x280  }
0x32: {  	[tilespmem:s25], [sflag:$0x6] =	stream.indirect.gather [hbm4b:s4+s14], $0x40, s9, s14, $0xb8;
	[tilespmem:$0x1E640] =	vst v63  }
0x33: {  	s10 =	simm.s32 $0x300  }
0x34: {  	[tilespmem:s28], [sflag:$0x7] =	stream.indirect.gather [hbm4b:s4+s14], $0x40, s10, s14, $0xb8;
	[tilespmem:$0x1E640] =	vst v63  }
0x35: {  	s11 =	simm.s32 $0x380  }
0x36: {  	[tilespmem:s30], [sflag:$0x8] =	stream.indirect.gather [hbm4b:s4+s14], $0x40, s11, s14, $0xb8;
	[tilespmem:$0x1E640] =	vst v63  }
0x37: {  	_ =	swait.ge [sflag:s31], $0x1F40  }
0x38: {  	[sflag:s31] =	ssyncset.done $0x0  }
0x39: {  	s3 =	simm.s32 $0x2800;
	[sflag:s31] =	ssyncadd.s32 $0xFFFFE0C0  }
0x3a: {  	[spmem:s2] =	stream.indirect.scatter.add.f32 [tilespmem:s15], [sflag:$0x9], $0x40, s3, s14, $0xb8;
	[tilespmem:$0x1E640] =	vst v63  }
0x3b: {  	_ =	swait.ge [sflag:s1], $0x1F40  }
0x3c: {  	[sflag:s1] =	ssyncset.done $0x0  }
0x3d: {  	s10 =	simm.s32 $0x2880;
	[sflag:s1] =	ssyncadd.s32 $0xFFFFE0C0  }
0x3e: {  	[spmem:s2] =	stream.indirect.scatter.add.f32 [tilespmem:s17], [sflag:$0xA], $0x40, s10, s14, $0xb8;
	[tilespmem:$0x1E640] =	vst v63  }
0x3f: {  	_ =	swait.ge [sflag:s0], $0x1F40  }
0x40: {  	[sflag:s0] =	ssyncset.done $0x0  }
0x41: {  	s11 =	simm.s32 $0x2900;
	[sflag:s0] =	ssyncadd.s32 $0xFFFFE0C0  }
0x42: {  	[spmem:s2] =	stream.indirect.scatter.add.f32 [tilespmem:s19], [sflag:$0xB], $0x40, s11, s14, $0xb8;
	[tilespmem:$0x1E640] =	vst v63  }
0x43: {  	_ =	swait.ge [sflag:s13], $0x1F40  }
0x44: {  	[sflag:s13] =	ssyncset.done $0x0  }
0x45: {  	s3 =	simm.s32 $0x2980;
	[sflag:s13] =	ssyncadd.s32 $0xFFFFE0C0  }
0x46: {  	[spmem:s2] =	stream.indirect.scatter.add.f32 [tilespmem:s21], [sflag:$0xC], $0x40, s3, s14, $0xb8;
	[tilespmem:$0x1E640] =	vst v63  }
0x47: {  	_ =	swait.ge [sflag:s16], $0x1F40  }
0x48: {  	[sflag:s16] =	ssyncset.done $0x0  }
0x49: {  	s10 =	simm.s32 $0x2A00;
	[sflag:s16] =	ssyncadd.s32 $0xFFFFE0C0  }
0x4a: {  	[spmem:s2] =	stream.indirect.scatter.add.f32 [tilespmem:s23], [sflag:$0xD], $0x40, s10, s14, $0xb8;
	[tilespmem:$0x1E640] =	vst v63  }
0x4b: {  	_ =	swait.ge [sflag:s18], $0x1F40  }
0x4c: {  	[sflag:s18] =	ssyncset.done $0x0  }
0x4d: {  	s11 =	simm.s32 $0x2A80;
	[sflag:s18] =	ssyncadd.s32 $0xFFFFE0C0  }
0x4e: {  	[spmem:s2] =	stream.indirect.scatter.add.f32 [tilespmem:s25], [sflag:$0xE], $0x40, s11, s14, $0xb8;
	[tilespmem:$0x1E640] =	vst v63  }
0x4f: {  	_ =	swait.ge [sflag:s20], $0x1F40  }
0x50: {  	[sflag:s20] =	ssyncset.done $0x0  }
0x51: {  	s3 =	simm.s32 $0x2B00;
	[sflag:s20] =	ssyncadd.s32 $0xFFFFE0C0  }
0x52: {  	[spmem:s2] =	stream.indirect.scatter.add.f32 [tilespmem:s28], [sflag:$0xF], $0x40, s3, s14, $0xb8;
	[tilespmem:$0x1E640] =	vst v63  }
0x53: {  	_ =	swait.ge [sflag:s22], $0x1F40  }
0x54: {  	[sflag:s22] =	ssyncset.done $0x0  }
0x55: {  	s10 =	simm.s32 $0x2B80;
	[sflag:s22] =	ssyncadd.s32 $0xFFFFE0C0  }
0x56: {  	[spmem:s2] =	stream.indirect.scatter.add.f32 [tilespmem:s30], [sflag:$0x10], $0x40, s10, s14, $0xb8;
	[tilespmem:$0x1E640] =	vst v63  }
0x57: {  	_ =	swait.ge [sflag:s24], $0x1F40  }
0x58: {  	[sflag:s24] =	ssyncset.done $0x0  }
0x59: {  	s11 =	simm.s32 $0x400;
	[sflag:s24] =	ssyncadd.s32 $0xFFFFE0C0  }
0x5a: {  	[tilespmem:s15], [sflag:$0x1] =	stream.indirect.gather [hbm4b:s4+s14], $0x40, s11, s14, $0xb8;
	[tilespmem:$0x1E640] =	vst v63  }
0x5b: {  	_ =	swait.ge [sflag:s26], $0x1F40  }
0x5c: {  	[sflag:s26] =	ssyncset.done $0x0  }
0x5d: {  	s3 =	simm.s32 $0x480;
	[sflag:s26] =	ssyncadd.s32 $0xFFFFE0C0  }
0x5e: {  	[tilespmem:s17], [sflag:$0x2] =	stream.indirect.gather [hbm4b:s4+s14], $0x40, s3, s14, $0xb8;
	[tilespmem:$0x1E640] =	vst v63  }
0x5f: {  	_ =	swait.ge [sflag:s29], $0x1F40  }
0x60: {  	[sflag:s29] =	ssyncset.done $0x0  }
0x61: {  	s10 =	simm.s32 $0x500;
	[sflag:s29] =	ssyncadd.s32 $0xFFFFE0C0  }
0x62: {  	[tilespmem:s19], [sflag:$0x3] =	stream.indirect.gather [hbm4b:s4+s14], $0x40, s10, s14, $0xb8;
	[tilespmem:$0x1E640] =	vst v63  }
0x63: {  	_ =	swait.ge [sflag:s5], $0x1F40  }
0x64: {  	[sflag:s5] =	ssyncset.done $0x0  }
0x65: {  	s11 =	simm.s32 $0x580;
	[sflag:s5] =	ssyncadd.s32 $0xFFFFE0C0  }
0x66: {  	[tilespmem:s21], [sflag:$0x4] =	stream.indirect.gather [hbm4b:s4+s14], $0x40, s11, s14, $0xb8;
	[tilespmem:$0x1E640] =	vst v63  }
0x67: {  	_ =	swait.ge [sflag:s6], $0x1F40  }
0x68: {  	[sflag:s6] =	ssyncset.done $0x0  }
0x69: {  	s3 =	simm.s32 $0x600;
	[sflag:s6] =	ssyncadd.s32 $0xFFFFE0C0  }
0x6a: {  	[tilespmem:s23], [sflag:$0x5] =	stream.indirect.gather [hbm4b:s4+s14], $0x40, s3, s14, $0xb8;
	[tilespmem:$0x1E640] =	vst v63  }
0x6b: {  	_ =	swait.ge [sflag:s7], $0x1F40  }
0x6c: {  	[sflag:s7] =	ssyncset.done $0x0  }
0x6d: {  	s10 =	simm.s32 $0x680;
	[sflag:s7] =	ssyncadd.s32 $0xFFFFE0C0  }
0x6e: {  	[tilespmem:s25], [sflag:$0x6] =	stream.indirect.gather [hbm4b:s4+s14], $0x40, s10, s14, $0xb8;
	[tilespmem:$0x1E640] =	vst v63  }
0x6f: {  	_ =	swait.ge [sflag:s8], $0x1F40  }
0x70: {  	[sflag:s8] =	ssyncset.done $0x0  }
0x71: {  	s11 =	simm.s32 $0x700;
	[sflag:s8] =	ssyncadd.s32 $0xFFFFE0C0  }
0x72: {  	[tilespmem:s28], [sflag:$0x7] =	stream.indirect.gather [hbm4b:s4+s14], $0x40, s11, s14, $0xb8;
	[tilespmem:$0x1E640] =	vst v63  }
0x73: {  	_ =	swait.ge [sflag:s12], $0x1F40  }
0x74: {  	[sflag:s12] =	ssyncset.done $0x0  }
0x75: {  	s9 =	simm.s32 $0x1000;
	s10 =	simm.s32 $0x780;
	[sflag:s12] =	ssyncadd.s32 $0xFFFFE0C0  }
.LBB2_2:
0x76: {  	[tilespmem:s30], [sflag:$0x8] =	stream.indirect.gather [hbm4b:s4+s14], $0x40, s10, s14, $0xb8;
	[tilespmem:$0x1E640] =	vst v63  }
0x77: {  	s10 =	smov.u32 s9  }
0x78: {  	p1 =	sne.s32 s9, $0x8000;
	s9 =	sadd.s32 $0x1000, s9;
	_ =	swait.ge [sflag:s31], $0x1F40  }
0x79: {  	s10 =	sshra.s32 s10, $0x2;
	[sflag:s31] =	ssyncset.done $0x0  }
0x7a: {  	s11 =	sadd.s32 $0x2800, s10;
	[sflag:s31] =	ssyncadd.s32 $0xFFFFE0C0  }
0x7b: {  	[spmem:s2] =	stream.indirect.scatter.add.f32 [tilespmem:s15], [sflag:$0x9], $0x40, s11, s14, $0xb8;
	[tilespmem:$0x1E640] =	vst v63  }
0x7c: {  	_ =	swait.ge [sflag:s1], $0x1F40  }
0x7d: {  	[sflag:s1] =	ssyncset.done $0x0  }
0x7e: {  	s11 =	sadd.s32 $0x2880, s10;
	[sflag:s1] =	ssyncadd.s32 $0xFFFFE0C0  }
0x7f: {  	[spmem:s2] =	stream.indirect.scatter.add.f32 [tilespmem:s17], [sflag:$0xA], $0x40, s11, s14, $0xb8;
	[tilespmem:$0x1E640] =	vst v63  }
0x80: {  	_ =	swait.ge [sflag:s0], $0x1F40  }
0x81: {  	[sflag:s0] =	ssyncset.done $0x0  }
0x82: {  	s11 =	sadd.s32 $0x2900, s10;
	[sflag:s0] =	ssyncadd.s32 $0xFFFFE0C0  }
0x83: {  	[spmem:s2] =	stream.indirect.scatter.add.f32 [tilespmem:s19], [sflag:$0xB], $0x40, s11, s14, $0xb8;
	[tilespmem:$0x1E640] =	vst v63  }
0x84: {  	_ =	swait.ge [sflag:s13], $0x1F40  }
0x85: {  	[sflag:s13] =	ssyncset.done $0x0  }
0x86: {  	s11 =	sadd.s32 $0x2980, s10;
	[sflag:s13] =	ssyncadd.s32 $0xFFFFE0C0  }
0x87: {  	[spmem:s2] =	stream.indirect.scatter.add.f32 [tilespmem:s21], [sflag:$0xC], $0x40, s11, s14, $0xb8;
	[tilespmem:$0x1E640] =	vst v63  }
0x88: {  	_ =	swait.ge [sflag:s16], $0x1F40  }
0x89: {  	[sflag:s16] =	ssyncset.done $0x0  }
0x8a: {  	s11 =	sadd.s32 $0x2A00, s10;
	[sflag:s16] =	ssyncadd.s32 $0xFFFFE0C0  }
0x8b: {  	[spmem:s2] =	stream.indirect.scatter.add.f32 [tilespmem:s23], [sflag:$0xD], $0x40, s11, s14, $0xb8;
	[tilespmem:$0x1E640] =	vst v63  }
0x8c: {  	_ =	swait.ge [sflag:s18], $0x1F40  }
0x8d: {  	[sflag:s18] =	ssyncset.done $0x0  }
0x8e: {  	s11 =	sadd.s32 $0x2A80, s10;
	[sflag:s18] =	ssyncadd.s32 $0xFFFFE0C0  }
0x8f: {  	[spmem:s2] =	stream.indirect.scatter.add.f32 [tilespmem:s25], [sflag:$0xE], $0x40, s11, s14, $0xb8;
	[tilespmem:$0x1E640] =	vst v63  }
0x90: {  	_ =	swait.ge [sflag:s20], $0x1F40  }
0x91: {  	[sflag:s20] =	ssyncset.done $0x0  }
0x92: {  	s11 =	sadd.s32 $0x2B00, s10;
	[sflag:s20] =	ssyncadd.s32 $0xFFFFE0C0  }
0x93: {  	[spmem:s2] =	stream.indirect.scatter.add.f32 [tilespmem:s28], [sflag:$0xF], $0x40, s11, s14, $0xb8;
	[tilespmem:$0x1E640] =	vst v63  }
0x94: {  	_ =	swait.ge [sflag:s22], $0x1F40  }
0x95: {  	[sflag:s22] =	ssyncset.done $0x0  }
0x96: {  	s11 =	sadd.s32 $0x2B80, s10;
	[sflag:s22] =	ssyncadd.s32 $0xFFFFE0C0  }
0x97: {  	[spmem:s2] =	stream.indirect.scatter.add.f32 [tilespmem:s30], [sflag:$0x10], $0x40, s11, s14, $0xb8;
	[tilespmem:$0x1E640] =	vst v63  }
0x98: {  	_ =	swait.ge [sflag:s24], $0x1F40  }
0x99: {  	[sflag:s24] =	ssyncset.done $0x0  }
0x9a: {  	s11 =	sadd.s32 $0x400, s10;
	[sflag:s24] =	ssyncadd.s32 $0xFFFFE0C0  }
0x9b: {  	[tilespmem:s15], [sflag:$0x1] =	stream.indirect.gather [hbm4b:s4+s14], $0x40, s11, s14, $0xb8;
	[tilespmem:$0x1E640] =	vst v63  }
0x9c: {  	_ =	swait.ge [sflag:s26], $0x1F40  }
0x9d: {  	[sflag:s26] =	ssyncset.done $0x0  }
0x9e: {  	s11 =	sadd.s32 $0x480, s10;
	[sflag:s26] =	ssyncadd.s32 $0xFFFFE0C0  }
0x9f: {  	[tilespmem:s17], [sflag:$0x2] =	stream.indirect.gather [hbm4b:s4+s14], $0x40, s11, s14, $0xb8;
	[tilespmem:$0x1E640] =	vst v63  }
0xa0: {  	_ =	swait.ge [sflag:s29], $0x1F40  }
0xa1: {  	[sflag:s29] =	ssyncset.done $0x0  }
0xa2: {  	s11 =	sadd.s32 $0x500, s10;
	[sflag:s29] =	ssyncadd.s32 $0xFFFFE0C0  }
0xa3: {  	[tilespmem:s19], [sflag:$0x3] =	stream.indirect.gather [hbm4b:s4+s14], $0x40, s11, s14, $0xb8;
	[tilespmem:$0x1E640] =	vst v63  }
0xa4: {  	_ =	swait.ge [sflag:s5], $0x1F40  }
0xa5: {  	[sflag:s5] =	ssyncset.done $0x0  }
0xa6: {  	s11 =	sadd.s32 $0x580, s10;
	[sflag:s5] =	ssyncadd.s32 $0xFFFFE0C0  }
0xa7: {  	[tilespmem:s21], [sflag:$0x4] =	stream.indirect.gather [hbm4b:s4+s14], $0x40, s11, s14, $0xb8;
	[tilespmem:$0x1E640] =	vst v63  }
0xa8: {  	_ =	swait.ge [sflag:s6], $0x1F40  }
0xa9: {  	[sflag:s6] =	ssyncset.done $0x0  }
0xaa: {  	s11 =	sadd.s32 $0x600, s10;
	[sflag:s6] =	ssyncadd.s32 $0xFFFFE0C0  }
0xab: {  	[tilespmem:s23], [sflag:$0x5] =	stream.indirect.gather [hbm4b:s4+s14], $0x40, s11, s14, $0xb8;
	[tilespmem:$0x1E640] =	vst v63  }
0xac: {  	_ =	swait.ge [sflag:s7], $0x1F40  }
0xad: {  	[sflag:s7] =	ssyncset.done $0x0  }
0xae: {  	s11 =	sadd.s32 $0x680, s10;
	[sflag:s7] =	ssyncadd.s32 $0xFFFFE0C0  }
0xaf: {  	[tilespmem:s25], [sflag:$0x6] =	stream.indirect.gather [hbm4b:s4+s14], $0x40, s11, s14, $0xb8;
	[tilespmem:$0x1E640] =	vst v63  }
0xb0: {  	_ =	swait.ge [sflag:s8], $0x1F40  }
0xb1: {  	[sflag:s8] =	ssyncset.done $0x0  }
.Ltmp0:
0xb2: {  	s11 =	sadd.s32 $0x700, s10;
	[sflag:s8] =	ssyncadd.s32 $0xFFFFE0C0;
	(pc) =	sbr.rel @p1 .LBB2_2-.Ltmp0, $4  }
0xb3: {  	[tilespmem:s28], [sflag:$0x7] =	stream.indirect.gather [hbm4b:s4+s14], $0x40, s11, s14, $0xb8;
	[tilespmem:$0x1E640] =	vst v63  }
0xb4: {  	_ =	swait.ge [sflag:s12], $0x1F40  }
0xb5: {  	[sflag:s12] =	ssyncset.done $0x0  }
0xb6: {  	s10 =	sadd.s32 $0x780, s10;
	[sflag:s12] =	ssyncadd.s32 $0xFFFFE0C0  }
0xb7: {  	[tilespmem:s30], [sflag:$0x8] =	stream.indirect.gather [hbm4b:s4+s14], $0x40, s10, s14, $0xb8;
	[tilespmem:$0x1E640] =	vst v63  }
0xb8: {  	_ =	swait.ge [sflag:s31], $0x1F40  }
0xb9: {  	[sflag:s31] =	ssyncset.done $0x0  }
0xba: {  	s3 =	simm.s32 $0x4C00;
	[sflag:s31] =	ssyncadd.s32 $0xFFFFE0C0  }
0xbb: {  	[spmem:s2] =	stream.indirect.scatter.add.f32 [tilespmem:s15], [sflag:$0x9], $0x40, s3, s14, $0xb8;
	[tilespmem:$0x1E640] =	vst v63  }
0xbc: {  	_ =	swait.ge [sflag:s1], $0x1F40  }
0xbd: {  	[sflag:s1] =	ssyncset.done $0x0  }
0xbe: {  	s15 =	simm.s32 $0x4C80;
	[sflag:s1] =	ssyncadd.s32 $0xFFFFE0C0  }
0xbf: {  	[spmem:s2] =	stream.indirect.scatter.add.f32 [tilespmem:s17], [sflag:$0xA], $0x40, s15, s14, $0xb8;
	[tilespmem:$0x1E640] =	vst v63  }
0xc0: {  	_ =	swait.ge [sflag:s0], $0x1F40  }
0xc1: {  	[sflag:s0] =	ssyncset.done $0x0  }
0xc2: {  	s9 =	simm.s32 $0x4D00;
	[sflag:s0] =	ssyncadd.s32 $0xFFFFE0C0  }
0xc3: {  	[spmem:s2] =	stream.indirect.scatter.add.f32 [tilespmem:s19], [sflag:$0xB], $0x40, s9, s14, $0xb8;
	[tilespmem:$0x1E640] =	vst v63  }
0xc4: {  	_ =	swait.ge [sflag:s13], $0x1F40  }
0xc5: {  	[sflag:s13] =	ssyncset.done $0x0  }
0xc6: {  	s10 =	simm.s32 $0x4D80;
	[sflag:s13] =	ssyncadd.s32 $0xFFFFE0C0  }
0xc7: {  	[spmem:s2] =	stream.indirect.scatter.add.f32 [tilespmem:s21], [sflag:$0xC], $0x40, s10, s14, $0xb8;
	[tilespmem:$0x1E640] =	vst v63  }
0xc8: {  	_ =	swait.ge [sflag:s16], $0x1F40  }
0xc9: {  	[sflag:s16] =	ssyncset.done $0x0  }
0xca: {  	s11 =	simm.s32 $0x4E00;
	[sflag:s16] =	ssyncadd.s32 $0xFFFFE0C0  }
0xcb: {  	[spmem:s2] =	stream.indirect.scatter.add.f32 [tilespmem:s23], [sflag:$0xD], $0x40, s11, s14, $0xb8;
	[tilespmem:$0x1E640] =	vst v63  }
0xcc: {  	_ =	swait.ge [sflag:s18], $0x1F40  }
0xcd: {  	[sflag:s18] =	ssyncset.done $0x0  }
0xce: {  	s15 =	simm.s32 $0x4E80;
	[sflag:s18] =	ssyncadd.s32 $0xFFFFE0C0  }
0xcf: {  	[spmem:s2] =	stream.indirect.scatter.add.f32 [tilespmem:s25], [sflag:$0xE], $0x40, s15, s14, $0xb8;
	[tilespmem:$0x1E640] =	vst v63  }
0xd0: {  	_ =	swait.ge [sflag:s20], $0x1F40  }
0xd1: {  	[sflag:s20] =	ssyncset.done $0x0  }
0xd2: {  	s17 =	simm.s32 $0x4F00;
	[sflag:s20] =	ssyncadd.s32 $0xFFFFE0C0  }
0xd3: {  	[spmem:s2] =	stream.indirect.scatter.add.f32 [tilespmem:s28], [sflag:$0xF], $0x40, s17, s14, $0xb8;
	[tilespmem:$0x1E640] =	vst v63  }
0xd4: {  	_ =	swait.ge [sflag:s22], $0x1F40  }
0xd5: {  	[sflag:s22] =	ssyncset.done $0x0  }
0xd6: {  	s9 =	simm.s32 $0x4F80;
	[sflag:s22] =	ssyncadd.s32 $0xFFFFE0C0  }
0xd7: {  	[spmem:s2] =	stream.indirect.scatter.add.f32 [tilespmem:s30], [sflag:$0x10], $0x40, s9, s14, $0xb8;
	[tilespmem:$0x1E640] =	vst v63  }
0xd8: {  	_ =	swait.ge [sflag:s24], $0x1F40  }
0xd9: {  	[sflag:s24] =	ssyncset.done $0x0  }
0xda: {  	[sflag:s24] =	ssyncadd.s32 $0xFFFFE0C0  }
0xdb: {  	_ =	swait.ge [sflag:s26], $0x1F40  }
0xdc: {  	[sflag:s26] =	ssyncset.done $0x0  }
0xdd: {  	[sflag:s26] =	ssyncadd.s32 $0xFFFFE0C0  }
0xde: {  	_ =	swait.ge [sflag:s29], $0x1F40  }
0xdf: {  	[sflag:s29] =	ssyncset.done $0x0  }
0xe0: {  	[sflag:s29] =	ssyncadd.s32 $0xFFFFE0C0  }
0xe1: {  	_ =	swait.ge [sflag:s5], $0x1F40  }
0xe2: {  	[sflag:s5] =	ssyncset.done $0x0  }
0xe3: {  	[sflag:s5] =	ssyncadd.s32 $0xFFFFE0C0  }
0xe4: {  	_ =	swait.ge [sflag:s6], $0x1F40  }
0xe5: {  	[sflag:s6] =	ssyncset.done $0x0  }
0xe6: {  	[sflag:s6] =	ssyncadd.s32 $0xFFFFE0C0  }
0xe7: {  	_ =	swait.ge [sflag:s7], $0x1F40  }
0xe8: {  	[sflag:s7] =	ssyncset.done $0x0  }
0xe9: {  	[sflag:s7] =	ssyncadd.s32 $0xFFFFE0C0  }
0xea: {  	_ =	swait.ge [sflag:s8], $0x1F40  }
0xeb: {  	[sflag:s8] =	ssyncset.done $0x0  }
0xec: {  	[sflag:s8] =	ssyncadd.s32 $0xFFFFE0C0  }
0xed: {  	_ =	swait.ge [sflag:s12], $0x1F40  }
0xee: {  	[sflag:s12] =	ssyncset.done $0x0  }
0xef: {  	[sflag:s12] =	ssyncadd.s32 $0xFFFFE0C0  }
0xf0: {  	[bflag:$0x0] =	sbarrier.arrive $0xFFFF  }
0xf1: {  	s3 =	rddreg [dreg:$0x5]  }
0xf2: {  	s10 =	simm.s32 @!p0 $0x10;
	s15 =	rddreg [dreg:$0x7]  }
0xf3: {  	s11 =	simm.s32 @!p0 $0x8;
	s9 =	simm.s32 @!p0 $0x1;
	s17 =	rddreg [dreg:$0x8]  }
0xf4: {  	[hbm:s3@s10], [sflag:s15] =	dma.strided @!p0 [spmem:s17@s11], $0x1F40, s9, $0x8   }
0xf5: {  	s3 =	simm.s32 @!p0 $0x11  }
0xf6: {  	_ =	swait.ge @!p0 [sflag:s3], $0x1F40  }
0xf7: {  	s10 =	rddreg [dreg:$0xa]  }
0xf8: {  	s9 =	rddreg [dreg:$0x6];
	s11 =	sadd.s32 $0x1, s10  }
0xf9: {  	p1 =	sne.s32 s11, s9  }
.Ltmp1:
0xfa: {  	_ = 	snop;
	(pc) =	sbr.rel @p1 .LBB2_1-.Ltmp1, $4  }
0xfb: {  	_ = 	snop  }
0xfc: {  	s17 =	simm.s32 $0x6F40;
	[dreg:$0xa] =	wrdreg s11  }
0xfd: {  	[sflag:s3] =	ssyncset.done @!p0 $0x0;
	s10 =	simm.s32 @!p0 $0x11;
	s11 =	rddreg [dreg:$0x8]  }
0xfe: {  	s15 =	simm.s32 $0x5000;
	[sflag:s10] =	ssyncadd.s32 @!p0 $0xFFFFE0C0;
	s10 =	rddreg [dreg:$0x7]  }
0xff: {  	_ =	sfence.sel $0x180000  }
0x100: {  	[bflag:$0x0] =	sbarrier.arrive $0xFFFF  }
0x101: {  	_ =	strace $0x90000050  }
0x102: {  	s0 =	stileid.u32;
	[bflag:$0x2] =	sbarrier.arrive $0xFFFF  }
0x103: {  	p0 =	sne.s32 s0, $0x0;
	s0 =	rddreg [dreg:$0x2]  }
0x104: {  	s0 =	sadd.s32 @!p0 $0x100000, s0  }
0x105: {  	[sflag:s0] =	ssyncadd.tile.s32 @!p0 $0x1;
	_ =	shalt  }
.Lfunc_end2:
_tile_overlayer_lowered:
.L_overlay_start_2:
0x106: {  	(tag) =	ssettag $0x2  }
0x107: {  	s0 =	rddreg [dreg:$0x0];
	s2 =	stileid.u32  }
0x108: {  	s1 =	rddreg [dreg:$0x1];
	p0 =	sne.s32 s2, $0x0  }
0x109: {  	s3 =	rddreg [dreg:$0x2];
	[bflag:$0x3] =	sbarrier.arrive $0xFFFF;
	s2 =	simm.s32 @!p0 $0x1C11  }
0x10a: {  	[timem:s3], [sflag:s2] =	dma.local @!p0 [hbm:s0], s1  }
0x10b: {  	s0 =	simm.s32 @!p0 $0x11  }
0x10c: {  	_ =	swait.ge @!p0 [sflag:s0], s1  }
0x10d: {  	s1 =	ssub.s32 @!p0 $0x0, s1;
	[sflag:s0] =	ssyncset.done @!p0 $0x0  }
0x10e: {  	[sflag:s0] =	ssyncadd.s32 @!p0 s1  }
0x10f: {  	[bflag:$0x3] =	sbarrier.arrive $0xFFFF  }
0x110: {  	_ =	shalt  }

</sc_bundles>
